<compile_context>
chip_gen: v7x
topology: tpu7x:2x2x1
jax: 0.10.2.dev20260603
libtpu: 0.0.44.dev20260713+nightly
codegen_flags: <defaults>
</compile_context>

<pallas_src>
import functools

import jax
import jax.numpy as jnp
from jax import lax
from jax.experimental import pallas as pl
from jax.experimental.pallas import tpu as pltpu
from jax.experimental.pallas import tpu_sc as plsc

N_NODES = 50000
D = 128
B = 16384
K = 32
L = 16
NJ = D // L

_info = plsc.get_sparse_core_info()
NC, NS = _info.num_cores, _info.num_subcores
NW = NC * NS
BPW = B // NW
C = 4
NCHUNK = BPW // C
NBUF = 4
SB = 128
NSB = BPW // SB


def _sc_gather_body(embed, nidx, uidx, fea_out, self_out,
                    nidx_all, sidx_all, rows0, rows1, rows2, rows3,
                    acc0, acc1, acc2, acc3,
                    sg0, sg1, sg2, sg3, so0, so1, so2, so3):
    wid = lax.axis_index("s") * NC + lax.axis_index("c")
    base = wid * BPW
    rows = (rows0, rows1, rows2, rows3)
    acc = (acc0, acc1, acc2, acc3)
    sg = (sg0, sg1, sg2, sg3)
    so = (so0, so1, so2, so3)

    pltpu.sync_copy(nidx.at[pl.ds(base * K, BPW * K)], nidx_all)
    pltpu.sync_copy(uidx.at[pl.ds(base, BPW)], sidx_all)

    def start_gather(ci, b):
        pltpu.async_copy(embed.at[nidx_all.at[pl.ds(ci * C * K, C * K)]],
                         rows[b], sg[b])

    def wait_gather(b):
        pltpu.make_async_copy(embed.at[nidx_all.at[pl.ds(0, C * K)]],
                              rows[b], sg[b]).wait()

    for b in range(NBUF):
        start_gather(b, b)

    def super_body(s, carry):
        for b in range(NBUF):
            ci = NBUF * s + b
            rbase = base + ci * C
            wait_gather(b)
            @pl.when(ci >= NBUF)
            def _():
                pltpu.make_async_copy(acc[b], fea_out.at[pl.ds(rbase, C)],
                                      so[b]).wait()

            def row_body(r, c2):
                rk = r * K
                accs = [rows[b][rk, pl.ds(j * L, L)] for j in range(NJ)]
                for k in range(1, 8):
                    for j in range(NJ):
                        accs[j] = accs[j] + rows[b][rk + k, pl.ds(j * L, L)]

                def k_body(kk, a):
                    out = list(a)
                    for kq in range(8):
                        for j in range(NJ):
                            out[j] = out[j] + \
                                rows[b][rk + kk * 8 + kq, pl.ds(j * L, L)]
                    return tuple(out)

                accs = lax.fori_loop(1, K // 8, k_body, tuple(accs))
                for j in range(NJ):
                    acc[b][r, pl.ds(j * L, L)] = accs[j]
                return c2

            lax.fori_loop(0, C, row_body, 0)

            @pl.when(ci + NBUF < NCHUNK)
            def _():
                start_gather(ci + NBUF, b)
            pltpu.async_copy(acc[b], fea_out.at[pl.ds(rbase, C)], so[b])
        return carry

    lax.fori_loop(0, NCHUNK // NBUF, super_body, 0)

    for b in range(NBUF):
        pltpu.make_async_copy(acc[b], fea_out.at[pl.ds(base, C)],
                              so[b]).wait()

    for t in range(NSB):
        pltpu.async_copy(embed.at[sidx_all.at[pl.ds(t * SB, SB)]],
                         rows[t], sg[t])
    for t in range(NSB):
        pltpu.make_async_copy(embed.at[sidx_all.at[pl.ds(0, SB)]],
                              rows[t], sg[t]).wait()
        pltpu.async_copy(rows[t], self_out.at[pl.ds(base + t * SB, SB)],
                         so[t])
    for t in range(NSB):
        pltpu.make_async_copy(rows[t], self_out.at[pl.ds(base, SB)],
                              so[t]).wait()


def _sc_gather(embed, nidx, uidx):
    mesh = plsc.VectorSubcoreMesh(core_axis_name="c", subcore_axis_name="s")
    f = functools.partial(
        pl.kernel, mesh=mesh,
        out_type=[jax.ShapeDtypeStruct((B, D), jnp.float32),
                  jax.ShapeDtypeStruct((B, D), jnp.float32)],
        scratch_types=[
            pltpu.VMEM((BPW * K,), jnp.int32),
            pltpu.VMEM((BPW,), jnp.int32),
            pltpu.VMEM((C * K, D), jnp.float32),
            pltpu.VMEM((C * K, D), jnp.float32),
            pltpu.VMEM((C * K, D), jnp.float32),
            pltpu.VMEM((C * K, D), jnp.float32),
            pltpu.VMEM((C, D), jnp.float32),
            pltpu.VMEM((C, D), jnp.float32),
            pltpu.VMEM((C, D), jnp.float32),
            pltpu.VMEM((C, D), jnp.float32),
            pltpu.SemaphoreType.DMA,
            pltpu.SemaphoreType.DMA,
            pltpu.SemaphoreType.DMA,
            pltpu.SemaphoreType.DMA,
            pltpu.SemaphoreType.DMA,
            pltpu.SemaphoreType.DMA,
            pltpu.SemaphoreType.DMA,
            pltpu.SemaphoreType.DMA,
        ],
    )(_sc_gather_body)
    return f(embed, nidx, uidx)


_DN = (((1,), (1,)), ((), ()))


def _tc_matmul_body(x1, x2, w1, w2, bb, o):
    o[...] = (lax.dot_general(x1[...], w1[...], _DN,
                              preferred_element_type=jnp.float32)
              + lax.dot_general(x2[...], w2[...], _DN,
                                preferred_element_type=jnp.float32)
              + bb[...])


def _tc_matmul(fea, selfe, w1, w2, b2d):
    BM = 2048
    return pl.pallas_call(
        _tc_matmul_body,
        grid=(B // BM,),
        in_specs=[
            pl.BlockSpec((BM, D), lambda i: (i, 0)),
            pl.BlockSpec((BM, D), lambda i: (i, 0)),
            pl.BlockSpec((D, D), lambda i: (0, 0)),
            pl.BlockSpec((D, D), lambda i: (0, 0)),
            pl.BlockSpec((1, D), lambda i: (0, 0)),
        ],
        out_specs=pl.BlockSpec((BM, D), lambda i: (i, 0)),
        out_shape=jax.ShapeDtypeStruct((B, D), jnp.float32),
    )(fea, selfe, w1, w2, b2d)


def kernel(nodes_u, nodes_i, embed_matrix, neigh_idx, W, b):
    nidx = neigh_idx.reshape(-1).astype(jnp.int32)
    uidx = nodes_u.astype(jnp.int32)
    fea_sum, self_emb = _sc_gather(embed_matrix, nidx, uidx)
    w1 = W[:, :D] * (1.0 / K)
    w2 = W[:, D:]
    return _tc_matmul(fea_sum, self_emb, w1, w2, b.reshape(1, D))

# --- scband reference (transcript-rebuilt; emitter-appended) ---
"""Pipeline reference for scband-encoder-24386824306970 (READ-ONLY COPY).

The authoritative reference and input builder live on the scoring server;
editing this copy changes nothing except your own understanding.
"""

import jax, jax.numpy as jnp
import numpy as np

N_NODES = 50000
EMBED_DIM = 128
BATCH = 16384
N_NEIGH = 32


def setup_inputs(seed: int = 0):
    key = jax.random.key(seed)
    ks = jax.random.split(key, 6)
    nodes_u = jax.random.randint(ks[0], (BATCH,), 0, N_NODES)
    nodes_i = jax.random.randint(ks[1], (BATCH,), 0, N_NODES)
    embed_matrix = jax.random.normal(ks[2], (N_NODES, EMBED_DIM), dtype=jnp.float32)
    neigh_idx = jax.random.randint(ks[3], (BATCH, N_NEIGH), 0, N_NODES)
    W = jax.random.normal(ks[4], (EMBED_DIM, 2 * EMBED_DIM), dtype=jnp.float32) * (1.0 / np.sqrt(2 * EMBED_DIM))
    b = jnp.zeros((EMBED_DIM,), dtype=jnp.float32)
    return {"nodes_u": nodes_u, "nodes_i": nodes_i, "embed_matrix": embed_matrix,
            "neigh_idx": neigh_idx, "W": W, "b": b}


def reference(nodes_u, nodes_i, embed_matrix, neigh_idx, W, b):
    # aggregator(nodes_u) -> (nodes_fea, embed_matrix):
    # nodes_fea = mean of neighbor embeddings (gather + reduce over fan-in)
    neigh_emb = jnp.take(embed_matrix, neigh_idx, axis=0)      # [B, K, D] gather
    nodes_fea = jnp.mean(neigh_emb, axis=1)                    # [B, D]
    # embed_matrix[nodes_u] : self embedding gather
    self_emb = jnp.take(embed_matrix, nodes_u, axis=0)         # [B, D]
    combined = jnp.concatenate((nodes_fea, self_emb), axis=1)  # [B, 2D]
    # nn.Linear(2*D -> D)
    out = combined @ W.T + b                                   # [B, D]
    return out

if __name__ == "__main__":
    import jax
    _d = setup_inputs()
    print(jax.jit(kernel)(*tuple(_d.values())))

</pallas_src>

<mosaic_0001>
#map = affine_map<(d0, d1) -> (0, 0)>
#map1 = affine_map<(d0, d1) -> (0)>
module attributes {stable_mosaic.version = 14 : i64} {
  func.func @_sc_gather_body(%arg0: i32, %arg1: i32, %arg2: memref<50000x128xf32, #tpu.memory_space<hbm>>, %arg3: memref<524288xi32, #tpu.memory_space<hbm>>, %arg4: memref<16384xi32, #tpu.memory_space<hbm>>, %arg5: memref<16384x128xf32, #tpu.memory_space<hbm>>, %arg6: memref<16384x128xf32, #tpu.memory_space<hbm>>, %arg7: memref<16384xi32, #tpu.memory_space<vmem>>, %arg8: memref<512xi32, #tpu.memory_space<vmem>>, %arg9: memref<128x128xf32, #tpu.memory_space<vmem>>, %arg10: memref<128x128xf32, #tpu.memory_space<vmem>>, %arg11: memref<128x128xf32, #tpu.memory_space<vmem>>, %arg12: memref<128x128xf32, #tpu.memory_space<vmem>>, %arg13: memref<4x128xf32, #tpu.memory_space<vmem>>, %arg14: memref<4x128xf32, #tpu.memory_space<vmem>>, %arg15: memref<4x128xf32, #tpu.memory_space<vmem>>, %arg16: memref<4x128xf32, #tpu.memory_space<vmem>>, %arg17: memref<!tpu.dma_semaphore, #tpu.memory_space<semaphore_mem>>, %arg18: memref<!tpu.dma_semaphore, #tpu.memory_space<semaphore_mem>>, %arg19: memref<!tpu.dma_semaphore, #tpu.memory_space<semaphore_mem>>, %arg20: memref<!tpu.dma_semaphore, #tpu.memory_space<semaphore_mem>>, %arg21: memref<!tpu.dma_semaphore, #tpu.memory_space<semaphore_mem>>, %arg22: memref<!tpu.dma_semaphore, #tpu.memory_space<semaphore_mem>>, %arg23: memref<!tpu.dma_semaphore, #tpu.memory_space<semaphore_mem>>, %arg24: memref<!tpu.dma_semaphore, #tpu.memory_space<semaphore_mem>>) attributes {dimension_semantics = [#tpu.dimension_semantics<core_parallel>, #tpu.dimension_semantics<subcore_parallel>], iteration_bounds = array<i64: 2, 16>, scalar_prefetch = 0 : i64, scratch_operands = 18 : i64, tpu.core_type = #tpu.core_type<sc_vector_subcore>, window_params = [{transform_indices = #map}, {transform_indices = #map1}, {transform_indices = #map1}, {transform_indices = #map}, {transform_indices = #map}]} {
    %mul3A = arith.constant 2 : i32
    %mul3A_0 = arith.muli %arg1, %mul3A : i32
    %add3A = arith.addi %mul3A_0, %arg0 : i32
    %mul3A_1 = arith.constant 512 : i32
    %mul3A_2 = arith.muli %add3A, %mul3A_1 : i32
    %mul3A_3 = arith.constant 32 : i32
    %mul3A_4 = arith.muli %mul3A_2, %mul3A_3 : i32
    "tpu.region"() ({
      %run_scoped3A = tpu.sem_alloc : memref<!tpu.dma_semaphore, #tpu.memory_space<semaphore_mem>>
      %dma_start3A_124 = tpu.memref_slice %arg3[%mul3A_4] : memref<524288xi32, #tpu.memory_space<hbm>> -> memref<16384xi32, #tpu.memory_space<hbm>>
      %dma_start3A_125 = tpu.memref_slice %arg3[%mul3A_4] : memref<524288xi32, #tpu.memory_space<hbm>> -> memref<16384xi32, #tpu.memory_space<hbm>>
      tpu.enqueue_dma source(%dma_start3A_125 : memref<16384xi32, #tpu.memory_space<hbm>>) target(%arg7 : memref<16384xi32, #tpu.memory_space<vmem>>) target_semaphore(%run_scoped3A : memref<!tpu.dma_semaphore, #tpu.memory_space<semaphore_mem>>)
      %dma_wait3A_126 = tpu.memref_slice %arg3[%mul3A_4] : memref<524288xi32, #tpu.memory_space<hbm>> -> memref<16384xi32, #tpu.memory_space<hbm>>
      %dma_wait3A_127 = tpu.memref_slice %arg3[%mul3A_4] : memref<524288xi32, #tpu.memory_space<hbm>> -> memref<16384xi32, #tpu.memory_space<hbm>>
      tpu.wait_dma2 semaphore(%run_scoped3A : memref<!tpu.dma_semaphore, #tpu.memory_space<semaphore_mem>>) src(%dma_wait3A_127 : memref<16384xi32, #tpu.memory_space<hbm>>) dst(%arg7 : memref<16384xi32, #tpu.memory_space<vmem>>)
      tpu.yield
    }) : () -> ()
    "tpu.region"() ({
      %run_scoped3A = tpu.sem_alloc : memref<!tpu.dma_semaphore, #tpu.memory_space<semaphore_mem>>
      %dma_start3A_124 = tpu.memref_slice %arg4[%mul3A_2] : memref<16384xi32, #tpu.memory_space<hbm>> -> memref<512xi32, #tpu.memory_space<hbm>>
      %dma_start3A_125 = tpu.memref_slice %arg4[%mul3A_2] : memref<16384xi32, #tpu.memory_space<hbm>> -> memref<512xi32, #tpu.memory_space<hbm>>
      tpu.enqueue_dma source(%dma_start3A_125 : memref<512xi32, #tpu.memory_space<hbm>>) target(%arg8 : memref<512xi32, #tpu.memory_space<vmem>>) target_semaphore(%run_scoped3A : memref<!tpu.dma_semaphore, #tpu.memory_space<semaphore_mem>>)
      %dma_wait3A_126 = tpu.memref_slice %arg4[%mul3A_2] : memref<16384xi32, #tpu.memory_space<hbm>> -> memref<512xi32, #tpu.memory_space<hbm>>
      %dma_wait3A_127 = tpu.memref_slice %arg4[%mul3A_2] : memref<16384xi32, #tpu.memory_space<hbm>> -> memref<512xi32, #tpu.memory_space<hbm>>
      tpu.wait_dma2 semaphore(%run_scoped3A : memref<!tpu.dma_semaphore, #tpu.memory_space<semaphore_mem>>) src(%dma_wait3A_127 : memref<512xi32, #tpu.memory_space<hbm>>) dst(%arg8 : memref<512xi32, #tpu.memory_space<vmem>>)
      tpu.yield
    }) : () -> ()
    %dma_start3A = arith.constant 0 : i32
    %dma_start3A_5 = tpu.memref_slice %arg7[%dma_start3A] : memref<16384xi32, #tpu.memory_space<vmem>> -> memref<128xi32, #tpu.memory_space<vmem>>
    %dma_start3A_6 = arith.constant 0 : i32
    %dma_start3A_7 = arith.constant 0 : i32
    %dma_start3A_8 = tpu.memref_slice %arg2[%dma_start3A_6, %dma_start3A_7] : memref<50000x128xf32, #tpu.memory_space<hbm>> -> memref<50000x128xf32, #tpu.memory_space<hbm>>
    tpu.enqueue_indirect_dma source(%dma_start3A_8 : memref<50000x128xf32, #tpu.memory_space<hbm>>) target(%arg9 : memref<128x128xf32, #tpu.memory_space<vmem>>) offsets(%dma_start3A_5 : memref<128xi32, #tpu.memory_space<vmem>>) semaphore(%arg17 : memref<!tpu.dma_semaphore, #tpu.memory_space<semaphore_mem>>)
    %dma_start3A_9 = arith.constant 128 : i32
    %dma_start3A_10 = tpu.memref_slice %arg7[%dma_start3A_9] : memref<16384xi32, #tpu.memory_space<vmem>> -> memref<128xi32, #tpu.memory_space<vmem>>
    %dma_start3A_11 = arith.constant 0 : i32
    %dma_start3A_12 = arith.constant 0 : i32
    %dma_start3A_13 = tpu.memref_slice %arg2[%dma_start3A_11, %dma_start3A_12] : memref<50000x128xf32, #tpu.memory_space<hbm>> -> memref<50000x128xf32, #tpu.memory_space<hbm>>
    tpu.enqueue_indirect_dma source(%dma_start3A_13 : memref<50000x128xf32, #tpu.memory_space<hbm>>) target(%arg10 : memref<128x128xf32, #tpu.memory_space<vmem>>) offsets(%dma_start3A_10 : memref<128xi32, #tpu.memory_space<vmem>>) semaphore(%arg18 : memref<!tpu.dma_semaphore, #tpu.memory_space<semaphore_mem>>)
    %dma_start3A_14 = arith.constant 256 : i32
    %dma_start3A_15 = tpu.memref_slice %arg7[%dma_start3A_14] : memref<16384xi32, #tpu.memory_space<vmem>> -> memref<128xi32, #tpu.memory_space<vmem>>
    %dma_start3A_16 = arith.constant 0 : i32
    %dma_start3A_17 = arith.constant 0 : i32
    %dma_start3A_18 = tpu.memref_slice %arg2[%dma_start3A_16, %dma_start3A_17] : memref<50000x128xf32, #tpu.memory_space<hbm>> -> memref<50000x128xf32, #tpu.memory_space<hbm>>
    tpu.enqueue_indirect_dma source(%dma_start3A_18 : memref<50000x128xf32, #tpu.memory_space<hbm>>) target(%arg11 : memref<128x128xf32, #tpu.memory_space<vmem>>) offsets(%dma_start3A_15 : memref<128xi32, #tpu.memory_space<vmem>>) semaphore(%arg19 : memref<!tpu.dma_semaphore, #tpu.memory_space<semaphore_mem>>)
    %dma_start3A_19 = arith.constant 384 : i32
    %dma_start3A_20 = tpu.memref_slice %arg7[%dma_start3A_19] : memref<16384xi32, #tpu.memory_space<vmem>> -> memref<128xi32, #tpu.memory_space<vmem>>
    %dma_start3A_21 = arith.constant 0 : i32
    %dma_start3A_22 = arith.constant 0 : i32
    %dma_start3A_23 = tpu.memref_slice %arg2[%dma_start3A_21, %dma_start3A_22] : memref<50000x128xf32, #tpu.memory_space<hbm>> -> memref<50000x128xf32, #tpu.memory_space<hbm>>
    tpu.enqueue_indirect_dma source(%dma_start3A_23 : memref<50000x128xf32, #tpu.memory_space<hbm>>) target(%arg12 : memref<128x128xf32, #tpu.memory_space<vmem>>) offsets(%dma_start3A_20 : memref<128xi32, #tpu.memory_space<vmem>>) semaphore(%arg20 : memref<!tpu.dma_semaphore, #tpu.memory_space<semaphore_mem>>)
    %scan3A = arith.constant 0 : i32
    %scan3A_24 = arith.constant 0 : i32
    %scan3A_25 = arith.constant 32 : i32
    %scan3A_26 = arith.addi %scan3A_24, %scan3A_25 : i32
    %scan3A_27 = arith.constant 1 : i32
    scf.for %scan3A_124 = %scan3A_24 to %scan3A_26 step %scan3A_27  : i32 {
      %mul3A_125 = arith.constant 4 : i32
      %mul3A_126 = arith.muli %mul3A_125, %scan3A_124 : i32
      %add3A_127 = arith.constant 0 : i32
      %add3A_128 = arith.addi %mul3A_126, %add3A_127 : i32
      %mul3A_129 = arith.constant 4 : i32
      %mul3A_130 = arith.muli %add3A_128, %mul3A_129 : i32
      %add3A_131 = arith.addi %mul3A_2, %mul3A_130 : i32
      %dma_wait3A_132 = arith.constant 0 : i32
      %dma_wait3A_133 = tpu.memref_slice %arg7[%dma_wait3A_132] : memref<16384xi32, #tpu.memory_space<vmem>> -> memref<128xi32, #tpu.memory_space<vmem>>
      %dma_wait3A_134 = arith.constant 0 : i32
      %dma_wait3A_135 = arith.constant 0 : i32
      %dma_wait3A_136 = tpu.memref_slice %arg2[%dma_wait3A_134, %dma_wait3A_135] : memref<50000x128xf32, #tpu.memory_space<hbm>> -> memref<50000x128xf32, #tpu.memory_space<hbm>>
      tpu.wait_indirect_dma semaphore(%arg17 : memref<!tpu.dma_semaphore, #tpu.memory_space<semaphore_mem>>) src(%dma_wait3A_136 : memref<50000x128xf32, #tpu.memory_space<hbm>>) dst(%arg9 : memref<128x128xf32, #tpu.memory_space<vmem>>)
      %ge3A = arith.constant 4 : i32
      %ge3A_137 = arith.cmpi sge, %add3A_128, %ge3A : i32
      %convert_element_type3A = arith.extui %ge3A_137 : i1 to i32
      %cond3A = arith.constant 0 : i32
      %cond3A_138 = arith.cmpi ne, %convert_element_type3A, %cond3A : i32
      scf.if %cond3A_138 {
        %dma_wait3A_257 = arith.constant 0 : i32
        %dma_wait3A_258 = tpu.memref_slice %arg5[%add3A_131, %dma_wait3A_257] : memref<16384x128xf32, #tpu.memory_space<hbm>> -> memref<4x128xf32, #tpu.memory_space<hbm>>
        %dma_wait3A_259 = arith.constant 0 : i32
        %dma_wait3A_260 = tpu.memref_slice %arg5[%add3A_131, %dma_wait3A_259] : memref<16384x128xf32, #tpu.memory_space<hbm>> -> memref<4x128xf32, #tpu.memory_space<hbm>>
        tpu.wait_dma2 semaphore(%arg21 : memref<!tpu.dma_semaphore, #tpu.memory_space<semaphore_mem>>) src(%arg13 : memref<4x128xf32, #tpu.memory_space<vmem>>) dst(%dma_wait3A_260 : memref<4x128xf32, #tpu.memory_space<hbm>>)
      } else {
      }
      %scan3A_139 = arith.constant 0 : i32
      %scan3A_140 = arith.constant 0 : i32
      %scan3A_141 = arith.constant 4 : i32
      %scan3A_142 = arith.addi %scan3A_140, %scan3A_141 : i32
      %scan3A_143 = arith.constant 1 : i32
      scf.for %scan3A_257 = %scan3A_140 to %scan3A_142 step %scan3A_143  : i32 {
        %mul3A_258 = arith.constant 32 : i32
        %mul3A_259 = arith.muli %scan3A_257, %mul3A_258 : i32
        %get3A = arith.index_cast %mul3A_259 : i32 to index
        %get3A_260 = arith.constant 0 : index
        %get3A_261 = tpu.vector_load %arg9[%get3A, %get3A_260] {strides = array<i32>} : memref<128x128xf32, #tpu.memory_space<vmem>>, vector<1x16xf32>,
        %get3A_262 = vector.shape_cast %get3A_261 : vector<1x16xf32> to vector<16xf32>
        %get3A_263 = arith.index_cast %mul3A_259 : i32 to index
        %get3A_264 = arith.constant 16 : index
        %get3A_265 = tpu.vector_load %arg9[%get3A_263, %get3A_264] {strides = array<i32>} : memref<128x128xf32, #tpu.memory_space<vmem>>, vector<1x16xf32>,
        %get3A_266 = vector.shape_cast %get3A_265 : vector<1x16xf32> to vector<16xf32>
        %get3A_267 = arith.index_cast %mul3A_259 : i32 to index
        %get3A_268 = arith.constant 32 : index
        %get3A_269 = tpu.vector_load %arg9[%get3A_267, %get3A_268] {strides = array<i32>} : memref<128x128xf32, #tpu.memory_space<vmem>>, vector<1x16xf32>,
        %get3A_270 = vector.shape_cast %get3A_269 : vector<1x16xf32> to vector<16xf32>
        %get3A_271 = arith.index_cast %mul3A_259 : i32 to index
        %get3A_272 = arith.constant 48 : index
        %get3A_273 = tpu.vector_load %arg9[%get3A_271, %get3A_272] {strides = array<i32>} : memref<128x128xf32, #tpu.memory_space<vmem>>, vector<1x16xf32>,
        %get3A_274 = vector.shape_cast %get3A_273 : vector<1x16xf32> to vector<16xf32>
        %get3A_275 = arith.index_cast %mul3A_259 : i32 to index
        %get3A_276 = arith.constant 64 : index
        %get3A_277 = tpu.vector_load %arg9[%get3A_275, %get3A_276] {strides = array<i32>} : memref<128x128xf32, #tpu.memory_space<vmem>>, vector<1x16xf32>,
        %get3A_278 = vector.shape_cast %get3A_277 : vector<1x16xf32> to vector<16xf32>
        %get3A_279 = arith.index_cast %mul3A_259 : i32 to index
        %get3A_280 = arith.constant 80 : index
        %get3A_281 = tpu.vector_load %arg9[%get3A_279, %get3A_280] {strides = array<i32>} : memref<128x128xf32, #tpu.memory_space<vmem>>, vector<1x16xf32>,
        %get3A_282 = vector.shape_cast %get3A_281 : vector<1x16xf32> to vector<16xf32>
        %get3A_283 = arith.index_cast %mul3A_259 : i32 to index
        %get3A_284 = arith.constant 96 : index
        %get3A_285 = tpu.vector_load %arg9[%get3A_283, %get3A_284] {strides = array<i32>} : memref<128x128xf32, #tpu.memory_space<vmem>>, vector<1x16xf32>,
        %get3A_286 = vector.shape_cast %get3A_285 : vector<1x16xf32> to vector<16xf32>
        %get3A_287 = arith.index_cast %mul3A_259 : i32 to index
        %get3A_288 = arith.constant 112 : index
        %get3A_289 = tpu.vector_load %arg9[%get3A_287, %get3A_288] {strides = array<i32>} : memref<128x128xf32, #tpu.memory_space<vmem>>, vector<1x16xf32>,
        %get3A_290 = vector.shape_cast %get3A_289 : vector<1x16xf32> to vector<16xf32>
        %add3A_291 = arith.constant 1 : i32
        %add3A_292 = arith.addi %mul3A_259, %add3A_291 : i32
        %get3A_293 = arith.index_cast %add3A_292 : i32 to index
        %get3A_294 = arith.constant 0 : index
        %get3A_295 = tpu.vector_load %arg9[%get3A_293, %get3A_294] {strides = array<i32>} : memref<128x128xf32, #tpu.memory_space<vmem>>, vector<1x16xf32>,
        %get3A_296 = vector.shape_cast %get3A_295 : vector<1x16xf32> to vector<16xf32>
        %add3A_297 = arith.addf %get3A_262, %get3A_296 : vector<16xf32>
        %add3A_298 = arith.constant 1 : i32
        %add3A_299 = arith.addi %mul3A_259, %add3A_298 : i32
        %get3A_300 = arith.index_cast %add3A_299 : i32 to index
        %get3A_301 = arith.constant 16 : index
        %get3A_302 = tpu.vector_load %arg9[%get3A_300, %get3A_301] {strides = array<i32>} : memref<128x128xf32, #tpu.memory_space<vmem>>, vector<1x16xf32>,
        %get3A_303 = vector.shape_cast %get3A_302 : vector<1x16xf32> to vector<16xf32>
        %add3A_304 = arith.addf %get3A_266, %get3A_303 : vector<16xf32>
        %add3A_305 = arith.constant 1 : i32
        %add3A_306 = arith.addi %mul3A_259, %add3A_305 : i32
        %get3A_307 = arith.index_cast %add3A_306 : i32 to index
        %get3A_308 = arith.constant 32 : index
        %get3A_309 = tpu.vector_load %arg9[%get3A_307, %get3A_308] {strides = array<i32>} : memref<128x128xf32, #tpu.memory_space<vmem>>, vector<1x16xf32>,
        %get3A_310 = vector.shape_cast %get3A_309 : vector<1x16xf32> to vector<16xf32>
        %add3A_311 = arith.addf %get3A_270, %get3A_310 : vector<16xf32>
        %add3A_312 = arith.constant 1 : i32
        %add3A_313 = arith.addi %mul3A_259, %add3A_312 : i32
        %get3A_314 = arith.index_cast %add3A_313 : i32 to index
        %get3A_315 = arith.constant 48 : index
        %get3A_316 = tpu.vector_load %arg9[%get3A_314, %get3A_315] {strides = array<i32>} : memref<128x128xf32, #tpu.memory_space<vmem>>, vector<1x16xf32>,
        %get3A_317 = vector.shape_cast %get3A_316 : vector<1x16xf32> to vector<16xf32>
        %add3A_318 = arith.addf %get3A_274, %get3A_317 : vector<16xf32>
        %add3A_319 = arith.constant 1 : i32
        %add3A_320 = arith.addi %mul3A_259, %add3A_319 : i32
        %get3A_321 = arith.index_cast %add3A_320 : i32 to index
        %get3A_322 = arith.constant 64 : index
        %get3A_323 = tpu.vector_load %arg9[%get3A_321, %get3A_322] {strides = array<i32>} : memref<128x128xf32, #tpu.memory_space<vmem>>, vector<1x16xf32>,
        %get3A_324 = vector.shape_cast %get3A_323 : vector<1x16xf32> to vector<16xf32>
        %add3A_325 = arith.addf %get3A_278, %get3A_324 : vector<16xf32>
        %add3A_326 = arith.constant 1 : i32
        %add3A_327 = arith.addi %mul3A_259, %add3A_326 : i32
        %get3A_328 = arith.index_cast %add3A_327 : i32 to index
        %get3A_329 = arith.constant 80 : index
        %get3A_330 = tpu.vector_load %arg9[%get3A_328, %get3A_329] {strides = array<i32>} : memref<128x128xf32, #tpu.memory_space<vmem>>, vector<1x16xf32>,
        %get3A_331 = vector.shape_cast %get3A_330 : vector<1x16xf32> to vector<16xf32>
        %add3A_332 = arith.addf %get3A_282, %get3A_331 : vector<16xf32>
        %add3A_333 = arith.constant 1 : i32
        %add3A_334 = arith.addi %mul3A_259, %add3A_333 : i32
        %get3A_335 = arith.index_cast %add3A_334 : i32 to index
        %get3A_336 = arith.constant 96 : index
        %get3A_337 = tpu.vector_load %arg9[%get3A_335, %get3A_336] {strides = array<i32>} : memref<128x128xf32, #tpu.memory_space<vmem>>, vector<1x16xf32>,
        %get3A_338 = vector.shape_cast %get3A_337 : vector<1x16xf32> to vector<16xf32>
        %add3A_339 = arith.addf %get3A_286, %get3A_338 : vector<16xf32>
        %add3A_340 = arith.constant 1 : i32
        %add3A_341 = arith.addi %mul3A_259, %add3A_340 : i32
        %get3A_342 = arith.index_cast %add3A_341 : i32 to index
        %get3A_343 = arith.constant 112 : index
        %get3A_344 = tpu.vector_load %arg9[%get3A_342, %get3A_343] {strides = array<i32>} : memref<128x128xf32, #tpu.memory_space<vmem>>, vector<1x16xf32>,
        %get3A_345 = vector.shape_cast %get3A_344 : vector<1x16xf32> to vector<16xf32>
        %add3A_346 = arith.addf %get3A_290, %get3A_345 : vector<16xf32>
        %add3A_347 = arith.constant 2 : i32
        %add3A_348 = arith.addi %mul3A_259, %add3A_347 : i32
        %get3A_349 = arith.index_cast %add3A_348 : i32 to index
        %get3A_350 = arith.constant 0 : index
        %get3A_351 = tpu.vector_load %arg9[%get3A_349, %get3A_350] {strides = array<i32>} : memref<128x128xf32, #tpu.memory_space<vmem>>, vector<1x16xf32>,
        %get3A_352 = vector.shape_cast %get3A_351 : vector<1x16xf32> to vector<16xf32>
        %add3A_353 = arith.addf %add3A_297, %get3A_352 : vector<16xf32>
        %add3A_354 = arith.constant 2 : i32
        %add3A_355 = arith.addi %mul3A_259, %add3A_354 : i32
        %get3A_356 = arith.index_cast %add3A_355 : i32 to index
        %get3A_357 = arith.constant 16 : index
        %get3A_358 = tpu.vector_load %arg9[%get3A_356, %get3A_357] {strides = array<i32>} : memref<128x128xf32, #tpu.memory_space<vmem>>, vector<1x16xf32>,
        %get3A_359 = vector.shape_cast %get3A_358 : vector<1x16xf32> to vector<16xf32>
        %add3A_360 = arith.addf %add3A_304, %get3A_359 : vector<16xf32>
        %add3A_361 = arith.constant 2 : i32
        %add3A_362 = arith.addi %mul3A_259, %add3A_361 : i32
        %get3A_363 = arith.index_cast %add3A_362 : i32 to index
        %get3A_364 = arith.constant 32 : index
        %get3A_365 = tpu.vector_load %arg9[%get3A_363, %get3A_364] {strides = array<i32>} : memref<128x128xf32, #tpu.memory_space<vmem>>, vector<1x16xf32>,
        %get3A_366 = vector.shape_cast %get3A_365 : vector<1x16xf32> to vector<16xf32>
        %add3A_367 = arith.addf %add3A_311, %get3A_366 : vector<16xf32>
        %add3A_368 = arith.constant 2 : i32
        %add3A_369 = arith.addi %mul3A_259, %add3A_368 : i32
        %get3A_370 = arith.index_cast %add3A_369 : i32 to index
        %get3A_371 = arith.constant 48 : index
        %get3A_372 = tpu.vector_load %arg9[%get3A_370, %get3A_371] {strides = array<i32>} : memref<128x128xf32, #tpu.memory_space<vmem>>, vector<1x16xf32>,
        %get3A_373 = vector.shape_cast %get3A_372 : vector<1x16xf32> to vector<16xf32>
        %add3A_374 = arith.addf %add3A_318, %get3A_373 : vector<16xf32>
        %add3A_375 = arith.constant 2 : i32
        %add3A_376 = arith.addi %mul3A_259, %add3A_375 : i32
        %get3A_377 = arith.index_cast %add3A_376 : i32 to index
        %get3A_378 = arith.constant 64 : index
        %get3A_379 = tpu.vector_load %arg9[%get3A_377, %get3A_378] {strides = array<i32>} : memref<128x128xf32, #tpu.memory_space<vmem>>, vector<1x16xf32>,
        %get3A_380 = vector.shape_cast %get3A_379 : vector<1x16xf32> to vector<16xf32>
        %add3A_381 = arith.addf %add3A_325, %get3A_380 : vector<16xf32>
        %add3A_382 = arith.constant 2 : i32
        %add3A_383 = arith.addi %mul3A_259, %add3A_382 : i32
        %get3A_384 = arith.index_cast %add3A_383 : i32 to index
        %get3A_385 = arith.constant 80 : index
        %get3A_386 = tpu.vector_load %arg9[%get3A_384, %get3A_385] {strides = array<i32>} : memref<128x128xf32, #tpu.memory_space<vmem>>, vector<1x16xf32>,
        %get3A_387 = vector.shape_cast %get3A_386 : vector<1x16xf32> to vector<16xf32>
        %add3A_388 = arith.addf %add3A_332, %get3A_387 : vector<16xf32>
        %add3A_389 = arith.constant 2 : i32
        %add3A_390 = arith.addi %mul3A_259, %add3A_389 : i32
        %get3A_391 = arith.index_cast %add3A_390 : i32 to index
        %get3A_392 = arith.constant 96 : index
        %get3A_393 = tpu.vector_load %arg9[%get3A_391, %get3A_392] {strides = array<i32>} : memref<128x128xf32, #tpu.memory_space<vmem>>, vector<1x16xf32>,
        %get3A_394 = vector.shape_cast %get3A_393 : vector<1x16xf32> to vector<16xf32>
        %add3A_395 = arith.addf %add3A_339, %get3A_394 : vector<16xf32>
        %add3A_396 = arith.constant 2 : i32
        %add3A_397 = arith.addi %mul3A_259, %add3A_396 : i32
        %get3A_398 = arith.index_cast %add3A_397 : i32 to index
        %get3A_399 = arith.constant 112 : index
        %get3A_400 = tpu.vector_load %arg9[%get3A_398, %get3A_399] {strides = array<i32>} : memref<128x128xf32, #tpu.memory_space<vmem>>, vector<1x16xf32>,
        %get3A_401 = vector.shape_cast %get3A_400 : vector<1x16xf32> to vector<16xf32>
        %add3A_402 = arith.addf %add3A_346, %get3A_401 : vector<16xf32>
        %add3A_403 = arith.constant 3 : i32
        %add3A_404 = arith.addi %mul3A_259, %add3A_403 : i32
        %get3A_405 = arith.index_cast %add3A_404 : i32 to index
        %get3A_406 = arith.constant 0 : index
        %get3A_407 = tpu.vector_load %arg9[%get3A_405, %get3A_406] {strides = array<i32>} : memref<128x128xf32, #tpu.memory_space<vmem>>, vector<1x16xf32>,
        %get3A_408 = vector.shape_cast %get3A_407 : vector<1x16xf32> to vector<16xf32>
        %add3A_409 = arith.addf %add3A_353, %get3A_408 : vector<16xf32>
        %add3A_410 = arith.constant 3 : i32
        %add3A_411 = arith.addi %mul3A_259, %add3A_410 : i32
        %get3A_412 = arith.index_cast %add3A_411 : i32 to index
        %get3A_413 = arith.constant 16 : index
        %get3A_414 = tpu.vector_load %arg9[%get3A_412, %get3A_413] {strides = array<i32>} : memref<128x128xf32, #tpu.memory_space<vmem>>, vector<1x16xf32>,
        %get3A_415 = vector.shape_cast %get3A_414 : vector<1x16xf32> to vector<16xf32>
        %add3A_416 = arith.addf %add3A_360, %get3A_415 : vector<16xf32>
        %add3A_417 = arith.constant 3 : i32
        %add3A_418 = arith.addi %mul3A_259, %add3A_417 : i32
        %get3A_419 = arith.index_cast %add3A_418 : i32 to index
        %get3A_420 = arith.constant 32 : index
        %get3A_421 = tpu.vector_load %arg9[%get3A_419, %get3A_420] {strides = array<i32>} : memref<128x128xf32, #tpu.memory_space<vmem>>, vector<1x16xf32>,
        %get3A_422 = vector.shape_cast %get3A_421 : vector<1x16xf32> to vector<16xf32>
        %add3A_423 = arith.addf %add3A_367, %get3A_422 : vector<16xf32>
        %add3A_424 = arith.constant 3 : i32
        %add3A_425 = arith.addi %mul3A_259, %add3A_424 : i32
        %get3A_426 = arith.index_cast %add3A_425 : i32 to index
        %get3A_427 = arith.constant 48 : index
        %get3A_428 = tpu.vector_load %arg9[%get3A_426, %get3A_427] {strides = array<i32>} : memref<128x128xf32, #tpu.memory_space<vmem>>, vector<1x16xf32>,
        %get3A_429 = vector.shape_cast %get3A_428 : vector<1x16xf32> to vector<16xf32>
        %add3A_430 = arith.addf %add3A_374, %get3A_429 : vector<16xf32>
        %add3A_431 = arith.constant 3 : i32
        %add3A_432 = arith.addi %mul3A_259, %add3A_431 : i32
        %get3A_433 = arith.index_cast %add3A_432 : i32 to index
        %get3A_434 = arith.constant 64 : index
        %get3A_435 = tpu.vector_load %arg9[%get3A_433, %get3A_434] {strides = array<i32>} : memref<128x128xf32, #tpu.memory_space<vmem>>, vector<1x16xf32>,
        %get3A_436 = vector.shape_cast %get3A_435 : vector<1x16xf32> to vector<16xf32>
        %add3A_437 = arith.addf %add3A_381, %get3A_436 : vector<16xf32>
        %add3A_438 = arith.constant 3 : i32
        %add3A_439 = arith.addi %mul3A_259, %add3A_438 : i32
        %get3A_440 = arith.index_cast %add3A_439 : i32 to index
        %get3A_441 = arith.constant 80 : index
        %get3A_442 = tpu.vector_load %arg9[%get3A_440, %get3A_441] {strides = array<i32>} : memref<128x128xf32, #tpu.memory_space<vmem>>, vector<1x16xf32>,
        %get3A_443 = vector.shape_cast %get3A_442 : vector<1x16xf32> to vector<16xf32>
        %add3A_444 = arith.addf %add3A_388, %get3A_443 : vector<16xf32>
        %add3A_445 = arith.constant 3 : i32
        %add3A_446 = arith.addi %mul3A_259, %add3A_445 : i32
        %get3A_447 = arith.index_cast %add3A_446 : i32 to index
        %get3A_448 = arith.constant 96 : index
        %get3A_449 = tpu.vector_load %arg9[%get3A_447, %get3A_448] {strides = array<i32>} : memref<128x128xf32, #tpu.memory_space<vmem>>, vector<1x16xf32>,
        %get3A_450 = vector.shape_cast %get3A_449 : vector<1x16xf32> to vector<16xf32>
        %add3A_451 = arith.addf %add3A_395, %get3A_450 : vector<16xf32>
        %add3A_452 = arith.constant 3 : i32
        %add3A_453 = arith.addi %mul3A_259, %add3A_452 : i32
        %get3A_454 = arith.index_cast %add3A_453 : i32 to index
        %get3A_455 = arith.constant 112 : index
        %get3A_456 = tpu.vector_load %arg9[%get3A_454, %get3A_455] {strides = array<i32>} : memref<128x128xf32, #tpu.memory_space<vmem>>, vector<1x16xf32>,
        %get3A_457 = vector.shape_cast %get3A_456 : vector<1x16xf32> to vector<16xf32>
        %add3A_458 = arith.addf %add3A_402, %get3A_457 : vector<16xf32>
        %add3A_459 = arith.constant 4 : i32
        %add3A_460 = arith.addi %mul3A_259, %add3A_459 : i32
        %get3A_461 = arith.index_cast %add3A_460 : i32 to index
        %get3A_462 = arith.constant 0 : index
        %get3A_463 = tpu.vector_load %arg9[%get3A_461, %get3A_462] {strides = array<i32>} : memref<128x128xf32, #tpu.memory_space<vmem>>, vector<1x16xf32>,
        %get3A_464 = vector.shape_cast %get3A_463 : vector<1x16xf32> to vector<16xf32>
        %add3A_465 = arith.addf %add3A_409, %get3A_464 : vector<16xf32>
        %add3A_466 = arith.constant 4 : i32
        %add3A_467 = arith.addi %mul3A_259, %add3A_466 : i32
        %get3A_468 = arith.index_cast %add3A_467 : i32 to index
        %get3A_469 = arith.constant 16 : index
        %get3A_470 = tpu.vector_load %arg9[%get3A_468, %get3A_469] {strides = array<i32>} : memref<128x128xf32, #tpu.memory_space<vmem>>, vector<1x16xf32>,
        %get3A_471 = vector.shape_cast %get3A_470 : vector<1x16xf32> to vector<16xf32>
        %add3A_472 = arith.addf %add3A_416, %get3A_471 : vector<16xf32>
        %add3A_473 = arith.constant 4 : i32
        %add3A_474 = arith.addi %mul3A_259, %add3A_473 : i32
        %get3A_475 = arith.index_cast %add3A_474 : i32 to index
        %get3A_476 = arith.constant 32 : index
        %get3A_477 = tpu.vector_load %arg9[%get3A_475, %get3A_476] {strides = array<i32>} : memref<128x128xf32, #tpu.memory_space<vmem>>, vector<1x16xf32>,
        %get3A_478 = vector.shape_cast %get3A_477 : vector<1x16xf32> to vector<16xf32>
        %add3A_479 = arith.addf %add3A_423, %get3A_478 : vector<16xf32>
        %add3A_480 = arith.constant 4 : i32
        %add3A_481 = arith.addi %mul3A_259, %add3A_480 : i32
        %get3A_482 = arith.index_cast %add3A_481 : i32 to index
        %get3A_483 = arith.constant 48 : index
        %get3A_484 = tpu.vector_load %arg9[%get3A_482, %get3A_483] {strides = array<i32>} : memref<128x128xf32, #tpu.memory_space<vmem>>, vector<1x16xf32>,
        %get3A_485 = vector.shape_cast %get3A_484 : vector<1x16xf32> to vector<16xf32>
        %add3A_486 = arith.addf %add3A_430, %get3A_485 : vector<16xf32>
        %add3A_487 = arith.constant 4 : i32
        %add3A_488 = arith.addi %mul3A_259, %add3A_487 : i32
        %get3A_489 = arith.index_cast %add3A_488 : i32 to index
        %get3A_490 = arith.constant 64 : index
        %get3A_491 = tpu.vector_load %arg9[%get3A_489, %get3A_490] {strides = array<i32>} : memref<128x128xf32, #tpu.memory_space<vmem>>, vector<1x16xf32>,
        %get3A_492 = vector.shape_cast %get3A_491 : vector<1x16xf32> to vector<16xf32>
        %add3A_493 = arith.addf %add3A_437, %get3A_492 : vector<16xf32>
        %add3A_494 = arith.constant 4 : i32
        %add3A_495 = arith.addi %mul3A_259, %add3A_494 : i32
        %get3A_496 = arith.index_cast %add3A_495 : i32 to index
        %get3A_497 = arith.constant 80 : index
        %get3A_498 = tpu.vector_load %arg9[%get3A_496, %get3A_497] {strides = array<i32>} : memref<128x128xf32, #tpu.memory_space<vmem>>, vector<1x16xf32>,
        %get3A_499 = vector.shape_cast %get3A_498 : vector<1x16xf32> to vector<16xf32>
        %add3A_500 = arith.addf %add3A_444, %get3A_499 : vector<16xf32>
        %add3A_501 = arith.constant 4 : i32
        %add3A_502 = arith.addi %mul3A_259, %add3A_501 : i32
        %get3A_503 = arith.index_cast %add3A_502 : i32 to index
        %get3A_504 = arith.constant 96 : index
        %get3A_505 = tpu.vector_load %arg9[%get3A_503, %get3A_504] {strides = array<i32>} : memref<128x128xf32, #tpu.memory_space<vmem>>, vector<1x16xf32>,
        %get3A_506 = vector.shape_cast %get3A_505 : vector<1x16xf32> to vector<16xf32>
        %add3A_507 = arith.addf %add3A_451, %get3A_506 : vector<16xf32>
        %add3A_508 = arith.constant 4 : i32
        %add3A_509 = arith.addi %mul3A_259, %add3A_508 : i32
        %get3A_510 = arith.index_cast %add3A_509 : i32 to index
        %get3A_511 = arith.constant 112 : index
        %get3A_512 = tpu.vector_load %arg9[%get3A_510, %get3A_511] {strides = array<i32>} : memref<128x128xf32, #tpu.memory_space<vmem>>, vector<1x16xf32>,
        %get3A_513 = vector.shape_cast %get3A_512 : vector<1x16xf32> to vector<16xf32>
        %add3A_514 = arith.addf %add3A_458, %get3A_513 : vector<16xf32>
        %add3A_515 = arith.constant 5 : i32
        %add3A_516 = arith.addi %mul3A_259, %add3A_515 : i32
        %get3A_517 = arith.index_cast %add3A_516 : i32 to index
        %get3A_518 = arith.constant 0 : index
        %get3A_519 = tpu.vector_load %arg9[%get3A_517, %get3A_518] {strides = array<i32>} : memref<128x128xf32, #tpu.memory_space<vmem>>, vector<1x16xf32>,
        %get3A_520 = vector.shape_cast %get3A_519 : vector<1x16xf32> to vector<16xf32>
        %add3A_521 = arith.addf %add3A_465, %get3A_520 : vector<16xf32>
        %add3A_522 = arith.constant 5 : i32
        %add3A_523 = arith.addi %mul3A_259, %add3A_522 : i32
        %get3A_524 = arith.index_cast %add3A_523 : i32 to index
        %get3A_525 = arith.constant 16 : index
        %get3A_526 = tpu.vector_load %arg9[%get3A_524, %get3A_525] {strides = array<i32>} : memref<128x128xf32, #tpu.memory_space<vmem>>, vector<1x16xf32>,
        %get3A_527 = vector.shape_cast %get3A_526 : vector<1x16xf32> to vector<16xf32>
        %add3A_528 = arith.addf %add3A_472, %get3A_527 : vector<16xf32>
        %add3A_529 = arith.constant 5 : i32
        %add3A_530 = arith.addi %mul3A_259, %add3A_529 : i32
        %get3A_531 = arith.index_cast %add3A_530 : i32 to index
        %get3A_532 = arith.constant 32 : index
        %get3A_533 = tpu.vector_load %arg9[%get3A_531, %get3A_532] {strides = array<i32>} : memref<128x128xf32, #tpu.memory_space<vmem>>, vector<1x16xf32>,
        %get3A_534 = vector.shape_cast %get3A_533 : vector<1x16xf32> to vector<16xf32>
        %add3A_535 = arith.addf %add3A_479, %get3A_534 : vector<16xf32>
        %add3A_536 = arith.constant 5 : i32
        %add3A_537 = arith.addi %mul3A_259, %add3A_536 : i32
        %get3A_538 = arith.index_cast %add3A_537 : i32 to index
        %get3A_539 = arith.constant 48 : index
        %get3A_540 = tpu.vector_load %arg9[%get3A_538, %get3A_539] {strides = array<i32>} : memref<128x128xf32, #tpu.memory_space<vmem>>, vector<1x16xf32>,
        %get3A_541 = vector.shape_cast %get3A_540 : vector<1x16xf32> to vector<16xf32>
        %add3A_542 = arith.addf %add3A_486, %get3A_541 : vector<16xf32>
        %add3A_543 = arith.constant 5 : i32
        %add3A_544 = arith.addi %mul3A_259, %add3A_543 : i32
        %get3A_545 = arith.index_cast %add3A_544 : i32 to index
        %get3A_546 = arith.constant 64 : index
        %get3A_547 = tpu.vector_load %arg9[%get3A_545, %get3A_546] {strides = array<i32>} : memref<128x128xf32, #tpu.memory_space<vmem>>, vector<1x16xf32>,
        %get3A_548 = vector.shape_cast %get3A_547 : vector<1x16xf32> to vector<16xf32>
        %add3A_549 = arith.addf %add3A_493, %get3A_548 : vector<16xf32>
        %add3A_550 = arith.constant 5 : i32
        %add3A_551 = arith.addi %mul3A_259, %add3A_550 : i32
        %get3A_552 = arith.index_cast %add3A_551 : i32 to index
        %get3A_553 = arith.constant 80 : index
        %get3A_554 = tpu.vector_load %arg9[%get3A_552, %get3A_553] {strides = array<i32>} : memref<128x128xf32, #tpu.memory_space<vmem>>, vector<1x16xf32>,
        %get3A_555 = vector.shape_cast %get3A_554 : vector<1x16xf32> to vector<16xf32>
        %add3A_556 = arith.addf %add3A_500, %get3A_555 : vector<16xf32>
        %add3A_557 = arith.constant 5 : i32
        %add3A_558 = arith.addi %mul3A_259, %add3A_557 : i32
        %get3A_559 = arith.index_cast %add3A_558 : i32 to index
        %get3A_560 = arith.constant 96 : index
        %get3A_561 = tpu.vector_load %arg9[%get3A_559, %get3A_560] {strides = array<i32>} : memref<128x128xf32, #tpu.memory_space<vmem>>, vector<1x16xf32>,
        %get3A_562 = vector.shape_cast %get3A_561 : vector<1x16xf32> to vector<16xf32>
        %add3A_563 = arith.addf %add3A_507, %get3A_562 : vector<16xf32>
        %add3A_564 = arith.constant 5 : i32
        %add3A_565 = arith.addi %mul3A_259, %add3A_564 : i32
        %get3A_566 = arith.index_cast %add3A_565 : i32 to index
        %get3A_567 = arith.constant 112 : index
        %get3A_568 = tpu.vector_load %arg9[%get3A_566, %get3A_567] {strides = array<i32>} : memref<128x128xf32, #tpu.memory_space<vmem>>, vector<1x16xf32>,
        %get3A_569 = vector.shape_cast %get3A_568 : vector<1x16xf32> to vector<16xf32>
        %add3A_570 = arith.addf %add3A_514, %get3A_569 : vector<16xf32>
        %add3A_571 = arith.constant 6 : i32
        %add3A_572 = arith.addi %mul3A_259, %add3A_571 : i32
        %get3A_573 = arith.index_cast %add3A_572 : i32 to index
        %get3A_574 = arith.constant 0 : index
        %get3A_575 = tpu.vector_load %arg9[%get3A_573, %get3A_574] {strides = array<i32>} : memref<128x128xf32, #tpu.memory_space<vmem>>, vector<1x16xf32>,
        %get3A_576 = vector.shape_cast %get3A_575 : vector<1x16xf32> to vector<16xf32>
        %add3A_577 = arith.addf %add3A_521, %get3A_576 : vector<16xf32>
        %add3A_578 = arith.constant 6 : i32
        %add3A_579 = arith.addi %mul3A_259, %add3A_578 : i32
        %get3A_580 = arith.index_cast %add3A_579 : i32 to index
        %get3A_581 = arith.constant 16 : index
        %get3A_582 = tpu.vector_load %arg9[%get3A_580, %get3A_581] {strides = array<i32>} : memref<128x128xf32, #tpu.memory_space<vmem>>, vector<1x16xf32>,
        %get3A_583 = vector.shape_cast %get3A_582 : vector<1x16xf32> to vector<16xf32>
        %add3A_584 = arith.addf %add3A_528, %get3A_583 : vector<16xf32>
        %add3A_585 = arith.constant 6 : i32
        %add3A_586 = arith.addi %mul3A_259, %add3A_585 : i32
        %get3A_587 = arith.index_cast %add3A_586 : i32 to index
        %get3A_588 = arith.constant 32 : index
        %get3A_589 = tpu.vector_load %arg9[%get3A_587, %get3A_588] {strides = array<i32>} : memref<128x128xf32, #tpu.memory_space<vmem>>, vector<1x16xf32>,
        %get3A_590 = vector.shape_cast %get3A_589 : vector<1x16xf32> to vector<16xf32>
        %add3A_591 = arith.addf %add3A_535, %get3A_590 : vector<16xf32>
        %add3A_592 = arith.constant 6 : i32
        %add3A_593 = arith.addi %mul3A_259, %add3A_592 : i32
        %get3A_594 = arith.index_cast %add3A_593 : i32 to index
        %get3A_595 = arith.constant 48 : index
        %get3A_596 = tpu.vector_load %arg9[%get3A_594, %get3A_595] {strides = array<i32>} : memref<128x128xf32, #tpu.memory_space<vmem>>, vector<1x16xf32>,
        %get3A_597 = vector.shape_cast %get3A_596 : vector<1x16xf32> to vector<16xf32>
        %add3A_598 = arith.addf %add3A_542, %get3A_597 : vector<16xf32>
        %add3A_599 = arith.constant 6 : i32
        %add3A_600 = arith.addi %mul3A_259, %add3A_599 : i32
        %get3A_601 = arith.index_cast %add3A_600 : i32 to index
        %get3A_602 = arith.constant 64 : index
        %get3A_603 = tpu.vector_load %arg9[%get3A_601, %get3A_602] {strides = array<i32>} : memref<128x128xf32, #tpu.memory_space<vmem>>, vector<1x16xf32>,
        %get3A_604 = vector.shape_cast %get3A_603 : vector<1x16xf32> to vector<16xf32>
        %add3A_605 = arith.addf %add3A_549, %get3A_604 : vector<16xf32>
        %add3A_606 = arith.constant 6 : i32
        %add3A_607 = arith.addi %mul3A_259, %add3A_606 : i32
        %get3A_608 = arith.index_cast %add3A_607 : i32 to index
        %get3A_609 = arith.constant 80 : index
        %get3A_610 = tpu.vector_load %arg9[%get3A_608, %get3A_609] {strides = array<i32>} : memref<128x128xf32, #tpu.memory_space<vmem>>, vector<1x16xf32>,
        %get3A_611 = vector.shape_cast %get3A_610 : vector<1x16xf32> to vector<16xf32>
        %add3A_612 = arith.addf %add3A_556, %get3A_611 : vector<16xf32>
        %add3A_613 = arith.constant 6 : i32
        %add3A_614 = arith.addi %mul3A_259, %add3A_613 : i32
        %get3A_615 = arith.index_cast %add3A_614 : i32 to index
        %get3A_616 = arith.constant 96 : index
        %get3A_617 = tpu.vector_load %arg9[%get3A_615, %get3A_616] {strides = array<i32>} : memref<128x128xf32, #tpu.memory_space<vmem>>, vector<1x16xf32>,
        %get3A_618 = vector.shape_cast %get3A_617 : vector<1x16xf32> to vector<16xf32>
        %add3A_619 = arith.addf %add3A_563, %get3A_618 : vector<16xf32>
        %add3A_620 = arith.constant 6 : i32
        %add3A_621 = arith.addi %mul3A_259, %add3A_620 : i32
        %get3A_622 = arith.index_cast %add3A_621 : i32 to index
        %get3A_623 = arith.constant 112 : index
        %get3A_624 = tpu.vector_load %arg9[%get3A_622, %get3A_623] {strides = array<i32>} : memref<128x128xf32, #tpu.memory_space<vmem>>, vector<1x16xf32>,
        %get3A_625 = vector.shape_cast %get3A_624 : vector<1x16xf32> to vector<16xf32>
        %add3A_626 = arith.addf %add3A_570, %get3A_625 : vector<16xf32>
        %add3A_627 = arith.constant 7 : i32
        %add3A_628 = arith.addi %mul3A_259, %add3A_627 : i32
        %get3A_629 = arith.index_cast %add3A_628 : i32 to index
        %get3A_630 = arith.constant 0 : index
        %get3A_631 = tpu.vector_load %arg9[%get3A_629, %get3A_630] {strides = array<i32>} : memref<128x128xf32, #tpu.memory_space<vmem>>, vector<1x16xf32>,
        %get3A_632 = vector.shape_cast %get3A_631 : vector<1x16xf32> to vector<16xf32>
        %add3A_633 = arith.addf %add3A_577, %get3A_632 : vector<16xf32>
        %add3A_634 = arith.constant 7 : i32
        %add3A_635 = arith.addi %mul3A_259, %add3A_634 : i32
        %get3A_636 = arith.index_cast %add3A_635 : i32 to index
        %get3A_637 = arith.constant 16 : index
        %get3A_638 = tpu.vector_load %arg9[%get3A_636, %get3A_637] {strides = array<i32>} : memref<128x128xf32, #tpu.memory_space<vmem>>, vector<1x16xf32>,
        %get3A_639 = vector.shape_cast %get3A_638 : vector<1x16xf32> to vector<16xf32>
        %add3A_640 = arith.addf %add3A_584, %get3A_639 : vector<16xf32>
        %add3A_641 = arith.constant 7 : i32
        %add3A_642 = arith.addi %mul3A_259, %add3A_641 : i32
        %get3A_643 = arith.index_cast %add3A_642 : i32 to index
        %get3A_644 = arith.constant 32 : index
        %get3A_645 = tpu.vector_load %arg9[%get3A_643, %get3A_644] {strides = array<i32>} : memref<128x128xf32, #tpu.memory_space<vmem>>, vector<1x16xf32>,
        %get3A_646 = vector.shape_cast %get3A_645 : vector<1x16xf32> to vector<16xf32>
        %add3A_647 = arith.addf %add3A_591, %get3A_646 : vector<16xf32>
        %add3A_648 = arith.constant 7 : i32
        %add3A_649 = arith.addi %mul3A_259, %add3A_648 : i32
        %get3A_650 = arith.index_cast %add3A_649 : i32 to index
        %get3A_651 = arith.constant 48 : index
        %get3A_652 = tpu.vector_load %arg9[%get3A_650, %get3A_651] {strides = array<i32>} : memref<128x128xf32, #tpu.memory_space<vmem>>, vector<1x16xf32>,
        %get3A_653 = vector.shape_cast %get3A_652 : vector<1x16xf32> to vector<16xf32>
        %add3A_654 = arith.addf %add3A_598, %get3A_653 : vector<16xf32>
        %add3A_655 = arith.constant 7 : i32
        %add3A_656 = arith.addi %mul3A_259, %add3A_655 : i32
        %get3A_657 = arith.index_cast %add3A_656 : i32 to index
        %get3A_658 = arith.constant 64 : index
        %get3A_659 = tpu.vector_load %arg9[%get3A_657, %get3A_658] {strides = array<i32>} : memref<128x128xf32, #tpu.memory_space<vmem>>, vector<1x16xf32>,
        %get3A_660 = vector.shape_cast %get3A_659 : vector<1x16xf32> to vector<16xf32>
        %add3A_661 = arith.addf %add3A_605, %get3A_660 : vector<16xf32>
        %add3A_662 = arith.constant 7 : i32
        %add3A_663 = arith.addi %mul3A_259, %add3A_662 : i32
        %get3A_664 = arith.index_cast %add3A_663 : i32 to index
        %get3A_665 = arith.constant 80 : index
        %get3A_666 = tpu.vector_load %arg9[%get3A_664, %get3A_665] {strides = array<i32>} : memref<128x128xf32, #tpu.memory_space<vmem>>, vector<1x16xf32>,
        %get3A_667 = vector.shape_cast %get3A_666 : vector<1x16xf32> to vector<16xf32>
        %add3A_668 = arith.addf %add3A_612, %get3A_667 : vector<16xf32>
        %add3A_669 = arith.constant 7 : i32
        %add3A_670 = arith.addi %mul3A_259, %add3A_669 : i32
        %get3A_671 = arith.index_cast %add3A_670 : i32 to index
        %get3A_672 = arith.constant 96 : index
        %get3A_673 = tpu.vector_load %arg9[%get3A_671, %get3A_672] {strides = array<i32>} : memref<128x128xf32, #tpu.memory_space<vmem>>, vector<1x16xf32>,
        %get3A_674 = vector.shape_cast %get3A_673 : vector<1x16xf32> to vector<16xf32>
        %add3A_675 = arith.addf %add3A_619, %get3A_674 : vector<16xf32>
        %add3A_676 = arith.constant 7 : i32
        %add3A_677 = arith.addi %mul3A_259, %add3A_676 : i32
        %get3A_678 = arith.index_cast %add3A_677 : i32 to index
        %get3A_679 = arith.constant 112 : index
        %get3A_680 = tpu.vector_load %arg9[%get3A_678, %get3A_679] {strides = array<i32>} : memref<128x128xf32, #tpu.memory_space<vmem>>, vector<1x16xf32>,
        %get3A_681 = vector.shape_cast %get3A_680 : vector<1x16xf32> to vector<16xf32>
        %add3A_682 = arith.addf %add3A_626, %get3A_681 : vector<16xf32>
        %scan3A_683 = arith.constant 1 : i32
        %scan3A_684 = arith.constant 3 : i32
        %scan3A_685 = arith.addi %scan3A_683, %scan3A_684 : i32
        %scan3A_686 = arith.constant 1 : i32
        %scan3A_687:8 = scf.for %scan3A_728 = %scan3A_683 to %scan3A_685 step %scan3A_686 iter_args(%scan3A_729 = %add3A_633, %scan3A_730 = %add3A_640, %scan3A_731 = %add3A_647, %scan3A_732 = %add3A_654, %scan3A_733 = %add3A_661, %scan3A_734 = %add3A_668, %scan3A_735 = %add3A_675, %scan3A_736 = %add3A_682) -> (vector<16xf32>, vector<16xf32>, vector<16xf32>, vector<16xf32>, vector<16xf32>, vector<16xf32>, vector<16xf32>, vector<16xf32>)  : i32 {
          %mul3A_737 = arith.constant 8 : i32
          %mul3A_738 = arith.muli %scan3A_728, %mul3A_737 : i32
          %add3A_739 = arith.addi %mul3A_259, %mul3A_738 : i32
          %add3A_740 = arith.constant 0 : i32
          %add3A_741 = arith.addi %add3A_739, %add3A_740 : i32
          %get3A_742 = arith.index_cast %add3A_741 : i32 to index
          %get3A_743 = arith.constant 0 : index
          %get3A_744 = tpu.vector_load %arg9[%get3A_742, %get3A_743] {strides = array<i32>} : memref<128x128xf32, #tpu.memory_space<vmem>>, vector<1x16xf32>,
          %get3A_745 = vector.shape_cast %get3A_744 : vector<1x16xf32> to vector<16xf32>
          %add3A_746 = arith.addf %scan3A_729, %get3A_745 : vector<16xf32>
          %mul3A_747 = arith.constant 8 : i32
          %mul3A_748 = arith.muli %scan3A_728, %mul3A_747 : i32
          %add3A_749 = arith.addi %mul3A_259, %mul3A_748 : i32
          %add3A_750 = arith.constant 0 : i32
          %add3A_751 = arith.addi %add3A_749, %add3A_750 : i32
          %get3A_752 = arith.index_cast %add3A_751 : i32 to index
          %get3A_753 = arith.constant 16 : index
          %get3A_754 = tpu.vector_load %arg9[%get3A_752, %get3A_753] {strides = array<i32>} : memref<128x128xf32, #tpu.memory_space<vmem>>, vector<1x16xf32>,
          %get3A_755 = vector.shape_cast %get3A_754 : vector<1x16xf32> to vector<16xf32>
          %add3A_756 = arith.addf %scan3A_730, %get3A_755 : vector<16xf32>
          %mul3A_757 = arith.constant 8 : i32
          %mul3A_758 = arith.muli %scan3A_728, %mul3A_757 : i32
          %add3A_759 = arith.addi %mul3A_259, %mul3A_758 : i32
          %add3A_760 = arith.constant 0 : i32
          %add3A_761 = arith.addi %add3A_759, %add3A_760 : i32
          %get3A_762 = arith.index_cast %add3A_761 : i32 to index
          %get3A_763 = arith.constant 32 : index
          %get3A_764 = tpu.vector_load %arg9[%get3A_762, %get3A_763] {strides = array<i32>} : memref<128x128xf32, #tpu.memory_space<vmem>>, vector<1x16xf32>,
          %get3A_765 = vector.shape_cast %get3A_764 : vector<1x16xf32> to vector<16xf32>
          %add3A_766 = arith.addf %scan3A_731, %get3A_765 : vector<16xf32>
          %mul3A_767 = arith.constant 8 : i32
          %mul3A_768 = arith.muli %scan3A_728, %mul3A_767 : i32
          %add3A_769 = arith.addi %mul3A_259, %mul3A_768 : i32
          %add3A_770 = arith.constant 0 : i32
          %add3A_771 = arith.addi %add3A_769, %add3A_770 : i32
          %get3A_772 = arith.index_cast %add3A_771 : i32 to index
          %get3A_773 = arith.constant 48 : index
          %get3A_774 = tpu.vector_load %arg9[%get3A_772, %get3A_773] {strides = array<i32>} : memref<128x128xf32, #tpu.memory_space<vmem>>, vector<1x16xf32>,
          %get3A_775 = vector.shape_cast %get3A_774 : vector<1x16xf32> to vector<16xf32>
          %add3A_776 = arith.addf %scan3A_732, %get3A_775 : vector<16xf32>
          %mul3A_777 = arith.constant 8 : i32
          %mul3A_778 = arith.muli %scan3A_728, %mul3A_777 : i32
          %add3A_779 = arith.addi %mul3A_259, %mul3A_778 : i32
          %add3A_780 = arith.constant 0 : i32
          %add3A_781 = arith.addi %add3A_779, %add3A_780 : i32
          %get3A_782 = arith.index_cast %add3A_781 : i32 to index
          %get3A_783 = arith.constant 64 : index
          %get3A_784 = tpu.vector_load %arg9[%get3A_782, %get3A_783] {strides = array<i32>} : memref<128x128xf32, #tpu.memory_space<vmem>>, vector<1x16xf32>,
          %get3A_785 = vector.shape_cast %get3A_784 : vector<1x16xf32> to vector<16xf32>
          %add3A_786 = arith.addf %scan3A_733, %get3A_785 : vector<16xf32>
          %mul3A_787 = arith.constant 8 : i32
          %mul3A_788 = arith.muli %scan3A_728, %mul3A_787 : i32
          %add3A_789 = arith.addi %mul3A_259, %mul3A_788 : i32
          %add3A_790 = arith.constant 0 : i32
          %add3A_791 = arith.addi %add3A_789, %add3A_790 : i32
          %get3A_792 = arith.index_cast %add3A_791 : i32 to index
          %get3A_793 = arith.constant 80 : index
          %get3A_794 = tpu.vector_load %arg9[%get3A_792, %get3A_793] {strides = array<i32>} : memref<128x128xf32, #tpu.memory_space<vmem>>, vector<1x16xf32>,
          %get3A_795 = vector.shape_cast %get3A_794 : vector<1x16xf32> to vector<16xf32>
          %add3A_796 = arith.addf %scan3A_734, %get3A_795 : vector<16xf32>
          %mul3A_797 = arith.constant 8 : i32
          %mul3A_798 = arith.muli %scan3A_728, %mul3A_797 : i32
          %add3A_799 = arith.addi %mul3A_259, %mul3A_798 : i32
          %add3A_800 = arith.constant 0 : i32
          %add3A_801 = arith.addi %add3A_799, %add3A_800 : i32
          %get3A_802 = arith.index_cast %add3A_801 : i32 to index
          %get3A_803 = arith.constant 96 : index
          %get3A_804 = tpu.vector_load %arg9[%get3A_802, %get3A_803] {strides = array<i32>} : memref<128x128xf32, #tpu.memory_space<vmem>>, vector<1x16xf32>,
          %get3A_805 = vector.shape_cast %get3A_804 : vector<1x16xf32> to vector<16xf32>
          %add3A_806 = arith.addf %scan3A_735, %get3A_805 : vector<16xf32>
          %mul3A_807 = arith.constant 8 : i32
          %mul3A_808 = arith.muli %scan3A_728, %mul3A_807 : i32
          %add3A_809 = arith.addi %mul3A_259, %mul3A_808 : i32
          %add3A_810 = arith.constant 0 : i32
          %add3A_811 = arith.addi %add3A_809, %add3A_810 : i32
          %get3A_812 = arith.index_cast %add3A_811 : i32 to index
          %get3A_813 = arith.constant 112 : index
          %get3A_814 = tpu.vector_load %arg9[%get3A_812, %get3A_813] {strides = array<i32>} : memref<128x128xf32, #tpu.memory_space<vmem>>, vector<1x16xf32>,
          %get3A_815 = vector.shape_cast %get3A_814 : vector<1x16xf32> to vector<16xf32>
          %add3A_816 = arith.addf %scan3A_736, %get3A_815 : vector<16xf32>
          %mul3A_817 = arith.constant 8 : i32
          %mul3A_818 = arith.muli %scan3A_728, %mul3A_817 : i32
          %add3A_819 = arith.addi %mul3A_259, %mul3A_818 : i32
          %add3A_820 = arith.constant 1 : i32
          %add3A_821 = arith.addi %add3A_819, %add3A_820 : i32
          %get3A_822 = arith.index_cast %add3A_821 : i32 to index
          %get3A_823 = arith.constant 0 : index
          %get3A_824 = tpu.vector_load %arg9[%get3A_822, %get3A_823] {strides = array<i32>} : memref<128x128xf32, #tpu.memory_space<vmem>>, vector<1x16xf32>,
          %get3A_825 = vector.shape_cast %get3A_824 : vector<1x16xf32> to vector<16xf32>
          %add3A_826 = arith.addf %add3A_746, %get3A_825 : vector<16xf32>
          %mul3A_827 = arith.constant 8 : i32
          %mul3A_828 = arith.muli %scan3A_728, %mul3A_827 : i32
          %add3A_829 = arith.addi %mul3A_259, %mul3A_828 : i32
          %add3A_830 = arith.constant 1 : i32
          %add3A_831 = arith.addi %add3A_829, %add3A_830 : i32
          %get3A_832 = arith.index_cast %add3A_831 : i32 to index
          %get3A_833 = arith.constant 16 : index
          %get3A_834 = tpu.vector_load %arg9[%get3A_832, %get3A_833] {strides = array<i32>} : memref<128x128xf32, #tpu.memory_space<vmem>>, vector<1x16xf32>,
          %get3A_835 = vector.shape_cast %get3A_834 : vector<1x16xf32> to vector<16xf32>
          %add3A_836 = arith.addf %add3A_756, %get3A_835 : vector<16xf32>
          %mul3A_837 = arith.constant 8 : i32
          %mul3A_838 = arith.muli %scan3A_728, %mul3A_837 : i32
          %add3A_839 = arith.addi %mul3A_259, %mul3A_838 : i32
          %add3A_840 = arith.constant 1 : i32
          %add3A_841 = arith.addi %add3A_839, %add3A_840 : i32
          %get3A_842 = arith.index_cast %add3A_841 : i32 to index
          %get3A_843 = arith.constant 32 : index
          %get3A_844 = tpu.vector_load %arg9[%get3A_842, %get3A_843] {strides = array<i32>} : memref<128x128xf32, #tpu.memory_space<vmem>>, vector<1x16xf32>,
          %get3A_845 = vector.shape_cast %get3A_844 : vector<1x16xf32> to vector<16xf32>
          %add3A_846 = arith.addf %add3A_766, %get3A_845 : vector<16xf32>
          %mul3A_847 = arith.constant 8 : i32
          %mul3A_848 = arith.muli %scan3A_728, %mul3A_847 : i32
          %add3A_849 = arith.addi %mul3A_259, %mul3A_848 : i32
          %add3A_850 = arith.constant 1 : i32
          %add3A_851 = arith.addi %add3A_849, %add3A_850 : i32
          %get3A_852 = arith.index_cast %add3A_851 : i32 to index
          %get3A_853 = arith.constant 48 : index
          %get3A_854 = tpu.vector_load %arg9[%get3A_852, %get3A_853] {strides = array<i32>} : memref<128x128xf32, #tpu.memory_space<vmem>>, vector<1x16xf32>,
          %get3A_855 = vector.shape_cast %get3A_854 : vector<1x16xf32> to vector<16xf32>
          %add3A_856 = arith.addf %add3A_776, %get3A_855 : vector<16xf32>
          %mul3A_857 = arith.constant 8 : i32
          %mul3A_858 = arith.muli %scan3A_728, %mul3A_857 : i32
          %add3A_859 = arith.addi %mul3A_259, %mul3A_858 : i32
          %add3A_860 = arith.constant 1 : i32
          %add3A_861 = arith.addi %add3A_859, %add3A_860 : i32
          %get3A_862 = arith.index_cast %add3A_861 : i32 to index
          %get3A_863 = arith.constant 64 : index
          %get3A_864 = tpu.vector_load %arg9[%get3A_862, %get3A_863] {strides = array<i32>} : memref<128x128xf32, #tpu.memory_space<vmem>>, vector<1x16xf32>,
          %get3A_865 = vector.shape_cast %get3A_864 : vector<1x16xf32> to vector<16xf32>
          %add3A_866 = arith.addf %add3A_786, %get3A_865 : vector<16xf32>
          %mul3A_867 = arith.constant 8 : i32
          %mul3A_868 = arith.muli %scan3A_728, %mul3A_867 : i32
          %add3A_869 = arith.addi %mul3A_259, %mul3A_868 : i32
          %add3A_870 = arith.constant 1 : i32
          %add3A_871 = arith.addi %add3A_869, %add3A_870 : i32
          %get3A_872 = arith.index_cast %add3A_871 : i32 to index
          %get3A_873 = arith.constant 80 : index
          %get3A_874 = tpu.vector_load %arg9[%get3A_872, %get3A_873] {strides = array<i32>} : memref<128x128xf32, #tpu.memory_space<vmem>>, vector<1x16xf32>,
          %get3A_875 = vector.shape_cast %get3A_874 : vector<1x16xf32> to vector<16xf32>
          %add3A_876 = arith.addf %add3A_796, %get3A_875 : vector<16xf32>
          %mul3A_877 = arith.constant 8 : i32
          %mul3A_878 = arith.muli %scan3A_728, %mul3A_877 : i32
          %add3A_879 = arith.addi %mul3A_259, %mul3A_878 : i32
          %add3A_880 = arith.constant 1 : i32
          %add3A_881 = arith.addi %add3A_879, %add3A_880 : i32
          %get3A_882 = arith.index_cast %add3A_881 : i32 to index
          %get3A_883 = arith.constant 96 : index
          %get3A_884 = tpu.vector_load %arg9[%get3A_882, %get3A_883] {strides = array<i32>} : memref<128x128xf32, #tpu.memory_space<vmem>>, vector<1x16xf32>,
          %get3A_885 = vector.shape_cast %get3A_884 : vector<1x16xf32> to vector<16xf32>
          %add3A_886 = arith.addf %add3A_806, %get3A_885 : vector<16xf32>
          %mul3A_887 = arith.constant 8 : i32
          %mul3A_888 = arith.muli %scan3A_728, %mul3A_887 : i32
          %add3A_889 = arith.addi %mul3A_259, %mul3A_888 : i32
          %add3A_890 = arith.constant 1 : i32
          %add3A_891 = arith.addi %add3A_889, %add3A_890 : i32
          %get3A_892 = arith.index_cast %add3A_891 : i32 to index
          %get3A_893 = arith.constant 112 : index
          %get3A_894 = tpu.vector_load %arg9[%get3A_892, %get3A_893] {strides = array<i32>} : memref<128x128xf32, #tpu.memory_space<vmem>>, vector<1x16xf32>,
          %get3A_895 = vector.shape_cast %get3A_894 : vector<1x16xf32> to vector<16xf32>
          %add3A_896 = arith.addf %add3A_816, %get3A_895 : vector<16xf32>
          %mul3A_897 = arith.constant 8 : i32
          %mul3A_898 = arith.muli %scan3A_728, %mul3A_897 : i32
          %add3A_899 = arith.addi %mul3A_259, %mul3A_898 : i32
          %add3A_900 = arith.constant 2 : i32
          %add3A_901 = arith.addi %add3A_899, %add3A_900 : i32
          %get3A_902 = arith.index_cast %add3A_901 : i32 to index
          %get3A_903 = arith.constant 0 : index
          %get3A_904 = tpu.vector_load %arg9[%get3A_902, %get3A_903] {strides = array<i32>} : memref<128x128xf32, #tpu.memory_space<vmem>>, vector<1x16xf32>,
          %get3A_905 = vector.shape_cast %get3A_904 : vector<1x16xf32> to vector<16xf32>
          %add3A_906 = arith.addf %add3A_826, %get3A_905 : vector<16xf32>
          %mul3A_907 = arith.constant 8 : i32
          %mul3A_908 = arith.muli %scan3A_728, %mul3A_907 : i32
          %add3A_909 = arith.addi %mul3A_259, %mul3A_908 : i32
          %add3A_910 = arith.constant 2 : i32
          %add3A_911 = arith.addi %add3A_909, %add3A_910 : i32
          %get3A_912 = arith.index_cast %add3A_911 : i32 to index
          %get3A_913 = arith.constant 16 : index
          %get3A_914 = tpu.vector_load %arg9[%get3A_912, %get3A_913] {strides = array<i32>} : memref<128x128xf32, #tpu.memory_space<vmem>>, vector<1x16xf32>,
          %get3A_915 = vector.shape_cast %get3A_914 : vector<1x16xf32> to vector<16xf32>
          %add3A_916 = arith.addf %add3A_836, %get3A_915 : vector<16xf32>
          %mul3A_917 = arith.constant 8 : i32
          %mul3A_918 = arith.muli %scan3A_728, %mul3A_917 : i32
          %add3A_919 = arith.addi %mul3A_259, %mul3A_918 : i32
          %add3A_920 = arith.constant 2 : i32
          %add3A_921 = arith.addi %add3A_919, %add3A_920 : i32
          %get3A_922 = arith.index_cast %add3A_921 : i32 to index
          %get3A_923 = arith.constant 32 : index
          %get3A_924 = tpu.vector_load %arg9[%get3A_922, %get3A_923] {strides = array<i32>} : memref<128x128xf32, #tpu.memory_space<vmem>>, vector<1x16xf32>,
          %get3A_925 = vector.shape_cast %get3A_924 : vector<1x16xf32> to vector<16xf32>
          %add3A_926 = arith.addf %add3A_846, %get3A_925 : vector<16xf32>
          %mul3A_927 = arith.constant 8 : i32
          %mul3A_928 = arith.muli %scan3A_728, %mul3A_927 : i32
          %add3A_929 = arith.addi %mul3A_259, %mul3A_928 : i32
          %add3A_930 = arith.constant 2 : i32
          %add3A_931 = arith.addi %add3A_929, %add3A_930 : i32
          %get3A_932 = arith.index_cast %add3A_931 : i32 to index
          %get3A_933 = arith.constant 48 : index
          %get3A_934 = tpu.vector_load %arg9[%get3A_932, %get3A_933] {strides = array<i32>} : memref<128x128xf32, #tpu.memory_space<vmem>>, vector<1x16xf32>,
          %get3A_935 = vector.shape_cast %get3A_934 : vector<1x16xf32> to vector<16xf32>
          %add3A_936 = arith.addf %add3A_856, %get3A_935 : vector<16xf32>
          %mul3A_937 = arith.constant 8 : i32
          %mul3A_938 = arith.muli %scan3A_728, %mul3A_937 : i32
          %add3A_939 = arith.addi %mul3A_259, %mul3A_938 : i32
          %add3A_940 = arith.constant 2 : i32
          %add3A_941 = arith.addi %add3A_939, %add3A_940 : i32
          %get3A_942 = arith.index_cast %add3A_941 : i32 to index
          %get3A_943 = arith.constant 64 : index
          %get3A_944 = tpu.vector_load %arg9[%get3A_942, %get3A_943] {strides = array<i32>} : memref<128x128xf32, #tpu.memory_space<vmem>>, vector<1x16xf32>,
          %get3A_945 = vector.shape_cast %get3A_944 : vector<1x16xf32> to vector<16xf32>
          %add3A_946 = arith.addf %add3A_866, %get3A_945 : vector<16xf32>
          %mul3A_947 = arith.constant 8 : i32
          %mul3A_948 = arith.muli %scan3A_728, %mul3A_947 : i32
          %add3A_949 = arith.addi %mul3A_259, %mul3A_948 : i32
          %add3A_950 = arith.constant 2 : i32
          %add3A_951 = arith.addi %add3A_949, %add3A_950 : i32
          %get3A_952 = arith.index_cast %add3A_951 : i32 to index
          %get3A_953 = arith.constant 80 : index
          %get3A_954 = tpu.vector_load %arg9[%get3A_952, %get3A_953] {strides = array<i32>} : memref<128x128xf32, #tpu.memory_space<vmem>>, vector<1x16xf32>,
          %get3A_955 = vector.shape_cast %get3A_954 : vector<1x16xf32> to vector<16xf32>
          %add3A_956 = arith.addf %add3A_876, %get3A_955 : vector<16xf32>
          %mul3A_957 = arith.constant 8 : i32
          %mul3A_958 = arith.muli %scan3A_728, %mul3A_957 : i32
          %add3A_959 = arith.addi %mul3A_259, %mul3A_958 : i32
          %add3A_960 = arith.constant 2 : i32
          %add3A_961 = arith.addi %add3A_959, %add3A_960 : i32
          %get3A_962 = arith.index_cast %add3A_961 : i32 to index
          %get3A_963 = arith.constant 96 : index
          %get3A_964 = tpu.vector_load %arg9[%get3A_962, %get3A_963] {strides = array<i32>} : memref<128x128xf32, #tpu.memory_space<vmem>>, vector<1x16xf32>,
          %get3A_965 = vector.shape_cast %get3A_964 : vector<1x16xf32> to vector<16xf32>
          %add3A_966 = arith.addf %add3A_886, %get3A_965 : vector<16xf32>
          %mul3A_967 = arith.constant 8 : i32
          %mul3A_968 = arith.muli %scan3A_728, %mul3A_967 : i32
          %add3A_969 = arith.addi %mul3A_259, %mul3A_968 : i32
          %add3A_970 = arith.constant 2 : i32
          %add3A_971 = arith.addi %add3A_969, %add3A_970 : i32
          %get3A_972 = arith.index_cast %add3A_971 : i32 to index
          %get3A_973 = arith.constant 112 : index
          %get3A_974 = tpu.vector_load %arg9[%get3A_972, %get3A_973] {strides = array<i32>} : memref<128x128xf32, #tpu.memory_space<vmem>>, vector<1x16xf32>,
          %get3A_975 = vector.shape_cast %get3A_974 : vector<1x16xf32> to vector<16xf32>
          %add3A_976 = arith.addf %add3A_896, %get3A_975 : vector<16xf32>
          %mul3A_977 = arith.constant 8 : i32
          %mul3A_978 = arith.muli %scan3A_728, %mul3A_977 : i32
          %add3A_979 = arith.addi %mul3A_259, %mul3A_978 : i32
          %add3A_980 = arith.constant 3 : i32
          %add3A_981 = arith.addi %add3A_979, %add3A_980 : i32
          %get3A_982 = arith.index_cast %add3A_981 : i32 to index
          %get3A_983 = arith.constant 0 : index
          %get3A_984 = tpu.vector_load %arg9[%get3A_982, %get3A_983] {strides = array<i32>} : memref<128x128xf32, #tpu.memory_space<vmem>>, vector<1x16xf32>,
          %get3A_985 = vector.shape_cast %get3A_984 : vector<1x16xf32> to vector<16xf32>
          %add3A_986 = arith.addf %add3A_906, %get3A_985 : vector<16xf32>
          %mul3A_987 = arith.constant 8 : i32
          %mul3A_988 = arith.muli %scan3A_728, %mul3A_987 : i32
          %add3A_989 = arith.addi %mul3A_259, %mul3A_988 : i32
          %add3A_990 = arith.constant 3 : i32
          %add3A_991 = arith.addi %add3A_989, %add3A_990 : i32
          %get3A_992 = arith.index_cast %add3A_991 : i32 to index
          %get3A_993 = arith.constant 16 : index
          %get3A_994 = tpu.vector_load %arg9[%get3A_992, %get3A_993] {strides = array<i32>} : memref<128x128xf32, #tpu.memory_space<vmem>>, vector<1x16xf32>,
          %get3A_995 = vector.shape_cast %get3A_994 : vector<1x16xf32> to vector<16xf32>
          %add3A_996 = arith.addf %add3A_916, %get3A_995 : vector<16xf32>
          %mul3A_997 = arith.constant 8 : i32
          %mul3A_998 = arith.muli %scan3A_728, %mul3A_997 : i32
          %add3A_999 = arith.addi %mul3A_259, %mul3A_998 : i32
          %add3A_1000 = arith.constant 3 : i32
          %add3A_1001 = arith.addi %add3A_999, %add3A_1000 : i32
          %get3A_1002 = arith.index_cast %add3A_1001 : i32 to index
          %get3A_1003 = arith.constant 32 : index
          %get3A_1004 = tpu.vector_load %arg9[%get3A_1002, %get3A_1003] {strides = array<i32>} : memref<128x128xf32, #tpu.memory_space<vmem>>, vector<1x16xf32>,
          %get3A_1005 = vector.shape_cast %get3A_1004 : vector<1x16xf32> to vector<16xf32>
          %add3A_1006 = arith.addf %add3A_926, %get3A_1005 : vector<16xf32>
          %mul3A_1007 = arith.constant 8 : i32
          %mul3A_1008 = arith.muli %scan3A_728, %mul3A_1007 : i32
          %add3A_1009 = arith.addi %mul3A_259, %mul3A_1008 : i32
          %add3A_1010 = arith.constant 3 : i32
          %add3A_1011 = arith.addi %add3A_1009, %add3A_1010 : i32
          %get3A_1012 = arith.index_cast %add3A_1011 : i32 to index
          %get3A_1013 = arith.constant 48 : index
          %get3A_1014 = tpu.vector_load %arg9[%get3A_1012, %get3A_1013] {strides = array<i32>} : memref<128x128xf32, #tpu.memory_space<vmem>>, vector<1x16xf32>,
          %get3A_1015 = vector.shape_cast %get3A_1014 : vector<1x16xf32> to vector<16xf32>
          %add3A_1016 = arith.addf %add3A_936, %get3A_1015 : vector<16xf32>
          %mul3A_1017 = arith.constant 8 : i32
          %mul3A_1018 = arith.muli %scan3A_728, %mul3A_1017 : i32
          %add3A_1019 = arith.addi %mul3A_259, %mul3A_1018 : i32
          %add3A_1020 = arith.constant 3 : i32
          %add3A_1021 = arith.addi %add3A_1019, %add3A_1020 : i32
          %get3A_1022 = arith.index_cast %add3A_1021 : i32 to index
          %get3A_1023 = arith.constant 64 : index
          %get3A_1024 = tpu.vector_load %arg9[%get3A_1022, %get3A_1023] {strides = array<i32>} : memref<128x128xf32, #tpu.memory_space<vmem>>, vector<1x16xf32>,
          %get3A_1025 = vector.shape_cast %get3A_1024 : vector<1x16xf32> to vector<16xf32>
          %add3A_1026 = arith.addf %add3A_946, %get3A_1025 : vector<16xf32>
          %mul3A_1027 = arith.constant 8 : i32
          %mul3A_1028 = arith.muli %scan3A_728, %mul3A_1027 : i32
          %add3A_1029 = arith.addi %mul3A_259, %mul3A_1028 : i32
          %add3A_1030 = arith.constant 3 : i32
          %add3A_1031 = arith.addi %add3A_1029, %add3A_1030 : i32
          %get3A_1032 = arith.index_cast %add3A_1031 : i32 to index
          %get3A_1033 = arith.constant 80 : index
          %get3A_1034 = tpu.vector_load %arg9[%get3A_1032, %get3A_1033] {strides = array<i32>} : memref<128x128xf32, #tpu.memory_space<vmem>>, vector<1x16xf32>,
          %get3A_1035 = vector.shape_cast %get3A_1034 : vector<1x16xf32> to vector<16xf32>
          %add3A_1036 = arith.addf %add3A_956, %get3A_1035 : vector<16xf32>
          %mul3A_1037 = arith.constant 8 : i32
          %mul3A_1038 = arith.muli %scan3A_728, %mul3A_1037 : i32
          %add3A_1039 = arith.addi %mul3A_259, %mul3A_1038 : i32
          %add3A_1040 = arith.constant 3 : i32
          %add3A_1041 = arith.addi %add3A_1039, %add3A_1040 : i32
          %get3A_1042 = arith.index_cast %add3A_1041 : i32 to index
          %get3A_1043 = arith.constant 96 : index
          %get3A_1044 = tpu.vector_load %arg9[%get3A_1042, %get3A_1043] {strides = array<i32>} : memref<128x128xf32, #tpu.memory_space<vmem>>, vector<1x16xf32>,
          %get3A_1045 = vector.shape_cast %get3A_1044 : vector<1x16xf32> to vector<16xf32>
          %add3A_1046 = arith.addf %add3A_966, %get3A_1045 : vector<16xf32>
          %mul3A_1047 = arith.constant 8 : i32
          %mul3A_1048 = arith.muli %scan3A_728, %mul3A_1047 : i32
          %add3A_1049 = arith.addi %mul3A_259, %mul3A_1048 : i32
          %add3A_1050 = arith.constant 3 : i32
          %add3A_1051 = arith.addi %add3A_1049, %add3A_1050 : i32
          %get3A_1052 = arith.index_cast %add3A_1051 : i32 to index
          %get3A_1053 = arith.constant 112 : index
          %get3A_1054 = tpu.vector_load %arg9[%get3A_1052, %get3A_1053] {strides = array<i32>} : memref<128x128xf32, #tpu.memory_space<vmem>>, vector<1x16xf32>,
          %get3A_1055 = vector.shape_cast %get3A_1054 : vector<1x16xf32> to vector<16xf32>
          %add3A_1056 = arith.addf %add3A_976, %get3A_1055 : vector<16xf32>
          %mul3A_1057 = arith.constant 8 : i32
          %mul3A_1058 = arith.muli %scan3A_728, %mul3A_1057 : i32
          %add3A_1059 = arith.addi %mul3A_259, %mul3A_1058 : i32
          %add3A_1060 = arith.constant 4 : i32
          %add3A_1061 = arith.addi %add3A_1059, %add3A_1060 : i32
          %get3A_1062 = arith.index_cast %add3A_1061 : i32 to index
          %get3A_1063 = arith.constant 0 : index
          %get3A_1064 = tpu.vector_load %arg9[%get3A_1062, %get3A_1063] {strides = array<i32>} : memref<128x128xf32, #tpu.memory_space<vmem>>, vector<1x16xf32>,
          %get3A_1065 = vector.shape_cast %get3A_1064 : vector<1x16xf32> to vector<16xf32>
          %add3A_1066 = arith.addf %add3A_986, %get3A_1065 : vector<16xf32>
          %mul3A_1067 = arith.constant 8 : i32
          %mul3A_1068 = arith.muli %scan3A_728, %mul3A_1067 : i32
          %add3A_1069 = arith.addi %mul3A_259, %mul3A_1068 : i32
          %add3A_1070 = arith.constant 4 : i32
          %add3A_1071 = arith.addi %add3A_1069, %add3A_1070 : i32
          %get3A_1072 = arith.index_cast %add3A_1071 : i32 to index
          %get3A_1073 = arith.constant 16 : index
          %get3A_1074 = tpu.vector_load %arg9[%get3A_1072, %get3A_1073] {strides = array<i32>} : memref<128x128xf32, #tpu.memory_space<vmem>>, vector<1x16xf32>,
          %get3A_1075 = vector.shape_cast %get3A_1074 : vector<1x16xf32> to vector<16xf32>
          %add3A_1076 = arith.addf %add3A_996, %get3A_1075 : vector<16xf32>
          %mul3A_1077 = arith.constant 8 : i32
          %mul3A_1078 = arith.muli %scan3A_728, %mul3A_1077 : i32
          %add3A_1079 = arith.addi %mul3A_259, %mul3A_1078 : i32
          %add3A_1080 = arith.constant 4 : i32
          %add3A_1081 = arith.addi %add3A_1079, %add3A_1080 : i32
          %get3A_1082 = arith.index_cast %add3A_1081 : i32 to index
          %get3A_1083 = arith.constant 32 : index
          %get3A_1084 = tpu.vector_load %arg9[%get3A_1082, %get3A_1083] {strides = array<i32>} : memref<128x128xf32, #tpu.memory_space<vmem>>, vector<1x16xf32>,
          %get3A_1085 = vector.shape_cast %get3A_1084 : vector<1x16xf32> to vector<16xf32>
          %add3A_1086 = arith.addf %add3A_1006, %get3A_1085 : vector<16xf32>
          %mul3A_1087 = arith.constant 8 : i32
          %mul3A_1088 = arith.muli %scan3A_728, %mul3A_1087 : i32
          %add3A_1089 = arith.addi %mul3A_259, %mul3A_1088 : i32
          %add3A_1090 = arith.constant 4 : i32
          %add3A_1091 = arith.addi %add3A_1089, %add3A_1090 : i32
          %get3A_1092 = arith.index_cast %add3A_1091 : i32 to index
          %get3A_1093 = arith.constant 48 : index
          %get3A_1094 = tpu.vector_load %arg9[%get3A_1092, %get3A_1093] {strides = array<i32>} : memref<128x128xf32, #tpu.memory_space<vmem>>, vector<1x16xf32>,
          %get3A_1095 = vector.shape_cast %get3A_1094 : vector<1x16xf32> to vector<16xf32>
          %add3A_1096 = arith.addf %add3A_1016, %get3A_1095 : vector<16xf32>
          %mul3A_1097 = arith.constant 8 : i32
          %mul3A_1098 = arith.muli %scan3A_728, %mul3A_1097 : i32
          %add3A_1099 = arith.addi %mul3A_259, %mul3A_1098 : i32
          %add3A_1100 = arith.constant 4 : i32
          %add3A_1101 = arith.addi %add3A_1099, %add3A_1100 : i32
          %get3A_1102 = arith.index_cast %add3A_1101 : i32 to index
          %get3A_1103 = arith.constant 64 : index
          %get3A_1104 = tpu.vector_load %arg9[%get3A_1102, %get3A_1103] {strides = array<i32>} : memref<128x128xf32, #tpu.memory_space<vmem>>, vector<1x16xf32>,
          %get3A_1105 = vector.shape_cast %get3A_1104 : vector<1x16xf32> to vector<16xf32>
          %add3A_1106 = arith.addf %add3A_1026, %get3A_1105 : vector<16xf32>
          %mul3A_1107 = arith.constant 8 : i32
          %mul3A_1108 = arith.muli %scan3A_728, %mul3A_1107 : i32
          %add3A_1109 = arith.addi %mul3A_259, %mul3A_1108 : i32
          %add3A_1110 = arith.constant 4 : i32
          %add3A_1111 = arith.addi %add3A_1109, %add3A_1110 : i32
          %get3A_1112 = arith.index_cast %add3A_1111 : i32 to index
          %get3A_1113 = arith.constant 80 : index
          %get3A_1114 = tpu.vector_load %arg9[%get3A_1112, %get3A_1113] {strides = array<i32>} : memref<128x128xf32, #tpu.memory_space<vmem>>, vector<1x16xf32>,
          %get3A_1115 = vector.shape_cast %get3A_1114 : vector<1x16xf32> to vector<16xf32>
          %add3A_1116 = arith.addf %add3A_1036, %get3A_1115 : vector<16xf32>
          %mul3A_1117 = arith.constant 8 : i32
          %mul3A_1118 = arith.muli %scan3A_728, %mul3A_1117 : i32
          %add3A_1119 = arith.addi %mul3A_259, %mul3A_1118 : i32
          %add3A_1120 = arith.constant 4 : i32
          %add3A_1121 = arith.addi %add3A_1119, %add3A_1120 : i32
          %get3A_1122 = arith.index_cast %add3A_1121 : i32 to index
          %get3A_1123 = arith.constant 96 : index
          %get3A_1124 = tpu.vector_load %arg9[%get3A_1122, %get3A_1123] {strides = array<i32>} : memref<128x128xf32, #tpu.memory_space<vmem>>, vector<1x16xf32>,
          %get3A_1125 = vector.shape_cast %get3A_1124 : vector<1x16xf32> to vector<16xf32>
          %add3A_1126 = arith.addf %add3A_1046, %get3A_1125 : vector<16xf32>
          %mul3A_1127 = arith.constant 8 : i32
          %mul3A_1128 = arith.muli %scan3A_728, %mul3A_1127 : i32
          %add3A_1129 = arith.addi %mul3A_259, %mul3A_1128 : i32
          %add3A_1130 = arith.constant 4 : i32
          %add3A_1131 = arith.addi %add3A_1129, %add3A_1130 : i32
          %get3A_1132 = arith.index_cast %add3A_1131 : i32 to index
          %get3A_1133 = arith.constant 112 : index
          %get3A_1134 = tpu.vector_load %arg9[%get3A_1132, %get3A_1133] {strides = array<i32>} : memref<128x128xf32, #tpu.memory_space<vmem>>, vector<1x16xf32>,
          %get3A_1135 = vector.shape_cast %get3A_1134 : vector<1x16xf32> to vector<16xf32>
          %add3A_1136 = arith.addf %add3A_1056, %get3A_1135 : vector<16xf32>
          %mul3A_1137 = arith.constant 8 : i32
          %mul3A_1138 = arith.muli %scan3A_728, %mul3A_1137 : i32
          %add3A_1139 = arith.addi %mul3A_259, %mul3A_1138 : i32
          %add3A_1140 = arith.constant 5 : i32
          %add3A_1141 = arith.addi %add3A_1139, %add3A_1140 : i32
          %get3A_1142 = arith.index_cast %add3A_1141 : i32 to index
          %get3A_1143 = arith.constant 0 : index
          %get3A_1144 = tpu.vector_load %arg9[%get3A_1142, %get3A_1143] {strides = array<i32>} : memref<128x128xf32, #tpu.memory_space<vmem>>, vector<1x16xf32>,
          %get3A_1145 = vector.shape_cast %get3A_1144 : vector<1x16xf32> to vector<16xf32>
          %add3A_1146 = arith.addf %add3A_1066, %get3A_1145 : vector<16xf32>
          %mul3A_1147 = arith.constant 8 : i32
          %mul3A_1148 = arith.muli %scan3A_728, %mul3A_1147 : i32
          %add3A_1149 = arith.addi %mul3A_259, %mul3A_1148 : i32
          %add3A_1150 = arith.constant 5 : i32
          %add3A_1151 = arith.addi %add3A_1149, %add3A_1150 : i32
          %get3A_1152 = arith.index_cast %add3A_1151 : i32 to index
          %get3A_1153 = arith.constant 16 : index
          %get3A_1154 = tpu.vector_load %arg9[%get3A_1152, %get3A_1153] {strides = array<i32>} : memref<128x128xf32, #tpu.memory_space<vmem>>, vector<1x16xf32>,
          %get3A_1155 = vector.shape_cast %get3A_1154 : vector<1x16xf32> to vector<16xf32>
          %add3A_1156 = arith.addf %add3A_1076, %get3A_1155 : vector<16xf32>
          %mul3A_1157 = arith.constant 8 : i32
          %mul3A_1158 = arith.muli %scan3A_728, %mul3A_1157 : i32
          %add3A_1159 = arith.addi %mul3A_259, %mul3A_1158 : i32
          %add3A_1160 = arith.constant 5 : i32
          %add3A_1161 = arith.addi %add3A_1159, %add3A_1160 : i32
          %get3A_1162 = arith.index_cast %add3A_1161 : i32 to index
          %get3A_1163 = arith.constant 32 : index
          %get3A_1164 = tpu.vector_load %arg9[%get3A_1162, %get3A_1163] {strides = array<i32>} : memref<128x128xf32, #tpu.memory_space<vmem>>, vector<1x16xf32>,
          %get3A_1165 = vector.shape_cast %get3A_1164 : vector<1x16xf32> to vector<16xf32>
          %add3A_1166 = arith.addf %add3A_1086, %get3A_1165 : vector<16xf32>
          %mul3A_1167 = arith.constant 8 : i32
          %mul3A_1168 = arith.muli %scan3A_728, %mul3A_1167 : i32
          %add3A_1169 = arith.addi %mul3A_259, %mul3A_1168 : i32
          %add3A_1170 = arith.constant 5 : i32
          %add3A_1171 = arith.addi %add3A_1169, %add3A_1170 : i32
          %get3A_1172 = arith.index_cast %add3A_1171 : i32 to index
          %get3A_1173 = arith.constant 48 : index
          %get3A_1174 = tpu.vector_load %arg9[%get3A_1172, %get3A_1173] {strides = array<i32>} : memref<128x128xf32, #tpu.memory_space<vmem>>, vector<1x16xf32>,
          %get3A_1175 = vector.shape_cast %get3A_1174 : vector<1x16xf32> to vector<16xf32>
          %add3A_1176 = arith.addf %add3A_1096, %get3A_1175 : vector<16xf32>
          %mul3A_1177 = arith.constant 8 : i32
          %mul3A_1178 = arith.muli %scan3A_728, %mul3A_1177 : i32
          %add3A_1179 = arith.addi %mul3A_259, %mul3A_1178 : i32
          %add3A_1180 = arith.constant 5 : i32
          %add3A_1181 = arith.addi %add3A_1179, %add3A_1180 : i32
          %get3A_1182 = arith.index_cast %add3A_1181 : i32 to index
          %get3A_1183 = arith.constant 64 : index
          %get3A_1184 = tpu.vector_load %arg9[%get3A_1182, %get3A_1183] {strides = array<i32>} : memref<128x128xf32, #tpu.memory_space<vmem>>, vector<1x16xf32>,
          %get3A_1185 = vector.shape_cast %get3A_1184 : vector<1x16xf32> to vector<16xf32>
          %add3A_1186 = arith.addf %add3A_1106, %get3A_1185 : vector<16xf32>
          %mul3A_1187 = arith.constant 8 : i32
          %mul3A_1188 = arith.muli %scan3A_728, %mul3A_1187 : i32
          %add3A_1189 = arith.addi %mul3A_259, %mul3A_1188 : i32
          %add3A_1190 = arith.constant 5 : i32
          %add3A_1191 = arith.addi %add3A_1189, %add3A_1190 : i32
          %get3A_1192 = arith.index_cast %add3A_1191 : i32 to index
          %get3A_1193 = arith.constant 80 : index
          %get3A_1194 = tpu.vector_load %arg9[%get3A_1192, %get3A_1193] {strides = array<i32>} : memref<128x128xf32, #tpu.memory_space<vmem>>, vector<1x16xf32>,
          %get3A_1195 = vector.shape_cast %get3A_1194 : vector<1x16xf32> to vector<16xf32>
          %add3A_1196 = arith.addf %add3A_1116, %get3A_1195 : vector<16xf32>
          %mul3A_1197 = arith.constant 8 : i32
          %mul3A_1198 = arith.muli %scan3A_728, %mul3A_1197 : i32
          %add3A_1199 = arith.addi %mul3A_259, %mul3A_1198 : i32
          %add3A_1200 = arith.constant 5 : i32
          %add3A_1201 = arith.addi %add3A_1199, %add3A_1200 : i32
          %get3A_1202 = arith.index_cast %add3A_1201 : i32 to index
          %get3A_1203 = arith.constant 96 : index
          %get3A_1204 = tpu.vector_load %arg9[%get3A_1202, %get3A_1203] {strides = array<i32>} : memref<128x128xf32, #tpu.memory_space<vmem>>, vector<1x16xf32>,
          %get3A_1205 = vector.shape_cast %get3A_1204 : vector<1x16xf32> to vector<16xf32>
          %add3A_1206 = arith.addf %add3A_1126, %get3A_1205 : vector<16xf32>
          %mul3A_1207 = arith.constant 8 : i32
          %mul3A_1208 = arith.muli %scan3A_728, %mul3A_1207 : i32
          %add3A_1209 = arith.addi %mul3A_259, %mul3A_1208 : i32
          %add3A_1210 = arith.constant 5 : i32
          %add3A_1211 = arith.addi %add3A_1209, %add3A_1210 : i32
          %get3A_1212 = arith.index_cast %add3A_1211 : i32 to index
          %get3A_1213 = arith.constant 112 : index
          %get3A_1214 = tpu.vector_load %arg9[%get3A_1212, %get3A_1213] {strides = array<i32>} : memref<128x128xf32, #tpu.memory_space<vmem>>, vector<1x16xf32>,
          %get3A_1215 = vector.shape_cast %get3A_1214 : vector<1x16xf32> to vector<16xf32>
          %add3A_1216 = arith.addf %add3A_1136, %get3A_1215 : vector<16xf32>
          %mul3A_1217 = arith.constant 8 : i32
          %mul3A_1218 = arith.muli %scan3A_728, %mul3A_1217 : i32
          %add3A_1219 = arith.addi %mul3A_259, %mul3A_1218 : i32
          %add3A_1220 = arith.constant 6 : i32
          %add3A_1221 = arith.addi %add3A_1219, %add3A_1220 : i32
          %get3A_1222 = arith.index_cast %add3A_1221 : i32 to index
          %get3A_1223 = arith.constant 0 : index
          %get3A_1224 = tpu.vector_load %arg9[%get3A_1222, %get3A_1223] {strides = array<i32>} : memref<128x128xf32, #tpu.memory_space<vmem>>, vector<1x16xf32>,
          %get3A_1225 = vector.shape_cast %get3A_1224 : vector<1x16xf32> to vector<16xf32>
          %add3A_1226 = arith.addf %add3A_1146, %get3A_1225 : vector<16xf32>
          %mul3A_1227 = arith.constant 8 : i32
          %mul3A_1228 = arith.muli %scan3A_728, %mul3A_1227 : i32
          %add3A_1229 = arith.addi %mul3A_259, %mul3A_1228 : i32
          %add3A_1230 = arith.constant 6 : i32
          %add3A_1231 = arith.addi %add3A_1229, %add3A_1230 : i32
          %get3A_1232 = arith.index_cast %add3A_1231 : i32 to index
          %get3A_1233 = arith.constant 16 : index
          %get3A_1234 = tpu.vector_load %arg9[%get3A_1232, %get3A_1233] {strides = array<i32>} : memref<128x128xf32, #tpu.memory_space<vmem>>, vector<1x16xf32>,
          %get3A_1235 = vector.shape_cast %get3A_1234 : vector<1x16xf32> to vector<16xf32>
          %add3A_1236 = arith.addf %add3A_1156, %get3A_1235 : vector<16xf32>
          %mul3A_1237 = arith.constant 8 : i32
          %mul3A_1238 = arith.muli %scan3A_728, %mul3A_1237 : i32
          %add3A_1239 = arith.addi %mul3A_259, %mul3A_1238 : i32
          %add3A_1240 = arith.constant 6 : i32
          %add3A_1241 = arith.addi %add3A_1239, %add3A_1240 : i32
          %get3A_1242 = arith.index_cast %add3A_1241 : i32 to index
          %get3A_1243 = arith.constant 32 : index
          %get3A_1244 = tpu.vector_load %arg9[%get3A_1242, %get3A_1243] {strides = array<i32>} : memref<128x128xf32, #tpu.memory_space<vmem>>, vector<1x16xf32>,
          %get3A_1245 = vector.shape_cast %get3A_1244 : vector<1x16xf32> to vector<16xf32>
          %add3A_1246 = arith.addf %add3A_1166, %get3A_1245 : vector<16xf32>
          %mul3A_1247 = arith.constant 8 : i32
          %mul3A_1248 = arith.muli %scan3A_728, %mul3A_1247 : i32
          %add3A_1249 = arith.addi %mul3A_259, %mul3A_1248 : i32
          %add3A_1250 = arith.constant 6 : i32
          %add3A_1251 = arith.addi %add3A_1249, %add3A_1250 : i32
          %get3A_1252 = arith.index_cast %add3A_1251 : i32 to index
          %get3A_1253 = arith.constant 48 : index
          %get3A_1254 = tpu.vector_load %arg9[%get3A_1252, %get3A_1253] {strides = array<i32>} : memref<128x128xf32, #tpu.memory_space<vmem>>, vector<1x16xf32>,
          %get3A_1255 = vector.shape_cast %get3A_1254 : vector<1x16xf32> to vector<16xf32>
          %add3A_1256 = arith.addf %add3A_1176, %get3A_1255 : vector<16xf32>
          %mul3A_1257 = arith.constant 8 : i32
          %mul3A_1258 = arith.muli %scan3A_728, %mul3A_1257 : i32
          %add3A_1259 = arith.addi %mul3A_259, %mul3A_1258 : i32
          %add3A_1260 = arith.constant 6 : i32
          %add3A_1261 = arith.addi %add3A_1259, %add3A_1260 : i32
          %get3A_1262 = arith.index_cast %add3A_1261 : i32 to index
          %get3A_1263 = arith.constant 64 : index
          %get3A_1264 = tpu.vector_load %arg9[%get3A_1262, %get3A_1263] {strides = array<i32>} : memref<128x128xf32, #tpu.memory_space<vmem>>, vector<1x16xf32>,
          %get3A_1265 = vector.shape_cast %get3A_1264 : vector<1x16xf32> to vector<16xf32>
          %add3A_1266 = arith.addf %add3A_1186, %get3A_1265 : vector<16xf32>
          %mul3A_1267 = arith.constant 8 : i32
          %mul3A_1268 = arith.muli %scan3A_728, %mul3A_1267 : i32
          %add3A_1269 = arith.addi %mul3A_259, %mul3A_1268 : i32
          %add3A_1270 = arith.constant 6 : i32
          %add3A_1271 = arith.addi %add3A_1269, %add3A_1270 : i32
          %get3A_1272 = arith.index_cast %add3A_1271 : i32 to index
          %get3A_1273 = arith.constant 80 : index
          %get3A_1274 = tpu.vector_load %arg9[%get3A_1272, %get3A_1273] {strides = array<i32>} : memref<128x128xf32, #tpu.memory_space<vmem>>, vector<1x16xf32>,
          %get3A_1275 = vector.shape_cast %get3A_1274 : vector<1x16xf32> to vector<16xf32>
          %add3A_1276 = arith.addf %add3A_1196, %get3A_1275 : vector<16xf32>
          %mul3A_1277 = arith.constant 8 : i32
          %mul3A_1278 = arith.muli %scan3A_728, %mul3A_1277 : i32
          %add3A_1279 = arith.addi %mul3A_259, %mul3A_1278 : i32
          %add3A_1280 = arith.constant 6 : i32
          %add3A_1281 = arith.addi %add3A_1279, %add3A_1280 : i32
          %get3A_1282 = arith.index_cast %add3A_1281 : i32 to index
          %get3A_1283 = arith.constant 96 : index
          %get3A_1284 = tpu.vector_load %arg9[%get3A_1282, %get3A_1283] {strides = array<i32>} : memref<128x128xf32, #tpu.memory_space<vmem>>, vector<1x16xf32>,
          %get3A_1285 = vector.shape_cast %get3A_1284 : vector<1x16xf32> to vector<16xf32>
          %add3A_1286 = arith.addf %add3A_1206, %get3A_1285 : vector<16xf32>
          %mul3A_1287 = arith.constant 8 : i32
          %mul3A_1288 = arith.muli %scan3A_728, %mul3A_1287 : i32
          %add3A_1289 = arith.addi %mul3A_259, %mul3A_1288 : i32
          %add3A_1290 = arith.constant 6 : i32
          %add3A_1291 = arith.addi %add3A_1289, %add3A_1290 : i32
          %get3A_1292 = arith.index_cast %add3A_1291 : i32 to index
          %get3A_1293 = arith.constant 112 : index
          %get3A_1294 = tpu.vector_load %arg9[%get3A_1292, %get3A_1293] {strides = array<i32>} : memref<128x128xf32, #tpu.memory_space<vmem>>, vector<1x16xf32>,
          %get3A_1295 = vector.shape_cast %get3A_1294 : vector<1x16xf32> to vector<16xf32>
          %add3A_1296 = arith.addf %add3A_1216, %get3A_1295 : vector<16xf32>
          %mul3A_1297 = arith.constant 8 : i32
          %mul3A_1298 = arith.muli %scan3A_728, %mul3A_1297 : i32
          %add3A_1299 = arith.addi %mul3A_259, %mul3A_1298 : i32
          %add3A_1300 = arith.constant 7 : i32
          %add3A_1301 = arith.addi %add3A_1299, %add3A_1300 : i32
          %get3A_1302 = arith.index_cast %add3A_1301 : i32 to index
          %get3A_1303 = arith.constant 0 : index
          %get3A_1304 = tpu.vector_load %arg9[%get3A_1302, %get3A_1303] {strides = array<i32>} : memref<128x128xf32, #tpu.memory_space<vmem>>, vector<1x16xf32>,
          %get3A_1305 = vector.shape_cast %get3A_1304 : vector<1x16xf32> to vector<16xf32>
          %add3A_1306 = arith.addf %add3A_1226, %get3A_1305 : vector<16xf32>
          %mul3A_1307 = arith.constant 8 : i32
          %mul3A_1308 = arith.muli %scan3A_728, %mul3A_1307 : i32
          %add3A_1309 = arith.addi %mul3A_259, %mul3A_1308 : i32
          %add3A_1310 = arith.constant 7 : i32
          %add3A_1311 = arith.addi %add3A_1309, %add3A_1310 : i32
          %get3A_1312 = arith.index_cast %add3A_1311 : i32 to index
          %get3A_1313 = arith.constant 16 : index
          %get3A_1314 = tpu.vector_load %arg9[%get3A_1312, %get3A_1313] {strides = array<i32>} : memref<128x128xf32, #tpu.memory_space<vmem>>, vector<1x16xf32>,
          %get3A_1315 = vector.shape_cast %get3A_1314 : vector<1x16xf32> to vector<16xf32>
          %add3A_1316 = arith.addf %add3A_1236, %get3A_1315 : vector<16xf32>
          %mul3A_1317 = arith.constant 8 : i32
          %mul3A_1318 = arith.muli %scan3A_728, %mul3A_1317 : i32
          %add3A_1319 = arith.addi %mul3A_259, %mul3A_1318 : i32
          %add3A_1320 = arith.constant 7 : i32
          %add3A_1321 = arith.addi %add3A_1319, %add3A_1320 : i32
          %get3A_1322 = arith.index_cast %add3A_1321 : i32 to index
          %get3A_1323 = arith.constant 32 : index
          %get3A_1324 = tpu.vector_load %arg9[%get3A_1322, %get3A_1323] {strides = array<i32>} : memref<128x128xf32, #tpu.memory_space<vmem>>, vector<1x16xf32>,
          %get3A_1325 = vector.shape_cast %get3A_1324 : vector<1x16xf32> to vector<16xf32>
          %add3A_1326 = arith.addf %add3A_1246, %get3A_1325 : vector<16xf32>
          %mul3A_1327 = arith.constant 8 : i32
          %mul3A_1328 = arith.muli %scan3A_728, %mul3A_1327 : i32
          %add3A_1329 = arith.addi %mul3A_259, %mul3A_1328 : i32
          %add3A_1330 = arith.constant 7 : i32
          %add3A_1331 = arith.addi %add3A_1329, %add3A_1330 : i32
          %get3A_1332 = arith.index_cast %add3A_1331 : i32 to index
          %get3A_1333 = arith.constant 48 : index
          %get3A_1334 = tpu.vector_load %arg9[%get3A_1332, %get3A_1333] {strides = array<i32>} : memref<128x128xf32, #tpu.memory_space<vmem>>, vector<1x16xf32>,
          %get3A_1335 = vector.shape_cast %get3A_1334 : vector<1x16xf32> to vector<16xf32>
          %add3A_1336 = arith.addf %add3A_1256, %get3A_1335 : vector<16xf32>
          %mul3A_1337 = arith.constant 8 : i32
          %mul3A_1338 = arith.muli %scan3A_728, %mul3A_1337 : i32
          %add3A_1339 = arith.addi %mul3A_259, %mul3A_1338 : i32
          %add3A_1340 = arith.constant 7 : i32
          %add3A_1341 = arith.addi %add3A_1339, %add3A_1340 : i32
          %get3A_1342 = arith.index_cast %add3A_1341 : i32 to index
          %get3A_1343 = arith.constant 64 : index
          %get3A_1344 = tpu.vector_load %arg9[%get3A_1342, %get3A_1343] {strides = array<i32>} : memref<128x128xf32, #tpu.memory_space<vmem>>, vector<1x16xf32>,
          %get3A_1345 = vector.shape_cast %get3A_1344 : vector<1x16xf32> to vector<16xf32>
          %add3A_1346 = arith.addf %add3A_1266, %get3A_1345 : vector<16xf32>
          %mul3A_1347 = arith.constant 8 : i32
          %mul3A_1348 = arith.muli %scan3A_728, %mul3A_1347 : i32
          %add3A_1349 = arith.addi %mul3A_259, %mul3A_1348 : i32
          %add3A_1350 = arith.constant 7 : i32
          %add3A_1351 = arith.addi %add3A_1349, %add3A_1350 : i32
          %get3A_1352 = arith.index_cast %add3A_1351 : i32 to index
          %get3A_1353 = arith.constant 80 : index
          %get3A_1354 = tpu.vector_load %arg9[%get3A_1352, %get3A_1353] {strides = array<i32>} : memref<128x128xf32, #tpu.memory_space<vmem>>, vector<1x16xf32>,
          %get3A_1355 = vector.shape_cast %get3A_1354 : vector<1x16xf32> to vector<16xf32>
          %add3A_1356 = arith.addf %add3A_1276, %get3A_1355 : vector<16xf32>
          %mul3A_1357 = arith.constant 8 : i32
          %mul3A_1358 = arith.muli %scan3A_728, %mul3A_1357 : i32
          %add3A_1359 = arith.addi %mul3A_259, %mul3A_1358 : i32
          %add3A_1360 = arith.constant 7 : i32
          %add3A_1361 = arith.addi %add3A_1359, %add3A_1360 : i32
          %get3A_1362 = arith.index_cast %add3A_1361 : i32 to index
          %get3A_1363 = arith.constant 96 : index
          %get3A_1364 = tpu.vector_load %arg9[%get3A_1362, %get3A_1363] {strides = array<i32>} : memref<128x128xf32, #tpu.memory_space<vmem>>, vector<1x16xf32>,
          %get3A_1365 = vector.shape_cast %get3A_1364 : vector<1x16xf32> to vector<16xf32>
          %add3A_1366 = arith.addf %add3A_1286, %get3A_1365 : vector<16xf32>
          %mul3A_1367 = arith.constant 8 : i32
          %mul3A_1368 = arith.muli %scan3A_728, %mul3A_1367 : i32
          %add3A_1369 = arith.addi %mul3A_259, %mul3A_1368 : i32
          %add3A_1370 = arith.constant 7 : i32
          %add3A_1371 = arith.addi %add3A_1369, %add3A_1370 : i32
          %get3A_1372 = arith.index_cast %add3A_1371 : i32 to index
          %get3A_1373 = arith.constant 112 : index
          %get3A_1374 = tpu.vector_load %arg9[%get3A_1372, %get3A_1373] {strides = array<i32>} : memref<128x128xf32, #tpu.memory_space<vmem>>, vector<1x16xf32>,
          %get3A_1375 = vector.shape_cast %get3A_1374 : vector<1x16xf32> to vector<16xf32>
          %add3A_1376 = arith.addf %add3A_1296, %get3A_1375 : vector<16xf32>
          scf.yield %add3A_1306, %add3A_1316, %add3A_1326, %add3A_1336, %add3A_1346, %add3A_1356, %add3A_1366, %add3A_1376 : vector<16xf32>, vector<16xf32>, vector<16xf32>, vector<16xf32>, vector<16xf32>, vector<16xf32>, vector<16xf32>, vector<16xf32>
        }
        %scan3A_688 = arith.constant 3 : i32
        %swap3A = arith.index_cast %scan3A_257 : i32 to index
        %swap3A_689 = arith.constant 0 : index
        %swap3A_690 = tpu.vector_load %arg13[%swap3A, %swap3A_689] {strides = array<i32>} : memref<4x128xf32, #tpu.memory_space<vmem>>, vector<1x16xf32>,
        %swap3A_691 = vector.shape_cast %swap3A_690 : vector<1x16xf32> to vector<16xf32>
        %swap3A_692 = vector.shape_cast %scan3A_687#0 : vector<16xf32> to vector<1x16xf32>
        tpu.vector_store %arg13[%swap3A, %swap3A_689], %swap3A_692 {strides = array<i32>} : memref<4x128xf32, #tpu.memory_space<vmem>>, vector<1x16xf32>,
        %swap3A_693 = arith.index_cast %scan3A_257 : i32 to index
        %swap3A_694 = arith.constant 16 : index
        %swap3A_695 = tpu.vector_load %arg13[%swap3A_693, %swap3A_694] {strides = array<i32>} : memref<4x128xf32, #tpu.memory_space<vmem>>, vector<1x16xf32>,
        %swap3A_696 = vector.shape_cast %swap3A_695 : vector<1x16xf32> to vector<16xf32>
        %swap3A_697 = vector.shape_cast %scan3A_687#1 : vector<16xf32> to vector<1x16xf32>
        tpu.vector_store %arg13[%swap3A_693, %swap3A_694], %swap3A_697 {strides = array<i32>} : memref<4x128xf32, #tpu.memory_space<vmem>>, vector<1x16xf32>,
        %swap3A_698 = arith.index_cast %scan3A_257 : i32 to index
        %swap3A_699 = arith.constant 32 : index
        %swap3A_700 = tpu.vector_load %arg13[%swap3A_698, %swap3A_699] {strides = array<i32>} : memref<4x128xf32, #tpu.memory_space<vmem>>, vector<1x16xf32>,
        %swap3A_701 = vector.shape_cast %swap3A_700 : vector<1x16xf32> to vector<16xf32>
        %swap3A_702 = vector.shape_cast %scan3A_687#2 : vector<16xf32> to vector<1x16xf32>
        tpu.vector_store %arg13[%swap3A_698, %swap3A_699], %swap3A_702 {strides = array<i32>} : memref<4x128xf32, #tpu.memory_space<vmem>>, vector<1x16xf32>,
        %swap3A_703 = arith.index_cast %scan3A_257 : i32 to index
        %swap3A_704 = arith.constant 48 : index
        %swap3A_705 = tpu.vector_load %arg13[%swap3A_703, %swap3A_704] {strides = array<i32>} : memref<4x128xf32, #tpu.memory_space<vmem>>, vector<1x16xf32>,
        %swap3A_706 = vector.shape_cast %swap3A_705 : vector<1x16xf32> to vector<16xf32>
        %swap3A_707 = vector.shape_cast %scan3A_687#3 : vector<16xf32> to vector<1x16xf32>
        tpu.vector_store %arg13[%swap3A_703, %swap3A_704], %swap3A_707 {strides = array<i32>} : memref<4x128xf32, #tpu.memory_space<vmem>>, vector<1x16xf32>,
        %swap3A_708 = arith.index_cast %scan3A_257 : i32 to index
        %swap3A_709 = arith.constant 64 : index
        %swap3A_710 = tpu.vector_load %arg13[%swap3A_708, %swap3A_709] {strides = array<i32>} : memref<4x128xf32, #tpu.memory_space<vmem>>, vector<1x16xf32>,
        %swap3A_711 = vector.shape_cast %swap3A_710 : vector<1x16xf32> to vector<16xf32>
        %swap3A_712 = vector.shape_cast %scan3A_687#4 : vector<16xf32> to vector<1x16xf32>
        tpu.vector_store %arg13[%swap3A_708, %swap3A_709], %swap3A_712 {strides = array<i32>} : memref<4x128xf32, #tpu.memory_space<vmem>>, vector<1x16xf32>,
        %swap3A_713 = arith.index_cast %scan3A_257 : i32 to index
        %swap3A_714 = arith.constant 80 : index
        %swap3A_715 = tpu.vector_load %arg13[%swap3A_713, %swap3A_714] {strides = array<i32>} : memref<4x128xf32, #tpu.memory_space<vmem>>, vector<1x16xf32>,
        %swap3A_716 = vector.shape_cast %swap3A_715 : vector<1x16xf32> to vector<16xf32>
        %swap3A_717 = vector.shape_cast %scan3A_687#5 : vector<16xf32> to vector<1x16xf32>
        tpu.vector_store %arg13[%swap3A_713, %swap3A_714], %swap3A_717 {strides = array<i32>} : memref<4x128xf32, #tpu.memory_space<vmem>>, vector<1x16xf32>,
        %swap3A_718 = arith.index_cast %scan3A_257 : i32 to index
        %swap3A_719 = arith.constant 96 : index
        %swap3A_720 = tpu.vector_load %arg13[%swap3A_718, %swap3A_719] {strides = array<i32>} : memref<4x128xf32, #tpu.memory_space<vmem>>, vector<1x16xf32>,
        %swap3A_721 = vector.shape_cast %swap3A_720 : vector<1x16xf32> to vector<16xf32>
        %swap3A_722 = vector.shape_cast %scan3A_687#6 : vector<16xf32> to vector<1x16xf32>
        tpu.vector_store %arg13[%swap3A_718, %swap3A_719], %swap3A_722 {strides = array<i32>} : memref<4x128xf32, #tpu.memory_space<vmem>>, vector<1x16xf32>,
        %swap3A_723 = arith.index_cast %scan3A_257 : i32 to index
        %swap3A_724 = arith.constant 112 : index
        %swap3A_725 = tpu.vector_load %arg13[%swap3A_723, %swap3A_724] {strides = array<i32>} : memref<4x128xf32, #tpu.memory_space<vmem>>, vector<1x16xf32>,
        %swap3A_726 = vector.shape_cast %swap3A_725 : vector<1x16xf32> to vector<16xf32>
        %swap3A_727 = vector.shape_cast %scan3A_687#7 : vector<16xf32> to vector<1x16xf32>
        tpu.vector_store %arg13[%swap3A_723, %swap3A_724], %swap3A_727 {strides = array<i32>} : memref<4x128xf32, #tpu.memory_space<vmem>>, vector<1x16xf32>,
      }
      %scan3A_144 = arith.constant 4 : i32
      %add3A_145 = arith.constant 4 : i32
      %add3A_146 = arith.addi %add3A_128, %add3A_145 : i32
      %lt3A = arith.constant 128 : i32
      %lt3A_147 = arith.cmpi slt, %add3A_146, %lt3A : i32
      %convert_element_type3A_148 = arith.extui %lt3A_147 : i1 to i32
      %cond3A_149 = arith.constant 0 : i32
      %cond3A_150 = arith.cmpi ne, %convert_element_type3A_148, %cond3A_149 : i32
      scf.if %cond3A_150 {
        %add3A_257 = arith.constant 4 : i32
        %add3A_258 = arith.addi %add3A_128, %add3A_257 : i32
        %mul3A_259 = arith.constant 4 : i32
        %mul3A_260 = arith.muli %add3A_258, %mul3A_259 : i32
        %mul3A_261 = arith.constant 32 : i32
        %mul3A_262 = arith.muli %mul3A_260, %mul3A_261 : i32
        %dma_start3A_263 = tpu.memref_slice %arg7[%mul3A_262] : memref<16384xi32, #tpu.memory_space<vmem>> -> memref<128xi32, #tpu.memory_space<vmem>>
        %dma_start3A_264 = arith.constant 0 : i32
        %dma_start3A_265 = arith.constant 0 : i32
        %dma_start3A_266 = tpu.memref_slice %arg2[%dma_start3A_264, %dma_start3A_265] : memref<50000x128xf32, #tpu.memory_space<hbm>> -> memref<50000x128xf32, #tpu.memory_space<hbm>>
        tpu.enqueue_indirect_dma source(%dma_start3A_266 : memref<50000x128xf32, #tpu.memory_space<hbm>>) target(%arg9 : memref<128x128xf32, #tpu.memory_space<vmem>>) offsets(%dma_start3A_263 : memref<128xi32, #tpu.memory_space<vmem>>) semaphore(%arg17 : memref<!tpu.dma_semaphore, #tpu.memory_space<semaphore_mem>>)
      } else {
      }
      %dma_start3A_151 = arith.constant 0 : i32
      %dma_start3A_152 = tpu.memref_slice %arg5[%add3A_131, %dma_start3A_151] : memref<16384x128xf32, #tpu.memory_space<hbm>> -> memref<4x128xf32, #tpu.memory_space<hbm>>
      %dma_start3A_153 = arith.constant 0 : i32
      %dma_start3A_154 = tpu.memref_slice %arg5[%add3A_131, %dma_start3A_153] : memref<16384x128xf32, #tpu.memory_space<hbm>> -> memref<4x128xf32, #tpu.memory_space<hbm>>
      tpu.enqueue_dma source(%arg13 : memref<4x128xf32, #tpu.memory_space<vmem>>) target(%dma_start3A_154 : memref<4x128xf32, #tpu.memory_space<hbm>>) target_semaphore(%arg21 : memref<!tpu.dma_semaphore, #tpu.memory_space<semaphore_mem>>)
      %mul3A_155 = arith.constant 4 : i32
      %mul3A_156 = arith.muli %mul3A_155, %scan3A_124 : i32
      %add3A_157 = arith.constant 1 : i32
      %add3A_158 = arith.addi %mul3A_156, %add3A_157 : i32
      %mul3A_159 = arith.constant 4 : i32
      %mul3A_160 = arith.muli %add3A_158, %mul3A_159 : i32
      %add3A_161 = arith.addi %mul3A_2, %mul3A_160 : i32
      %dma_wait3A_162 = arith.constant 0 : i32
      %dma_wait3A_163 = tpu.memref_slice %arg7[%dma_wait3A_162] : memref<16384xi32, #tpu.memory_space<vmem>> -> memref<128xi32, #tpu.memory_space<vmem>>
      %dma_wait3A_164 = arith.constant 0 : i32
      %dma_wait3A_165 = arith.constant 0 : i32
      %dma_wait3A_166 = tpu.memref_slice %arg2[%dma_wait3A_164, %dma_wait3A_165] : memref<50000x128xf32, #tpu.memory_space<hbm>> -> memref<50000x128xf32, #tpu.memory_space<hbm>>
      tpu.wait_indirect_dma semaphore(%arg18 : memref<!tpu.dma_semaphore, #tpu.memory_space<semaphore_mem>>) src(%dma_wait3A_166 : memref<50000x128xf32, #tpu.memory_space<hbm>>) dst(%arg10 : memref<128x128xf32, #tpu.memory_space<vmem>>)
      %ge3A_167 = arith.constant 4 : i32
      %ge3A_168 = arith.cmpi sge, %add3A_158, %ge3A_167 : i32
      %convert_element_type3A_169 = arith.extui %ge3A_168 : i1 to i32
      %cond3A_170 = arith.constant 0 : i32
      %cond3A_171 = arith.cmpi ne, %convert_element_type3A_169, %cond3A_170 : i32
      scf.if %cond3A_171 {
        %dma_wait3A_257 = arith.constant 0 : i32
        %dma_wait3A_258 = tpu.memref_slice %arg5[%add3A_161, %dma_wait3A_257] : memref<16384x128xf32, #tpu.memory_space<hbm>> -> memref<4x128xf32, #tpu.memory_space<hbm>>
        %dma_wait3A_259 = arith.constant 0 : i32
        %dma_wait3A_260 = tpu.memref_slice %arg5[%add3A_161, %dma_wait3A_259] : memref<16384x128xf32, #tpu.memory_space<hbm>> -> memref<4x128xf32, #tpu.memory_space<hbm>>
        tpu.wait_dma2 semaphore(%arg22 : memref<!tpu.dma_semaphore, #tpu.memory_space<semaphore_mem>>) src(%arg14 : memref<4x128xf32, #tpu.memory_space<vmem>>) dst(%dma_wait3A_260 : memref<4x128xf32, #tpu.memory_space<hbm>>)
      } else {
      }
      %scan3A_172 = arith.constant 0 : i32
      %scan3A_173 = arith.constant 0 : i32
      %scan3A_174 = arith.constant 4 : i32
      %scan3A_175 = arith.addi %scan3A_173, %scan3A_174 : i32
      %scan3A_176 = arith.constant 1 : i32
      scf.for %scan3A_257 = %scan3A_173 to %scan3A_175 step %scan3A_176  : i32 {
        %mul3A_258 = arith.constant 32 : i32
        %mul3A_259 = arith.muli %scan3A_257, %mul3A_258 : i32
        %get3A = arith.index_cast %mul3A_259 : i32 to index
        %get3A_260 = arith.constant 0 : index
        %get3A_261 = tpu.vector_load %arg10[%get3A, %get3A_260] {strides = array<i32>} : memref<128x128xf32, #tpu.memory_space<vmem>>, vector<1x16xf32>,
        %get3A_262 = vector.shape_cast %get3A_261 : vector<1x16xf32> to vector<16xf32>
        %get3A_263 = arith.index_cast %mul3A_259 : i32 to index
        %get3A_264 = arith.constant 16 : index
        %get3A_265 = tpu.vector_load %arg10[%get3A_263, %get3A_264] {strides = array<i32>} : memref<128x128xf32, #tpu.memory_space<vmem>>, vector<1x16xf32>,
        %get3A_266 = vector.shape_cast %get3A_265 : vector<1x16xf32> to vector<16xf32>
        %get3A_267 = arith.index_cast %mul3A_259 : i32 to index
        %get3A_268 = arith.constant 32 : index
        %get3A_269 = tpu.vector_load %arg10[%get3A_267, %get3A_268] {strides = array<i32>} : memref<128x128xf32, #tpu.memory_space<vmem>>, vector<1x16xf32>,
        %get3A_270 = vector.shape_cast %get3A_269 : vector<1x16xf32> to vector<16xf32>
        %get3A_271 = arith.index_cast %mul3A_259 : i32 to index
        %get3A_272 = arith.constant 48 : index
        %get3A_273 = tpu.vector_load %arg10[%get3A_271, %get3A_272] {strides = array<i32>} : memref<128x128xf32, #tpu.memory_space<vmem>>, vector<1x16xf32>,
        %get3A_274 = vector.shape_cast %get3A_273 : vector<1x16xf32> to vector<16xf32>
        %get3A_275 = arith.index_cast %mul3A_259 : i32 to index
        %get3A_276 = arith.constant 64 : index
        %get3A_277 = tpu.vector_load %arg10[%get3A_275, %get3A_276] {strides = array<i32>} : memref<128x128xf32, #tpu.memory_space<vmem>>, vector<1x16xf32>,
        %get3A_278 = vector.shape_cast %get3A_277 : vector<1x16xf32> to vector<16xf32>
        %get3A_279 = arith.index_cast %mul3A_259 : i32 to index
        %get3A_280 = arith.constant 80 : index
        %get3A_281 = tpu.vector_load %arg10[%get3A_279, %get3A_280] {strides = array<i32>} : memref<128x128xf32, #tpu.memory_space<vmem>>, vector<1x16xf32>,
        %get3A_282 = vector.shape_cast %get3A_281 : vector<1x16xf32> to vector<16xf32>
        %get3A_283 = arith.index_cast %mul3A_259 : i32 to index
        %get3A_284 = arith.constant 96 : index
        %get3A_285 = tpu.vector_load %arg10[%get3A_283, %get3A_284] {strides = array<i32>} : memref<128x128xf32, #tpu.memory_space<vmem>>, vector<1x16xf32>,
        %get3A_286 = vector.shape_cast %get3A_285 : vector<1x16xf32> to vector<16xf32>
        %get3A_287 = arith.index_cast %mul3A_259 : i32 to index
        %get3A_288 = arith.constant 112 : index
        %get3A_289 = tpu.vector_load %arg10[%get3A_287, %get3A_288] {strides = array<i32>} : memref<128x128xf32, #tpu.memory_space<vmem>>, vector<1x16xf32>,
        %get3A_290 = vector.shape_cast %get3A_289 : vector<1x16xf32> to vector<16xf32>
        %add3A_291 = arith.constant 1 : i32
        %add3A_292 = arith.addi %mul3A_259, %add3A_291 : i32
        %get3A_293 = arith.index_cast %add3A_292 : i32 to index
        %get3A_294 = arith.constant 0 : index
        %get3A_295 = tpu.vector_load %arg10[%get3A_293, %get3A_294] {strides = array<i32>} : memref<128x128xf32, #tpu.memory_space<vmem>>, vector<1x16xf32>,
        %get3A_296 = vector.shape_cast %get3A_295 : vector<1x16xf32> to vector<16xf32>
        %add3A_297 = arith.addf %get3A_262, %get3A_296 : vector<16xf32>
        %add3A_298 = arith.constant 1 : i32
        %add3A_299 = arith.addi %mul3A_259, %add3A_298 : i32
        %get3A_300 = arith.index_cast %add3A_299 : i32 to index
        %get3A_301 = arith.constant 16 : index
        %get3A_302 = tpu.vector_load %arg10[%get3A_300, %get3A_301] {strides = array<i32>} : memref<128x128xf32, #tpu.memory_space<vmem>>, vector<1x16xf32>,
        %get3A_303 = vector.shape_cast %get3A_302 : vector<1x16xf32> to vector<16xf32>
        %add3A_304 = arith.addf %get3A_266, %get3A_303 : vector<16xf32>
        %add3A_305 = arith.constant 1 : i32
        %add3A_306 = arith.addi %mul3A_259, %add3A_305 : i32
        %get3A_307 = arith.index_cast %add3A_306 : i32 to index
        %get3A_308 = arith.constant 32 : index
        %get3A_309 = tpu.vector_load %arg10[%get3A_307, %get3A_308] {strides = array<i32>} : memref<128x128xf32, #tpu.memory_space<vmem>>, vector<1x16xf32>,
        %get3A_310 = vector.shape_cast %get3A_309 : vector<1x16xf32> to vector<16xf32>
        %add3A_311 = arith.addf %get3A_270, %get3A_310 : vector<16xf32>
        %add3A_312 = arith.constant 1 : i32
        %add3A_313 = arith.addi %mul3A_259, %add3A_312 : i32
        %get3A_314 = arith.index_cast %add3A_313 : i32 to index
        %get3A_315 = arith.constant 48 : index
        %get3A_316 = tpu.vector_load %arg10[%get3A_314, %get3A_315] {strides = array<i32>} : memref<128x128xf32, #tpu.memory_space<vmem>>, vector<1x16xf32>,
        %get3A_317 = vector.shape_cast %get3A_316 : vector<1x16xf32> to vector<16xf32>
        %add3A_318 = arith.addf %get3A_274, %get3A_317 : vector<16xf32>
        %add3A_319 = arith.constant 1 : i32
        %add3A_320 = arith.addi %mul3A_259, %add3A_319 : i32
        %get3A_321 = arith.index_cast %add3A_320 : i32 to index
        %get3A_322 = arith.constant 64 : index
        %get3A_323 = tpu.vector_load %arg10[%get3A_321, %get3A_322] {strides = array<i32>} : memref<128x128xf32, #tpu.memory_space<vmem>>, vector<1x16xf32>,
        %get3A_324 = vector.shape_cast %get3A_323 : vector<1x16xf32> to vector<16xf32>
        %add3A_325 = arith.addf %get3A_278, %get3A_324 : vector<16xf32>
        %add3A_326 = arith.constant 1 : i32
        %add3A_327 = arith.addi %mul3A_259, %add3A_326 : i32
        %get3A_328 = arith.index_cast %add3A_327 : i32 to index
        %get3A_329 = arith.constant 80 : index
        %get3A_330 = tpu.vector_load %arg10[%get3A_328, %get3A_329] {strides = array<i32>} : memref<128x128xf32, #tpu.memory_space<vmem>>, vector<1x16xf32>,
        %get3A_331 = vector.shape_cast %get3A_330 : vector<1x16xf32> to vector<16xf32>
        %add3A_332 = arith.addf %get3A_282, %get3A_331 : vector<16xf32>
        %add3A_333 = arith.constant 1 : i32
        %add3A_334 = arith.addi %mul3A_259, %add3A_333 : i32
        %get3A_335 = arith.index_cast %add3A_334 : i32 to index
        %get3A_336 = arith.constant 96 : index
        %get3A_337 = tpu.vector_load %arg10[%get3A_335, %get3A_336] {strides = array<i32>} : memref<128x128xf32, #tpu.memory_space<vmem>>, vector<1x16xf32>,
        %get3A_338 = vector.shape_cast %get3A_337 : vector<1x16xf32> to vector<16xf32>
        %add3A_339 = arith.addf %get3A_286, %get3A_338 : vector<16xf32>
        %add3A_340 = arith.constant 1 : i32
        %add3A_341 = arith.addi %mul3A_259, %add3A_340 : i32
        %get3A_342 = arith.index_cast %add3A_341 : i32 to index
        %get3A_343 = arith.constant 112 : index
        %get3A_344 = tpu.vector_load %arg10[%get3A_342, %get3A_343] {strides = array<i32>} : memref<128x128xf32, #tpu.memory_space<vmem>>, vector<1x16xf32>,
        %get3A_345 = vector.shape_cast %get3A_344 : vector<1x16xf32> to vector<16xf32>
        %add3A_346 = arith.addf %get3A_290, %get3A_345 : vector<16xf32>
        %add3A_347 = arith.constant 2 : i32
        %add3A_348 = arith.addi %mul3A_259, %add3A_347 : i32
        %get3A_349 = arith.index_cast %add3A_348 : i32 to index
        %get3A_350 = arith.constant 0 : index
        %get3A_351 = tpu.vector_load %arg10[%get3A_349, %get3A_350] {strides = array<i32>} : memref<128x128xf32, #tpu.memory_space<vmem>>, vector<1x16xf32>,
        %get3A_352 = vector.shape_cast %get3A_351 : vector<1x16xf32> to vector<16xf32>
        %add3A_353 = arith.addf %add3A_297, %get3A_352 : vector<16xf32>
        %add3A_354 = arith.constant 2 : i32
        %add3A_355 = arith.addi %mul3A_259, %add3A_354 : i32
        %get3A_356 = arith.index_cast %add3A_355 : i32 to index
        %get3A_357 = arith.constant 16 : index
        %get3A_358 = tpu.vector_load %arg10[%get3A_356, %get3A_357] {strides = array<i32>} : memref<128x128xf32, #tpu.memory_space<vmem>>, vector<1x16xf32>,
        %get3A_359 = vector.shape_cast %get3A_358 : vector<1x16xf32> to vector<16xf32>
        %add3A_360 = arith.addf %add3A_304, %get3A_359 : vector<16xf32>
        %add3A_361 = arith.constant 2 : i32
        %add3A_362 = arith.addi %mul3A_259, %add3A_361 : i32
        %get3A_363 = arith.index_cast %add3A_362 : i32 to index
        %get3A_364 = arith.constant 32 : index
        %get3A_365 = tpu.vector_load %arg10[%get3A_363, %get3A_364] {strides = array<i32>} : memref<128x128xf32, #tpu.memory_space<vmem>>, vector<1x16xf32>,
        %get3A_366 = vector.shape_cast %get3A_365 : vector<1x16xf32> to vector<16xf32>
        %add3A_367 = arith.addf %add3A_311, %get3A_366 : vector<16xf32>
        %add3A_368 = arith.constant 2 : i32
        %add3A_369 = arith.addi %mul3A_259, %add3A_368 : i32
        %get3A_370 = arith.index_cast %add3A_369 : i32 to index
        %get3A_371 = arith.constant 48 : index
        %get3A_372 = tpu.vector_load %arg10[%get3A_370, %get3A_371] {strides = array<i32>} : memref<128x128xf32, #tpu.memory_space<vmem>>, vector<1x16xf32>,
        %get3A_373 = vector.shape_cast %get3A_372 : vector<1x16xf32> to vector<16xf32>
        %add3A_374 = arith.addf %add3A_318, %get3A_373 : vector<16xf32>
        %add3A_375 = arith.constant 2 : i32
        %add3A_376 = arith.addi %mul3A_259, %add3A_375 : i32
        %get3A_377 = arith.index_cast %add3A_376 : i32 to index
        %get3A_378 = arith.constant 64 : index
        %get3A_379 = tpu.vector_load %arg10[%get3A_377, %get3A_378] {strides = array<i32>} : memref<128x128xf32, #tpu.memory_space<vmem>>, vector<1x16xf32>,
        %get3A_380 = vector.shape_cast %get3A_379 : vector<1x16xf32> to vector<16xf32>
        %add3A_381 = arith.addf %add3A_325, %get3A_380 : vector<16xf32>
        %add3A_382 = arith.constant 2 : i32
        %add3A_383 = arith.addi %mul3A_259, %add3A_382 : i32
        %get3A_384 = arith.index_cast %add3A_383 : i32 to index
        %get3A_385 = arith.constant 80 : index
        %get3A_386 = tpu.vector_load %arg10[%get3A_384, %get3A_385] {strides = array<i32>} : memref<128x128xf32, #tpu.memory_space<vmem>>, vector<1x16xf32>,
        %get3A_387 = vector.shape_cast %get3A_386 : vector<1x16xf32> to vector<16xf32>
        %add3A_388 = arith.addf %add3A_332, %get3A_387 : vector<16xf32>
        %add3A_389 = arith.constant 2 : i32
        %add3A_390 = arith.addi %mul3A_259, %add3A_389 : i32
        %get3A_391 = arith.index_cast %add3A_390 : i32 to index
        %get3A_392 = arith.constant 96 : index
        %get3A_393 = tpu.vector_load %arg10[%get3A_391, %get3A_392] {strides = array<i32>} : memref<128x128xf32, #tpu.memory_space<vmem>>, vector<1x16xf32>,
        %get3A_394 = vector.shape_cast %get3A_393 : vector<1x16xf32> to vector<16xf32>
        %add3A_395 = arith.addf %add3A_339, %get3A_394 : vector<16xf32>
        %add3A_396 = arith.constant 2 : i32
        %add3A_397 = arith.addi %mul3A_259, %add3A_396 : i32
        %get3A_398 = arith.index_cast %add3A_397 : i32 to index
        %get3A_399 = arith.constant 112 : index
        %get3A_400 = tpu.vector_load %arg10[%get3A_398, %get3A_399] {strides = array<i32>} : memref<128x128xf32, #tpu.memory_space<vmem>>, vector<1x16xf32>,
        %get3A_401 = vector.shape_cast %get3A_400 : vector<1x16xf32> to vector<16xf32>
        %add3A_402 = arith.addf %add3A_346, %get3A_401 : vector<16xf32>
        %add3A_403 = arith.constant 3 : i32
        %add3A_404 = arith.addi %mul3A_259, %add3A_403 : i32
        %get3A_405 = arith.index_cast %add3A_404 : i32 to index
        %get3A_406 = arith.constant 0 : index
        %get3A_407 = tpu.vector_load %arg10[%get3A_405, %get3A_406] {strides = array<i32>} : memref<128x128xf32, #tpu.memory_space<vmem>>, vector<1x16xf32>,
        %get3A_408 = vector.shape_cast %get3A_407 : vector<1x16xf32> to vector<16xf32>
        %add3A_409 = arith.addf %add3A_353, %get3A_408 : vector<16xf32>
        %add3A_410 = arith.constant 3 : i32
        %add3A_411 = arith.addi %mul3A_259, %add3A_410 : i32
        %get3A_412 = arith.index_cast %add3A_411 : i32 to index
        %get3A_413 = arith.constant 16 : index
        %get3A_414 = tpu.vector_load %arg10[%get3A_412, %get3A_413] {strides = array<i32>} : memref<128x128xf32, #tpu.memory_space<vmem>>, vector<1x16xf32>,
        %get3A_415 = vector.shape_cast %get3A_414 : vector<1x16xf32> to vector<16xf32>
        %add3A_416 = arith.addf %add3A_360, %get3A_415 : vector<16xf32>
        %add3A_417 = arith.constant 3 : i32
        %add3A_418 = arith.addi %mul3A_259, %add3A_417 : i32
        %get3A_419 = arith.index_cast %add3A_418 : i32 to index
        %get3A_420 = arith.constant 32 : index
        %get3A_421 = tpu.vector_load %arg10[%get3A_419, %get3A_420] {strides = array<i32>} : memref<128x128xf32, #tpu.memory_space<vmem>>, vector<1x16xf32>,
        %get3A_422 = vector.shape_cast %get3A_421 : vector<1x16xf32> to vector<16xf32>
        %add3A_423 = arith.addf %add3A_367, %get3A_422 : vector<16xf32>
        %add3A_424 = arith.constant 3 : i32
        %add3A_425 = arith.addi %mul3A_259, %add3A_424 : i32
        %get3A_426 = arith.index_cast %add3A_425 : i32 to index
        %get3A_427 = arith.constant 48 : index
        %get3A_428 = tpu.vector_load %arg10[%get3A_426, %get3A_427] {strides = array<i32>} : memref<128x128xf32, #tpu.memory_space<vmem>>, vector<1x16xf32>,
        %get3A_429 = vector.shape_cast %get3A_428 : vector<1x16xf32> to vector<16xf32>
        %add3A_430 = arith.addf %add3A_374, %get3A_429 : vector<16xf32>
        %add3A_431 = arith.constant 3 : i32
        %add3A_432 = arith.addi %mul3A_259, %add3A_431 : i32
        %get3A_433 = arith.index_cast %add3A_432 : i32 to index
        %get3A_434 = arith.constant 64 : index
        %get3A_435 = tpu.vector_load %arg10[%get3A_433, %get3A_434] {strides = array<i32>} : memref<128x128xf32, #tpu.memory_space<vmem>>, vector<1x16xf32>,
        %get3A_436 = vector.shape_cast %get3A_435 : vector<1x16xf32> to vector<16xf32>
        %add3A_437 = arith.addf %add3A_381, %get3A_436 : vector<16xf32>
        %add3A_438 = arith.constant 3 : i32
        %add3A_439 = arith.addi %mul3A_259, %add3A_438 : i32
        %get3A_440 = arith.index_cast %add3A_439 : i32 to index
        %get3A_441 = arith.constant 80 : index
        %get3A_442 = tpu.vector_load %arg10[%get3A_440, %get3A_441] {strides = array<i32>} : memref<128x128xf32, #tpu.memory_space<vmem>>, vector<1x16xf32>,
        %get3A_443 = vector.shape_cast %get3A_442 : vector<1x16xf32> to vector<16xf32>
        %add3A_444 = arith.addf %add3A_388, %get3A_443 : vector<16xf32>
        %add3A_445 = arith.constant 3 : i32
        %add3A_446 = arith.addi %mul3A_259, %add3A_445 : i32
        %get3A_447 = arith.index_cast %add3A_446 : i32 to index
        %get3A_448 = arith.constant 96 : index
        %get3A_449 = tpu.vector_load %arg10[%get3A_447, %get3A_448] {strides = array<i32>} : memref<128x128xf32, #tpu.memory_space<vmem>>, vector<1x16xf32>,
        %get3A_450 = vector.shape_cast %get3A_449 : vector<1x16xf32> to vector<16xf32>
        %add3A_451 = arith.addf %add3A_395, %get3A_450 : vector<16xf32>
        %add3A_452 = arith.constant 3 : i32
        %add3A_453 = arith.addi %mul3A_259, %add3A_452 : i32
        %get3A_454 = arith.index_cast %add3A_453 : i32 to index
        %get3A_455 = arith.constant 112 : index
        %get3A_456 = tpu.vector_load %arg10[%get3A_454, %get3A_455] {strides = array<i32>} : memref<128x128xf32, #tpu.memory_space<vmem>>, vector<1x16xf32>,
        %get3A_457 = vector.shape_cast %get3A_456 : vector<1x16xf32> to vector<16xf32>
        %add3A_458 = arith.addf %add3A_402, %get3A_457 : vector<16xf32>
        %add3A_459 = arith.constant 4 : i32
        %add3A_460 = arith.addi %mul3A_259, %add3A_459 : i32
        %get3A_461 = arith.index_cast %add3A_460 : i32 to index
        %get3A_462 = arith.constant 0 : index
        %get3A_463 = tpu.vector_load %arg10[%get3A_461, %get3A_462] {strides = array<i32>} : memref<128x128xf32, #tpu.memory_space<vmem>>, vector<1x16xf32>,
        %get3A_464 = vector.shape_cast %get3A_463 : vector<1x16xf32> to vector<16xf32>
        %add3A_465 = arith.addf %add3A_409, %get3A_464 : vector<16xf32>
        %add3A_466 = arith.constant 4 : i32
        %add3A_467 = arith.addi %mul3A_259, %add3A_466 : i32
        %get3A_468 = arith.index_cast %add3A_467 : i32 to index
        %get3A_469 = arith.constant 16 : index
        %get3A_470 = tpu.vector_load %arg10[%get3A_468, %get3A_469] {strides = array<i32>} : memref<128x128xf32, #tpu.memory_space<vmem>>, vector<1x16xf32>,
        %get3A_471 = vector.shape_cast %get3A_470 : vector<1x16xf32> to vector<16xf32>
        %add3A_472 = arith.addf %add3A_416, %get3A_471 : vector<16xf32>
        %add3A_473 = arith.constant 4 : i32
        %add3A_474 = arith.addi %mul3A_259, %add3A_473 : i32
        %get3A_475 = arith.index_cast %add3A_474 : i32 to index
        %get3A_476 = arith.constant 32 : index
        %get3A_477 = tpu.vector_load %arg10[%get3A_475, %get3A_476] {strides = array<i32>} : memref<128x128xf32, #tpu.memory_space<vmem>>, vector<1x16xf32>,
        %get3A_478 = vector.shape_cast %get3A_477 : vector<1x16xf32> to vector<16xf32>
        %add3A_479 = arith.addf %add3A_423, %get3A_478 : vector<16xf32>
        %add3A_480 = arith.constant 4 : i32
        %add3A_481 = arith.addi %mul3A_259, %add3A_480 : i32
        %get3A_482 = arith.index_cast %add3A_481 : i32 to index
        %get3A_483 = arith.constant 48 : index
        %get3A_484 = tpu.vector_load %arg10[%get3A_482, %get3A_483] {strides = array<i32>} : memref<128x128xf32, #tpu.memory_space<vmem>>, vector<1x16xf32>,
        %get3A_485 = vector.shape_cast %get3A_484 : vector<1x16xf32> to vector<16xf32>
        %add3A_486 = arith.addf %add3A_430, %get3A_485 : vector<16xf32>
        %add3A_487 = arith.constant 4 : i32
        %add3A_488 = arith.addi %mul3A_259, %add3A_487 : i32
        %get3A_489 = arith.index_cast %add3A_488 : i32 to index
        %get3A_490 = arith.constant 64 : index
        %get3A_491 = tpu.vector_load %arg10[%get3A_489, %get3A_490] {strides = array<i32>} : memref<128x128xf32, #tpu.memory_space<vmem>>, vector<1x16xf32>,
        %get3A_492 = vector.shape_cast %get3A_491 : vector<1x16xf32> to vector<16xf32>
        %add3A_493 = arith.addf %add3A_437, %get3A_492 : vector<16xf32>
        %add3A_494 = arith.constant 4 : i32
        %add3A_495 = arith.addi %mul3A_259, %add3A_494 : i32
        %get3A_496 = arith.index_cast %add3A_495 : i32 to index
        %get3A_497 = arith.constant 80 : index
        %get3A_498 = tpu.vector_load %arg10[%get3A_496, %get3A_497] {strides = array<i32>} : memref<128x128xf32, #tpu.memory_space<vmem>>, vector<1x16xf32>,
        %get3A_499 = vector.shape_cast %get3A_498 : vector<1x16xf32> to vector<16xf32>
        %add3A_500 = arith.addf %add3A_444, %get3A_499 : vector<16xf32>
        %add3A_501 = arith.constant 4 : i32
        %add3A_502 = arith.addi %mul3A_259, %add3A_501 : i32
        %get3A_503 = arith.index_cast %add3A_502 : i32 to index
        %get3A_504 = arith.constant 96 : index
        %get3A_505 = tpu.vector_load %arg10[%get3A_503, %get3A_504] {strides = array<i32>} : memref<128x128xf32, #tpu.memory_space<vmem>>, vector<1x16xf32>,
        %get3A_506 = vector.shape_cast %get3A_505 : vector<1x16xf32> to vector<16xf32>
        %add3A_507 = arith.addf %add3A_451, %get3A_506 : vector<16xf32>
        %add3A_508 = arith.constant 4 : i32
        %add3A_509 = arith.addi %mul3A_259, %add3A_508 : i32
        %get3A_510 = arith.index_cast %add3A_509 : i32 to index
        %get3A_511 = arith.constant 112 : index
        %get3A_512 = tpu.vector_load %arg10[%get3A_510, %get3A_511] {strides = array<i32>} : memref<128x128xf32, #tpu.memory_space<vmem>>, vector<1x16xf32>,
        %get3A_513 = vector.shape_cast %get3A_512 : vector<1x16xf32> to vector<16xf32>
        %add3A_514 = arith.addf %add3A_458, %get3A_513 : vector<16xf32>
        %add3A_515 = arith.constant 5 : i32
        %add3A_516 = arith.addi %mul3A_259, %add3A_515 : i32
        %get3A_517 = arith.index_cast %add3A_516 : i32 to index
        %get3A_518 = arith.constant 0 : index
        %get3A_519 = tpu.vector_load %arg10[%get3A_517, %get3A_518] {strides = array<i32>} : memref<128x128xf32, #tpu.memory_space<vmem>>, vector<1x16xf32>,
        %get3A_520 = vector.shape_cast %get3A_519 : vector<1x16xf32> to vector<16xf32>
        %add3A_521 = arith.addf %add3A_465, %get3A_520 : vector<16xf32>
        %add3A_522 = arith.constant 5 : i32
        %add3A_523 = arith.addi %mul3A_259, %add3A_522 : i32
        %get3A_524 = arith.index_cast %add3A_523 : i32 to index
        %get3A_525 = arith.constant 16 : index
        %get3A_526 = tpu.vector_load %arg10[%get3A_524, %get3A_525] {strides = array<i32>} : memref<128x128xf32, #tpu.memory_space<vmem>>, vector<1x16xf32>,
        %get3A_527 = vector.shape_cast %get3A_526 : vector<1x16xf32> to vector<16xf32>
        %add3A_528 = arith.addf %add3A_472, %get3A_527 : vector<16xf32>
        %add3A_529 = arith.constant 5 : i32
        %add3A_530 = arith.addi %mul3A_259, %add3A_529 : i32
        %get3A_531 = arith.index_cast %add3A_530 : i32 to index
        %get3A_532 = arith.constant 32 : index
        %get3A_533 = tpu.vector_load %arg10[%get3A_531, %get3A_532] {strides = array<i32>} : memref<128x128xf32, #tpu.memory_space<vmem>>, vector<1x16xf32>,
        %get3A_534 = vector.shape_cast %get3A_533 : vector<1x16xf32> to vector<16xf32>
        %add3A_535 = arith.addf %add3A_479, %get3A_534 : vector<16xf32>
        %add3A_536 = arith.constant 5 : i32
        %add3A_537 = arith.addi %mul3A_259, %add3A_536 : i32
        %get3A_538 = arith.index_cast %add3A_537 : i32 to index
        %get3A_539 = arith.constant 48 : index
        %get3A_540 = tpu.vector_load %arg10[%get3A_538, %get3A_539] {strides = array<i32>} : memref<128x128xf32, #tpu.memory_space<vmem>>, vector<1x16xf32>,
        %get3A_541 = vector.shape_cast %get3A_540 : vector<1x16xf32> to vector<16xf32>
        %add3A_542 = arith.addf %add3A_486, %get3A_541 : vector<16xf32>
        %add3A_543 = arith.constant 5 : i32
        %add3A_544 = arith.addi %mul3A_259, %add3A_543 : i32
        %get3A_545 = arith.index_cast %add3A_544 : i32 to index
        %get3A_546 = arith.constant 64 : index
        %get3A_547 = tpu.vector_load %arg10[%get3A_545, %get3A_546] {strides = array<i32>} : memref<128x128xf32, #tpu.memory_space<vmem>>, vector<1x16xf32>,
        %get3A_548 = vector.shape_cast %get3A_547 : vector<1x16xf32> to vector<16xf32>
        %add3A_549 = arith.addf %add3A_493, %get3A_548 : vector<16xf32>
        %add3A_550 = arith.constant 5 : i32
        %add3A_551 = arith.addi %mul3A_259, %add3A_550 : i32
        %get3A_552 = arith.index_cast %add3A_551 : i32 to index
        %get3A_553 = arith.constant 80 : index
        %get3A_554 = tpu.vector_load %arg10[%get3A_552, %get3A_553] {strides = array<i32>} : memref<128x128xf32, #tpu.memory_space<vmem>>, vector<1x16xf32>,
        %get3A_555 = vector.shape_cast %get3A_554 : vector<1x16xf32> to vector<16xf32>
        %add3A_556 = arith.addf %add3A_500, %get3A_555 : vector<16xf32>
        %add3A_557 = arith.constant 5 : i32
        %add3A_558 = arith.addi %mul3A_259, %add3A_557 : i32
        %get3A_559 = arith.index_cast %add3A_558 : i32 to index
        %get3A_560 = arith.constant 96 : index
        %get3A_561 = tpu.vector_load %arg10[%get3A_559, %get3A_560] {strides = array<i32>} : memref<128x128xf32, #tpu.memory_space<vmem>>, vector<1x16xf32>,
        %get3A_562 = vector.shape_cast %get3A_561 : vector<1x16xf32> to vector<16xf32>
        %add3A_563 = arith.addf %add3A_507, %get3A_562 : vector<16xf32>
        %add3A_564 = arith.constant 5 : i32
        %add3A_565 = arith.addi %mul3A_259, %add3A_564 : i32
        %get3A_566 = arith.index_cast %add3A_565 : i32 to index
        %get3A_567 = arith.constant 112 : index
        %get3A_568 = tpu.vector_load %arg10[%get3A_566, %get3A_567] {strides = array<i32>} : memref<128x128xf32, #tpu.memory_space<vmem>>, vector<1x16xf32>,
        %get3A_569 = vector.shape_cast %get3A_568 : vector<1x16xf32> to vector<16xf32>
        %add3A_570 = arith.addf %add3A_514, %get3A_569 : vector<16xf32>
        %add3A_571 = arith.constant 6 : i32
        %add3A_572 = arith.addi %mul3A_259, %add3A_571 : i32
        %get3A_573 = arith.index_cast %add3A_572 : i32 to index
        %get3A_574 = arith.constant 0 : index
        %get3A_575 = tpu.vector_load %arg10[%get3A_573, %get3A_574] {strides = array<i32>} : memref<128x128xf32, #tpu.memory_space<vmem>>, vector<1x16xf32>,
        %get3A_576 = vector.shape_cast %get3A_575 : vector<1x16xf32> to vector<16xf32>
        %add3A_577 = arith.addf %add3A_521, %get3A_576 : vector<16xf32>
        %add3A_578 = arith.constant 6 : i32
        %add3A_579 = arith.addi %mul3A_259, %add3A_578 : i32
        %get3A_580 = arith.index_cast %add3A_579 : i32 to index
        %get3A_581 = arith.constant 16 : index
        %get3A_582 = tpu.vector_load %arg10[%get3A_580, %get3A_581] {strides = array<i32>} : memref<128x128xf32, #tpu.memory_space<vmem>>, vector<1x16xf32>,
        %get3A_583 = vector.shape_cast %get3A_582 : vector<1x16xf32> to vector<16xf32>
        %add3A_584 = arith.addf %add3A_528, %get3A_583 : vector<16xf32>
        %add3A_585 = arith.constant 6 : i32
        %add3A_586 = arith.addi %mul3A_259, %add3A_585 : i32
        %get3A_587 = arith.index_cast %add3A_586 : i32 to index
        %get3A_588 = arith.constant 32 : index
        %get3A_589 = tpu.vector_load %arg10[%get3A_587, %get3A_588] {strides = array<i32>} : memref<128x128xf32, #tpu.memory_space<vmem>>, vector<1x16xf32>,
        %get3A_590 = vector.shape_cast %get3A_589 : vector<1x16xf32> to vector<16xf32>
        %add3A_591 = arith.addf %add3A_535, %get3A_590 : vector<16xf32>
        %add3A_592 = arith.constant 6 : i32
        %add3A_593 = arith.addi %mul3A_259, %add3A_592 : i32
        %get3A_594 = arith.index_cast %add3A_593 : i32 to index
        %get3A_595 = arith.constant 48 : index
        %get3A_596 = tpu.vector_load %arg10[%get3A_594, %get3A_595] {strides = array<i32>} : memref<128x128xf32, #tpu.memory_space<vmem>>, vector<1x16xf32>,
        %get3A_597 = vector.shape_cast %get3A_596 : vector<1x16xf32> to vector<16xf32>
        %add3A_598 = arith.addf %add3A_542, %get3A_597 : vector<16xf32>
        %add3A_599 = arith.constant 6 : i32
        %add3A_600 = arith.addi %mul3A_259, %add3A_599 : i32
        %get3A_601 = arith.index_cast %add3A_600 : i32 to index
        %get3A_602 = arith.constant 64 : index
        %get3A_603 = tpu.vector_load %arg10[%get3A_601, %get3A_602] {strides = array<i32>} : memref<128x128xf32, #tpu.memory_space<vmem>>, vector<1x16xf32>,
        %get3A_604 = vector.shape_cast %get3A_603 : vector<1x16xf32> to vector<16xf32>
        %add3A_605 = arith.addf %add3A_549, %get3A_604 : vector<16xf32>
        %add3A_606 = arith.constant 6 : i32
        %add3A_607 = arith.addi %mul3A_259, %add3A_606 : i32
        %get3A_608 = arith.index_cast %add3A_607 : i32 to index
        %get3A_609 = arith.constant 80 : index
        %get3A_610 = tpu.vector_load %arg10[%get3A_608, %get3A_609] {strides = array<i32>} : memref<128x128xf32, #tpu.memory_space<vmem>>, vector<1x16xf32>,
        %get3A_611 = vector.shape_cast %get3A_610 : vector<1x16xf32> to vector<16xf32>
        %add3A_612 = arith.addf %add3A_556, %get3A_611 : vector<16xf32>
        %add3A_613 = arith.constant 6 : i32
        %add3A_614 = arith.addi %mul3A_259, %add3A_613 : i32
        %get3A_615 = arith.index_cast %add3A_614 : i32 to index
        %get3A_616 = arith.constant 96 : index
        %get3A_617 = tpu.vector_load %arg10[%get3A_615, %get3A_616] {strides = array<i32>} : memref<128x128xf32, #tpu.memory_space<vmem>>, vector<1x16xf32>,
        %get3A_618 = vector.shape_cast %get3A_617 : vector<1x16xf32> to vector<16xf32>
        %add3A_619 = arith.addf %add3A_563, %get3A_618 : vector<16xf32>
        %add3A_620 = arith.constant 6 : i32
        %add3A_621 = arith.addi %mul3A_259, %add3A_620 : i32
        %get3A_622 = arith.index_cast %add3A_621 : i32 to index
        %get3A_623 = arith.constant 112 : index
        %get3A_624 = tpu.vector_load %arg10[%get3A_622, %get3A_623] {strides = array<i32>} : memref<128x128xf32, #tpu.memory_space<vmem>>, vector<1x16xf32>,
        %get3A_625 = vector.shape_cast %get3A_624 : vector<1x16xf32> to vector<16xf32>
        %add3A_626 = arith.addf %add3A_570, %get3A_625 : vector<16xf32>
        %add3A_627 = arith.constant 7 : i32
        %add3A_628 = arith.addi %mul3A_259, %add3A_627 : i32
        %get3A_629 = arith.index_cast %add3A_628 : i32 to index
        %get3A_630 = arith.constant 0 : index
        %get3A_631 = tpu.vector_load %arg10[%get3A_629, %get3A_630] {strides = array<i32>} : memref<128x128xf32, #tpu.memory_space<vmem>>, vector<1x16xf32>,
        %get3A_632 = vector.shape_cast %get3A_631 : vector<1x16xf32> to vector<16xf32>
        %add3A_633 = arith.addf %add3A_577, %get3A_632 : vector<16xf32>
        %add3A_634 = arith.constant 7 : i32
        %add3A_635 = arith.addi %mul3A_259, %add3A_634 : i32
        %get3A_636 = arith.index_cast %add3A_635 : i32 to index
        %get3A_637 = arith.constant 16 : index
        %get3A_638 = tpu.vector_load %arg10[%get3A_636, %get3A_637] {strides = array<i32>} : memref<128x128xf32, #tpu.memory_space<vmem>>, vector<1x16xf32>,
        %get3A_639 = vector.shape_cast %get3A_638 : vector<1x16xf32> to vector<16xf32>
        %add3A_640 = arith.addf %add3A_584, %get3A_639 : vector<16xf32>
        %add3A_641 = arith.constant 7 : i32
        %add3A_642 = arith.addi %mul3A_259, %add3A_641 : i32
        %get3A_643 = arith.index_cast %add3A_642 : i32 to index
        %get3A_644 = arith.constant 32 : index
        %get3A_645 = tpu.vector_load %arg10[%get3A_643, %get3A_644] {strides = array<i32>} : memref<128x128xf32, #tpu.memory_space<vmem>>, vector<1x16xf32>,
        %get3A_646 = vector.shape_cast %get3A_645 : vector<1x16xf32> to vector<16xf32>
        %add3A_647 = arith.addf %add3A_591, %get3A_646 : vector<16xf32>
        %add3A_648 = arith.constant 7 : i32
        %add3A_649 = arith.addi %mul3A_259, %add3A_648 : i32
        %get3A_650 = arith.index_cast %add3A_649 : i32 to index
        %get3A_651 = arith.constant 48 : index
        %get3A_652 = tpu.vector_load %arg10[%get3A_650, %get3A_651] {strides = array<i32>} : memref<128x128xf32, #tpu.memory_space<vmem>>, vector<1x16xf32>,
        %get3A_653 = vector.shape_cast %get3A_652 : vector<1x16xf32> to vector<16xf32>
        %add3A_654 = arith.addf %add3A_598, %get3A_653 : vector<16xf32>
        %add3A_655 = arith.constant 7 : i32
        %add3A_656 = arith.addi %mul3A_259, %add3A_655 : i32
        %get3A_657 = arith.index_cast %add3A_656 : i32 to index
        %get3A_658 = arith.constant 64 : index
        %get3A_659 = tpu.vector_load %arg10[%get3A_657, %get3A_658] {strides = array<i32>} : memref<128x128xf32, #tpu.memory_space<vmem>>, vector<1x16xf32>,
        %get3A_660 = vector.shape_cast %get3A_659 : vector<1x16xf32> to vector<16xf32>
        %add3A_661 = arith.addf %add3A_605, %get3A_660 : vector<16xf32>
        %add3A_662 = arith.constant 7 : i32
        %add3A_663 = arith.addi %mul3A_259, %add3A_662 : i32
        %get3A_664 = arith.index_cast %add3A_663 : i32 to index
        %get3A_665 = arith.constant 80 : index
        %get3A_666 = tpu.vector_load %arg10[%get3A_664, %get3A_665] {strides = array<i32>} : memref<128x128xf32, #tpu.memory_space<vmem>>, vector<1x16xf32>,
        %get3A_667 = vector.shape_cast %get3A_666 : vector<1x16xf32> to vector<16xf32>
        %add3A_668 = arith.addf %add3A_612, %get3A_667 : vector<16xf32>
        %add3A_669 = arith.constant 7 : i32
        %add3A_670 = arith.addi %mul3A_259, %add3A_669 : i32
        %get3A_671 = arith.index_cast %add3A_670 : i32 to index
        %get3A_672 = arith.constant 96 : index
        %get3A_673 = tpu.vector_load %arg10[%get3A_671, %get3A_672] {strides = array<i32>} : memref<128x128xf32, #tpu.memory_space<vmem>>, vector<1x16xf32>,
        %get3A_674 = vector.shape_cast %get3A_673 : vector<1x16xf32> to vector<16xf32>
        %add3A_675 = arith.addf %add3A_619, %get3A_674 : vector<16xf32>
        %add3A_676 = arith.constant 7 : i32
        %add3A_677 = arith.addi %mul3A_259, %add3A_676 : i32
        %get3A_678 = arith.index_cast %add3A_677 : i32 to index
        %get3A_679 = arith.constant 112 : index
        %get3A_680 = tpu.vector_load %arg10[%get3A_678, %get3A_679] {strides = array<i32>} : memref<128x128xf32, #tpu.memory_space<vmem>>, vector<1x16xf32>,
        %get3A_681 = vector.shape_cast %get3A_680 : vector<1x16xf32> to vector<16xf32>
        %add3A_682 = arith.addf %add3A_626, %get3A_681 : vector<16xf32>
        %scan3A_683 = arith.constant 1 : i32
        %scan3A_684 = arith.constant 3 : i32
        %scan3A_685 = arith.addi %scan3A_683, %scan3A_684 : i32
        %scan3A_686 = arith.constant 1 : i32
        %scan3A_687:8 = scf.for %scan3A_728 = %scan3A_683 to %scan3A_685 step %scan3A_686 iter_args(%scan3A_729 = %add3A_633, %scan3A_730 = %add3A_640, %scan3A_731 = %add3A_647, %scan3A_732 = %add3A_654, %scan3A_733 = %add3A_661, %scan3A_734 = %add3A_668, %scan3A_735 = %add3A_675, %scan3A_736 = %add3A_682) -> (vector<16xf32>, vector<16xf32>, vector<16xf32>, vector<16xf32>, vector<16xf32>, vector<16xf32>, vector<16xf32>, vector<16xf32>)  : i32 {
          %mul3A_737 = arith.constant 8 : i32
          %mul3A_738 = arith.muli %scan3A_728, %mul3A_737 : i32
          %add3A_739 = arith.addi %mul3A_259, %mul3A_738 : i32
          %add3A_740 = arith.constant 0 : i32
          %add3A_741 = arith.addi %add3A_739, %add3A_740 : i32
          %get3A_742 = arith.index_cast %add3A_741 : i32 to index
          %get3A_743 = arith.constant 0 : index
          %get3A_744 = tpu.vector_load %arg10[%get3A_742, %get3A_743] {strides = array<i32>} : memref<128x128xf32, #tpu.memory_space<vmem>>, vector<1x16xf32>,
          %get3A_745 = vector.shape_cast %get3A_744 : vector<1x16xf32> to vector<16xf32>
          %add3A_746 = arith.addf %scan3A_729, %get3A_745 : vector<16xf32>
          %mul3A_747 = arith.constant 8 : i32
          %mul3A_748 = arith.muli %scan3A_728, %mul3A_747 : i32
          %add3A_749 = arith.addi %mul3A_259, %mul3A_748 : i32
          %add3A_750 = arith.constant 0 : i32
          %add3A_751 = arith.addi %add3A_749, %add3A_750 : i32
          %get3A_752 = arith.index_cast %add3A_751 : i32 to index
          %get3A_753 = arith.constant 16 : index
          %get3A_754 = tpu.vector_load %arg10[%get3A_752, %get3A_753] {strides = array<i32>} : memref<128x128xf32, #tpu.memory_space<vmem>>, vector<1x16xf32>,
          %get3A_755 = vector.shape_cast %get3A_754 : vector<1x16xf32> to vector<16xf32>
          %add3A_756 = arith.addf %scan3A_730, %get3A_755 : vector<16xf32>
          %mul3A_757 = arith.constant 8 : i32
          %mul3A_758 = arith.muli %scan3A_728, %mul3A_757 : i32
          %add3A_759 = arith.addi %mul3A_259, %mul3A_758 : i32
          %add3A_760 = arith.constant 0 : i32
          %add3A_761 = arith.addi %add3A_759, %add3A_760 : i32
          %get3A_762 = arith.index_cast %add3A_761 : i32 to index
          %get3A_763 = arith.constant 32 : index
          %get3A_764 = tpu.vector_load %arg10[%get3A_762, %get3A_763] {strides = array<i32>} : memref<128x128xf32, #tpu.memory_space<vmem>>, vector<1x16xf32>,
          %get3A_765 = vector.shape_cast %get3A_764 : vector<1x16xf32> to vector<16xf32>
          %add3A_766 = arith.addf %scan3A_731, %get3A_765 : vector<16xf32>
          %mul3A_767 = arith.constant 8 : i32
          %mul3A_768 = arith.muli %scan3A_728, %mul3A_767 : i32
          %add3A_769 = arith.addi %mul3A_259, %mul3A_768 : i32
          %add3A_770 = arith.constant 0 : i32
          %add3A_771 = arith.addi %add3A_769, %add3A_770 : i32
          %get3A_772 = arith.index_cast %add3A_771 : i32 to index
          %get3A_773 = arith.constant 48 : index
          %get3A_774 = tpu.vector_load %arg10[%get3A_772, %get3A_773] {strides = array<i32>} : memref<128x128xf32, #tpu.memory_space<vmem>>, vector<1x16xf32>,
          %get3A_775 = vector.shape_cast %get3A_774 : vector<1x16xf32> to vector<16xf32>
          %add3A_776 = arith.addf %scan3A_732, %get3A_775 : vector<16xf32>
          %mul3A_777 = arith.constant 8 : i32
          %mul3A_778 = arith.muli %scan3A_728, %mul3A_777 : i32
          %add3A_779 = arith.addi %mul3A_259, %mul3A_778 : i32
          %add3A_780 = arith.constant 0 : i32
          %add3A_781 = arith.addi %add3A_779, %add3A_780 : i32
          %get3A_782 = arith.index_cast %add3A_781 : i32 to index
          %get3A_783 = arith.constant 64 : index
          %get3A_784 = tpu.vector_load %arg10[%get3A_782, %get3A_783] {strides = array<i32>} : memref<128x128xf32, #tpu.memory_space<vmem>>, vector<1x16xf32>,
          %get3A_785 = vector.shape_cast %get3A_784 : vector<1x16xf32> to vector<16xf32>
          %add3A_786 = arith.addf %scan3A_733, %get3A_785 : vector<16xf32>
          %mul3A_787 = arith.constant 8 : i32
          %mul3A_788 = arith.muli %scan3A_728, %mul3A_787 : i32
          %add3A_789 = arith.addi %mul3A_259, %mul3A_788 : i32
          %add3A_790 = arith.constant 0 : i32
          %add3A_791 = arith.addi %add3A_789, %add3A_790 : i32
          %get3A_792 = arith.index_cast %add3A_791 : i32 to index
          %get3A_793 = arith.constant 80 : index
          %get3A_794 = tpu.vector_load %arg10[%get3A_792, %get3A_793] {strides = array<i32>} : memref<128x128xf32, #tpu.memory_space<vmem>>, vector<1x16xf32>,
          %get3A_795 = vector.shape_cast %get3A_794 : vector<1x16xf32> to vector<16xf32>
          %add3A_796 = arith.addf %scan3A_734, %get3A_795 : vector<16xf32>
          %mul3A_797 = arith.constant 8 : i32
          %mul3A_798 = arith.muli %scan3A_728, %mul3A_797 : i32
          %add3A_799 = arith.addi %mul3A_259, %mul3A_798 : i32
          %add3A_800 = arith.constant 0 : i32
          %add3A_801 = arith.addi %add3A_799, %add3A_800 : i32
          %get3A_802 = arith.index_cast %add3A_801 : i32 to index
          %get3A_803 = arith.constant 96 : index
          %get3A_804 = tpu.vector_load %arg10[%get3A_802, %get3A_803] {strides = array<i32>} : memref<128x128xf32, #tpu.memory_space<vmem>>, vector<1x16xf32>,
          %get3A_805 = vector.shape_cast %get3A_804 : vector<1x16xf32> to vector<16xf32>
          %add3A_806 = arith.addf %scan3A_735, %get3A_805 : vector<16xf32>
          %mul3A_807 = arith.constant 8 : i32
          %mul3A_808 = arith.muli %scan3A_728, %mul3A_807 : i32
          %add3A_809 = arith.addi %mul3A_259, %mul3A_808 : i32
          %add3A_810 = arith.constant 0 : i32
          %add3A_811 = arith.addi %add3A_809, %add3A_810 : i32
          %get3A_812 = arith.index_cast %add3A_811 : i32 to index
          %get3A_813 = arith.constant 112 : index
          %get3A_814 = tpu.vector_load %arg10[%get3A_812, %get3A_813] {strides = array<i32>} : memref<128x128xf32, #tpu.memory_space<vmem>>, vector<1x16xf32>,
          %get3A_815 = vector.shape_cast %get3A_814 : vector<1x16xf32> to vector<16xf32>
          %add3A_816 = arith.addf %scan3A_736, %get3A_815 : vector<16xf32>
          %mul3A_817 = arith.constant 8 : i32
          %mul3A_818 = arith.muli %scan3A_728, %mul3A_817 : i32
          %add3A_819 = arith.addi %mul3A_259, %mul3A_818 : i32
          %add3A_820 = arith.constant 1 : i32
          %add3A_821 = arith.addi %add3A_819, %add3A_820 : i32
          %get3A_822 = arith.index_cast %add3A_821 : i32 to index
          %get3A_823 = arith.constant 0 : index
          %get3A_824 = tpu.vector_load %arg10[%get3A_822, %get3A_823] {strides = array<i32>} : memref<128x128xf32, #tpu.memory_space<vmem>>, vector<1x16xf32>,
          %get3A_825 = vector.shape_cast %get3A_824 : vector<1x16xf32> to vector<16xf32>
          %add3A_826 = arith.addf %add3A_746, %get3A_825 : vector<16xf32>
          %mul3A_827 = arith.constant 8 : i32
          %mul3A_828 = arith.muli %scan3A_728, %mul3A_827 : i32
          %add3A_829 = arith.addi %mul3A_259, %mul3A_828 : i32
          %add3A_830 = arith.constant 1 : i32
          %add3A_831 = arith.addi %add3A_829, %add3A_830 : i32
          %get3A_832 = arith.index_cast %add3A_831 : i32 to index
          %get3A_833 = arith.constant 16 : index
          %get3A_834 = tpu.vector_load %arg10[%get3A_832, %get3A_833] {strides = array<i32>} : memref<128x128xf32, #tpu.memory_space<vmem>>, vector<1x16xf32>,
          %get3A_835 = vector.shape_cast %get3A_834 : vector<1x16xf32> to vector<16xf32>
          %add3A_836 = arith.addf %add3A_756, %get3A_835 : vector<16xf32>
          %mul3A_837 = arith.constant 8 : i32
          %mul3A_838 = arith.muli %scan3A_728, %mul3A_837 : i32
          %add3A_839 = arith.addi %mul3A_259, %mul3A_838 : i32
          %add3A_840 = arith.constant 1 : i32
          %add3A_841 = arith.addi %add3A_839, %add3A_840 : i32
          %get3A_842 = arith.index_cast %add3A_841 : i32 to index
          %get3A_843 = arith.constant 32 : index
          %get3A_844 = tpu.vector_load %arg10[%get3A_842, %get3A_843] {strides = array<i32>} : memref<128x128xf32, #tpu.memory_space<vmem>>, vector<1x16xf32>,
          %get3A_845 = vector.shape_cast %get3A_844 : vector<1x16xf32> to vector<16xf32>
          %add3A_846 = arith.addf %add3A_766, %get3A_845 : vector<16xf32>
          %mul3A_847 = arith.constant 8 : i32
          %mul3A_848 = arith.muli %scan3A_728, %mul3A_847 : i32
          %add3A_849 = arith.addi %mul3A_259, %mul3A_848 : i32
          %add3A_850 = arith.constant 1 : i32
          %add3A_851 = arith.addi %add3A_849, %add3A_850 : i32
          %get3A_852 = arith.index_cast %add3A_851 : i32 to index
          %get3A_853 = arith.constant 48 : index
          %get3A_854 = tpu.vector_load %arg10[%get3A_852, %get3A_853] {strides = array<i32>} : memref<128x128xf32, #tpu.memory_space<vmem>>, vector<1x16xf32>,
          %get3A_855 = vector.shape_cast %get3A_854 : vector<1x16xf32> to vector<16xf32>
          %add3A_856 = arith.addf %add3A_776, %get3A_855 : vector<16xf32>
          %mul3A_857 = arith.constant 8 : i32
          %mul3A_858 = arith.muli %scan3A_728, %mul3A_857 : i32
          %add3A_859 = arith.addi %mul3A_259, %mul3A_858 : i32
          %add3A_860 = arith.constant 1 : i32
          %add3A_861 = arith.addi %add3A_859, %add3A_860 : i32
          %get3A_862 = arith.index_cast %add3A_861 : i32 to index
          %get3A_863 = arith.constant 64 : index
          %get3A_864 = tpu.vector_load %arg10[%get3A_862, %get3A_863] {strides = array<i32>} : memref<128x128xf32, #tpu.memory_space<vmem>>, vector<1x16xf32>,
          %get3A_865 = vector.shape_cast %get3A_864 : vector<1x16xf32> to vector<16xf32>
          %add3A_866 = arith.addf %add3A_786, %get3A_865 : vector<16xf32>
          %mul3A_867 = arith.constant 8 : i32
          %mul3A_868 = arith.muli %scan3A_728, %mul3A_867 : i32
          %add3A_869 = arith.addi %mul3A_259, %mul3A_868 : i32
          %add3A_870 = arith.constant 1 : i32
          %add3A_871 = arith.addi %add3A_869, %add3A_870 : i32
          %get3A_872 = arith.index_cast %add3A_871 : i32 to index
          %get3A_873 = arith.constant 80 : index
          %get3A_874 = tpu.vector_load %arg10[%get3A_872, %get3A_873] {strides = array<i32>} : memref<128x128xf32, #tpu.memory_space<vmem>>, vector<1x16xf32>,
          %get3A_875 = vector.shape_cast %get3A_874 : vector<1x16xf32> to vector<16xf32>
          %add3A_876 = arith.addf %add3A_796, %get3A_875 : vector<16xf32>
          %mul3A_877 = arith.constant 8 : i32
          %mul3A_878 = arith.muli %scan3A_728, %mul3A_877 : i32
          %add3A_879 = arith.addi %mul3A_259, %mul3A_878 : i32
          %add3A_880 = arith.constant 1 : i32
          %add3A_881 = arith.addi %add3A_879, %add3A_880 : i32
          %get3A_882 = arith.index_cast %add3A_881 : i32 to index
          %get3A_883 = arith.constant 96 : index
          %get3A_884 = tpu.vector_load %arg10[%get3A_882, %get3A_883] {strides = array<i32>} : memref<128x128xf32, #tpu.memory_space<vmem>>, vector<1x16xf32>,
          %get3A_885 = vector.shape_cast %get3A_884 : vector<1x16xf32> to vector<16xf32>
          %add3A_886 = arith.addf %add3A_806, %get3A_885 : vector<16xf32>
          %mul3A_887 = arith.constant 8 : i32
          %mul3A_888 = arith.muli %scan3A_728, %mul3A_887 : i32
          %add3A_889 = arith.addi %mul3A_259, %mul3A_888 : i32
          %add3A_890 = arith.constant 1 : i32
          %add3A_891 = arith.addi %add3A_889, %add3A_890 : i32
          %get3A_892 = arith.index_cast %add3A_891 : i32 to index
          %get3A_893 = arith.constant 112 : index
          %get3A_894 = tpu.vector_load %arg10[%get3A_892, %get3A_893] {strides = array<i32>} : memref<128x128xf32, #tpu.memory_space<vmem>>, vector<1x16xf32>,
          %get3A_895 = vector.shape_cast %get3A_894 : vector<1x16xf32> to vector<16xf32>
          %add3A_896 = arith.addf %add3A_816, %get3A_895 : vector<16xf32>
          %mul3A_897 = arith.constant 8 : i32
          %mul3A_898 = arith.muli %scan3A_728, %mul3A_897 : i32
          %add3A_899 = arith.addi %mul3A_259, %mul3A_898 : i32
          %add3A_900 = arith.constant 2 : i32
          %add3A_901 = arith.addi %add3A_899, %add3A_900 : i32
          %get3A_902 = arith.index_cast %add3A_901 : i32 to index
          %get3A_903 = arith.constant 0 : index
          %get3A_904 = tpu.vector_load %arg10[%get3A_902, %get3A_903] {strides = array<i32>} : memref<128x128xf32, #tpu.memory_space<vmem>>, vector<1x16xf32>,
          %get3A_905 = vector.shape_cast %get3A_904 : vector<1x16xf32> to vector<16xf32>
          %add3A_906 = arith.addf %add3A_826, %get3A_905 : vector<16xf32>
          %mul3A_907 = arith.constant 8 : i32
          %mul3A_908 = arith.muli %scan3A_728, %mul3A_907 : i32
          %add3A_909 = arith.addi %mul3A_259, %mul3A_908 : i32
          %add3A_910 = arith.constant 2 : i32
          %add3A_911 = arith.addi %add3A_909, %add3A_910 : i32
          %get3A_912 = arith.index_cast %add3A_911 : i32 to index
          %get3A_913 = arith.constant 16 : index
          %get3A_914 = tpu.vector_load %arg10[%get3A_912, %get3A_913] {strides = array<i32>} : memref<128x128xf32, #tpu.memory_space<vmem>>, vector<1x16xf32>,
          %get3A_915 = vector.shape_cast %get3A_914 : vector<1x16xf32> to vector<16xf32>
          %add3A_916 = arith.addf %add3A_836, %get3A_915 : vector<16xf32>
          %mul3A_917 = arith.constant 8 : i32
          %mul3A_918 = arith.muli %scan3A_728, %mul3A_917 : i32
          %add3A_919 = arith.addi %mul3A_259, %mul3A_918 : i32
          %add3A_920 = arith.constant 2 : i32
          %add3A_921 = arith.addi %add3A_919, %add3A_920 : i32
          %get3A_922 = arith.index_cast %add3A_921 : i32 to index
          %get3A_923 = arith.constant 32 : index
          %get3A_924 = tpu.vector_load %arg10[%get3A_922, %get3A_923] {strides = array<i32>} : memref<128x128xf32, #tpu.memory_space<vmem>>, vector<1x16xf32>,
          %get3A_925 = vector.shape_cast %get3A_924 : vector<1x16xf32> to vector<16xf32>
          %add3A_926 = arith.addf %add3A_846, %get3A_925 : vector<16xf32>
          %mul3A_927 = arith.constant 8 : i32
          %mul3A_928 = arith.muli %scan3A_728, %mul3A_927 : i32
          %add3A_929 = arith.addi %mul3A_259, %mul3A_928 : i32
          %add3A_930 = arith.constant 2 : i32
          %add3A_931 = arith.addi %add3A_929, %add3A_930 : i32
          %get3A_932 = arith.index_cast %add3A_931 : i32 to index
          %get3A_933 = arith.constant 48 : index
          %get3A_934 = tpu.vector_load %arg10[%get3A_932, %get3A_933] {strides = array<i32>} : memref<128x128xf32, #tpu.memory_space<vmem>>, vector<1x16xf32>,
          %get3A_935 = vector.shape_cast %get3A_934 : vector<1x16xf32> to vector<16xf32>
          %add3A_936 = arith.addf %add3A_856, %get3A_935 : vector<16xf32>
          %mul3A_937 = arith.constant 8 : i32
          %mul3A_938 = arith.muli %scan3A_728, %mul3A_937 : i32
          %add3A_939 = arith.addi %mul3A_259, %mul3A_938 : i32
          %add3A_940 = arith.constant 2 : i32
          %add3A_941 = arith.addi %add3A_939, %add3A_940 : i32
          %get3A_942 = arith.index_cast %add3A_941 : i32 to index
          %get3A_943 = arith.constant 64 : index
          %get3A_944 = tpu.vector_load %arg10[%get3A_942, %get3A_943] {strides = array<i32>} : memref<128x128xf32, #tpu.memory_space<vmem>>, vector<1x16xf32>,
          %get3A_945 = vector.shape_cast %get3A_944 : vector<1x16xf32> to vector<16xf32>
          %add3A_946 = arith.addf %add3A_866, %get3A_945 : vector<16xf32>
          %mul3A_947 = arith.constant 8 : i32
          %mul3A_948 = arith.muli %scan3A_728, %mul3A_947 : i32
          %add3A_949 = arith.addi %mul3A_259, %mul3A_948 : i32
          %add3A_950 = arith.constant 2 : i32
          %add3A_951 = arith.addi %add3A_949, %add3A_950 : i32
          %get3A_952 = arith.index_cast %add3A_951 : i32 to index
          %get3A_953 = arith.constant 80 : index
          %get3A_954 = tpu.vector_load %arg10[%get3A_952, %get3A_953] {strides = array<i32>} : memref<128x128xf32, #tpu.memory_space<vmem>>, vector<1x16xf32>,
          %get3A_955 = vector.shape_cast %get3A_954 : vector<1x16xf32> to vector<16xf32>
          %add3A_956 = arith.addf %add3A_876, %get3A_955 : vector<16xf32>
          %mul3A_957 = arith.constant 8 : i32
          %mul3A_958 = arith.muli %scan3A_728, %mul3A_957 : i32
          %add3A_959 = arith.addi %mul3A_259, %mul3A_958 : i32
          %add3A_960 = arith.constant 2 : i32
          %add3A_961 = arith.addi %add3A_959, %add3A_960 : i32
          %get3A_962 = arith.index_cast %add3A_961 : i32 to index
          %get3A_963 = arith.constant 96 : index
          %get3A_964 = tpu.vector_load %arg10[%get3A_962, %get3A_963] {strides = array<i32>} : memref<128x128xf32, #tpu.memory_space<vmem>>, vector<1x16xf32>,
          %get3A_965 = vector.shape_cast %get3A_964 : vector<1x16xf32> to vector<16xf32>
          %add3A_966 = arith.addf %add3A_886, %get3A_965 : vector<16xf32>
          %mul3A_967 = arith.constant 8 : i32
          %mul3A_968 = arith.muli %scan3A_728, %mul3A_967 : i32
          %add3A_969 = arith.addi %mul3A_259, %mul3A_968 : i32
          %add3A_970 = arith.constant 2 : i32
          %add3A_971 = arith.addi %add3A_969, %add3A_970 : i32
          %get3A_972 = arith.index_cast %add3A_971 : i32 to index
          %get3A_973 = arith.constant 112 : index
          %get3A_974 = tpu.vector_load %arg10[%get3A_972, %get3A_973] {strides = array<i32>} : memref<128x128xf32, #tpu.memory_space<vmem>>, vector<1x16xf32>,
          %get3A_975 = vector.shape_cast %get3A_974 : vector<1x16xf32> to vector<16xf32>
          %add3A_976 = arith.addf %add3A_896, %get3A_975 : vector<16xf32>
          %mul3A_977 = arith.constant 8 : i32
          %mul3A_978 = arith.muli %scan3A_728, %mul3A_977 : i32
          %add3A_979 = arith.addi %mul3A_259, %mul3A_978 : i32
          %add3A_980 = arith.constant 3 : i32
          %add3A_981 = arith.addi %add3A_979, %add3A_980 : i32
          %get3A_982 = arith.index_cast %add3A_981 : i32 to index
          %get3A_983 = arith.constant 0 : index
          %get3A_984 = tpu.vector_load %arg10[%get3A_982, %get3A_983] {strides = array<i32>} : memref<128x128xf32, #tpu.memory_space<vmem>>, vector<1x16xf32>,
          %get3A_985 = vector.shape_cast %get3A_984 : vector<1x16xf32> to vector<16xf32>
          %add3A_986 = arith.addf %add3A_906, %get3A_985 : vector<16xf32>
          %mul3A_987 = arith.constant 8 : i32
          %mul3A_988 = arith.muli %scan3A_728, %mul3A_987 : i32
          %add3A_989 = arith.addi %mul3A_259, %mul3A_988 : i32
          %add3A_990 = arith.constant 3 : i32
          %add3A_991 = arith.addi %add3A_989, %add3A_990 : i32
          %get3A_992 = arith.index_cast %add3A_991 : i32 to index
          %get3A_993 = arith.constant 16 : index
          %get3A_994 = tpu.vector_load %arg10[%get3A_992, %get3A_993] {strides = array<i32>} : memref<128x128xf32, #tpu.memory_space<vmem>>, vector<1x16xf32>,
          %get3A_995 = vector.shape_cast %get3A_994 : vector<1x16xf32> to vector<16xf32>
          %add3A_996 = arith.addf %add3A_916, %get3A_995 : vector<16xf32>
          %mul3A_997 = arith.constant 8 : i32
          %mul3A_998 = arith.muli %scan3A_728, %mul3A_997 : i32
          %add3A_999 = arith.addi %mul3A_259, %mul3A_998 : i32
          %add3A_1000 = arith.constant 3 : i32
          %add3A_1001 = arith.addi %add3A_999, %add3A_1000 : i32
          %get3A_1002 = arith.index_cast %add3A_1001 : i32 to index
          %get3A_1003 = arith.constant 32 : index
          %get3A_1004 = tpu.vector_load %arg10[%get3A_1002, %get3A_1003] {strides = array<i32>} : memref<128x128xf32, #tpu.memory_space<vmem>>, vector<1x16xf32>,
          %get3A_1005 = vector.shape_cast %get3A_1004 : vector<1x16xf32> to vector<16xf32>
          %add3A_1006 = arith.addf %add3A_926, %get3A_1005 : vector<16xf32>
          %mul3A_1007 = arith.constant 8 : i32
          %mul3A_1008 = arith.muli %scan3A_728, %mul3A_1007 : i32
          %add3A_1009 = arith.addi %mul3A_259, %mul3A_1008 : i32
          %add3A_1010 = arith.constant 3 : i32
          %add3A_1011 = arith.addi %add3A_1009, %add3A_1010 : i32
          %get3A_1012 = arith.index_cast %add3A_1011 : i32 to index
          %get3A_1013 = arith.constant 48 : index
          %get3A_1014 = tpu.vector_load %arg10[%get3A_1012, %get3A_1013] {strides = array<i32>} : memref<128x128xf32, #tpu.memory_space<vmem>>, vector<1x16xf32>,
          %get3A_1015 = vector.shape_cast %get3A_1014 : vector<1x16xf32> to vector<16xf32>
          %add3A_1016 = arith.addf %add3A_936, %get3A_1015 : vector<16xf32>
          %mul3A_1017 = arith.constant 8 : i32
          %mul3A_1018 = arith.muli %scan3A_728, %mul3A_1017 : i32
          %add3A_1019 = arith.addi %mul3A_259, %mul3A_1018 : i32
          %add3A_1020 = arith.constant 3 : i32
          %add3A_1021 = arith.addi %add3A_1019, %add3A_1020 : i32
          %get3A_1022 = arith.index_cast %add3A_1021 : i32 to index
          %get3A_1023 = arith.constant 64 : index
          %get3A_1024 = tpu.vector_load %arg10[%get3A_1022, %get3A_1023] {strides = array<i32>} : memref<128x128xf32, #tpu.memory_space<vmem>>, vector<1x16xf32>,
          %get3A_1025 = vector.shape_cast %get3A_1024 : vector<1x16xf32> to vector<16xf32>
          %add3A_1026 = arith.addf %add3A_946, %get3A_1025 : vector<16xf32>
          %mul3A_1027 = arith.constant 8 : i32
          %mul3A_1028 = arith.muli %scan3A_728, %mul3A_1027 : i32
          %add3A_1029 = arith.addi %mul3A_259, %mul3A_1028 : i32
          %add3A_1030 = arith.constant 3 : i32
          %add3A_1031 = arith.addi %add3A_1029, %add3A_1030 : i32
          %get3A_1032 = arith.index_cast %add3A_1031 : i32 to index
          %get3A_1033 = arith.constant 80 : index
          %get3A_1034 = tpu.vector_load %arg10[%get3A_1032, %get3A_1033] {strides = array<i32>} : memref<128x128xf32, #tpu.memory_space<vmem>>, vector<1x16xf32>,
          %get3A_1035 = vector.shape_cast %get3A_1034 : vector<1x16xf32> to vector<16xf32>
          %add3A_1036 = arith.addf %add3A_956, %get3A_1035 : vector<16xf32>
          %mul3A_1037 = arith.constant 8 : i32
          %mul3A_1038 = arith.muli %scan3A_728, %mul3A_1037 : i32
          %add3A_1039 = arith.addi %mul3A_259, %mul3A_1038 : i32
          %add3A_1040 = arith.constant 3 : i32
          %add3A_1041 = arith.addi %add3A_1039, %add3A_1040 : i32
          %get3A_1042 = arith.index_cast %add3A_1041 : i32 to index
          %get3A_1043 = arith.constant 96 : index
          %get3A_1044 = tpu.vector_load %arg10[%get3A_1042, %get3A_1043] {strides = array<i32>} : memref<128x128xf32, #tpu.memory_space<vmem>>, vector<1x16xf32>,
          %get3A_1045 = vector.shape_cast %get3A_1044 : vector<1x16xf32> to vector<16xf32>
          %add3A_1046 = arith.addf %add3A_966, %get3A_1045 : vector<16xf32>
          %mul3A_1047 = arith.constant 8 : i32
          %mul3A_1048 = arith.muli %scan3A_728, %mul3A_1047 : i32
          %add3A_1049 = arith.addi %mul3A_259, %mul3A_1048 : i32
          %add3A_1050 = arith.constant 3 : i32
          %add3A_1051 = arith.addi %add3A_1049, %add3A_1050 : i32
          %get3A_1052 = arith.index_cast %add3A_1051 : i32 to index
          %get3A_1053 = arith.constant 112 : index
          %get3A_1054 = tpu.vector_load %arg10[%get3A_1052, %get3A_1053] {strides = array<i32>} : memref<128x128xf32, #tpu.memory_space<vmem>>, vector<1x16xf32>,
          %get3A_1055 = vector.shape_cast %get3A_1054 : vector<1x16xf32> to vector<16xf32>
          %add3A_1056 = arith.addf %add3A_976, %get3A_1055 : vector<16xf32>
          %mul3A_1057 = arith.constant 8 : i32
          %mul3A_1058 = arith.muli %scan3A_728, %mul3A_1057 : i32
          %add3A_1059 = arith.addi %mul3A_259, %mul3A_1058 : i32
          %add3A_1060 = arith.constant 4 : i32
          %add3A_1061 = arith.addi %add3A_1059, %add3A_1060 : i32
          %get3A_1062 = arith.index_cast %add3A_1061 : i32 to index
          %get3A_1063 = arith.constant 0 : index
          %get3A_1064 = tpu.vector_load %arg10[%get3A_1062, %get3A_1063] {strides = array<i32>} : memref<128x128xf32, #tpu.memory_space<vmem>>, vector<1x16xf32>,
          %get3A_1065 = vector.shape_cast %get3A_1064 : vector<1x16xf32> to vector<16xf32>
          %add3A_1066 = arith.addf %add3A_986, %get3A_1065 : vector<16xf32>
          %mul3A_1067 = arith.constant 8 : i32
          %mul3A_1068 = arith.muli %scan3A_728, %mul3A_1067 : i32
          %add3A_1069 = arith.addi %mul3A_259, %mul3A_1068 : i32
          %add3A_1070 = arith.constant 4 : i32
          %add3A_1071 = arith.addi %add3A_1069, %add3A_1070 : i32
          %get3A_1072 = arith.index_cast %add3A_1071 : i32 to index
          %get3A_1073 = arith.constant 16 : index
          %get3A_1074 = tpu.vector_load %arg10[%get3A_1072, %get3A_1073] {strides = array<i32>} : memref<128x128xf32, #tpu.memory_space<vmem>>, vector<1x16xf32>,
          %get3A_1075 = vector.shape_cast %get3A_1074 : vector<1x16xf32> to vector<16xf32>
          %add3A_1076 = arith.addf %add3A_996, %get3A_1075 : vector<16xf32>
          %mul3A_1077 = arith.constant 8 : i32
          %mul3A_1078 = arith.muli %scan3A_728, %mul3A_1077 : i32
          %add3A_1079 = arith.addi %mul3A_259, %mul3A_1078 : i32
          %add3A_1080 = arith.constant 4 : i32
          %add3A_1081 = arith.addi %add3A_1079, %add3A_1080 : i32
          %get3A_1082 = arith.index_cast %add3A_1081 : i32 to index
          %get3A_1083 = arith.constant 32 : index
          %get3A_1084 = tpu.vector_load %arg10[%get3A_1082, %get3A_1083] {strides = array<i32>} : memref<128x128xf32, #tpu.memory_space<vmem>>, vector<1x16xf32>,
          %get3A_1085 = vector.shape_cast %get3A_1084 : vector<1x16xf32> to vector<16xf32>
          %add3A_1086 = arith.addf %add3A_1006, %get3A_1085 : vector<16xf32>
          %mul3A_1087 = arith.constant 8 : i32
          %mul3A_1088 = arith.muli %scan3A_728, %mul3A_1087 : i32
          %add3A_1089 = arith.addi %mul3A_259, %mul3A_1088 : i32
          %add3A_1090 = arith.constant 4 : i32
          %add3A_1091 = arith.addi %add3A_1089, %add3A_1090 : i32
          %get3A_1092 = arith.index_cast %add3A_1091 : i32 to index
          %get3A_1093 = arith.constant 48 : index
          %get3A_1094 = tpu.vector_load %arg10[%get3A_1092, %get3A_1093] {strides = array<i32>} : memref<128x128xf32, #tpu.memory_space<vmem>>, vector<1x16xf32>,
          %get3A_1095 = vector.shape_cast %get3A_1094 : vector<1x16xf32> to vector<16xf32>
          %add3A_1096 = arith.addf %add3A_1016, %get3A_1095 : vector<16xf32>
          %mul3A_1097 = arith.constant 8 : i32
          %mul3A_1098 = arith.muli %scan3A_728, %mul3A_1097 : i32
          %add3A_1099 = arith.addi %mul3A_259, %mul3A_1098 : i32
          %add3A_1100 = arith.constant 4 : i32
          %add3A_1101 = arith.addi %add3A_1099, %add3A_1100 : i32
          %get3A_1102 = arith.index_cast %add3A_1101 : i32 to index
          %get3A_1103 = arith.constant 64 : index
          %get3A_1104 = tpu.vector_load %arg10[%get3A_1102, %get3A_1103] {strides = array<i32>} : memref<128x128xf32, #tpu.memory_space<vmem>>, vector<1x16xf32>,
          %get3A_1105 = vector.shape_cast %get3A_1104 : vector<1x16xf32> to vector<16xf32>
          %add3A_1106 = arith.addf %add3A_1026, %get3A_1105 : vector<16xf32>
          %mul3A_1107 = arith.constant 8 : i32
          %mul3A_1108 = arith.muli %scan3A_728, %mul3A_1107 : i32
          %add3A_1109 = arith.addi %mul3A_259, %mul3A_1108 : i32
          %add3A_1110 = arith.constant 4 : i32
          %add3A_1111 = arith.addi %add3A_1109, %add3A_1110 : i32
          %get3A_1112 = arith.index_cast %add3A_1111 : i32 to index
          %get3A_1113 = arith.constant 80 : index
          %get3A_1114 = tpu.vector_load %arg10[%get3A_1112, %get3A_1113] {strides = array<i32>} : memref<128x128xf32, #tpu.memory_space<vmem>>, vector<1x16xf32>,
          %get3A_1115 = vector.shape_cast %get3A_1114 : vector<1x16xf32> to vector<16xf32>
          %add3A_1116 = arith.addf %add3A_1036, %get3A_1115 : vector<16xf32>
          %mul3A_1117 = arith.constant 8 : i32
          %mul3A_1118 = arith.muli %scan3A_728, %mul3A_1117 : i32
          %add3A_1119 = arith.addi %mul3A_259, %mul3A_1118 : i32
          %add3A_1120 = arith.constant 4 : i32
          %add3A_1121 = arith.addi %add3A_1119, %add3A_1120 : i32
          %get3A_1122 = arith.index_cast %add3A_1121 : i32 to index
          %get3A_1123 = arith.constant 96 : index
          %get3A_1124 = tpu.vector_load %arg10[%get3A_1122, %get3A_1123] {strides = array<i32>} : memref<128x128xf32, #tpu.memory_space<vmem>>, vector<1x16xf32>,
          %get3A_1125 = vector.shape_cast %get3A_1124 : vector<1x16xf32> to vector<16xf32>
          %add3A_1126 = arith.addf %add3A_1046, %get3A_1125 : vector<16xf32>
          %mul3A_1127 = arith.constant 8 : i32
          %mul3A_1128 = arith.muli %scan3A_728, %mul3A_1127 : i32
          %add3A_1129 = arith.addi %mul3A_259, %mul3A_1128 : i32
          %add3A_1130 = arith.constant 4 : i32
          %add3A_1131 = arith.addi %add3A_1129, %add3A_1130 : i32
          %get3A_1132 = arith.index_cast %add3A_1131 : i32 to index
          %get3A_1133 = arith.constant 112 : index
          %get3A_1134 = tpu.vector_load %arg10[%get3A_1132, %get3A_1133] {strides = array<i32>} : memref<128x128xf32, #tpu.memory_space<vmem>>, vector<1x16xf32>,
          %get3A_1135 = vector.shape_cast %get3A_1134 : vector<1x16xf32> to vector<16xf32>
          %add3A_1136 = arith.addf %add3A_1056, %get3A_1135 : vector<16xf32>
          %mul3A_1137 = arith.constant 8 : i32
          %mul3A_1138 = arith.muli %scan3A_728, %mul3A_1137 : i32
          %add3A_1139 = arith.addi %mul3A_259, %mul3A_1138 : i32
          %add3A_1140 = arith.constant 5 : i32
          %add3A_1141 = arith.addi %add3A_1139, %add3A_1140 : i32
          %get3A_1142 = arith.index_cast %add3A_1141 : i32 to index
          %get3A_1143 = arith.constant 0 : index
          %get3A_1144 = tpu.vector_load %arg10[%get3A_1142, %get3A_1143] {strides = array<i32>} : memref<128x128xf32, #tpu.memory_space<vmem>>, vector<1x16xf32>,
          %get3A_1145 = vector.shape_cast %get3A_1144 : vector<1x16xf32> to vector<16xf32>
          %add3A_1146 = arith.addf %add3A_1066, %get3A_1145 : vector<16xf32>
          %mul3A_1147 = arith.constant 8 : i32
          %mul3A_1148 = arith.muli %scan3A_728, %mul3A_1147 : i32
          %add3A_1149 = arith.addi %mul3A_259, %mul3A_1148 : i32
          %add3A_1150 = arith.constant 5 : i32
          %add3A_1151 = arith.addi %add3A_1149, %add3A_1150 : i32
          %get3A_1152 = arith.index_cast %add3A_1151 : i32 to index
          %get3A_1153 = arith.constant 16 : index
          %get3A_1154 = tpu.vector_load %arg10[%get3A_1152, %get3A_1153] {strides = array<i32>} : memref<128x128xf32, #tpu.memory_space<vmem>>, vector<1x16xf32>,
          %get3A_1155 = vector.shape_cast %get3A_1154 : vector<1x16xf32> to vector<16xf32>
          %add3A_1156 = arith.addf %add3A_1076, %get3A_1155 : vector<16xf32>
          %mul3A_1157 = arith.constant 8 : i32
          %mul3A_1158 = arith.muli %scan3A_728, %mul3A_1157 : i32
          %add3A_1159 = arith.addi %mul3A_259, %mul3A_1158 : i32
          %add3A_1160 = arith.constant 5 : i32
          %add3A_1161 = arith.addi %add3A_1159, %add3A_1160 : i32
          %get3A_1162 = arith.index_cast %add3A_1161 : i32 to index
          %get3A_1163 = arith.constant 32 : index
          %get3A_1164 = tpu.vector_load %arg10[%get3A_1162, %get3A_1163] {strides = array<i32>} : memref<128x128xf32, #tpu.memory_space<vmem>>, vector<1x16xf32>,
          %get3A_1165 = vector.shape_cast %get3A_1164 : vector<1x16xf32> to vector<16xf32>
          %add3A_1166 = arith.addf %add3A_1086, %get3A_1165 : vector<16xf32>
          %mul3A_1167 = arith.constant 8 : i32
          %mul3A_1168 = arith.muli %scan3A_728, %mul3A_1167 : i32
          %add3A_1169 = arith.addi %mul3A_259, %mul3A_1168 : i32
          %add3A_1170 = arith.constant 5 : i32
          %add3A_1171 = arith.addi %add3A_1169, %add3A_1170 : i32
          %get3A_1172 = arith.index_cast %add3A_1171 : i32 to index
          %get3A_1173 = arith.constant 48 : index
          %get3A_1174 = tpu.vector_load %arg10[%get3A_1172, %get3A_1173] {strides = array<i32>} : memref<128x128xf32, #tpu.memory_space<vmem>>, vector<1x16xf32>,
          %get3A_1175 = vector.shape_cast %get3A_1174 : vector<1x16xf32> to vector<16xf32>
          %add3A_1176 = arith.addf %add3A_1096, %get3A_1175 : vector<16xf32>
          %mul3A_1177 = arith.constant 8 : i32
          %mul3A_1178 = arith.muli %scan3A_728, %mul3A_1177 : i32
          %add3A_1179 = arith.addi %mul3A_259, %mul3A_1178 : i32
          %add3A_1180 = arith.constant 5 : i32
          %add3A_1181 = arith.addi %add3A_1179, %add3A_1180 : i32
          %get3A_1182 = arith.index_cast %add3A_1181 : i32 to index
          %get3A_1183 = arith.constant 64 : index
          %get3A_1184 = tpu.vector_load %arg10[%get3A_1182, %get3A_1183] {strides = array<i32>} : memref<128x128xf32, #tpu.memory_space<vmem>>, vector<1x16xf32>,
          %get3A_1185 = vector.shape_cast %get3A_1184 : vector<1x16xf32> to vector<16xf32>
          %add3A_1186 = arith.addf %add3A_1106, %get3A_1185 : vector<16xf32>
          %mul3A_1187 = arith.constant 8 : i32
          %mul3A_1188 = arith.muli %scan3A_728, %mul3A_1187 : i32
          %add3A_1189 = arith.addi %mul3A_259, %mul3A_1188 : i32
          %add3A_1190 = arith.constant 5 : i32
          %add3A_1191 = arith.addi %add3A_1189, %add3A_1190 : i32
          %get3A_1192 = arith.index_cast %add3A_1191 : i32 to index
          %get3A_1193 = arith.constant 80 : index
          %get3A_1194 = tpu.vector_load %arg10[%get3A_1192, %get3A_1193] {strides = array<i32>} : memref<128x128xf32, #tpu.memory_space<vmem>>, vector<1x16xf32>,
          %get3A_1195 = vector.shape_cast %get3A_1194 : vector<1x16xf32> to vector<16xf32>
          %add3A_1196 = arith.addf %add3A_1116, %get3A_1195 : vector<16xf32>
          %mul3A_1197 = arith.constant 8 : i32
          %mul3A_1198 = arith.muli %scan3A_728, %mul3A_1197 : i32
          %add3A_1199 = arith.addi %mul3A_259, %mul3A_1198 : i32
          %add3A_1200 = arith.constant 5 : i32
          %add3A_1201 = arith.addi %add3A_1199, %add3A_1200 : i32
          %get3A_1202 = arith.index_cast %add3A_1201 : i32 to index
          %get3A_1203 = arith.constant 96 : index
          %get3A_1204 = tpu.vector_load %arg10[%get3A_1202, %get3A_1203] {strides = array<i32>} : memref<128x128xf32, #tpu.memory_space<vmem>>, vector<1x16xf32>,
          %get3A_1205 = vector.shape_cast %get3A_1204 : vector<1x16xf32> to vector<16xf32>
          %add3A_1206 = arith.addf %add3A_1126, %get3A_1205 : vector<16xf32>
          %mul3A_1207 = arith.constant 8 : i32
          %mul3A_1208 = arith.muli %scan3A_728, %mul3A_1207 : i32
          %add3A_1209 = arith.addi %mul3A_259, %mul3A_1208 : i32
          %add3A_1210 = arith.constant 5 : i32
          %add3A_1211 = arith.addi %add3A_1209, %add3A_1210 : i32
          %get3A_1212 = arith.index_cast %add3A_1211 : i32 to index
          %get3A_1213 = arith.constant 112 : index
          %get3A_1214 = tpu.vector_load %arg10[%get3A_1212, %get3A_1213] {strides = array<i32>} : memref<128x128xf32, #tpu.memory_space<vmem>>, vector<1x16xf32>,
          %get3A_1215 = vector.shape_cast %get3A_1214 : vector<1x16xf32> to vector<16xf32>
          %add3A_1216 = arith.addf %add3A_1136, %get3A_1215 : vector<16xf32>
          %mul3A_1217 = arith.constant 8 : i32
          %mul3A_1218 = arith.muli %scan3A_728, %mul3A_1217 : i32
          %add3A_1219 = arith.addi %mul3A_259, %mul3A_1218 : i32
          %add3A_1220 = arith.constant 6 : i32
          %add3A_1221 = arith.addi %add3A_1219, %add3A_1220 : i32
          %get3A_1222 = arith.index_cast %add3A_1221 : i32 to index
          %get3A_1223 = arith.constant 0 : index
          %get3A_1224 = tpu.vector_load %arg10[%get3A_1222, %get3A_1223] {strides = array<i32>} : memref<128x128xf32, #tpu.memory_space<vmem>>, vector<1x16xf32>,
          %get3A_1225 = vector.shape_cast %get3A_1224 : vector<1x16xf32> to vector<16xf32>
          %add3A_1226 = arith.addf %add3A_1146, %get3A_1225 : vector<16xf32>
          %mul3A_1227 = arith.constant 8 : i32
          %mul3A_1228 = arith.muli %scan3A_728, %mul3A_1227 : i32
          %add3A_1229 = arith.addi %mul3A_259, %mul3A_1228 : i32
          %add3A_1230 = arith.constant 6 : i32
          %add3A_1231 = arith.addi %add3A_1229, %add3A_1230 : i32
          %get3A_1232 = arith.index_cast %add3A_1231 : i32 to index
          %get3A_1233 = arith.constant 16 : index
          %get3A_1234 = tpu.vector_load %arg10[%get3A_1232, %get3A_1233] {strides = array<i32>} : memref<128x128xf32, #tpu.memory_space<vmem>>, vector<1x16xf32>,
          %get3A_1235 = vector.shape_cast %get3A_1234 : vector<1x16xf32> to vector<16xf32>
          %add3A_1236 = arith.addf %add3A_1156, %get3A_1235 : vector<16xf32>
          %mul3A_1237 = arith.constant 8 : i32
          %mul3A_1238 = arith.muli %scan3A_728, %mul3A_1237 : i32
          %add3A_1239 = arith.addi %mul3A_259, %mul3A_1238 : i32
          %add3A_1240 = arith.constant 6 : i32
          %add3A_1241 = arith.addi %add3A_1239, %add3A_1240 : i32
          %get3A_1242 = arith.index_cast %add3A_1241 : i32 to index
          %get3A_1243 = arith.constant 32 : index
          %get3A_1244 = tpu.vector_load %arg10[%get3A_1242, %get3A_1243] {strides = array<i32>} : memref<128x128xf32, #tpu.memory_space<vmem>>, vector<1x16xf32>,
          %get3A_1245 = vector.shape_cast %get3A_1244 : vector<1x16xf32> to vector<16xf32>
          %add3A_1246 = arith.addf %add3A_1166, %get3A_1245 : vector<16xf32>
          %mul3A_1247 = arith.constant 8 : i32
          %mul3A_1248 = arith.muli %scan3A_728, %mul3A_1247 : i32
          %add3A_1249 = arith.addi %mul3A_259, %mul3A_1248 : i32
          %add3A_1250 = arith.constant 6 : i32
          %add3A_1251 = arith.addi %add3A_1249, %add3A_1250 : i32
          %get3A_1252 = arith.index_cast %add3A_1251 : i32 to index
          %get3A_1253 = arith.constant 48 : index
          %get3A_1254 = tpu.vector_load %arg10[%get3A_1252, %get3A_1253] {strides = array<i32>} : memref<128x128xf32, #tpu.memory_space<vmem>>, vector<1x16xf32>,
          %get3A_1255 = vector.shape_cast %get3A_1254 : vector<1x16xf32> to vector<16xf32>
          %add3A_1256 = arith.addf %add3A_1176, %get3A_1255 : vector<16xf32>
          %mul3A_1257 = arith.constant 8 : i32
          %mul3A_1258 = arith.muli %scan3A_728, %mul3A_1257 : i32
          %add3A_1259 = arith.addi %mul3A_259, %mul3A_1258 : i32
          %add3A_1260 = arith.constant 6 : i32
          %add3A_1261 = arith.addi %add3A_1259, %add3A_1260 : i32
          %get3A_1262 = arith.index_cast %add3A_1261 : i32 to index
          %get3A_1263 = arith.constant 64 : index
          %get3A_1264 = tpu.vector_load %arg10[%get3A_1262, %get3A_1263] {strides = array<i32>} : memref<128x128xf32, #tpu.memory_space<vmem>>, vector<1x16xf32>,
          %get3A_1265 = vector.shape_cast %get3A_1264 : vector<1x16xf32> to vector<16xf32>
          %add3A_1266 = arith.addf %add3A_1186, %get3A_1265 : vector<16xf32>
          %mul3A_1267 = arith.constant 8 : i32
          %mul3A_1268 = arith.muli %scan3A_728, %mul3A_1267 : i32
          %add3A_1269 = arith.addi %mul3A_259, %mul3A_1268 : i32
          %add3A_1270 = arith.constant 6 : i32
          %add3A_1271 = arith.addi %add3A_1269, %add3A_1270 : i32
          %get3A_1272 = arith.index_cast %add3A_1271 : i32 to index
          %get3A_1273 = arith.constant 80 : index
          %get3A_1274 = tpu.vector_load %arg10[%get3A_1272, %get3A_1273] {strides = array<i32>} : memref<128x128xf32, #tpu.memory_space<vmem>>, vector<1x16xf32>,
          %get3A_1275 = vector.shape_cast %get3A_1274 : vector<1x16xf32> to vector<16xf32>
          %add3A_1276 = arith.addf %add3A_1196, %get3A_1275 : vector<16xf32>
          %mul3A_1277 = arith.constant 8 : i32
          %mul3A_1278 = arith.muli %scan3A_728, %mul3A_1277 : i32
          %add3A_1279 = arith.addi %mul3A_259, %mul3A_1278 : i32
          %add3A_1280 = arith.constant 6 : i32
          %add3A_1281 = arith.addi %add3A_1279, %add3A_1280 : i32
          %get3A_1282 = arith.index_cast %add3A_1281 : i32 to index
          %get3A_1283 = arith.constant 96 : index
          %get3A_1284 = tpu.vector_load %arg10[%get3A_1282, %get3A_1283] {strides = array<i32>} : memref<128x128xf32, #tpu.memory_space<vmem>>, vector<1x16xf32>,
          %get3A_1285 = vector.shape_cast %get3A_1284 : vector<1x16xf32> to vector<16xf32>
          %add3A_1286 = arith.addf %add3A_1206, %get3A_1285 : vector<16xf32>
          %mul3A_1287 = arith.constant 8 : i32
          %mul3A_1288 = arith.muli %scan3A_728, %mul3A_1287 : i32
          %add3A_1289 = arith.addi %mul3A_259, %mul3A_1288 : i32
          %add3A_1290 = arith.constant 6 : i32
          %add3A_1291 = arith.addi %add3A_1289, %add3A_1290 : i32
          %get3A_1292 = arith.index_cast %add3A_1291 : i32 to index
          %get3A_1293 = arith.constant 112 : index
          %get3A_1294 = tpu.vector_load %arg10[%get3A_1292, %get3A_1293] {strides = array<i32>} : memref<128x128xf32, #tpu.memory_space<vmem>>, vector<1x16xf32>,
          %get3A_1295 = vector.shape_cast %get3A_1294 : vector<1x16xf32> to vector<16xf32>
          %add3A_1296 = arith.addf %add3A_1216, %get3A_1295 : vector<16xf32>
          %mul3A_1297 = arith.constant 8 : i32
          %mul3A_1298 = arith.muli %scan3A_728, %mul3A_1297 : i32
          %add3A_1299 = arith.addi %mul3A_259, %mul3A_1298 : i32
          %add3A_1300 = arith.constant 7 : i32
          %add3A_1301 = arith.addi %add3A_1299, %add3A_1300 : i32
          %get3A_1302 = arith.index_cast %add3A_1301 : i32 to index
          %get3A_1303 = arith.constant 0 : index
          %get3A_1304 = tpu.vector_load %arg10[%get3A_1302, %get3A_1303] {strides = array<i32>} : memref<128x128xf32, #tpu.memory_space<vmem>>, vector<1x16xf32>,
          %get3A_1305 = vector.shape_cast %get3A_1304 : vector<1x16xf32> to vector<16xf32>
          %add3A_1306 = arith.addf %add3A_1226, %get3A_1305 : vector<16xf32>
          %mul3A_1307 = arith.constant 8 : i32
          %mul3A_1308 = arith.muli %scan3A_728, %mul3A_1307 : i32
          %add3A_1309 = arith.addi %mul3A_259, %mul3A_1308 : i32
          %add3A_1310 = arith.constant 7 : i32
          %add3A_1311 = arith.addi %add3A_1309, %add3A_1310 : i32
          %get3A_1312 = arith.index_cast %add3A_1311 : i32 to index
          %get3A_1313 = arith.constant 16 : index
          %get3A_1314 = tpu.vector_load %arg10[%get3A_1312, %get3A_1313] {strides = array<i32>} : memref<128x128xf32, #tpu.memory_space<vmem>>, vector<1x16xf32>,
          %get3A_1315 = vector.shape_cast %get3A_1314 : vector<1x16xf32> to vector<16xf32>
          %add3A_1316 = arith.addf %add3A_1236, %get3A_1315 : vector<16xf32>
          %mul3A_1317 = arith.constant 8 : i32
          %mul3A_1318 = arith.muli %scan3A_728, %mul3A_1317 : i32
          %add3A_1319 = arith.addi %mul3A_259, %mul3A_1318 : i32
          %add3A_1320 = arith.constant 7 : i32
          %add3A_1321 = arith.addi %add3A_1319, %add3A_1320 : i32
          %get3A_1322 = arith.index_cast %add3A_1321 : i32 to index
          %get3A_1323 = arith.constant 32 : index
          %get3A_1324 = tpu.vector_load %arg10[%get3A_1322, %get3A_1323] {strides = array<i32>} : memref<128x128xf32, #tpu.memory_space<vmem>>, vector<1x16xf32>,
          %get3A_1325 = vector.shape_cast %get3A_1324 : vector<1x16xf32> to vector<16xf32>
          %add3A_1326 = arith.addf %add3A_1246, %get3A_1325 : vector<16xf32>
          %mul3A_1327 = arith.constant 8 : i32
          %mul3A_1328 = arith.muli %scan3A_728, %mul3A_1327 : i32
          %add3A_1329 = arith.addi %mul3A_259, %mul3A_1328 : i32
          %add3A_1330 = arith.constant 7 : i32
          %add3A_1331 = arith.addi %add3A_1329, %add3A_1330 : i32
          %get3A_1332 = arith.index_cast %add3A_1331 : i32 to index
          %get3A_1333 = arith.constant 48 : index
          %get3A_1334 = tpu.vector_load %arg10[%get3A_1332, %get3A_1333] {strides = array<i32>} : memref<128x128xf32, #tpu.memory_space<vmem>>, vector<1x16xf32>,
          %get3A_1335 = vector.shape_cast %get3A_1334 : vector<1x16xf32> to vector<16xf32>
          %add3A_1336 = arith.addf %add3A_1256, %get3A_1335 : vector<16xf32>
          %mul3A_1337 = arith.constant 8 : i32
          %mul3A_1338 = arith.muli %scan3A_728, %mul3A_1337 : i32
          %add3A_1339 = arith.addi %mul3A_259, %mul3A_1338 : i32
          %add3A_1340 = arith.constant 7 : i32
          %add3A_1341 = arith.addi %add3A_1339, %add3A_1340 : i32
          %get3A_1342 = arith.index_cast %add3A_1341 : i32 to index
          %get3A_1343 = arith.constant 64 : index
          %get3A_1344 = tpu.vector_load %arg10[%get3A_1342, %get3A_1343] {strides = array<i32>} : memref<128x128xf32, #tpu.memory_space<vmem>>, vector<1x16xf32>,
          %get3A_1345 = vector.shape_cast %get3A_1344 : vector<1x16xf32> to vector<16xf32>
          %add3A_1346 = arith.addf %add3A_1266, %get3A_1345 : vector<16xf32>
          %mul3A_1347 = arith.constant 8 : i32
          %mul3A_1348 = arith.muli %scan3A_728, %mul3A_1347 : i32
          %add3A_1349 = arith.addi %mul3A_259, %mul3A_1348 : i32
          %add3A_1350 = arith.constant 7 : i32
          %add3A_1351 = arith.addi %add3A_1349, %add3A_1350 : i32
          %get3A_1352 = arith.index_cast %add3A_1351 : i32 to index
          %get3A_1353 = arith.constant 80 : index
          %get3A_1354 = tpu.vector_load %arg10[%get3A_1352, %get3A_1353] {strides = array<i32>} : memref<128x128xf32, #tpu.memory_space<vmem>>, vector<1x16xf32>,
          %get3A_1355 = vector.shape_cast %get3A_1354 : vector<1x16xf32> to vector<16xf32>
          %add3A_1356 = arith.addf %add3A_1276, %get3A_1355 : vector<16xf32>
          %mul3A_1357 = arith.constant 8 : i32
          %mul3A_1358 = arith.muli %scan3A_728, %mul3A_1357 : i32
          %add3A_1359 = arith.addi %mul3A_259, %mul3A_1358 : i32
          %add3A_1360 = arith.constant 7 : i32
          %add3A_1361 = arith.addi %add3A_1359, %add3A_1360 : i32
          %get3A_1362 = arith.index_cast %add3A_1361 : i32 to index
          %get3A_1363 = arith.constant 96 : index
          %get3A_1364 = tpu.vector_load %arg10[%get3A_1362, %get3A_1363] {strides = array<i32>} : memref<128x128xf32, #tpu.memory_space<vmem>>, vector<1x16xf32>,
          %get3A_1365 = vector.shape_cast %get3A_1364 : vector<1x16xf32> to vector<16xf32>
          %add3A_1366 = arith.addf %add3A_1286, %get3A_1365 : vector<16xf32>
          %mul3A_1367 = arith.constant 8 : i32
          %mul3A_1368 = arith.muli %scan3A_728, %mul3A_1367 : i32
          %add3A_1369 = arith.addi %mul3A_259, %mul3A_1368 : i32
          %add3A_1370 = arith.constant 7 : i32
          %add3A_1371 = arith.addi %add3A_1369, %add3A_1370 : i32
          %get3A_1372 = arith.index_cast %add3A_1371 : i32 to index
          %get3A_1373 = arith.constant 112 : index
          %get3A_1374 = tpu.vector_load %arg10[%get3A_1372, %get3A_1373] {strides = array<i32>} : memref<128x128xf32, #tpu.memory_space<vmem>>, vector<1x16xf32>,
          %get3A_1375 = vector.shape_cast %get3A_1374 : vector<1x16xf32> to vector<16xf32>
          %add3A_1376 = arith.addf %add3A_1296, %get3A_1375 : vector<16xf32>
          scf.yield %add3A_1306, %add3A_1316, %add3A_1326, %add3A_1336, %add3A_1346, %add3A_1356, %add3A_1366, %add3A_1376 : vector<16xf32>, vector<16xf32>, vector<16xf32>, vector<16xf32>, vector<16xf32>, vector<16xf32>, vector<16xf32>, vector<16xf32>
        }
        %scan3A_688 = arith.constant 3 : i32
        %swap3A = arith.index_cast %scan3A_257 : i32 to index
        %swap3A_689 = arith.constant 0 : index
        %swap3A_690 = tpu.vector_load %arg14[%swap3A, %swap3A_689] {strides = array<i32>} : memref<4x128xf32, #tpu.memory_space<vmem>>, vector<1x16xf32>,
        %swap3A_691 = vector.shape_cast %swap3A_690 : vector<1x16xf32> to vector<16xf32>
        %swap3A_692 = vector.shape_cast %scan3A_687#0 : vector<16xf32> to vector<1x16xf32>
        tpu.vector_store %arg14[%swap3A, %swap3A_689], %swap3A_692 {strides = array<i32>} : memref<4x128xf32, #tpu.memory_space<vmem>>, vector<1x16xf32>,
        %swap3A_693 = arith.index_cast %scan3A_257 : i32 to index
        %swap3A_694 = arith.constant 16 : index
        %swap3A_695 = tpu.vector_load %arg14[%swap3A_693, %swap3A_694] {strides = array<i32>} : memref<4x128xf32, #tpu.memory_space<vmem>>, vector<1x16xf32>,
        %swap3A_696 = vector.shape_cast %swap3A_695 : vector<1x16xf32> to vector<16xf32>
        %swap3A_697 = vector.shape_cast %scan3A_687#1 : vector<16xf32> to vector<1x16xf32>
        tpu.vector_store %arg14[%swap3A_693, %swap3A_694], %swap3A_697 {strides = array<i32>} : memref<4x128xf32, #tpu.memory_space<vmem>>, vector<1x16xf32>,
        %swap3A_698 = arith.index_cast %scan3A_257 : i32 to index
        %swap3A_699 = arith.constant 32 : index
        %swap3A_700 = tpu.vector_load %arg14[%swap3A_698, %swap3A_699] {strides = array<i32>} : memref<4x128xf32, #tpu.memory_space<vmem>>, vector<1x16xf32>,
        %swap3A_701 = vector.shape_cast %swap3A_700 : vector<1x16xf32> to vector<16xf32>
        %swap3A_702 = vector.shape_cast %scan3A_687#2 : vector<16xf32> to vector<1x16xf32>
        tpu.vector_store %arg14[%swap3A_698, %swap3A_699], %swap3A_702 {strides = array<i32>} : memref<4x128xf32, #tpu.memory_space<vmem>>, vector<1x16xf32>,
        %swap3A_703 = arith.index_cast %scan3A_257 : i32 to index
        %swap3A_704 = arith.constant 48 : index
        %swap3A_705 = tpu.vector_load %arg14[%swap3A_703, %swap3A_704] {strides = array<i32>} : memref<4x128xf32, #tpu.memory_space<vmem>>, vector<1x16xf32>,
        %swap3A_706 = vector.shape_cast %swap3A_705 : vector<1x16xf32> to vector<16xf32>
        %swap3A_707 = vector.shape_cast %scan3A_687#3 : vector<16xf32> to vector<1x16xf32>
        tpu.vector_store %arg14[%swap3A_703, %swap3A_704], %swap3A_707 {strides = array<i32>} : memref<4x128xf32, #tpu.memory_space<vmem>>, vector<1x16xf32>,
        %swap3A_708 = arith.index_cast %scan3A_257 : i32 to index
        %swap3A_709 = arith.constant 64 : index
        %swap3A_710 = tpu.vector_load %arg14[%swap3A_708, %swap3A_709] {strides = array<i32>} : memref<4x128xf32, #tpu.memory_space<vmem>>, vector<1x16xf32>,
        %swap3A_711 = vector.shape_cast %swap3A_710 : vector<1x16xf32> to vector<16xf32>
        %swap3A_712 = vector.shape_cast %scan3A_687#4 : vector<16xf32> to vector<1x16xf32>
        tpu.vector_store %arg14[%swap3A_708, %swap3A_709], %swap3A_712 {strides = array<i32>} : memref<4x128xf32, #tpu.memory_space<vmem>>, vector<1x16xf32>,
        %swap3A_713 = arith.index_cast %scan3A_257 : i32 to index
        %swap3A_714 = arith.constant 80 : index
        %swap3A_715 = tpu.vector_load %arg14[%swap3A_713, %swap3A_714] {strides = array<i32>} : memref<4x128xf32, #tpu.memory_space<vmem>>, vector<1x16xf32>,
        %swap3A_716 = vector.shape_cast %swap3A_715 : vector<1x16xf32> to vector<16xf32>
        %swap3A_717 = vector.shape_cast %scan3A_687#5 : vector<16xf32> to vector<1x16xf32>
        tpu.vector_store %arg14[%swap3A_713, %swap3A_714], %swap3A_717 {strides = array<i32>} : memref<4x128xf32, #tpu.memory_space<vmem>>, vector<1x16xf32>,
        %swap3A_718 = arith.index_cast %scan3A_257 : i32 to index
        %swap3A_719 = arith.constant 96 : index
        %swap3A_720 = tpu.vector_load %arg14[%swap3A_718, %swap3A_719] {strides = array<i32>} : memref<4x128xf32, #tpu.memory_space<vmem>>, vector<1x16xf32>,
        %swap3A_721 = vector.shape_cast %swap3A_720 : vector<1x16xf32> to vector<16xf32>
        %swap3A_722 = vector.shape_cast %scan3A_687#6 : vector<16xf32> to vector<1x16xf32>
        tpu.vector_store %arg14[%swap3A_718, %swap3A_719], %swap3A_722 {strides = array<i32>} : memref<4x128xf32, #tpu.memory_space<vmem>>, vector<1x16xf32>,
        %swap3A_723 = arith.index_cast %scan3A_257 : i32 to index
        %swap3A_724 = arith.constant 112 : index
        %swap3A_725 = tpu.vector_load %arg14[%swap3A_723, %swap3A_724] {strides = array<i32>} : memref<4x128xf32, #tpu.memory_space<vmem>>, vector<1x16xf32>,
        %swap3A_726 = vector.shape_cast %swap3A_725 : vector<1x16xf32> to vector<16xf32>
        %swap3A_727 = vector.shape_cast %scan3A_687#7 : vector<16xf32> to vector<1x16xf32>
        tpu.vector_store %arg14[%swap3A_723, %swap3A_724], %swap3A_727 {strides = array<i32>} : memref<4x128xf32, #tpu.memory_space<vmem>>, vector<1x16xf32>,
      }
      %scan3A_177 = arith.constant 4 : i32
      %add3A_178 = arith.constant 4 : i32
      %add3A_179 = arith.addi %add3A_158, %add3A_178 : i32
      %lt3A_180 = arith.constant 128 : i32
      %lt3A_181 = arith.cmpi slt, %add3A_179, %lt3A_180 : i32
      %convert_element_type3A_182 = arith.extui %lt3A_181 : i1 to i32
      %cond3A_183 = arith.constant 0 : i32
      %cond3A_184 = arith.cmpi ne, %convert_element_type3A_182, %cond3A_183 : i32
      scf.if %cond3A_184 {
        %add3A_257 = arith.constant 4 : i32
        %add3A_258 = arith.addi %add3A_158, %add3A_257 : i32
        %mul3A_259 = arith.constant 4 : i32
        %mul3A_260 = arith.muli %add3A_258, %mul3A_259 : i32
        %mul3A_261 = arith.constant 32 : i32
        %mul3A_262 = arith.muli %mul3A_260, %mul3A_261 : i32
        %dma_start3A_263 = tpu.memref_slice %arg7[%mul3A_262] : memref<16384xi32, #tpu.memory_space<vmem>> -> memref<128xi32, #tpu.memory_space<vmem>>
        %dma_start3A_264 = arith.constant 0 : i32
        %dma_start3A_265 = arith.constant 0 : i32
        %dma_start3A_266 = tpu.memref_slice %arg2[%dma_start3A_264, %dma_start3A_265] : memref<50000x128xf32, #tpu.memory_space<hbm>> -> memref<50000x128xf32, #tpu.memory_space<hbm>>
        tpu.enqueue_indirect_dma source(%dma_start3A_266 : memref<50000x128xf32, #tpu.memory_space<hbm>>) target(%arg10 : memref<128x128xf32, #tpu.memory_space<vmem>>) offsets(%dma_start3A_263 : memref<128xi32, #tpu.memory_space<vmem>>) semaphore(%arg18 : memref<!tpu.dma_semaphore, #tpu.memory_space<semaphore_mem>>)
      } else {
      }
      %dma_start3A_185 = arith.constant 0 : i32
      %dma_start3A_186 = tpu.memref_slice %arg5[%add3A_161, %dma_start3A_185] : memref<16384x128xf32, #tpu.memory_space<hbm>> -> memref<4x128xf32, #tpu.memory_space<hbm>>
      %dma_start3A_187 = arith.constant 0 : i32
      %dma_start3A_188 = tpu.memref_slice %arg5[%add3A_161, %dma_start3A_187] : memref<16384x128xf32, #tpu.memory_space<hbm>> -> memref<4x128xf32, #tpu.memory_space<hbm>>
      tpu.enqueue_dma source(%arg14 : memref<4x128xf32, #tpu.memory_space<vmem>>) target(%dma_start3A_188 : memref<4x128xf32, #tpu.memory_space<hbm>>) target_semaphore(%arg22 : memref<!tpu.dma_semaphore, #tpu.memory_space<semaphore_mem>>)
      %mul3A_189 = arith.constant 4 : i32
      %mul3A_190 = arith.muli %mul3A_189, %scan3A_124 : i32
      %add3A_191 = arith.constant 2 : i32
      %add3A_192 = arith.addi %mul3A_190, %add3A_191 : i32
      %mul3A_193 = arith.constant 4 : i32
      %mul3A_194 = arith.muli %add3A_192, %mul3A_193 : i32
      %add3A_195 = arith.addi %mul3A_2, %mul3A_194 : i32
      %dma_wait3A_196 = arith.constant 0 : i32
      %dma_wait3A_197 = tpu.memref_slice %arg7[%dma_wait3A_196] : memref<16384xi32, #tpu.memory_space<vmem>> -> memref<128xi32, #tpu.memory_space<vmem>>
      %dma_wait3A_198 = arith.constant 0 : i32
      %dma_wait3A_199 = arith.constant 0 : i32
      %dma_wait3A_200 = tpu.memref_slice %arg2[%dma_wait3A_198, %dma_wait3A_199] : memref<50000x128xf32, #tpu.memory_space<hbm>> -> memref<50000x128xf32, #tpu.memory_space<hbm>>
      tpu.wait_indirect_dma semaphore(%arg19 : memref<!tpu.dma_semaphore, #tpu.memory_space<semaphore_mem>>) src(%dma_wait3A_200 : memref<50000x128xf32, #tpu.memory_space<hbm>>) dst(%arg11 : memref<128x128xf32, #tpu.memory_space<vmem>>)
      %ge3A_201 = arith.constant 4 : i32
      %ge3A_202 = arith.cmpi sge, %add3A_192, %ge3A_201 : i32
      %convert_element_type3A_203 = arith.extui %ge3A_202 : i1 to i32
      %cond3A_204 = arith.constant 0 : i32
      %cond3A_205 = arith.cmpi ne, %convert_element_type3A_203, %cond3A_204 : i32
      scf.if %cond3A_205 {
        %dma_wait3A_257 = arith.constant 0 : i32
        %dma_wait3A_258 = tpu.memref_slice %arg5[%add3A_195, %dma_wait3A_257] : memref<16384x128xf32, #tpu.memory_space<hbm>> -> memref<4x128xf32, #tpu.memory_space<hbm>>
        %dma_wait3A_259 = arith.constant 0 : i32
        %dma_wait3A_260 = tpu.memref_slice %arg5[%add3A_195, %dma_wait3A_259] : memref<16384x128xf32, #tpu.memory_space<hbm>> -> memref<4x128xf32, #tpu.memory_space<hbm>>
        tpu.wait_dma2 semaphore(%arg23 : memref<!tpu.dma_semaphore, #tpu.memory_space<semaphore_mem>>) src(%arg15 : memref<4x128xf32, #tpu.memory_space<vmem>>) dst(%dma_wait3A_260 : memref<4x128xf32, #tpu.memory_space<hbm>>)
      } else {
      }
      %scan3A_206 = arith.constant 0 : i32
      %scan3A_207 = arith.constant 0 : i32
      %scan3A_208 = arith.constant 4 : i32
      %scan3A_209 = arith.addi %scan3A_207, %scan3A_208 : i32
      %scan3A_210 = arith.constant 1 : i32
      scf.for %scan3A_257 = %scan3A_207 to %scan3A_209 step %scan3A_210  : i32 {
        %mul3A_258 = arith.constant 32 : i32
        %mul3A_259 = arith.muli %scan3A_257, %mul3A_258 : i32
        %get3A = arith.index_cast %mul3A_259 : i32 to index
        %get3A_260 = arith.constant 0 : index
        %get3A_261 = tpu.vector_load %arg11[%get3A, %get3A_260] {strides = array<i32>} : memref<128x128xf32, #tpu.memory_space<vmem>>, vector<1x16xf32>,
        %get3A_262 = vector.shape_cast %get3A_261 : vector<1x16xf32> to vector<16xf32>
        %get3A_263 = arith.index_cast %mul3A_259 : i32 to index
        %get3A_264 = arith.constant 16 : index
        %get3A_265 = tpu.vector_load %arg11[%get3A_263, %get3A_264] {strides = array<i32>} : memref<128x128xf32, #tpu.memory_space<vmem>>, vector<1x16xf32>,
        %get3A_266 = vector.shape_cast %get3A_265 : vector<1x16xf32> to vector<16xf32>
        %get3A_267 = arith.index_cast %mul3A_259 : i32 to index
        %get3A_268 = arith.constant 32 : index
        %get3A_269 = tpu.vector_load %arg11[%get3A_267, %get3A_268] {strides = array<i32>} : memref<128x128xf32, #tpu.memory_space<vmem>>, vector<1x16xf32>,
        %get3A_270 = vector.shape_cast %get3A_269 : vector<1x16xf32> to vector<16xf32>
        %get3A_271 = arith.index_cast %mul3A_259 : i32 to index
        %get3A_272 = arith.constant 48 : index
        %get3A_273 = tpu.vector_load %arg11[%get3A_271, %get3A_272] {strides = array<i32>} : memref<128x128xf32, #tpu.memory_space<vmem>>, vector<1x16xf32>,
        %get3A_274 = vector.shape_cast %get3A_273 : vector<1x16xf32> to vector<16xf32>
        %get3A_275 = arith.index_cast %mul3A_259 : i32 to index
        %get3A_276 = arith.constant 64 : index
        %get3A_277 = tpu.vector_load %arg11[%get3A_275, %get3A_276] {strides = array<i32>} : memref<128x128xf32, #tpu.memory_space<vmem>>, vector<1x16xf32>,
        %get3A_278 = vector.shape_cast %get3A_277 : vector<1x16xf32> to vector<16xf32>
        %get3A_279 = arith.index_cast %mul3A_259 : i32 to index
        %get3A_280 = arith.constant 80 : index
        %get3A_281 = tpu.vector_load %arg11[%get3A_279, %get3A_280] {strides = array<i32>} : memref<128x128xf32, #tpu.memory_space<vmem>>, vector<1x16xf32>,
        %get3A_282 = vector.shape_cast %get3A_281 : vector<1x16xf32> to vector<16xf32>
        %get3A_283 = arith.index_cast %mul3A_259 : i32 to index
        %get3A_284 = arith.constant 96 : index
        %get3A_285 = tpu.vector_load %arg11[%get3A_283, %get3A_284] {strides = array<i32>} : memref<128x128xf32, #tpu.memory_space<vmem>>, vector<1x16xf32>,
        %get3A_286 = vector.shape_cast %get3A_285 : vector<1x16xf32> to vector<16xf32>
        %get3A_287 = arith.index_cast %mul3A_259 : i32 to index
        %get3A_288 = arith.constant 112 : index
        %get3A_289 = tpu.vector_load %arg11[%get3A_287, %get3A_288] {strides = array<i32>} : memref<128x128xf32, #tpu.memory_space<vmem>>, vector<1x16xf32>,
        %get3A_290 = vector.shape_cast %get3A_289 : vector<1x16xf32> to vector<16xf32>
        %add3A_291 = arith.constant 1 : i32
        %add3A_292 = arith.addi %mul3A_259, %add3A_291 : i32
        %get3A_293 = arith.index_cast %add3A_292 : i32 to index
        %get3A_294 = arith.constant 0 : index
        %get3A_295 = tpu.vector_load %arg11[%get3A_293, %get3A_294] {strides = array<i32>} : memref<128x128xf32, #tpu.memory_space<vmem>>, vector<1x16xf32>,
        %get3A_296 = vector.shape_cast %get3A_295 : vector<1x16xf32> to vector<16xf32>
        %add3A_297 = arith.addf %get3A_262, %get3A_296 : vector<16xf32>
        %add3A_298 = arith.constant 1 : i32
        %add3A_299 = arith.addi %mul3A_259, %add3A_298 : i32
        %get3A_300 = arith.index_cast %add3A_299 : i32 to index
        %get3A_301 = arith.constant 16 : index
        %get3A_302 = tpu.vector_load %arg11[%get3A_300, %get3A_301] {strides = array<i32>} : memref<128x128xf32, #tpu.memory_space<vmem>>, vector<1x16xf32>,
        %get3A_303 = vector.shape_cast %get3A_302 : vector<1x16xf32> to vector<16xf32>
        %add3A_304 = arith.addf %get3A_266, %get3A_303 : vector<16xf32>
        %add3A_305 = arith.constant 1 : i32
        %add3A_306 = arith.addi %mul3A_259, %add3A_305 : i32
        %get3A_307 = arith.index_cast %add3A_306 : i32 to index
        %get3A_308 = arith.constant 32 : index
        %get3A_309 = tpu.vector_load %arg11[%get3A_307, %get3A_308] {strides = array<i32>} : memref<128x128xf32, #tpu.memory_space<vmem>>, vector<1x16xf32>,
        %get3A_310 = vector.shape_cast %get3A_309 : vector<1x16xf32> to vector<16xf32>
        %add3A_311 = arith.addf %get3A_270, %get3A_310 : vector<16xf32>
        %add3A_312 = arith.constant 1 : i32
        %add3A_313 = arith.addi %mul3A_259, %add3A_312 : i32
        %get3A_314 = arith.index_cast %add3A_313 : i32 to index
        %get3A_315 = arith.constant 48 : index
        %get3A_316 = tpu.vector_load %arg11[%get3A_314, %get3A_315] {strides = array<i32>} : memref<128x128xf32, #tpu.memory_space<vmem>>, vector<1x16xf32>,
        %get3A_317 = vector.shape_cast %get3A_316 : vector<1x16xf32> to vector<16xf32>
        %add3A_318 = arith.addf %get3A_274, %get3A_317 : vector<16xf32>
        %add3A_319 = arith.constant 1 : i32
        %add3A_320 = arith.addi %mul3A_259, %add3A_319 : i32
        %get3A_321 = arith.index_cast %add3A_320 : i32 to index
        %get3A_322 = arith.constant 64 : index
        %get3A_323 = tpu.vector_load %arg11[%get3A_321, %get3A_322] {strides = array<i32>} : memref<128x128xf32, #tpu.memory_space<vmem>>, vector<1x16xf32>,
        %get3A_324 = vector.shape_cast %get3A_323 : vector<1x16xf32> to vector<16xf32>
        %add3A_325 = arith.addf %get3A_278, %get3A_324 : vector<16xf32>
        %add3A_326 = arith.constant 1 : i32
        %add3A_327 = arith.addi %mul3A_259, %add3A_326 : i32
        %get3A_328 = arith.index_cast %add3A_327 : i32 to index
        %get3A_329 = arith.constant 80 : index
        %get3A_330 = tpu.vector_load %arg11[%get3A_328, %get3A_329] {strides = array<i32>} : memref<128x128xf32, #tpu.memory_space<vmem>>, vector<1x16xf32>,
        %get3A_331 = vector.shape_cast %get3A_330 : vector<1x16xf32> to vector<16xf32>
        %add3A_332 = arith.addf %get3A_282, %get3A_331 : vector<16xf32>
        %add3A_333 = arith.constant 1 : i32
        %add3A_334 = arith.addi %mul3A_259, %add3A_333 : i32
        %get3A_335 = arith.index_cast %add3A_334 : i32 to index
        %get3A_336 = arith.constant 96 : index
        %get3A_337 = tpu.vector_load %arg11[%get3A_335, %get3A_336] {strides = array<i32>} : memref<128x128xf32, #tpu.memory_space<vmem>>, vector<1x16xf32>,
        %get3A_338 = vector.shape_cast %get3A_337 : vector<1x16xf32> to vector<16xf32>
        %add3A_339 = arith.addf %get3A_286, %get3A_338 : vector<16xf32>
        %add3A_340 = arith.constant 1 : i32
        %add3A_341 = arith.addi %mul3A_259, %add3A_340 : i32
        %get3A_342 = arith.index_cast %add3A_341 : i32 to index
        %get3A_343 = arith.constant 112 : index
        %get3A_344 = tpu.vector_load %arg11[%get3A_342, %get3A_343] {strides = array<i32>} : memref<128x128xf32, #tpu.memory_space<vmem>>, vector<1x16xf32>,
        %get3A_345 = vector.shape_cast %get3A_344 : vector<1x16xf32> to vector<16xf32>
        %add3A_346 = arith.addf %get3A_290, %get3A_345 : vector<16xf32>
        %add3A_347 = arith.constant 2 : i32
        %add3A_348 = arith.addi %mul3A_259, %add3A_347 : i32
        %get3A_349 = arith.index_cast %add3A_348 : i32 to index
        %get3A_350 = arith.constant 0 : index
        %get3A_351 = tpu.vector_load %arg11[%get3A_349, %get3A_350] {strides = array<i32>} : memref<128x128xf32, #tpu.memory_space<vmem>>, vector<1x16xf32>,
        %get3A_352 = vector.shape_cast %get3A_351 : vector<1x16xf32> to vector<16xf32>
        %add3A_353 = arith.addf %add3A_297, %get3A_352 : vector<16xf32>
        %add3A_354 = arith.constant 2 : i32
        %add3A_355 = arith.addi %mul3A_259, %add3A_354 : i32
        %get3A_356 = arith.index_cast %add3A_355 : i32 to index
        %get3A_357 = arith.constant 16 : index
        %get3A_358 = tpu.vector_load %arg11[%get3A_356, %get3A_357] {strides = array<i32>} : memref<128x128xf32, #tpu.memory_space<vmem>>, vector<1x16xf32>,
        %get3A_359 = vector.shape_cast %get3A_358 : vector<1x16xf32> to vector<16xf32>
        %add3A_360 = arith.addf %add3A_304, %get3A_359 : vector<16xf32>
        %add3A_361 = arith.constant 2 : i32
        %add3A_362 = arith.addi %mul3A_259, %add3A_361 : i32
        %get3A_363 = arith.index_cast %add3A_362 : i32 to index
        %get3A_364 = arith.constant 32 : index
        %get3A_365 = tpu.vector_load %arg11[%get3A_363, %get3A_364] {strides = array<i32>} : memref<128x128xf32, #tpu.memory_space<vmem>>, vector<1x16xf32>,
        %get3A_366 = vector.shape_cast %get3A_365 : vector<1x16xf32> to vector<16xf32>
        %add3A_367 = arith.addf %add3A_311, %get3A_366 : vector<16xf32>
        %add3A_368 = arith.constant 2 : i32
        %add3A_369 = arith.addi %mul3A_259, %add3A_368 : i32
        %get3A_370 = arith.index_cast %add3A_369 : i32 to index
        %get3A_371 = arith.constant 48 : index
        %get3A_372 = tpu.vector_load %arg11[%get3A_370, %get3A_371] {strides = array<i32>} : memref<128x128xf32, #tpu.memory_space<vmem>>, vector<1x16xf32>,
        %get3A_373 = vector.shape_cast %get3A_372 : vector<1x16xf32> to vector<16xf32>
        %add3A_374 = arith.addf %add3A_318, %get3A_373 : vector<16xf32>
        %add3A_375 = arith.constant 2 : i32
        %add3A_376 = arith.addi %mul3A_259, %add3A_375 : i32
        %get3A_377 = arith.index_cast %add3A_376 : i32 to index
        %get3A_378 = arith.constant 64 : index
        %get3A_379 = tpu.vector_load %arg11[%get3A_377, %get3A_378] {strides = array<i32>} : memref<128x128xf32, #tpu.memory_space<vmem>>, vector<1x16xf32>,
        %get3A_380 = vector.shape_cast %get3A_379 : vector<1x16xf32> to vector<16xf32>
        %add3A_381 = arith.addf %add3A_325, %get3A_380 : vector<16xf32>
        %add3A_382 = arith.constant 2 : i32
        %add3A_383 = arith.addi %mul3A_259, %add3A_382 : i32
        %get3A_384 = arith.index_cast %add3A_383 : i32 to index
        %get3A_385 = arith.constant 80 : index
        %get3A_386 = tpu.vector_load %arg11[%get3A_384, %get3A_385] {strides = array<i32>} : memref<128x128xf32, #tpu.memory_space<vmem>>, vector<1x16xf32>,
        %get3A_387 = vector.shape_cast %get3A_386 : vector<1x16xf32> to vector<16xf32>
        %add3A_388 = arith.addf %add3A_332, %get3A_387 : vector<16xf32>
        %add3A_389 = arith.constant 2 : i32
        %add3A_390 = arith.addi %mul3A_259, %add3A_389 : i32
        %get3A_391 = arith.index_cast %add3A_390 : i32 to index
        %get3A_392 = arith.constant 96 : index
        %get3A_393 = tpu.vector_load %arg11[%get3A_391, %get3A_392] {strides = array<i32>} : memref<128x128xf32, #tpu.memory_space<vmem>>, vector<1x16xf32>,
        %get3A_394 = vector.shape_cast %get3A_393 : vector<1x16xf32> to vector<16xf32>
        %add3A_395 = arith.addf %add3A_339, %get3A_394 : vector<16xf32>
        %add3A_396 = arith.constant 2 : i32
        %add3A_397 = arith.addi %mul3A_259, %add3A_396 : i32
        %get3A_398 = arith.index_cast %add3A_397 : i32 to index
        %get3A_399 = arith.constant 112 : index
        %get3A_400 = tpu.vector_load %arg11[%get3A_398, %get3A_399] {strides = array<i32>} : memref<128x128xf32, #tpu.memory_space<vmem>>, vector<1x16xf32>,
        %get3A_401 = vector.shape_cast %get3A_400 : vector<1x16xf32> to vector<16xf32>
        %add3A_402 = arith.addf %add3A_346, %get3A_401 : vector<16xf32>
        %add3A_403 = arith.constant 3 : i32
        %add3A_404 = arith.addi %mul3A_259, %add3A_403 : i32
        %get3A_405 = arith.index_cast %add3A_404 : i32 to index
        %get3A_406 = arith.constant 0 : index
        %get3A_407 = tpu.vector_load %arg11[%get3A_405, %get3A_406] {strides = array<i32>} : memref<128x128xf32, #tpu.memory_space<vmem>>, vector<1x16xf32>,
        %get3A_408 = vector.shape_cast %get3A_407 : vector<1x16xf32> to vector<16xf32>
        %add3A_409 = arith.addf %add3A_353, %get3A_408 : vector<16xf32>
        %add3A_410 = arith.constant 3 : i32
        %add3A_411 = arith.addi %mul3A_259, %add3A_410 : i32
        %get3A_412 = arith.index_cast %add3A_411 : i32 to index
        %get3A_413 = arith.constant 16 : index
        %get3A_414 = tpu.vector_load %arg11[%get3A_412, %get3A_413] {strides = array<i32>} : memref<128x128xf32, #tpu.memory_space<vmem>>, vector<1x16xf32>,
        %get3A_415 = vector.shape_cast %get3A_414 : vector<1x16xf32> to vector<16xf32>
        %add3A_416 = arith.addf %add3A_360, %get3A_415 : vector<16xf32>
        %add3A_417 = arith.constant 3 : i32
        %add3A_418 = arith.addi %mul3A_259, %add3A_417 : i32
        %get3A_419 = arith.index_cast %add3A_418 : i32 to index
        %get3A_420 = arith.constant 32 : index
        %get3A_421 = tpu.vector_load %arg11[%get3A_419, %get3A_420] {strides = array<i32>} : memref<128x128xf32, #tpu.memory_space<vmem>>, vector<1x16xf32>,
        %get3A_422 = vector.shape_cast %get3A_421 : vector<1x16xf32> to vector<16xf32>
        %add3A_423 = arith.addf %add3A_367, %get3A_422 : vector<16xf32>
        %add3A_424 = arith.constant 3 : i32
        %add3A_425 = arith.addi %mul3A_259, %add3A_424 : i32
        %get3A_426 = arith.index_cast %add3A_425 : i32 to index
        %get3A_427 = arith.constant 48 : index
        %get3A_428 = tpu.vector_load %arg11[%get3A_426, %get3A_427] {strides = array<i32>} : memref<128x128xf32, #tpu.memory_space<vmem>>, vector<1x16xf32>,
        %get3A_429 = vector.shape_cast %get3A_428 : vector<1x16xf32> to vector<16xf32>
        %add3A_430 = arith.addf %add3A_374, %get3A_429 : vector<16xf32>
        %add3A_431 = arith.constant 3 : i32
        %add3A_432 = arith.addi %mul3A_259, %add3A_431 : i32
        %get3A_433 = arith.index_cast %add3A_432 : i32 to index
        %get3A_434 = arith.constant 64 : index
        %get3A_435 = tpu.vector_load %arg11[%get3A_433, %get3A_434] {strides = array<i32>} : memref<128x128xf32, #tpu.memory_space<vmem>>, vector<1x16xf32>,
        %get3A_436 = vector.shape_cast %get3A_435 : vector<1x16xf32> to vector<16xf32>
        %add3A_437 = arith.addf %add3A_381, %get3A_436 : vector<16xf32>
        %add3A_438 = arith.constant 3 : i32
        %add3A_439 = arith.addi %mul3A_259, %add3A_438 : i32
        %get3A_440 = arith.index_cast %add3A_439 : i32 to index
        %get3A_441 = arith.constant 80 : index
        %get3A_442 = tpu.vector_load %arg11[%get3A_440, %get3A_441] {strides = array<i32>} : memref<128x128xf32, #tpu.memory_space<vmem>>, vector<1x16xf32>,
        %get3A_443 = vector.shape_cast %get3A_442 : vector<1x16xf32> to vector<16xf32>
        %add3A_444 = arith.addf %add3A_388, %get3A_443 : vector<16xf32>
        %add3A_445 = arith.constant 3 : i32
        %add3A_446 = arith.addi %mul3A_259, %add3A_445 : i32
        %get3A_447 = arith.index_cast %add3A_446 : i32 to index
        %get3A_448 = arith.constant 96 : index
        %get3A_449 = tpu.vector_load %arg11[%get3A_447, %get3A_448] {strides = array<i32>} : memref<128x128xf32, #tpu.memory_space<vmem>>, vector<1x16xf32>,
        %get3A_450 = vector.shape_cast %get3A_449 : vector<1x16xf32> to vector<16xf32>
        %add3A_451 = arith.addf %add3A_395, %get3A_450 : vector<16xf32>
        %add3A_452 = arith.constant 3 : i32
        %add3A_453 = arith.addi %mul3A_259, %add3A_452 : i32
        %get3A_454 = arith.index_cast %add3A_453 : i32 to index
        %get3A_455 = arith.constant 112 : index
        %get3A_456 = tpu.vector_load %arg11[%get3A_454, %get3A_455] {strides = array<i32>} : memref<128x128xf32, #tpu.memory_space<vmem>>, vector<1x16xf32>,
        %get3A_457 = vector.shape_cast %get3A_456 : vector<1x16xf32> to vector<16xf32>
        %add3A_458 = arith.addf %add3A_402, %get3A_457 : vector<16xf32>
        %add3A_459 = arith.constant 4 : i32
        %add3A_460 = arith.addi %mul3A_259, %add3A_459 : i32
        %get3A_461 = arith.index_cast %add3A_460 : i32 to index
        %get3A_462 = arith.constant 0 : index
        %get3A_463 = tpu.vector_load %arg11[%get3A_461, %get3A_462] {strides = array<i32>} : memref<128x128xf32, #tpu.memory_space<vmem>>, vector<1x16xf32>,
        %get3A_464 = vector.shape_cast %get3A_463 : vector<1x16xf32> to vector<16xf32>
        %add3A_465 = arith.addf %add3A_409, %get3A_464 : vector<16xf32>
        %add3A_466 = arith.constant 4 : i32
        %add3A_467 = arith.addi %mul3A_259, %add3A_466 : i32
        %get3A_468 = arith.index_cast %add3A_467 : i32 to index
        %get3A_469 = arith.constant 16 : index
        %get3A_470 = tpu.vector_load %arg11[%get3A_468, %get3A_469] {strides = array<i32>} : memref<128x128xf32, #tpu.memory_space<vmem>>, vector<1x16xf32>,
        %get3A_471 = vector.shape_cast %get3A_470 : vector<1x16xf32> to vector<16xf32>
        %add3A_472 = arith.addf %add3A_416, %get3A_471 : vector<16xf32>
        %add3A_473 = arith.constant 4 : i32
        %add3A_474 = arith.addi %mul3A_259, %add3A_473 : i32
        %get3A_475 = arith.index_cast %add3A_474 : i32 to index
        %get3A_476 = arith.constant 32 : index
        %get3A_477 = tpu.vector_load %arg11[%get3A_475, %get3A_476] {strides = array<i32>} : memref<128x128xf32, #tpu.memory_space<vmem>>, vector<1x16xf32>,
        %get3A_478 = vector.shape_cast %get3A_477 : vector<1x16xf32> to vector<16xf32>
        %add3A_479 = arith.addf %add3A_423, %get3A_478 : vector<16xf32>
        %add3A_480 = arith.constant 4 : i32
        %add3A_481 = arith.addi %mul3A_259, %add3A_480 : i32
        %get3A_482 = arith.index_cast %add3A_481 : i32 to index
        %get3A_483 = arith.constant 48 : index
        %get3A_484 = tpu.vector_load %arg11[%get3A_482, %get3A_483] {strides = array<i32>} : memref<128x128xf32, #tpu.memory_space<vmem>>, vector<1x16xf32>,
        %get3A_485 = vector.shape_cast %get3A_484 : vector<1x16xf32> to vector<16xf32>
        %add3A_486 = arith.addf %add3A_430, %get3A_485 : vector<16xf32>
        %add3A_487 = arith.constant 4 : i32
        %add3A_488 = arith.addi %mul3A_259, %add3A_487 : i32
        %get3A_489 = arith.index_cast %add3A_488 : i32 to index
        %get3A_490 = arith.constant 64 : index
        %get3A_491 = tpu.vector_load %arg11[%get3A_489, %get3A_490] {strides = array<i32>} : memref<128x128xf32, #tpu.memory_space<vmem>>, vector<1x16xf32>,
        %get3A_492 = vector.shape_cast %get3A_491 : vector<1x16xf32> to vector<16xf32>
        %add3A_493 = arith.addf %add3A_437, %get3A_492 : vector<16xf32>
        %add3A_494 = arith.constant 4 : i32
        %add3A_495 = arith.addi %mul3A_259, %add3A_494 : i32
        %get3A_496 = arith.index_cast %add3A_495 : i32 to index
        %get3A_497 = arith.constant 80 : index
        %get3A_498 = tpu.vector_load %arg11[%get3A_496, %get3A_497] {strides = array<i32>} : memref<128x128xf32, #tpu.memory_space<vmem>>, vector<1x16xf32>,
        %get3A_499 = vector.shape_cast %get3A_498 : vector<1x16xf32> to vector<16xf32>
        %add3A_500 = arith.addf %add3A_444, %get3A_499 : vector<16xf32>
        %add3A_501 = arith.constant 4 : i32
        %add3A_502 = arith.addi %mul3A_259, %add3A_501 : i32
        %get3A_503 = arith.index_cast %add3A_502 : i32 to index
        %get3A_504 = arith.constant 96 : index
        %get3A_505 = tpu.vector_load %arg11[%get3A_503, %get3A_504] {strides = array<i32>} : memref<128x128xf32, #tpu.memory_space<vmem>>, vector<1x16xf32>,
        %get3A_506 = vector.shape_cast %get3A_505 : vector<1x16xf32> to vector<16xf32>
        %add3A_507 = arith.addf %add3A_451, %get3A_506 : vector<16xf32>
        %add3A_508 = arith.constant 4 : i32
        %add3A_509 = arith.addi %mul3A_259, %add3A_508 : i32
        %get3A_510 = arith.index_cast %add3A_509 : i32 to index
        %get3A_511 = arith.constant 112 : index
        %get3A_512 = tpu.vector_load %arg11[%get3A_510, %get3A_511] {strides = array<i32>} : memref<128x128xf32, #tpu.memory_space<vmem>>, vector<1x16xf32>,
        %get3A_513 = vector.shape_cast %get3A_512 : vector<1x16xf32> to vector<16xf32>
        %add3A_514 = arith.addf %add3A_458, %get3A_513 : vector<16xf32>
        %add3A_515 = arith.constant 5 : i32
        %add3A_516 = arith.addi %mul3A_259, %add3A_515 : i32
        %get3A_517 = arith.index_cast %add3A_516 : i32 to index
        %get3A_518 = arith.constant 0 : index
        %get3A_519 = tpu.vector_load %arg11[%get3A_517, %get3A_518] {strides = array<i32>} : memref<128x128xf32, #tpu.memory_space<vmem>>, vector<1x16xf32>,
        %get3A_520 = vector.shape_cast %get3A_519 : vector<1x16xf32> to vector<16xf32>
        %add3A_521 = arith.addf %add3A_465, %get3A_520 : vector<16xf32>
        %add3A_522 = arith.constant 5 : i32
        %add3A_523 = arith.addi %mul3A_259, %add3A_522 : i32
        %get3A_524 = arith.index_cast %add3A_523 : i32 to index
        %get3A_525 = arith.constant 16 : index
        %get3A_526 = tpu.vector_load %arg11[%get3A_524, %get3A_525] {strides = array<i32>} : memref<128x128xf32, #tpu.memory_space<vmem>>, vector<1x16xf32>,
        %get3A_527 = vector.shape_cast %get3A_526 : vector<1x16xf32> to vector<16xf32>
        %add3A_528 = arith.addf %add3A_472, %get3A_527 : vector<16xf32>
        %add3A_529 = arith.constant 5 : i32
        %add3A_530 = arith.addi %mul3A_259, %add3A_529 : i32
        %get3A_531 = arith.index_cast %add3A_530 : i32 to index
        %get3A_532 = arith.constant 32 : index
        %get3A_533 = tpu.vector_load %arg11[%get3A_531, %get3A_532] {strides = array<i32>} : memref<128x128xf32, #tpu.memory_space<vmem>>, vector<1x16xf32>,
        %get3A_534 = vector.shape_cast %get3A_533 : vector<1x16xf32> to vector<16xf32>
        %add3A_535 = arith.addf %add3A_479, %get3A_534 : vector<16xf32>
        %add3A_536 = arith.constant 5 : i32
        %add3A_537 = arith.addi %mul3A_259, %add3A_536 : i32
        %get3A_538 = arith.index_cast %add3A_537 : i32 to index
        %get3A_539 = arith.constant 48 : index
        %get3A_540 = tpu.vector_load %arg11[%get3A_538, %get3A_539] {strides = array<i32>} : memref<128x128xf32, #tpu.memory_space<vmem>>, vector<1x16xf32>,
        %get3A_541 = vector.shape_cast %get3A_540 : vector<1x16xf32> to vector<16xf32>
        %add3A_542 = arith.addf %add3A_486, %get3A_541 : vector<16xf32>
        %add3A_543 = arith.constant 5 : i32
        %add3A_544 = arith.addi %mul3A_259, %add3A_543 : i32
        %get3A_545 = arith.index_cast %add3A_544 : i32 to index
        %get3A_546 = arith.constant 64 : index
        %get3A_547 = tpu.vector_load %arg11[%get3A_545, %get3A_546] {strides = array<i32>} : memref<128x128xf32, #tpu.memory_space<vmem>>, vector<1x16xf32>,
        %get3A_548 = vector.shape_cast %get3A_547 : vector<1x16xf32> to vector<16xf32>
        %add3A_549 = arith.addf %add3A_493, %get3A_548 : vector<16xf32>
        %add3A_550 = arith.constant 5 : i32
        %add3A_551 = arith.addi %mul3A_259, %add3A_550 : i32
        %get3A_552 = arith.index_cast %add3A_551 : i32 to index
        %get3A_553 = arith.constant 80 : index
        %get3A_554 = tpu.vector_load %arg11[%get3A_552, %get3A_553] {strides = array<i32>} : memref<128x128xf32, #tpu.memory_space<vmem>>, vector<1x16xf32>,
        %get3A_555 = vector.shape_cast %get3A_554 : vector<1x16xf32> to vector<16xf32>
        %add3A_556 = arith.addf %add3A_500, %get3A_555 : vector<16xf32>
        %add3A_557 = arith.constant 5 : i32
        %add3A_558 = arith.addi %mul3A_259, %add3A_557 : i32
        %get3A_559 = arith.index_cast %add3A_558 : i32 to index
        %get3A_560 = arith.constant 96 : index
        %get3A_561 = tpu.vector_load %arg11[%get3A_559, %get3A_560] {strides = array<i32>} : memref<128x128xf32, #tpu.memory_space<vmem>>, vector<1x16xf32>,
        %get3A_562 = vector.shape_cast %get3A_561 : vector<1x16xf32> to vector<16xf32>
        %add3A_563 = arith.addf %add3A_507, %get3A_562 : vector<16xf32>
        %add3A_564 = arith.constant 5 : i32
        %add3A_565 = arith.addi %mul3A_259, %add3A_564 : i32
        %get3A_566 = arith.index_cast %add3A_565 : i32 to index
        %get3A_567 = arith.constant 112 : index
        %get3A_568 = tpu.vector_load %arg11[%get3A_566, %get3A_567] {strides = array<i32>} : memref<128x128xf32, #tpu.memory_space<vmem>>, vector<1x16xf32>,
        %get3A_569 = vector.shape_cast %get3A_568 : vector<1x16xf32> to vector<16xf32>
        %add3A_570 = arith.addf %add3A_514, %get3A_569 : vector<16xf32>
        %add3A_571 = arith.constant 6 : i32
        %add3A_572 = arith.addi %mul3A_259, %add3A_571 : i32
        %get3A_573 = arith.index_cast %add3A_572 : i32 to index
        %get3A_574 = arith.constant 0 : index
        %get3A_575 = tpu.vector_load %arg11[%get3A_573, %get3A_574] {strides = array<i32>} : memref<128x128xf32, #tpu.memory_space<vmem>>, vector<1x16xf32>,
        %get3A_576 = vector.shape_cast %get3A_575 : vector<1x16xf32> to vector<16xf32>
        %add3A_577 = arith.addf %add3A_521, %get3A_576 : vector<16xf32>
        %add3A_578 = arith.constant 6 : i32
        %add3A_579 = arith.addi %mul3A_259, %add3A_578 : i32
        %get3A_580 = arith.index_cast %add3A_579 : i32 to index
        %get3A_581 = arith.constant 16 : index
        %get3A_582 = tpu.vector_load %arg11[%get3A_580, %get3A_581] {strides = array<i32>} : memref<128x128xf32, #tpu.memory_space<vmem>>, vector<1x16xf32>,
        %get3A_583 = vector.shape_cast %get3A_582 : vector<1x16xf32> to vector<16xf32>
        %add3A_584 = arith.addf %add3A_528, %get3A_583 : vector<16xf32>
        %add3A_585 = arith.constant 6 : i32
        %add3A_586 = arith.addi %mul3A_259, %add3A_585 : i32
        %get3A_587 = arith.index_cast %add3A_586 : i32 to index
        %get3A_588 = arith.constant 32 : index
        %get3A_589 = tpu.vector_load %arg11[%get3A_587, %get3A_588] {strides = array<i32>} : memref<128x128xf32, #tpu.memory_space<vmem>>, vector<1x16xf32>,
        %get3A_590 = vector.shape_cast %get3A_589 : vector<1x16xf32> to vector<16xf32>
        %add3A_591 = arith.addf %add3A_535, %get3A_590 : vector<16xf32>
        %add3A_592 = arith.constant 6 : i32
        %add3A_593 = arith.addi %mul3A_259, %add3A_592 : i32
        %get3A_594 = arith.index_cast %add3A_593 : i32 to index
        %get3A_595 = arith.constant 48 : index
        %get3A_596 = tpu.vector_load %arg11[%get3A_594, %get3A_595] {strides = array<i32>} : memref<128x128xf32, #tpu.memory_space<vmem>>, vector<1x16xf32>,
        %get3A_597 = vector.shape_cast %get3A_596 : vector<1x16xf32> to vector<16xf32>
        %add3A_598 = arith.addf %add3A_542, %get3A_597 : vector<16xf32>
        %add3A_599 = arith.constant 6 : i32
        %add3A_600 = arith.addi %mul3A_259, %add3A_599 : i32
        %get3A_601 = arith.index_cast %add3A_600 : i32 to index
        %get3A_602 = arith.constant 64 : index
        %get3A_603 = tpu.vector_load %arg11[%get3A_601, %get3A_602] {strides = array<i32>} : memref<128x128xf32, #tpu.memory_space<vmem>>, vector<1x16xf32>,
        %get3A_604 = vector.shape_cast %get3A_603 : vector<1x16xf32> to vector<16xf32>
        %add3A_605 = arith.addf %add3A_549, %get3A_604 : vector<16xf32>
        %add3A_606 = arith.constant 6 : i32
        %add3A_607 = arith.addi %mul3A_259, %add3A_606 : i32
        %get3A_608 = arith.index_cast %add3A_607 : i32 to index
        %get3A_609 = arith.constant 80 : index
        %get3A_610 = tpu.vector_load %arg11[%get3A_608, %get3A_609] {strides = array<i32>} : memref<128x128xf32, #tpu.memory_space<vmem>>, vector<1x16xf32>,
        %get3A_611 = vector.shape_cast %get3A_610 : vector<1x16xf32> to vector<16xf32>
        %add3A_612 = arith.addf %add3A_556, %get3A_611 : vector<16xf32>
        %add3A_613 = arith.constant 6 : i32
        %add3A_614 = arith.addi %mul3A_259, %add3A_613 : i32
        %get3A_615 = arith.index_cast %add3A_614 : i32 to index
        %get3A_616 = arith.constant 96 : index
        %get3A_617 = tpu.vector_load %arg11[%get3A_615, %get3A_616] {strides = array<i32>} : memref<128x128xf32, #tpu.memory_space<vmem>>, vector<1x16xf32>,
        %get3A_618 = vector.shape_cast %get3A_617 : vector<1x16xf32> to vector<16xf32>
        %add3A_619 = arith.addf %add3A_563, %get3A_618 : vector<16xf32>
        %add3A_620 = arith.constant 6 : i32
        %add3A_621 = arith.addi %mul3A_259, %add3A_620 : i32
        %get3A_622 = arith.index_cast %add3A_621 : i32 to index
        %get3A_623 = arith.constant 112 : index
        %get3A_624 = tpu.vector_load %arg11[%get3A_622, %get3A_623] {strides = array<i32>} : memref<128x128xf32, #tpu.memory_space<vmem>>, vector<1x16xf32>,
        %get3A_625 = vector.shape_cast %get3A_624 : vector<1x16xf32> to vector<16xf32>
        %add3A_626 = arith.addf %add3A_570, %get3A_625 : vector<16xf32>
        %add3A_627 = arith.constant 7 : i32
        %add3A_628 = arith.addi %mul3A_259, %add3A_627 : i32
        %get3A_629 = arith.index_cast %add3A_628 : i32 to index
        %get3A_630 = arith.constant 0 : index
        %get3A_631 = tpu.vector_load %arg11[%get3A_629, %get3A_630] {strides = array<i32>} : memref<128x128xf32, #tpu.memory_space<vmem>>, vector<1x16xf32>,
        %get3A_632 = vector.shape_cast %get3A_631 : vector<1x16xf32> to vector<16xf32>
        %add3A_633 = arith.addf %add3A_577, %get3A_632 : vector<16xf32>
        %add3A_634 = arith.constant 7 : i32
        %add3A_635 = arith.addi %mul3A_259, %add3A_634 : i32
        %get3A_636 = arith.index_cast %add3A_635 : i32 to index
        %get3A_637 = arith.constant 16 : index
        %get3A_638 = tpu.vector_load %arg11[%get3A_636, %get3A_637] {strides = array<i32>} : memref<128x128xf32, #tpu.memory_space<vmem>>, vector<1x16xf32>,
        %get3A_639 = vector.shape_cast %get3A_638 : vector<1x16xf32> to vector<16xf32>
        %add3A_640 = arith.addf %add3A_584, %get3A_639 : vector<16xf32>
        %add3A_641 = arith.constant 7 : i32
        %add3A_642 = arith.addi %mul3A_259, %add3A_641 : i32
        %get3A_643 = arith.index_cast %add3A_642 : i32 to index
        %get3A_644 = arith.constant 32 : index
        %get3A_645 = tpu.vector_load %arg11[%get3A_643, %get3A_644] {strides = array<i32>} : memref<128x128xf32, #tpu.memory_space<vmem>>, vector<1x16xf32>,
        %get3A_646 = vector.shape_cast %get3A_645 : vector<1x16xf32> to vector<16xf32>
        %add3A_647 = arith.addf %add3A_591, %get3A_646 : vector<16xf32>
        %add3A_648 = arith.constant 7 : i32
        %add3A_649 = arith.addi %mul3A_259, %add3A_648 : i32
        %get3A_650 = arith.index_cast %add3A_649 : i32 to index
        %get3A_651 = arith.constant 48 : index
        %get3A_652 = tpu.vector_load %arg11[%get3A_650, %get3A_651] {strides = array<i32>} : memref<128x128xf32, #tpu.memory_space<vmem>>, vector<1x16xf32>,
        %get3A_653 = vector.shape_cast %get3A_652 : vector<1x16xf32> to vector<16xf32>
        %add3A_654 = arith.addf %add3A_598, %get3A_653 : vector<16xf32>
        %add3A_655 = arith.constant 7 : i32
        %add3A_656 = arith.addi %mul3A_259, %add3A_655 : i32
        %get3A_657 = arith.index_cast %add3A_656 : i32 to index
        %get3A_658 = arith.constant 64 : index
        %get3A_659 = tpu.vector_load %arg11[%get3A_657, %get3A_658] {strides = array<i32>} : memref<128x128xf32, #tpu.memory_space<vmem>>, vector<1x16xf32>,
        %get3A_660 = vector.shape_cast %get3A_659 : vector<1x16xf32> to vector<16xf32>
        %add3A_661 = arith.addf %add3A_605, %get3A_660 : vector<16xf32>
        %add3A_662 = arith.constant 7 : i32
        %add3A_663 = arith.addi %mul3A_259, %add3A_662 : i32
        %get3A_664 = arith.index_cast %add3A_663 : i32 to index
        %get3A_665 = arith.constant 80 : index
        %get3A_666 = tpu.vector_load %arg11[%get3A_664, %get3A_665] {strides = array<i32>} : memref<128x128xf32, #tpu.memory_space<vmem>>, vector<1x16xf32>,
        %get3A_667 = vector.shape_cast %get3A_666 : vector<1x16xf32> to vector<16xf32>
        %add3A_668 = arith.addf %add3A_612, %get3A_667 : vector<16xf32>
        %add3A_669 = arith.constant 7 : i32
        %add3A_670 = arith.addi %mul3A_259, %add3A_669 : i32
        %get3A_671 = arith.index_cast %add3A_670 : i32 to index
        %get3A_672 = arith.constant 96 : index
        %get3A_673 = tpu.vector_load %arg11[%get3A_671, %get3A_672] {strides = array<i32>} : memref<128x128xf32, #tpu.memory_space<vmem>>, vector<1x16xf32>,
        %get3A_674 = vector.shape_cast %get3A_673 : vector<1x16xf32> to vector<16xf32>
        %add3A_675 = arith.addf %add3A_619, %get3A_674 : vector<16xf32>
        %add3A_676 = arith.constant 7 : i32
        %add3A_677 = arith.addi %mul3A_259, %add3A_676 : i32
        %get3A_678 = arith.index_cast %add3A_677 : i32 to index
        %get3A_679 = arith.constant 112 : index
        %get3A_680 = tpu.vector_load %arg11[%get3A_678, %get3A_679] {strides = array<i32>} : memref<128x128xf32, #tpu.memory_space<vmem>>, vector<1x16xf32>,
        %get3A_681 = vector.shape_cast %get3A_680 : vector<1x16xf32> to vector<16xf32>
        %add3A_682 = arith.addf %add3A_626, %get3A_681 : vector<16xf32>
        %scan3A_683 = arith.constant 1 : i32
        %scan3A_684 = arith.constant 3 : i32
        %scan3A_685 = arith.addi %scan3A_683, %scan3A_684 : i32
        %scan3A_686 = arith.constant 1 : i32
        %scan3A_687:8 = scf.for %scan3A_728 = %scan3A_683 to %scan3A_685 step %scan3A_686 iter_args(%scan3A_729 = %add3A_633, %scan3A_730 = %add3A_640, %scan3A_731 = %add3A_647, %scan3A_732 = %add3A_654, %scan3A_733 = %add3A_661, %scan3A_734 = %add3A_668, %scan3A_735 = %add3A_675, %scan3A_736 = %add3A_682) -> (vector<16xf32>, vector<16xf32>, vector<16xf32>, vector<16xf32>, vector<16xf32>, vector<16xf32>, vector<16xf32>, vector<16xf32>)  : i32 {
          %mul3A_737 = arith.constant 8 : i32
          %mul3A_738 = arith.muli %scan3A_728, %mul3A_737 : i32
          %add3A_739 = arith.addi %mul3A_259, %mul3A_738 : i32
          %add3A_740 = arith.constant 0 : i32
          %add3A_741 = arith.addi %add3A_739, %add3A_740 : i32
          %get3A_742 = arith.index_cast %add3A_741 : i32 to index
          %get3A_743 = arith.constant 0 : index
          %get3A_744 = tpu.vector_load %arg11[%get3A_742, %get3A_743] {strides = array<i32>} : memref<128x128xf32, #tpu.memory_space<vmem>>, vector<1x16xf32>,
          %get3A_745 = vector.shape_cast %get3A_744 : vector<1x16xf32> to vector<16xf32>
          %add3A_746 = arith.addf %scan3A_729, %get3A_745 : vector<16xf32>
          %mul3A_747 = arith.constant 8 : i32
          %mul3A_748 = arith.muli %scan3A_728, %mul3A_747 : i32
          %add3A_749 = arith.addi %mul3A_259, %mul3A_748 : i32
          %add3A_750 = arith.constant 0 : i32
          %add3A_751 = arith.addi %add3A_749, %add3A_750 : i32
          %get3A_752 = arith.index_cast %add3A_751 : i32 to index
          %get3A_753 = arith.constant 16 : index
          %get3A_754 = tpu.vector_load %arg11[%get3A_752, %get3A_753] {strides = array<i32>} : memref<128x128xf32, #tpu.memory_space<vmem>>, vector<1x16xf32>,
          %get3A_755 = vector.shape_cast %get3A_754 : vector<1x16xf32> to vector<16xf32>
          %add3A_756 = arith.addf %scan3A_730, %get3A_755 : vector<16xf32>
          %mul3A_757 = arith.constant 8 : i32
          %mul3A_758 = arith.muli %scan3A_728, %mul3A_757 : i32
          %add3A_759 = arith.addi %mul3A_259, %mul3A_758 : i32
          %add3A_760 = arith.constant 0 : i32
          %add3A_761 = arith.addi %add3A_759, %add3A_760 : i32
          %get3A_762 = arith.index_cast %add3A_761 : i32 to index
          %get3A_763 = arith.constant 32 : index
          %get3A_764 = tpu.vector_load %arg11[%get3A_762, %get3A_763] {strides = array<i32>} : memref<128x128xf32, #tpu.memory_space<vmem>>, vector<1x16xf32>,
          %get3A_765 = vector.shape_cast %get3A_764 : vector<1x16xf32> to vector<16xf32>
          %add3A_766 = arith.addf %scan3A_731, %get3A_765 : vector<16xf32>
          %mul3A_767 = arith.constant 8 : i32
          %mul3A_768 = arith.muli %scan3A_728, %mul3A_767 : i32
          %add3A_769 = arith.addi %mul3A_259, %mul3A_768 : i32
          %add3A_770 = arith.constant 0 : i32
          %add3A_771 = arith.addi %add3A_769, %add3A_770 : i32
          %get3A_772 = arith.index_cast %add3A_771 : i32 to index
          %get3A_773 = arith.constant 48 : index
          %get3A_774 = tpu.vector_load %arg11[%get3A_772, %get3A_773] {strides = array<i32>} : memref<128x128xf32, #tpu.memory_space<vmem>>, vector<1x16xf32>,
          %get3A_775 = vector.shape_cast %get3A_774 : vector<1x16xf32> to vector<16xf32>
          %add3A_776 = arith.addf %scan3A_732, %get3A_775 : vector<16xf32>
          %mul3A_777 = arith.constant 8 : i32
          %mul3A_778 = arith.muli %scan3A_728, %mul3A_777 : i32
          %add3A_779 = arith.addi %mul3A_259, %mul3A_778 : i32
          %add3A_780 = arith.constant 0 : i32
          %add3A_781 = arith.addi %add3A_779, %add3A_780 : i32
          %get3A_782 = arith.index_cast %add3A_781 : i32 to index
          %get3A_783 = arith.constant 64 : index
          %get3A_784 = tpu.vector_load %arg11[%get3A_782, %get3A_783] {strides = array<i32>} : memref<128x128xf32, #tpu.memory_space<vmem>>, vector<1x16xf32>,
          %get3A_785 = vector.shape_cast %get3A_784 : vector<1x16xf32> to vector<16xf32>
          %add3A_786 = arith.addf %scan3A_733, %get3A_785 : vector<16xf32>
          %mul3A_787 = arith.constant 8 : i32
          %mul3A_788 = arith.muli %scan3A_728, %mul3A_787 : i32
          %add3A_789 = arith.addi %mul3A_259, %mul3A_788 : i32
          %add3A_790 = arith.constant 0 : i32
          %add3A_791 = arith.addi %add3A_789, %add3A_790 : i32
          %get3A_792 = arith.index_cast %add3A_791 : i32 to index
          %get3A_793 = arith.constant 80 : index
          %get3A_794 = tpu.vector_load %arg11[%get3A_792, %get3A_793] {strides = array<i32>} : memref<128x128xf32, #tpu.memory_space<vmem>>, vector<1x16xf32>,
          %get3A_795 = vector.shape_cast %get3A_794 : vector<1x16xf32> to vector<16xf32>
          %add3A_796 = arith.addf %scan3A_734, %get3A_795 : vector<16xf32>
          %mul3A_797 = arith.constant 8 : i32
          %mul3A_798 = arith.muli %scan3A_728, %mul3A_797 : i32
          %add3A_799 = arith.addi %mul3A_259, %mul3A_798 : i32
          %add3A_800 = arith.constant 0 : i32
          %add3A_801 = arith.addi %add3A_799, %add3A_800 : i32
          %get3A_802 = arith.index_cast %add3A_801 : i32 to index
          %get3A_803 = arith.constant 96 : index
          %get3A_804 = tpu.vector_load %arg11[%get3A_802, %get3A_803] {strides = array<i32>} : memref<128x128xf32, #tpu.memory_space<vmem>>, vector<1x16xf32>,
          %get3A_805 = vector.shape_cast %get3A_804 : vector<1x16xf32> to vector<16xf32>
          %add3A_806 = arith.addf %scan3A_735, %get3A_805 : vector<16xf32>
          %mul3A_807 = arith.constant 8 : i32
          %mul3A_808 = arith.muli %scan3A_728, %mul3A_807 : i32
          %add3A_809 = arith.addi %mul3A_259, %mul3A_808 : i32
          %add3A_810 = arith.constant 0 : i32
          %add3A_811 = arith.addi %add3A_809, %add3A_810 : i32
          %get3A_812 = arith.index_cast %add3A_811 : i32 to index
          %get3A_813 = arith.constant 112 : index
          %get3A_814 = tpu.vector_load %arg11[%get3A_812, %get3A_813] {strides = array<i32>} : memref<128x128xf32, #tpu.memory_space<vmem>>, vector<1x16xf32>,
          %get3A_815 = vector.shape_cast %get3A_814 : vector<1x16xf32> to vector<16xf32>
          %add3A_816 = arith.addf %scan3A_736, %get3A_815 : vector<16xf32>
          %mul3A_817 = arith.constant 8 : i32
          %mul3A_818 = arith.muli %scan3A_728, %mul3A_817 : i32
          %add3A_819 = arith.addi %mul3A_259, %mul3A_818 : i32
          %add3A_820 = arith.constant 1 : i32
          %add3A_821 = arith.addi %add3A_819, %add3A_820 : i32
          %get3A_822 = arith.index_cast %add3A_821 : i32 to index
          %get3A_823 = arith.constant 0 : index
          %get3A_824 = tpu.vector_load %arg11[%get3A_822, %get3A_823] {strides = array<i32>} : memref<128x128xf32, #tpu.memory_space<vmem>>, vector<1x16xf32>,
          %get3A_825 = vector.shape_cast %get3A_824 : vector<1x16xf32> to vector<16xf32>
          %add3A_826 = arith.addf %add3A_746, %get3A_825 : vector<16xf32>
          %mul3A_827 = arith.constant 8 : i32
          %mul3A_828 = arith.muli %scan3A_728, %mul3A_827 : i32
          %add3A_829 = arith.addi %mul3A_259, %mul3A_828 : i32
          %add3A_830 = arith.constant 1 : i32
          %add3A_831 = arith.addi %add3A_829, %add3A_830 : i32
          %get3A_832 = arith.index_cast %add3A_831 : i32 to index
          %get3A_833 = arith.constant 16 : index
          %get3A_834 = tpu.vector_load %arg11[%get3A_832, %get3A_833] {strides = array<i32>} : memref<128x128xf32, #tpu.memory_space<vmem>>, vector<1x16xf32>,
          %get3A_835 = vector.shape_cast %get3A_834 : vector<1x16xf32> to vector<16xf32>
          %add3A_836 = arith.addf %add3A_756, %get3A_835 : vector<16xf32>
          %mul3A_837 = arith.constant 8 : i32
          %mul3A_838 = arith.muli %scan3A_728, %mul3A_837 : i32
          %add3A_839 = arith.addi %mul3A_259, %mul3A_838 : i32
          %add3A_840 = arith.constant 1 : i32
          %add3A_841 = arith.addi %add3A_839, %add3A_840 : i32
          %get3A_842 = arith.index_cast %add3A_841 : i32 to index
          %get3A_843 = arith.constant 32 : index
          %get3A_844 = tpu.vector_load %arg11[%get3A_842, %get3A_843] {strides = array<i32>} : memref<128x128xf32, #tpu.memory_space<vmem>>, vector<1x16xf32>,
          %get3A_845 = vector.shape_cast %get3A_844 : vector<1x16xf32> to vector<16xf32>
          %add3A_846 = arith.addf %add3A_766, %get3A_845 : vector<16xf32>
          %mul3A_847 = arith.constant 8 : i32
          %mul3A_848 = arith.muli %scan3A_728, %mul3A_847 : i32
          %add3A_849 = arith.addi %mul3A_259, %mul3A_848 : i32
          %add3A_850 = arith.constant 1 : i32
          %add3A_851 = arith.addi %add3A_849, %add3A_850 : i32
          %get3A_852 = arith.index_cast %add3A_851 : i32 to index
          %get3A_853 = arith.constant 48 : index
          %get3A_854 = tpu.vector_load %arg11[%get3A_852, %get3A_853] {strides = array<i32>} : memref<128x128xf32, #tpu.memory_space<vmem>>, vector<1x16xf32>,
          %get3A_855 = vector.shape_cast %get3A_854 : vector<1x16xf32> to vector<16xf32>
          %add3A_856 = arith.addf %add3A_776, %get3A_855 : vector<16xf32>
          %mul3A_857 = arith.constant 8 : i32
          %mul3A_858 = arith.muli %scan3A_728, %mul3A_857 : i32
          %add3A_859 = arith.addi %mul3A_259, %mul3A_858 : i32
          %add3A_860 = arith.constant 1 : i32
          %add3A_861 = arith.addi %add3A_859, %add3A_860 : i32
          %get3A_862 = arith.index_cast %add3A_861 : i32 to index
          %get3A_863 = arith.constant 64 : index
          %get3A_864 = tpu.vector_load %arg11[%get3A_862, %get3A_863] {strides = array<i32>} : memref<128x128xf32, #tpu.memory_space<vmem>>, vector<1x16xf32>,
          %get3A_865 = vector.shape_cast %get3A_864 : vector<1x16xf32> to vector<16xf32>
          %add3A_866 = arith.addf %add3A_786, %get3A_865 : vector<16xf32>
          %mul3A_867 = arith.constant 8 : i32
          %mul3A_868 = arith.muli %scan3A_728, %mul3A_867 : i32
          %add3A_869 = arith.addi %mul3A_259, %mul3A_868 : i32
          %add3A_870 = arith.constant 1 : i32
          %add3A_871 = arith.addi %add3A_869, %add3A_870 : i32
          %get3A_872 = arith.index_cast %add3A_871 : i32 to index
          %get3A_873 = arith.constant 80 : index
          %get3A_874 = tpu.vector_load %arg11[%get3A_872, %get3A_873] {strides = array<i32>} : memref<128x128xf32, #tpu.memory_space<vmem>>, vector<1x16xf32>,
          %get3A_875 = vector.shape_cast %get3A_874 : vector<1x16xf32> to vector<16xf32>
          %add3A_876 = arith.addf %add3A_796, %get3A_875 : vector<16xf32>
          %mul3A_877 = arith.constant 8 : i32
          %mul3A_878 = arith.muli %scan3A_728, %mul3A_877 : i32
          %add3A_879 = arith.addi %mul3A_259, %mul3A_878 : i32
          %add3A_880 = arith.constant 1 : i32
          %add3A_881 = arith.addi %add3A_879, %add3A_880 : i32
          %get3A_882 = arith.index_cast %add3A_881 : i32 to index
          %get3A_883 = arith.constant 96 : index
          %get3A_884 = tpu.vector_load %arg11[%get3A_882, %get3A_883] {strides = array<i32>} : memref<128x128xf32, #tpu.memory_space<vmem>>, vector<1x16xf32>,
          %get3A_885 = vector.shape_cast %get3A_884 : vector<1x16xf32> to vector<16xf32>
          %add3A_886 = arith.addf %add3A_806, %get3A_885 : vector<16xf32>
          %mul3A_887 = arith.constant 8 : i32
          %mul3A_888 = arith.muli %scan3A_728, %mul3A_887 : i32
          %add3A_889 = arith.addi %mul3A_259, %mul3A_888 : i32
          %add3A_890 = arith.constant 1 : i32
          %add3A_891 = arith.addi %add3A_889, %add3A_890 : i32
          %get3A_892 = arith.index_cast %add3A_891 : i32 to index
          %get3A_893 = arith.constant 112 : index
          %get3A_894 = tpu.vector_load %arg11[%get3A_892, %get3A_893] {strides = array<i32>} : memref<128x128xf32, #tpu.memory_space<vmem>>, vector<1x16xf32>,
          %get3A_895 = vector.shape_cast %get3A_894 : vector<1x16xf32> to vector<16xf32>
          %add3A_896 = arith.addf %add3A_816, %get3A_895 : vector<16xf32>
          %mul3A_897 = arith.constant 8 : i32
          %mul3A_898 = arith.muli %scan3A_728, %mul3A_897 : i32
          %add3A_899 = arith.addi %mul3A_259, %mul3A_898 : i32
          %add3A_900 = arith.constant 2 : i32
          %add3A_901 = arith.addi %add3A_899, %add3A_900 : i32
          %get3A_902 = arith.index_cast %add3A_901 : i32 to index
          %get3A_903 = arith.constant 0 : index
          %get3A_904 = tpu.vector_load %arg11[%get3A_902, %get3A_903] {strides = array<i32>} : memref<128x128xf32, #tpu.memory_space<vmem>>, vector<1x16xf32>,
          %get3A_905 = vector.shape_cast %get3A_904 : vector<1x16xf32> to vector<16xf32>
          %add3A_906 = arith.addf %add3A_826, %get3A_905 : vector<16xf32>
          %mul3A_907 = arith.constant 8 : i32
          %mul3A_908 = arith.muli %scan3A_728, %mul3A_907 : i32
          %add3A_909 = arith.addi %mul3A_259, %mul3A_908 : i32
          %add3A_910 = arith.constant 2 : i32
          %add3A_911 = arith.addi %add3A_909, %add3A_910 : i32
          %get3A_912 = arith.index_cast %add3A_911 : i32 to index
          %get3A_913 = arith.constant 16 : index
          %get3A_914 = tpu.vector_load %arg11[%get3A_912, %get3A_913] {strides = array<i32>} : memref<128x128xf32, #tpu.memory_space<vmem>>, vector<1x16xf32>,
          %get3A_915 = vector.shape_cast %get3A_914 : vector<1x16xf32> to vector<16xf32>
          %add3A_916 = arith.addf %add3A_836, %get3A_915 : vector<16xf32>
          %mul3A_917 = arith.constant 8 : i32
          %mul3A_918 = arith.muli %scan3A_728, %mul3A_917 : i32
          %add3A_919 = arith.addi %mul3A_259, %mul3A_918 : i32
          %add3A_920 = arith.constant 2 : i32
          %add3A_921 = arith.addi %add3A_919, %add3A_920 : i32
          %get3A_922 = arith.index_cast %add3A_921 : i32 to index
          %get3A_923 = arith.constant 32 : index
          %get3A_924 = tpu.vector_load %arg11[%get3A_922, %get3A_923] {strides = array<i32>} : memref<128x128xf32, #tpu.memory_space<vmem>>, vector<1x16xf32>,
          %get3A_925 = vector.shape_cast %get3A_924 : vector<1x16xf32> to vector<16xf32>
          %add3A_926 = arith.addf %add3A_846, %get3A_925 : vector<16xf32>
          %mul3A_927 = arith.constant 8 : i32
          %mul3A_928 = arith.muli %scan3A_728, %mul3A_927 : i32
          %add3A_929 = arith.addi %mul3A_259, %mul3A_928 : i32
          %add3A_930 = arith.constant 2 : i32
          %add3A_931 = arith.addi %add3A_929, %add3A_930 : i32
          %get3A_932 = arith.index_cast %add3A_931 : i32 to index
          %get3A_933 = arith.constant 48 : index
          %get3A_934 = tpu.vector_load %arg11[%get3A_932, %get3A_933] {strides = array<i32>} : memref<128x128xf32, #tpu.memory_space<vmem>>, vector<1x16xf32>,
          %get3A_935 = vector.shape_cast %get3A_934 : vector<1x16xf32> to vector<16xf32>
          %add3A_936 = arith.addf %add3A_856, %get3A_935 : vector<16xf32>
          %mul3A_937 = arith.constant 8 : i32
          %mul3A_938 = arith.muli %scan3A_728, %mul3A_937 : i32
          %add3A_939 = arith.addi %mul3A_259, %mul3A_938 : i32
          %add3A_940 = arith.constant 2 : i32
          %add3A_941 = arith.addi %add3A_939, %add3A_940 : i32
          %get3A_942 = arith.index_cast %add3A_941 : i32 to index
          %get3A_943 = arith.constant 64 : index
          %get3A_944 = tpu.vector_load %arg11[%get3A_942, %get3A_943] {strides = array<i32>} : memref<128x128xf32, #tpu.memory_space<vmem>>, vector<1x16xf32>,
          %get3A_945 = vector.shape_cast %get3A_944 : vector<1x16xf32> to vector<16xf32>
          %add3A_946 = arith.addf %add3A_866, %get3A_945 : vector<16xf32>
          %mul3A_947 = arith.constant 8 : i32
          %mul3A_948 = arith.muli %scan3A_728, %mul3A_947 : i32
          %add3A_949 = arith.addi %mul3A_259, %mul3A_948 : i32
          %add3A_950 = arith.constant 2 : i32
          %add3A_951 = arith.addi %add3A_949, %add3A_950 : i32
          %get3A_952 = arith.index_cast %add3A_951 : i32 to index
          %get3A_953 = arith.constant 80 : index
          %get3A_954 = tpu.vector_load %arg11[%get3A_952, %get3A_953] {strides = array<i32>} : memref<128x128xf32, #tpu.memory_space<vmem>>, vector<1x16xf32>,
          %get3A_955 = vector.shape_cast %get3A_954 : vector<1x16xf32> to vector<16xf32>
          %add3A_956 = arith.addf %add3A_876, %get3A_955 : vector<16xf32>
          %mul3A_957 = arith.constant 8 : i32
          %mul3A_958 = arith.muli %scan3A_728, %mul3A_957 : i32
          %add3A_959 = arith.addi %mul3A_259, %mul3A_958 : i32
          %add3A_960 = arith.constant 2 : i32
          %add3A_961 = arith.addi %add3A_959, %add3A_960 : i32
          %get3A_962 = arith.index_cast %add3A_961 : i32 to index
          %get3A_963 = arith.constant 96 : index
          %get3A_964 = tpu.vector_load %arg11[%get3A_962, %get3A_963] {strides = array<i32>} : memref<128x128xf32, #tpu.memory_space<vmem>>, vector<1x16xf32>,
          %get3A_965 = vector.shape_cast %get3A_964 : vector<1x16xf32> to vector<16xf32>
          %add3A_966 = arith.addf %add3A_886, %get3A_965 : vector<16xf32>
          %mul3A_967 = arith.constant 8 : i32
          %mul3A_968 = arith.muli %scan3A_728, %mul3A_967 : i32
          %add3A_969 = arith.addi %mul3A_259, %mul3A_968 : i32
          %add3A_970 = arith.constant 2 : i32
          %add3A_971 = arith.addi %add3A_969, %add3A_970 : i32
          %get3A_972 = arith.index_cast %add3A_971 : i32 to index
          %get3A_973 = arith.constant 112 : index
          %get3A_974 = tpu.vector_load %arg11[%get3A_972, %get3A_973] {strides = array<i32>} : memref<128x128xf32, #tpu.memory_space<vmem>>, vector<1x16xf32>,
          %get3A_975 = vector.shape_cast %get3A_974 : vector<1x16xf32> to vector<16xf32>
          %add3A_976 = arith.addf %add3A_896, %get3A_975 : vector<16xf32>
          %mul3A_977 = arith.constant 8 : i32
          %mul3A_978 = arith.muli %scan3A_728, %mul3A_977 : i32
          %add3A_979 = arith.addi %mul3A_259, %mul3A_978 : i32
          %add3A_980 = arith.constant 3 : i32
          %add3A_981 = arith.addi %add3A_979, %add3A_980 : i32
          %get3A_982 = arith.index_cast %add3A_981 : i32 to index
          %get3A_983 = arith.constant 0 : index
          %get3A_984 = tpu.vector_load %arg11[%get3A_982, %get3A_983] {strides = array<i32>} : memref<128x128xf32, #tpu.memory_space<vmem>>, vector<1x16xf32>,
          %get3A_985 = vector.shape_cast %get3A_984 : vector<1x16xf32> to vector<16xf32>
          %add3A_986 = arith.addf %add3A_906, %get3A_985 : vector<16xf32>
          %mul3A_987 = arith.constant 8 : i32
          %mul3A_988 = arith.muli %scan3A_728, %mul3A_987 : i32
          %add3A_989 = arith.addi %mul3A_259, %mul3A_988 : i32
          %add3A_990 = arith.constant 3 : i32
          %add3A_991 = arith.addi %add3A_989, %add3A_990 : i32
          %get3A_992 = arith.index_cast %add3A_991 : i32 to index
          %get3A_993 = arith.constant 16 : index
          %get3A_994 = tpu.vector_load %arg11[%get3A_992, %get3A_993] {strides = array<i32>} : memref<128x128xf32, #tpu.memory_space<vmem>>, vector<1x16xf32>,
          %get3A_995 = vector.shape_cast %get3A_994 : vector<1x16xf32> to vector<16xf32>
          %add3A_996 = arith.addf %add3A_916, %get3A_995 : vector<16xf32>
          %mul3A_997 = arith.constant 8 : i32
          %mul3A_998 = arith.muli %scan3A_728, %mul3A_997 : i32
          %add3A_999 = arith.addi %mul3A_259, %mul3A_998 : i32
          %add3A_1000 = arith.constant 3 : i32
          %add3A_1001 = arith.addi %add3A_999, %add3A_1000 : i32
          %get3A_1002 = arith.index_cast %add3A_1001 : i32 to index
          %get3A_1003 = arith.constant 32 : index
          %get3A_1004 = tpu.vector_load %arg11[%get3A_1002, %get3A_1003] {strides = array<i32>} : memref<128x128xf32, #tpu.memory_space<vmem>>, vector<1x16xf32>,
          %get3A_1005 = vector.shape_cast %get3A_1004 : vector<1x16xf32> to vector<16xf32>
          %add3A_1006 = arith.addf %add3A_926, %get3A_1005 : vector<16xf32>
          %mul3A_1007 = arith.constant 8 : i32
          %mul3A_1008 = arith.muli %scan3A_728, %mul3A_1007 : i32
          %add3A_1009 = arith.addi %mul3A_259, %mul3A_1008 : i32
          %add3A_1010 = arith.constant 3 : i32
          %add3A_1011 = arith.addi %add3A_1009, %add3A_1010 : i32
          %get3A_1012 = arith.index_cast %add3A_1011 : i32 to index
          %get3A_1013 = arith.constant 48 : index
          %get3A_1014 = tpu.vector_load %arg11[%get3A_1012, %get3A_1013] {strides = array<i32>} : memref<128x128xf32, #tpu.memory_space<vmem>>, vector<1x16xf32>,
          %get3A_1015 = vector.shape_cast %get3A_1014 : vector<1x16xf32> to vector<16xf32>
          %add3A_1016 = arith.addf %add3A_936, %get3A_1015 : vector<16xf32>
          %mul3A_1017 = arith.constant 8 : i32
          %mul3A_1018 = arith.muli %scan3A_728, %mul3A_1017 : i32
          %add3A_1019 = arith.addi %mul3A_259, %mul3A_1018 : i32
          %add3A_1020 = arith.constant 3 : i32
          %add3A_1021 = arith.addi %add3A_1019, %add3A_1020 : i32
          %get3A_1022 = arith.index_cast %add3A_1021 : i32 to index
          %get3A_1023 = arith.constant 64 : index
          %get3A_1024 = tpu.vector_load %arg11[%get3A_1022, %get3A_1023] {strides = array<i32>} : memref<128x128xf32, #tpu.memory_space<vmem>>, vector<1x16xf32>,
          %get3A_1025 = vector.shape_cast %get3A_1024 : vector<1x16xf32> to vector<16xf32>
          %add3A_1026 = arith.addf %add3A_946, %get3A_1025 : vector<16xf32>
          %mul3A_1027 = arith.constant 8 : i32
          %mul3A_1028 = arith.muli %scan3A_728, %mul3A_1027 : i32
          %add3A_1029 = arith.addi %mul3A_259, %mul3A_1028 : i32
          %add3A_1030 = arith.constant 3 : i32
          %add3A_1031 = arith.addi %add3A_1029, %add3A_1030 : i32
          %get3A_1032 = arith.index_cast %add3A_1031 : i32 to index
          %get3A_1033 = arith.constant 80 : index
          %get3A_1034 = tpu.vector_load %arg11[%get3A_1032, %get3A_1033] {strides = array<i32>} : memref<128x128xf32, #tpu.memory_space<vmem>>, vector<1x16xf32>,
          %get3A_1035 = vector.shape_cast %get3A_1034 : vector<1x16xf32> to vector<16xf32>
          %add3A_1036 = arith.addf %add3A_956, %get3A_1035 : vector<16xf32>
          %mul3A_1037 = arith.constant 8 : i32
          %mul3A_1038 = arith.muli %scan3A_728, %mul3A_1037 : i32
          %add3A_1039 = arith.addi %mul3A_259, %mul3A_1038 : i32
          %add3A_1040 = arith.constant 3 : i32
          %add3A_1041 = arith.addi %add3A_1039, %add3A_1040 : i32
          %get3A_1042 = arith.index_cast %add3A_1041 : i32 to index
          %get3A_1043 = arith.constant 96 : index
          %get3A_1044 = tpu.vector_load %arg11[%get3A_1042, %get3A_1043] {strides = array<i32>} : memref<128x128xf32, #tpu.memory_space<vmem>>, vector<1x16xf32>,
          %get3A_1045 = vector.shape_cast %get3A_1044 : vector<1x16xf32> to vector<16xf32>
          %add3A_1046 = arith.addf %add3A_966, %get3A_1045 : vector<16xf32>
          %mul3A_1047 = arith.constant 8 : i32
          %mul3A_1048 = arith.muli %scan3A_728, %mul3A_1047 : i32
          %add3A_1049 = arith.addi %mul3A_259, %mul3A_1048 : i32
          %add3A_1050 = arith.constant 3 : i32
          %add3A_1051 = arith.addi %add3A_1049, %add3A_1050 : i32
          %get3A_1052 = arith.index_cast %add3A_1051 : i32 to index
          %get3A_1053 = arith.constant 112 : index
          %get3A_1054 = tpu.vector_load %arg11[%get3A_1052, %get3A_1053] {strides = array<i32>} : memref<128x128xf32, #tpu.memory_space<vmem>>, vector<1x16xf32>,
          %get3A_1055 = vector.shape_cast %get3A_1054 : vector<1x16xf32> to vector<16xf32>
          %add3A_1056 = arith.addf %add3A_976, %get3A_1055 : vector<16xf32>
          %mul3A_1057 = arith.constant 8 : i32
          %mul3A_1058 = arith.muli %scan3A_728, %mul3A_1057 : i32
          %add3A_1059 = arith.addi %mul3A_259, %mul3A_1058 : i32
          %add3A_1060 = arith.constant 4 : i32
          %add3A_1061 = arith.addi %add3A_1059, %add3A_1060 : i32
          %get3A_1062 = arith.index_cast %add3A_1061 : i32 to index
          %get3A_1063 = arith.constant 0 : index
          %get3A_1064 = tpu.vector_load %arg11[%get3A_1062, %get3A_1063] {strides = array<i32>} : memref<128x128xf32, #tpu.memory_space<vmem>>, vector<1x16xf32>,
          %get3A_1065 = vector.shape_cast %get3A_1064 : vector<1x16xf32> to vector<16xf32>
          %add3A_1066 = arith.addf %add3A_986, %get3A_1065 : vector<16xf32>
          %mul3A_1067 = arith.constant 8 : i32
          %mul3A_1068 = arith.muli %scan3A_728, %mul3A_1067 : i32
          %add3A_1069 = arith.addi %mul3A_259, %mul3A_1068 : i32
          %add3A_1070 = arith.constant 4 : i32
          %add3A_1071 = arith.addi %add3A_1069, %add3A_1070 : i32
          %get3A_1072 = arith.index_cast %add3A_1071 : i32 to index
          %get3A_1073 = arith.constant 16 : index
          %get3A_1074 = tpu.vector_load %arg11[%get3A_1072, %get3A_1073] {strides = array<i32>} : memref<128x128xf32, #tpu.memory_space<vmem>>, vector<1x16xf32>,
          %get3A_1075 = vector.shape_cast %get3A_1074 : vector<1x16xf32> to vector<16xf32>
          %add3A_1076 = arith.addf %add3A_996, %get3A_1075 : vector<16xf32>
          %mul3A_1077 = arith.constant 8 : i32
          %mul3A_1078 = arith.muli %scan3A_728, %mul3A_1077 : i32
          %add3A_1079 = arith.addi %mul3A_259, %mul3A_1078 : i32
          %add3A_1080 = arith.constant 4 : i32
          %add3A_1081 = arith.addi %add3A_1079, %add3A_1080 : i32
          %get3A_1082 = arith.index_cast %add3A_1081 : i32 to index
          %get3A_1083 = arith.constant 32 : index
          %get3A_1084 = tpu.vector_load %arg11[%get3A_1082, %get3A_1083] {strides = array<i32>} : memref<128x128xf32, #tpu.memory_space<vmem>>, vector<1x16xf32>,
          %get3A_1085 = vector.shape_cast %get3A_1084 : vector<1x16xf32> to vector<16xf32>
          %add3A_1086 = arith.addf %add3A_1006, %get3A_1085 : vector<16xf32>
          %mul3A_1087 = arith.constant 8 : i32
          %mul3A_1088 = arith.muli %scan3A_728, %mul3A_1087 : i32
          %add3A_1089 = arith.addi %mul3A_259, %mul3A_1088 : i32
          %add3A_1090 = arith.constant 4 : i32
          %add3A_1091 = arith.addi %add3A_1089, %add3A_1090 : i32
          %get3A_1092 = arith.index_cast %add3A_1091 : i32 to index
          %get3A_1093 = arith.constant 48 : index
          %get3A_1094 = tpu.vector_load %arg11[%get3A_1092, %get3A_1093] {strides = array<i32>} : memref<128x128xf32, #tpu.memory_space<vmem>>, vector<1x16xf32>,
          %get3A_1095 = vector.shape_cast %get3A_1094 : vector<1x16xf32> to vector<16xf32>
          %add3A_1096 = arith.addf %add3A_1016, %get3A_1095 : vector<16xf32>
          %mul3A_1097 = arith.constant 8 : i32
          %mul3A_1098 = arith.muli %scan3A_728, %mul3A_1097 : i32
          %add3A_1099 = arith.addi %mul3A_259, %mul3A_1098 : i32
          %add3A_1100 = arith.constant 4 : i32
          %add3A_1101 = arith.addi %add3A_1099, %add3A_1100 : i32
          %get3A_1102 = arith.index_cast %add3A_1101 : i32 to index
          %get3A_1103 = arith.constant 64 : index
          %get3A_1104 = tpu.vector_load %arg11[%get3A_1102, %get3A_1103] {strides = array<i32>} : memref<128x128xf32, #tpu.memory_space<vmem>>, vector<1x16xf32>,
          %get3A_1105 = vector.shape_cast %get3A_1104 : vector<1x16xf32> to vector<16xf32>
          %add3A_1106 = arith.addf %add3A_1026, %get3A_1105 : vector<16xf32>
          %mul3A_1107 = arith.constant 8 : i32
          %mul3A_1108 = arith.muli %scan3A_728, %mul3A_1107 : i32
          %add3A_1109 = arith.addi %mul3A_259, %mul3A_1108 : i32
          %add3A_1110 = arith.constant 4 : i32
          %add3A_1111 = arith.addi %add3A_1109, %add3A_1110 : i32
          %get3A_1112 = arith.index_cast %add3A_1111 : i32 to index
          %get3A_1113 = arith.constant 80 : index
          %get3A_1114 = tpu.vector_load %arg11[%get3A_1112, %get3A_1113] {strides = array<i32>} : memref<128x128xf32, #tpu.memory_space<vmem>>, vector<1x16xf32>,
          %get3A_1115 = vector.shape_cast %get3A_1114 : vector<1x16xf32> to vector<16xf32>
          %add3A_1116 = arith.addf %add3A_1036, %get3A_1115 : vector<16xf32>
          %mul3A_1117 = arith.constant 8 : i32
          %mul3A_1118 = arith.muli %scan3A_728, %mul3A_1117 : i32
          %add3A_1119 = arith.addi %mul3A_259, %mul3A_1118 : i32
          %add3A_1120 = arith.constant 4 : i32
          %add3A_1121 = arith.addi %add3A_1119, %add3A_1120 : i32
          %get3A_1122 = arith.index_cast %add3A_1121 : i32 to index
          %get3A_1123 = arith.constant 96 : index
          %get3A_1124 = tpu.vector_load %arg11[%get3A_1122, %get3A_1123] {strides = array<i32>} : memref<128x128xf32, #tpu.memory_space<vmem>>, vector<1x16xf32>,
          %get3A_1125 = vector.shape_cast %get3A_1124 : vector<1x16xf32> to vector<16xf32>
          %add3A_1126 = arith.addf %add3A_1046, %get3A_1125 : vector<16xf32>
          %mul3A_1127 = arith.constant 8 : i32
          %mul3A_1128 = arith.muli %scan3A_728, %mul3A_1127 : i32
          %add3A_1129 = arith.addi %mul3A_259, %mul3A_1128 : i32
          %add3A_1130 = arith.constant 4 : i32
          %add3A_1131 = arith.addi %add3A_1129, %add3A_1130 : i32
          %get3A_1132 = arith.index_cast %add3A_1131 : i32 to index
          %get3A_1133 = arith.constant 112 : index
          %get3A_1134 = tpu.vector_load %arg11[%get3A_1132, %get3A_1133] {strides = array<i32>} : memref<128x128xf32, #tpu.memory_space<vmem>>, vector<1x16xf32>,
          %get3A_1135 = vector.shape_cast %get3A_1134 : vector<1x16xf32> to vector<16xf32>
          %add3A_1136 = arith.addf %add3A_1056, %get3A_1135 : vector<16xf32>
          %mul3A_1137 = arith.constant 8 : i32
          %mul3A_1138 = arith.muli %scan3A_728, %mul3A_1137 : i32
          %add3A_1139 = arith.addi %mul3A_259, %mul3A_1138 : i32
          %add3A_1140 = arith.constant 5 : i32
          %add3A_1141 = arith.addi %add3A_1139, %add3A_1140 : i32
          %get3A_1142 = arith.index_cast %add3A_1141 : i32 to index
          %get3A_1143 = arith.constant 0 : index
          %get3A_1144 = tpu.vector_load %arg11[%get3A_1142, %get3A_1143] {strides = array<i32>} : memref<128x128xf32, #tpu.memory_space<vmem>>, vector<1x16xf32>,
          %get3A_1145 = vector.shape_cast %get3A_1144 : vector<1x16xf32> to vector<16xf32>
          %add3A_1146 = arith.addf %add3A_1066, %get3A_1145 : vector<16xf32>
          %mul3A_1147 = arith.constant 8 : i32
          %mul3A_1148 = arith.muli %scan3A_728, %mul3A_1147 : i32
          %add3A_1149 = arith.addi %mul3A_259, %mul3A_1148 : i32
          %add3A_1150 = arith.constant 5 : i32
          %add3A_1151 = arith.addi %add3A_1149, %add3A_1150 : i32
          %get3A_1152 = arith.index_cast %add3A_1151 : i32 to index
          %get3A_1153 = arith.constant 16 : index
          %get3A_1154 = tpu.vector_load %arg11[%get3A_1152, %get3A_1153] {strides = array<i32>} : memref<128x128xf32, #tpu.memory_space<vmem>>, vector<1x16xf32>,
          %get3A_1155 = vector.shape_cast %get3A_1154 : vector<1x16xf32> to vector<16xf32>
          %add3A_1156 = arith.addf %add3A_1076, %get3A_1155 : vector<16xf32>
          %mul3A_1157 = arith.constant 8 : i32
          %mul3A_1158 = arith.muli %scan3A_728, %mul3A_1157 : i32
          %add3A_1159 = arith.addi %mul3A_259, %mul3A_1158 : i32
          %add3A_1160 = arith.constant 5 : i32
          %add3A_1161 = arith.addi %add3A_1159, %add3A_1160 : i32
          %get3A_1162 = arith.index_cast %add3A_1161 : i32 to index
          %get3A_1163 = arith.constant 32 : index
          %get3A_1164 = tpu.vector_load %arg11[%get3A_1162, %get3A_1163] {strides = array<i32>} : memref<128x128xf32, #tpu.memory_space<vmem>>, vector<1x16xf32>,
          %get3A_1165 = vector.shape_cast %get3A_1164 : vector<1x16xf32> to vector<16xf32>
          %add3A_1166 = arith.addf %add3A_1086, %get3A_1165 : vector<16xf32>
          %mul3A_1167 = arith.constant 8 : i32
          %mul3A_1168 = arith.muli %scan3A_728, %mul3A_1167 : i32
          %add3A_1169 = arith.addi %mul3A_259, %mul3A_1168 : i32
          %add3A_1170 = arith.constant 5 : i32
          %add3A_1171 = arith.addi %add3A_1169, %add3A_1170 : i32
          %get3A_1172 = arith.index_cast %add3A_1171 : i32 to index
          %get3A_1173 = arith.constant 48 : index
          %get3A_1174 = tpu.vector_load %arg11[%get3A_1172, %get3A_1173] {strides = array<i32>} : memref<128x128xf32, #tpu.memory_space<vmem>>, vector<1x16xf32>,
          %get3A_1175 = vector.shape_cast %get3A_1174 : vector<1x16xf32> to vector<16xf32>
          %add3A_1176 = arith.addf %add3A_1096, %get3A_1175 : vector<16xf32>
          %mul3A_1177 = arith.constant 8 : i32
          %mul3A_1178 = arith.muli %scan3A_728, %mul3A_1177 : i32
          %add3A_1179 = arith.addi %mul3A_259, %mul3A_1178 : i32
          %add3A_1180 = arith.constant 5 : i32
          %add3A_1181 = arith.addi %add3A_1179, %add3A_1180 : i32
          %get3A_1182 = arith.index_cast %add3A_1181 : i32 to index
          %get3A_1183 = arith.constant 64 : index
          %get3A_1184 = tpu.vector_load %arg11[%get3A_1182, %get3A_1183] {strides = array<i32>} : memref<128x128xf32, #tpu.memory_space<vmem>>, vector<1x16xf32>,
          %get3A_1185 = vector.shape_cast %get3A_1184 : vector<1x16xf32> to vector<16xf32>
          %add3A_1186 = arith.addf %add3A_1106, %get3A_1185 : vector<16xf32>
          %mul3A_1187 = arith.constant 8 : i32
          %mul3A_1188 = arith.muli %scan3A_728, %mul3A_1187 : i32
          %add3A_1189 = arith.addi %mul3A_259, %mul3A_1188 : i32
          %add3A_1190 = arith.constant 5 : i32
          %add3A_1191 = arith.addi %add3A_1189, %add3A_1190 : i32
          %get3A_1192 = arith.index_cast %add3A_1191 : i32 to index
          %get3A_1193 = arith.constant 80 : index
          %get3A_1194 = tpu.vector_load %arg11[%get3A_1192, %get3A_1193] {strides = array<i32>} : memref<128x128xf32, #tpu.memory_space<vmem>>, vector<1x16xf32>,
          %get3A_1195 = vector.shape_cast %get3A_1194 : vector<1x16xf32> to vector<16xf32>
          %add3A_1196 = arith.addf %add3A_1116, %get3A_1195 : vector<16xf32>
          %mul3A_1197 = arith.constant 8 : i32
          %mul3A_1198 = arith.muli %scan3A_728, %mul3A_1197 : i32
          %add3A_1199 = arith.addi %mul3A_259, %mul3A_1198 : i32
          %add3A_1200 = arith.constant 5 : i32
          %add3A_1201 = arith.addi %add3A_1199, %add3A_1200 : i32
          %get3A_1202 = arith.index_cast %add3A_1201 : i32 to index
          %get3A_1203 = arith.constant 96 : index
          %get3A_1204 = tpu.vector_load %arg11[%get3A_1202, %get3A_1203] {strides = array<i32>} : memref<128x128xf32, #tpu.memory_space<vmem>>, vector<1x16xf32>,
          %get3A_1205 = vector.shape_cast %get3A_1204 : vector<1x16xf32> to vector<16xf32>
          %add3A_1206 = arith.addf %add3A_1126, %get3A_1205 : vector<16xf32>
          %mul3A_1207 = arith.constant 8 : i32
          %mul3A_1208 = arith.muli %scan3A_728, %mul3A_1207 : i32
          %add3A_1209 = arith.addi %mul3A_259, %mul3A_1208 : i32
          %add3A_1210 = arith.constant 5 : i32
          %add3A_1211 = arith.addi %add3A_1209, %add3A_1210 : i32
          %get3A_1212 = arith.index_cast %add3A_1211 : i32 to index
          %get3A_1213 = arith.constant 112 : index
          %get3A_1214 = tpu.vector_load %arg11[%get3A_1212, %get3A_1213] {strides = array<i32>} : memref<128x128xf32, #tpu.memory_space<vmem>>, vector<1x16xf32>,
          %get3A_1215 = vector.shape_cast %get3A_1214 : vector<1x16xf32> to vector<16xf32>
          %add3A_1216 = arith.addf %add3A_1136, %get3A_1215 : vector<16xf32>
          %mul3A_1217 = arith.constant 8 : i32
          %mul3A_1218 = arith.muli %scan3A_728, %mul3A_1217 : i32
          %add3A_1219 = arith.addi %mul3A_259, %mul3A_1218 : i32
          %add3A_1220 = arith.constant 6 : i32
          %add3A_1221 = arith.addi %add3A_1219, %add3A_1220 : i32
          %get3A_1222 = arith.index_cast %add3A_1221 : i32 to index
          %get3A_1223 = arith.constant 0 : index
          %get3A_1224 = tpu.vector_load %arg11[%get3A_1222, %get3A_1223] {strides = array<i32>} : memref<128x128xf32, #tpu.memory_space<vmem>>, vector<1x16xf32>,
          %get3A_1225 = vector.shape_cast %get3A_1224 : vector<1x16xf32> to vector<16xf32>
          %add3A_1226 = arith.addf %add3A_1146, %get3A_1225 : vector<16xf32>
          %mul3A_1227 = arith.constant 8 : i32
          %mul3A_1228 = arith.muli %scan3A_728, %mul3A_1227 : i32
          %add3A_1229 = arith.addi %mul3A_259, %mul3A_1228 : i32
          %add3A_1230 = arith.constant 6 : i32
          %add3A_1231 = arith.addi %add3A_1229, %add3A_1230 : i32
          %get3A_1232 = arith.index_cast %add3A_1231 : i32 to index
          %get3A_1233 = arith.constant 16 : index
          %get3A_1234 = tpu.vector_load %arg11[%get3A_1232, %get3A_1233] {strides = array<i32>} : memref<128x128xf32, #tpu.memory_space<vmem>>, vector<1x16xf32>,
          %get3A_1235 = vector.shape_cast %get3A_1234 : vector<1x16xf32> to vector<16xf32>
          %add3A_1236 = arith.addf %add3A_1156, %get3A_1235 : vector<16xf32>
          %mul3A_1237 = arith.constant 8 : i32
          %mul3A_1238 = arith.muli %scan3A_728, %mul3A_1237 : i32
          %add3A_1239 = arith.addi %mul3A_259, %mul3A_1238 : i32
          %add3A_1240 = arith.constant 6 : i32
          %add3A_1241 = arith.addi %add3A_1239, %add3A_1240 : i32
          %get3A_1242 = arith.index_cast %add3A_1241 : i32 to index
          %get3A_1243 = arith.constant 32 : index
          %get3A_1244 = tpu.vector_load %arg11[%get3A_1242, %get3A_1243] {strides = array<i32>} : memref<128x128xf32, #tpu.memory_space<vmem>>, vector<1x16xf32>,
          %get3A_1245 = vector.shape_cast %get3A_1244 : vector<1x16xf32> to vector<16xf32>
          %add3A_1246 = arith.addf %add3A_1166, %get3A_1245 : vector<16xf32>
          %mul3A_1247 = arith.constant 8 : i32
          %mul3A_1248 = arith.muli %scan3A_728, %mul3A_1247 : i32
          %add3A_1249 = arith.addi %mul3A_259, %mul3A_1248 : i32
          %add3A_1250 = arith.constant 6 : i32
          %add3A_1251 = arith.addi %add3A_1249, %add3A_1250 : i32
          %get3A_1252 = arith.index_cast %add3A_1251 : i32 to index
          %get3A_1253 = arith.constant 48 : index
          %get3A_1254 = tpu.vector_load %arg11[%get3A_1252, %get3A_1253] {strides = array<i32>} : memref<128x128xf32, #tpu.memory_space<vmem>>, vector<1x16xf32>,
          %get3A_1255 = vector.shape_cast %get3A_1254 : vector<1x16xf32> to vector<16xf32>
          %add3A_1256 = arith.addf %add3A_1176, %get3A_1255 : vector<16xf32>
          %mul3A_1257 = arith.constant 8 : i32
          %mul3A_1258 = arith.muli %scan3A_728, %mul3A_1257 : i32
          %add3A_1259 = arith.addi %mul3A_259, %mul3A_1258 : i32
          %add3A_1260 = arith.constant 6 : i32
          %add3A_1261 = arith.addi %add3A_1259, %add3A_1260 : i32
          %get3A_1262 = arith.index_cast %add3A_1261 : i32 to index
          %get3A_1263 = arith.constant 64 : index
          %get3A_1264 = tpu.vector_load %arg11[%get3A_1262, %get3A_1263] {strides = array<i32>} : memref<128x128xf32, #tpu.memory_space<vmem>>, vector<1x16xf32>,
          %get3A_1265 = vector.shape_cast %get3A_1264 : vector<1x16xf32> to vector<16xf32>
          %add3A_1266 = arith.addf %add3A_1186, %get3A_1265 : vector<16xf32>
          %mul3A_1267 = arith.constant 8 : i32
          %mul3A_1268 = arith.muli %scan3A_728, %mul3A_1267 : i32
          %add3A_1269 = arith.addi %mul3A_259, %mul3A_1268 : i32
          %add3A_1270 = arith.constant 6 : i32
          %add3A_1271 = arith.addi %add3A_1269, %add3A_1270 : i32
          %get3A_1272 = arith.index_cast %add3A_1271 : i32 to index
          %get3A_1273 = arith.constant 80 : index
          %get3A_1274 = tpu.vector_load %arg11[%get3A_1272, %get3A_1273] {strides = array<i32>} : memref<128x128xf32, #tpu.memory_space<vmem>>, vector<1x16xf32>,
          %get3A_1275 = vector.shape_cast %get3A_1274 : vector<1x16xf32> to vector<16xf32>
          %add3A_1276 = arith.addf %add3A_1196, %get3A_1275 : vector<16xf32>
          %mul3A_1277 = arith.constant 8 : i32
          %mul3A_1278 = arith.muli %scan3A_728, %mul3A_1277 : i32
          %add3A_1279 = arith.addi %mul3A_259, %mul3A_1278 : i32
          %add3A_1280 = arith.constant 6 : i32
          %add3A_1281 = arith.addi %add3A_1279, %add3A_1280 : i32
          %get3A_1282 = arith.index_cast %add3A_1281 : i32 to index
          %get3A_1283 = arith.constant 96 : index
          %get3A_1284 = tpu.vector_load %arg11[%get3A_1282, %get3A_1283] {strides = array<i32>} : memref<128x128xf32, #tpu.memory_space<vmem>>, vector<1x16xf32>,
          %get3A_1285 = vector.shape_cast %get3A_1284 : vector<1x16xf32> to vector<16xf32>
          %add3A_1286 = arith.addf %add3A_1206, %get3A_1285 : vector<16xf32>
          %mul3A_1287 = arith.constant 8 : i32
          %mul3A_1288 = arith.muli %scan3A_728, %mul3A_1287 : i32
          %add3A_1289 = arith.addi %mul3A_259, %mul3A_1288 : i32
          %add3A_1290 = arith.constant 6 : i32
          %add3A_1291 = arith.addi %add3A_1289, %add3A_1290 : i32
          %get3A_1292 = arith.index_cast %add3A_1291 : i32 to index
          %get3A_1293 = arith.constant 112 : index
          %get3A_1294 = tpu.vector_load %arg11[%get3A_1292, %get3A_1293] {strides = array<i32>} : memref<128x128xf32, #tpu.memory_space<vmem>>, vector<1x16xf32>,
          %get3A_1295 = vector.shape_cast %get3A_1294 : vector<1x16xf32> to vector<16xf32>
          %add3A_1296 = arith.addf %add3A_1216, %get3A_1295 : vector<16xf32>
          %mul3A_1297 = arith.constant 8 : i32
          %mul3A_1298 = arith.muli %scan3A_728, %mul3A_1297 : i32
          %add3A_1299 = arith.addi %mul3A_259, %mul3A_1298 : i32
          %add3A_1300 = arith.constant 7 : i32
          %add3A_1301 = arith.addi %add3A_1299, %add3A_1300 : i32
          %get3A_1302 = arith.index_cast %add3A_1301 : i32 to index
          %get3A_1303 = arith.constant 0 : index
          %get3A_1304 = tpu.vector_load %arg11[%get3A_1302, %get3A_1303] {strides = array<i32>} : memref<128x128xf32, #tpu.memory_space<vmem>>, vector<1x16xf32>,
          %get3A_1305 = vector.shape_cast %get3A_1304 : vector<1x16xf32> to vector<16xf32>
          %add3A_1306 = arith.addf %add3A_1226, %get3A_1305 : vector<16xf32>
          %mul3A_1307 = arith.constant 8 : i32
          %mul3A_1308 = arith.muli %scan3A_728, %mul3A_1307 : i32
          %add3A_1309 = arith.addi %mul3A_259, %mul3A_1308 : i32
          %add3A_1310 = arith.constant 7 : i32
          %add3A_1311 = arith.addi %add3A_1309, %add3A_1310 : i32
          %get3A_1312 = arith.index_cast %add3A_1311 : i32 to index
          %get3A_1313 = arith.constant 16 : index
          %get3A_1314 = tpu.vector_load %arg11[%get3A_1312, %get3A_1313] {strides = array<i32>} : memref<128x128xf32, #tpu.memory_space<vmem>>, vector<1x16xf32>,
          %get3A_1315 = vector.shape_cast %get3A_1314 : vector<1x16xf32> to vector<16xf32>
          %add3A_1316 = arith.addf %add3A_1236, %get3A_1315 : vector<16xf32>
          %mul3A_1317 = arith.constant 8 : i32
          %mul3A_1318 = arith.muli %scan3A_728, %mul3A_1317 : i32
          %add3A_1319 = arith.addi %mul3A_259, %mul3A_1318 : i32
          %add3A_1320 = arith.constant 7 : i32
          %add3A_1321 = arith.addi %add3A_1319, %add3A_1320 : i32
          %get3A_1322 = arith.index_cast %add3A_1321 : i32 to index
          %get3A_1323 = arith.constant 32 : index
          %get3A_1324 = tpu.vector_load %arg11[%get3A_1322, %get3A_1323] {strides = array<i32>} : memref<128x128xf32, #tpu.memory_space<vmem>>, vector<1x16xf32>,
          %get3A_1325 = vector.shape_cast %get3A_1324 : vector<1x16xf32> to vector<16xf32>
          %add3A_1326 = arith.addf %add3A_1246, %get3A_1325 : vector<16xf32>
          %mul3A_1327 = arith.constant 8 : i32
          %mul3A_1328 = arith.muli %scan3A_728, %mul3A_1327 : i32
          %add3A_1329 = arith.addi %mul3A_259, %mul3A_1328 : i32
          %add3A_1330 = arith.constant 7 : i32
          %add3A_1331 = arith.addi %add3A_1329, %add3A_1330 : i32
          %get3A_1332 = arith.index_cast %add3A_1331 : i32 to index
          %get3A_1333 = arith.constant 48 : index
          %get3A_1334 = tpu.vector_load %arg11[%get3A_1332, %get3A_1333] {strides = array<i32>} : memref<128x128xf32, #tpu.memory_space<vmem>>, vector<1x16xf32>,
          %get3A_1335 = vector.shape_cast %get3A_1334 : vector<1x16xf32> to vector<16xf32>
          %add3A_1336 = arith.addf %add3A_1256, %get3A_1335 : vector<16xf32>
          %mul3A_1337 = arith.constant 8 : i32
          %mul3A_1338 = arith.muli %scan3A_728, %mul3A_1337 : i32
          %add3A_1339 = arith.addi %mul3A_259, %mul3A_1338 : i32
          %add3A_1340 = arith.constant 7 : i32
          %add3A_1341 = arith.addi %add3A_1339, %add3A_1340 : i32
          %get3A_1342 = arith.index_cast %add3A_1341 : i32 to index
          %get3A_1343 = arith.constant 64 : index
          %get3A_1344 = tpu.vector_load %arg11[%get3A_1342, %get3A_1343] {strides = array<i32>} : memref<128x128xf32, #tpu.memory_space<vmem>>, vector<1x16xf32>,
          %get3A_1345 = vector.shape_cast %get3A_1344 : vector<1x16xf32> to vector<16xf32>
          %add3A_1346 = arith.addf %add3A_1266, %get3A_1345 : vector<16xf32>
          %mul3A_1347 = arith.constant 8 : i32
          %mul3A_1348 = arith.muli %scan3A_728, %mul3A_1347 : i32
          %add3A_1349 = arith.addi %mul3A_259, %mul3A_1348 : i32
          %add3A_1350 = arith.constant 7 : i32
          %add3A_1351 = arith.addi %add3A_1349, %add3A_1350 : i32
          %get3A_1352 = arith.index_cast %add3A_1351 : i32 to index
          %get3A_1353 = arith.constant 80 : index
          %get3A_1354 = tpu.vector_load %arg11[%get3A_1352, %get3A_1353] {strides = array<i32>} : memref<128x128xf32, #tpu.memory_space<vmem>>, vector<1x16xf32>,
          %get3A_1355 = vector.shape_cast %get3A_1354 : vector<1x16xf32> to vector<16xf32>
          %add3A_1356 = arith.addf %add3A_1276, %get3A_1355 : vector<16xf32>
          %mul3A_1357 = arith.constant 8 : i32
          %mul3A_1358 = arith.muli %scan3A_728, %mul3A_1357 : i32
          %add3A_1359 = arith.addi %mul3A_259, %mul3A_1358 : i32
          %add3A_1360 = arith.constant 7 : i32
          %add3A_1361 = arith.addi %add3A_1359, %add3A_1360 : i32
          %get3A_1362 = arith.index_cast %add3A_1361 : i32 to index
          %get3A_1363 = arith.constant 96 : index
          %get3A_1364 = tpu.vector_load %arg11[%get3A_1362, %get3A_1363] {strides = array<i32>} : memref<128x128xf32, #tpu.memory_space<vmem>>, vector<1x16xf32>,
          %get3A_1365 = vector.shape_cast %get3A_1364 : vector<1x16xf32> to vector<16xf32>
          %add3A_1366 = arith.addf %add3A_1286, %get3A_1365 : vector<16xf32>
          %mul3A_1367 = arith.constant 8 : i32
          %mul3A_1368 = arith.muli %scan3A_728, %mul3A_1367 : i32
          %add3A_1369 = arith.addi %mul3A_259, %mul3A_1368 : i32
          %add3A_1370 = arith.constant 7 : i32
          %add3A_1371 = arith.addi %add3A_1369, %add3A_1370 : i32
          %get3A_1372 = arith.index_cast %add3A_1371 : i32 to index
          %get3A_1373 = arith.constant 112 : index
          %get3A_1374 = tpu.vector_load %arg11[%get3A_1372, %get3A_1373] {strides = array<i32>} : memref<128x128xf32, #tpu.memory_space<vmem>>, vector<1x16xf32>,
          %get3A_1375 = vector.shape_cast %get3A_1374 : vector<1x16xf32> to vector<16xf32>
          %add3A_1376 = arith.addf %add3A_1296, %get3A_1375 : vector<16xf32>
          scf.yield %add3A_1306, %add3A_1316, %add3A_1326, %add3A_1336, %add3A_1346, %add3A_1356, %add3A_1366, %add3A_1376 : vector<16xf32>, vector<16xf32>, vector<16xf32>, vector<16xf32>, vector<16xf32>, vector<16xf32>, vector<16xf32>, vector<16xf32>
        }
        %scan3A_688 = arith.constant 3 : i32
        %swap3A = arith.index_cast %scan3A_257 : i32 to index
        %swap3A_689 = arith.constant 0 : index
        %swap3A_690 = tpu.vector_load %arg15[%swap3A, %swap3A_689] {strides = array<i32>} : memref<4x128xf32, #tpu.memory_space<vmem>>, vector<1x16xf32>,
        %swap3A_691 = vector.shape_cast %swap3A_690 : vector<1x16xf32> to vector<16xf32>
        %swap3A_692 = vector.shape_cast %scan3A_687#0 : vector<16xf32> to vector<1x16xf32>
        tpu.vector_store %arg15[%swap3A, %swap3A_689], %swap3A_692 {strides = array<i32>} : memref<4x128xf32, #tpu.memory_space<vmem>>, vector<1x16xf32>,
        %swap3A_693 = arith.index_cast %scan3A_257 : i32 to index
        %swap3A_694 = arith.constant 16 : index
        %swap3A_695 = tpu.vector_load %arg15[%swap3A_693, %swap3A_694] {strides = array<i32>} : memref<4x128xf32, #tpu.memory_space<vmem>>, vector<1x16xf32>,
        %swap3A_696 = vector.shape_cast %swap3A_695 : vector<1x16xf32> to vector<16xf32>
        %swap3A_697 = vector.shape_cast %scan3A_687#1 : vector<16xf32> to vector<1x16xf32>
        tpu.vector_store %arg15[%swap3A_693, %swap3A_694], %swap3A_697 {strides = array<i32>} : memref<4x128xf32, #tpu.memory_space<vmem>>, vector<1x16xf32>,
        %swap3A_698 = arith.index_cast %scan3A_257 : i32 to index
        %swap3A_699 = arith.constant 32 : index
        %swap3A_700 = tpu.vector_load %arg15[%swap3A_698, %swap3A_699] {strides = array<i32>} : memref<4x128xf32, #tpu.memory_space<vmem>>, vector<1x16xf32>,
        %swap3A_701 = vector.shape_cast %swap3A_700 : vector<1x16xf32> to vector<16xf32>
        %swap3A_702 = vector.shape_cast %scan3A_687#2 : vector<16xf32> to vector<1x16xf32>
        tpu.vector_store %arg15[%swap3A_698, %swap3A_699], %swap3A_702 {strides = array<i32>} : memref<4x128xf32, #tpu.memory_space<vmem>>, vector<1x16xf32>,
        %swap3A_703 = arith.index_cast %scan3A_257 : i32 to index
        %swap3A_704 = arith.constant 48 : index
        %swap3A_705 = tpu.vector_load %arg15[%swap3A_703, %swap3A_704] {strides = array<i32>} : memref<4x128xf32, #tpu.memory_space<vmem>>, vector<1x16xf32>,
        %swap3A_706 = vector.shape_cast %swap3A_705 : vector<1x16xf32> to vector<16xf32>
        %swap3A_707 = vector.shape_cast %scan3A_687#3 : vector<16xf32> to vector<1x16xf32>
        tpu.vector_store %arg15[%swap3A_703, %swap3A_704], %swap3A_707 {strides = array<i32>} : memref<4x128xf32, #tpu.memory_space<vmem>>, vector<1x16xf32>,
        %swap3A_708 = arith.index_cast %scan3A_257 : i32 to index
        %swap3A_709 = arith.constant 64 : index
        %swap3A_710 = tpu.vector_load %arg15[%swap3A_708, %swap3A_709] {strides = array<i32>} : memref<4x128xf32, #tpu.memory_space<vmem>>, vector<1x16xf32>,
        %swap3A_711 = vector.shape_cast %swap3A_710 : vector<1x16xf32> to vector<16xf32>
        %swap3A_712 = vector.shape_cast %scan3A_687#4 : vector<16xf32> to vector<1x16xf32>
        tpu.vector_store %arg15[%swap3A_708, %swap3A_709], %swap3A_712 {strides = array<i32>} : memref<4x128xf32, #tpu.memory_space<vmem>>, vector<1x16xf32>,
        %swap3A_713 = arith.index_cast %scan3A_257 : i32 to index
        %swap3A_714 = arith.constant 80 : index
        %swap3A_715 = tpu.vector_load %arg15[%swap3A_713, %swap3A_714] {strides = array<i32>} : memref<4x128xf32, #tpu.memory_space<vmem>>, vector<1x16xf32>,
        %swap3A_716 = vector.shape_cast %swap3A_715 : vector<1x16xf32> to vector<16xf32>
        %swap3A_717 = vector.shape_cast %scan3A_687#5 : vector<16xf32> to vector<1x16xf32>
        tpu.vector_store %arg15[%swap3A_713, %swap3A_714], %swap3A_717 {strides = array<i32>} : memref<4x128xf32, #tpu.memory_space<vmem>>, vector<1x16xf32>,
        %swap3A_718 = arith.index_cast %scan3A_257 : i32 to index
        %swap3A_719 = arith.constant 96 : index
        %swap3A_720 = tpu.vector_load %arg15[%swap3A_718, %swap3A_719] {strides = array<i32>} : memref<4x128xf32, #tpu.memory_space<vmem>>, vector<1x16xf32>,
        %swap3A_721 = vector.shape_cast %swap3A_720 : vector<1x16xf32> to vector<16xf32>
        %swap3A_722 = vector.shape_cast %scan3A_687#6 : vector<16xf32> to vector<1x16xf32>
        tpu.vector_store %arg15[%swap3A_718, %swap3A_719], %swap3A_722 {strides = array<i32>} : memref<4x128xf32, #tpu.memory_space<vmem>>, vector<1x16xf32>,
        %swap3A_723 = arith.index_cast %scan3A_257 : i32 to index
        %swap3A_724 = arith.constant 112 : index
        %swap3A_725 = tpu.vector_load %arg15[%swap3A_723, %swap3A_724] {strides = array<i32>} : memref<4x128xf32, #tpu.memory_space<vmem>>, vector<1x16xf32>,
        %swap3A_726 = vector.shape_cast %swap3A_725 : vector<1x16xf32> to vector<16xf32>
        %swap3A_727 = vector.shape_cast %scan3A_687#7 : vector<16xf32> to vector<1x16xf32>
        tpu.vector_store %arg15[%swap3A_723, %swap3A_724], %swap3A_727 {strides = array<i32>} : memref<4x128xf32, #tpu.memory_space<vmem>>, vector<1x16xf32>,
      }
      %scan3A_211 = arith.constant 4 : i32
      %add3A_212 = arith.constant 4 : i32
      %add3A_213 = arith.addi %add3A_192, %add3A_212 : i32
      %lt3A_214 = arith.constant 128 : i32
      %lt3A_215 = arith.cmpi slt, %add3A_213, %lt3A_214 : i32
      %convert_element_type3A_216 = arith.extui %lt3A_215 : i1 to i32
      %cond3A_217 = arith.constant 0 : i32
      %cond3A_218 = arith.cmpi ne, %convert_element_type3A_216, %cond3A_217 : i32
      scf.if %cond3A_218 {
        %add3A_257 = arith.constant 4 : i32
        %add3A_258 = arith.addi %add3A_192, %add3A_257 : i32
        %mul3A_259 = arith.constant 4 : i32
        %mul3A_260 = arith.muli %add3A_258, %mul3A_259 : i32
        %mul3A_261 = arith.constant 32 : i32
        %mul3A_262 = arith.muli %mul3A_260, %mul3A_261 : i32
        %dma_start3A_263 = tpu.memref_slice %arg7[%mul3A_262] : memref<16384xi32, #tpu.memory_space<vmem>> -> memref<128xi32, #tpu.memory_space<vmem>>
        %dma_start3A_264 = arith.constant 0 : i32
        %dma_start3A_265 = arith.constant 0 : i32
        %dma_start3A_266 = tpu.memref_slice %arg2[%dma_start3A_264, %dma_start3A_265] : memref<50000x128xf32, #tpu.memory_space<hbm>> -> memref<50000x128xf32, #tpu.memory_space<hbm>>
        tpu.enqueue_indirect_dma source(%dma_start3A_266 : memref<50000x128xf32, #tpu.memory_space<hbm>>) target(%arg11 : memref<128x128xf32, #tpu.memory_space<vmem>>) offsets(%dma_start3A_263 : memref<128xi32, #tpu.memory_space<vmem>>) semaphore(%arg19 : memref<!tpu.dma_semaphore, #tpu.memory_space<semaphore_mem>>)
      } else {
      }
      %dma_start3A_219 = arith.constant 0 : i32
      %dma_start3A_220 = tpu.memref_slice %arg5[%add3A_195, %dma_start3A_219] : memref<16384x128xf32, #tpu.memory_space<hbm>> -> memref<4x128xf32, #tpu.memory_space<hbm>>
      %dma_start3A_221 = arith.constant 0 : i32
      %dma_start3A_222 = tpu.memref_slice %arg5[%add3A_195, %dma_start3A_221] : memref<16384x128xf32, #tpu.memory_space<hbm>> -> memref<4x128xf32, #tpu.memory_space<hbm>>
      tpu.enqueue_dma source(%arg15 : memref<4x128xf32, #tpu.memory_space<vmem>>) target(%dma_start3A_222 : memref<4x128xf32, #tpu.memory_space<hbm>>) target_semaphore(%arg23 : memref<!tpu.dma_semaphore, #tpu.memory_space<semaphore_mem>>)
      %mul3A_223 = arith.constant 4 : i32
      %mul3A_224 = arith.muli %mul3A_223, %scan3A_124 : i32
      %add3A_225 = arith.constant 3 : i32
      %add3A_226 = arith.addi %mul3A_224, %add3A_225 : i32
      %mul3A_227 = arith.constant 4 : i32
      %mul3A_228 = arith.muli %add3A_226, %mul3A_227 : i32
      %add3A_229 = arith.addi %mul3A_2, %mul3A_228 : i32
      %dma_wait3A_230 = arith.constant 0 : i32
      %dma_wait3A_231 = tpu.memref_slice %arg7[%dma_wait3A_230] : memref<16384xi32, #tpu.memory_space<vmem>> -> memref<128xi32, #tpu.memory_space<vmem>>
      %dma_wait3A_232 = arith.constant 0 : i32
      %dma_wait3A_233 = arith.constant 0 : i32
      %dma_wait3A_234 = tpu.memref_slice %arg2[%dma_wait3A_232, %dma_wait3A_233] : memref<50000x128xf32, #tpu.memory_space<hbm>> -> memref<50000x128xf32, #tpu.memory_space<hbm>>
      tpu.wait_indirect_dma semaphore(%arg20 : memref<!tpu.dma_semaphore, #tpu.memory_space<semaphore_mem>>) src(%dma_wait3A_234 : memref<50000x128xf32, #tpu.memory_space<hbm>>) dst(%arg12 : memref<128x128xf32, #tpu.memory_space<vmem>>)
      %ge3A_235 = arith.constant 4 : i32
      %ge3A_236 = arith.cmpi sge, %add3A_226, %ge3A_235 : i32
      %convert_element_type3A_237 = arith.extui %ge3A_236 : i1 to i32
      %cond3A_238 = arith.constant 0 : i32
      %cond3A_239 = arith.cmpi ne, %convert_element_type3A_237, %cond3A_238 : i32
      scf.if %cond3A_239 {
        %dma_wait3A_257 = arith.constant 0 : i32
        %dma_wait3A_258 = tpu.memref_slice %arg5[%add3A_229, %dma_wait3A_257] : memref<16384x128xf32, #tpu.memory_space<hbm>> -> memref<4x128xf32, #tpu.memory_space<hbm>>
        %dma_wait3A_259 = arith.constant 0 : i32
        %dma_wait3A_260 = tpu.memref_slice %arg5[%add3A_229, %dma_wait3A_259] : memref<16384x128xf32, #tpu.memory_space<hbm>> -> memref<4x128xf32, #tpu.memory_space<hbm>>
        tpu.wait_dma2 semaphore(%arg24 : memref<!tpu.dma_semaphore, #tpu.memory_space<semaphore_mem>>) src(%arg16 : memref<4x128xf32, #tpu.memory_space<vmem>>) dst(%dma_wait3A_260 : memref<4x128xf32, #tpu.memory_space<hbm>>)
      } else {
      }
      %scan3A_240 = arith.constant 0 : i32
      %scan3A_241 = arith.constant 0 : i32
      %scan3A_242 = arith.constant 4 : i32
      %scan3A_243 = arith.addi %scan3A_241, %scan3A_242 : i32
      %scan3A_244 = arith.constant 1 : i32
      scf.for %scan3A_257 = %scan3A_241 to %scan3A_243 step %scan3A_244  : i32 {
        %mul3A_258 = arith.constant 32 : i32
        %mul3A_259 = arith.muli %scan3A_257, %mul3A_258 : i32
        %get3A = arith.index_cast %mul3A_259 : i32 to index
        %get3A_260 = arith.constant 0 : index
        %get3A_261 = tpu.vector_load %arg12[%get3A, %get3A_260] {strides = array<i32>} : memref<128x128xf32, #tpu.memory_space<vmem>>, vector<1x16xf32>,
        %get3A_262 = vector.shape_cast %get3A_261 : vector<1x16xf32> to vector<16xf32>
        %get3A_263 = arith.index_cast %mul3A_259 : i32 to index
        %get3A_264 = arith.constant 16 : index
        %get3A_265 = tpu.vector_load %arg12[%get3A_263, %get3A_264] {strides = array<i32>} : memref<128x128xf32, #tpu.memory_space<vmem>>, vector<1x16xf32>,
        %get3A_266 = vector.shape_cast %get3A_265 : vector<1x16xf32> to vector<16xf32>
        %get3A_267 = arith.index_cast %mul3A_259 : i32 to index
        %get3A_268 = arith.constant 32 : index
        %get3A_269 = tpu.vector_load %arg12[%get3A_267, %get3A_268] {strides = array<i32>} : memref<128x128xf32, #tpu.memory_space<vmem>>, vector<1x16xf32>,
        %get3A_270 = vector.shape_cast %get3A_269 : vector<1x16xf32> to vector<16xf32>
        %get3A_271 = arith.index_cast %mul3A_259 : i32 to index
        %get3A_272 = arith.constant 48 : index
        %get3A_273 = tpu.vector_load %arg12[%get3A_271, %get3A_272] {strides = array<i32>} : memref<128x128xf32, #tpu.memory_space<vmem>>, vector<1x16xf32>,
        %get3A_274 = vector.shape_cast %get3A_273 : vector<1x16xf32> to vector<16xf32>
        %get3A_275 = arith.index_cast %mul3A_259 : i32 to index
        %get3A_276 = arith.constant 64 : index
        %get3A_277 = tpu.vector_load %arg12[%get3A_275, %get3A_276] {strides = array<i32>} : memref<128x128xf32, #tpu.memory_space<vmem>>, vector<1x16xf32>,
        %get3A_278 = vector.shape_cast %get3A_277 : vector<1x16xf32> to vector<16xf32>
        %get3A_279 = arith.index_cast %mul3A_259 : i32 to index
        %get3A_280 = arith.constant 80 : index
        %get3A_281 = tpu.vector_load %arg12[%get3A_279, %get3A_280] {strides = array<i32>} : memref<128x128xf32, #tpu.memory_space<vmem>>, vector<1x16xf32>,
        %get3A_282 = vector.shape_cast %get3A_281 : vector<1x16xf32> to vector<16xf32>
        %get3A_283 = arith.index_cast %mul3A_259 : i32 to index
        %get3A_284 = arith.constant 96 : index
        %get3A_285 = tpu.vector_load %arg12[%get3A_283, %get3A_284] {strides = array<i32>} : memref<128x128xf32, #tpu.memory_space<vmem>>, vector<1x16xf32>,
        %get3A_286 = vector.shape_cast %get3A_285 : vector<1x16xf32> to vector<16xf32>
        %get3A_287 = arith.index_cast %mul3A_259 : i32 to index
        %get3A_288 = arith.constant 112 : index
        %get3A_289 = tpu.vector_load %arg12[%get3A_287, %get3A_288] {strides = array<i32>} : memref<128x128xf32, #tpu.memory_space<vmem>>, vector<1x16xf32>,
        %get3A_290 = vector.shape_cast %get3A_289 : vector<1x16xf32> to vector<16xf32>
        %add3A_291 = arith.constant 1 : i32
        %add3A_292 = arith.addi %mul3A_259, %add3A_291 : i32
        %get3A_293 = arith.index_cast %add3A_292 : i32 to index
        %get3A_294 = arith.constant 0 : index
        %get3A_295 = tpu.vector_load %arg12[%get3A_293, %get3A_294] {strides = array<i32>} : memref<128x128xf32, #tpu.memory_space<vmem>>, vector<1x16xf32>,
        %get3A_296 = vector.shape_cast %get3A_295 : vector<1x16xf32> to vector<16xf32>
        %add3A_297 = arith.addf %get3A_262, %get3A_296 : vector<16xf32>
        %add3A_298 = arith.constant 1 : i32
        %add3A_299 = arith.addi %mul3A_259, %add3A_298 : i32
        %get3A_300 = arith.index_cast %add3A_299 : i32 to index
        %get3A_301 = arith.constant 16 : index
        %get3A_302 = tpu.vector_load %arg12[%get3A_300, %get3A_301] {strides = array<i32>} : memref<128x128xf32, #tpu.memory_space<vmem>>, vector<1x16xf32>,
        %get3A_303 = vector.shape_cast %get3A_302 : vector<1x16xf32> to vector<16xf32>
        %add3A_304 = arith.addf %get3A_266, %get3A_303 : vector<16xf32>
        %add3A_305 = arith.constant 1 : i32
        %add3A_306 = arith.addi %mul3A_259, %add3A_305 : i32
        %get3A_307 = arith.index_cast %add3A_306 : i32 to index
        %get3A_308 = arith.constant 32 : index
        %get3A_309 = tpu.vector_load %arg12[%get3A_307, %get3A_308] {strides = array<i32>} : memref<128x128xf32, #tpu.memory_space<vmem>>, vector<1x16xf32>,
        %get3A_310 = vector.shape_cast %get3A_309 : vector<1x16xf32> to vector<16xf32>
        %add3A_311 = arith.addf %get3A_270, %get3A_310 : vector<16xf32>
        %add3A_312 = arith.constant 1 : i32
        %add3A_313 = arith.addi %mul3A_259, %add3A_312 : i32
        %get3A_314 = arith.index_cast %add3A_313 : i32 to index
        %get3A_315 = arith.constant 48 : index
        %get3A_316 = tpu.vector_load %arg12[%get3A_314, %get3A_315] {strides = array<i32>} : memref<128x128xf32, #tpu.memory_space<vmem>>, vector<1x16xf32>,
        %get3A_317 = vector.shape_cast %get3A_316 : vector<1x16xf32> to vector<16xf32>
        %add3A_318 = arith.addf %get3A_274, %get3A_317 : vector<16xf32>
        %add3A_319 = arith.constant 1 : i32
        %add3A_320 = arith.addi %mul3A_259, %add3A_319 : i32
        %get3A_321 = arith.index_cast %add3A_320 : i32 to index
        %get3A_322 = arith.constant 64 : index
        %get3A_323 = tpu.vector_load %arg12[%get3A_321, %get3A_322] {strides = array<i32>} : memref<128x128xf32, #tpu.memory_space<vmem>>, vector<1x16xf32>,
        %get3A_324 = vector.shape_cast %get3A_323 : vector<1x16xf32> to vector<16xf32>
        %add3A_325 = arith.addf %get3A_278, %get3A_324 : vector<16xf32>
        %add3A_326 = arith.constant 1 : i32
        %add3A_327 = arith.addi %mul3A_259, %add3A_326 : i32
        %get3A_328 = arith.index_cast %add3A_327 : i32 to index
        %get3A_329 = arith.constant 80 : index
        %get3A_330 = tpu.vector_load %arg12[%get3A_328, %get3A_329] {strides = array<i32>} : memref<128x128xf32, #tpu.memory_space<vmem>>, vector<1x16xf32>,
        %get3A_331 = vector.shape_cast %get3A_330 : vector<1x16xf32> to vector<16xf32>
        %add3A_332 = arith.addf %get3A_282, %get3A_331 : vector<16xf32>
        %add3A_333 = arith.constant 1 : i32
        %add3A_334 = arith.addi %mul3A_259, %add3A_333 : i32
        %get3A_335 = arith.index_cast %add3A_334 : i32 to index
        %get3A_336 = arith.constant 96 : index
        %get3A_337 = tpu.vector_load %arg12[%get3A_335, %get3A_336] {strides = array<i32>} : memref<128x128xf32, #tpu.memory_space<vmem>>, vector<1x16xf32>,
        %get3A_338 = vector.shape_cast %get3A_337 : vector<1x16xf32> to vector<16xf32>
        %add3A_339 = arith.addf %get3A_286, %get3A_338 : vector<16xf32>
        %add3A_340 = arith.constant 1 : i32
        %add3A_341 = arith.addi %mul3A_259, %add3A_340 : i32
        %get3A_342 = arith.index_cast %add3A_341 : i32 to index
        %get3A_343 = arith.constant 112 : index
        %get3A_344 = tpu.vector_load %arg12[%get3A_342, %get3A_343] {strides = array<i32>} : memref<128x128xf32, #tpu.memory_space<vmem>>, vector<1x16xf32>,
        %get3A_345 = vector.shape_cast %get3A_344 : vector<1x16xf32> to vector<16xf32>
        %add3A_346 = arith.addf %get3A_290, %get3A_345 : vector<16xf32>
        %add3A_347 = arith.constant 2 : i32
        %add3A_348 = arith.addi %mul3A_259, %add3A_347 : i32
        %get3A_349 = arith.index_cast %add3A_348 : i32 to index
        %get3A_350 = arith.constant 0 : index
        %get3A_351 = tpu.vector_load %arg12[%get3A_349, %get3A_350] {strides = array<i32>} : memref<128x128xf32, #tpu.memory_space<vmem>>, vector<1x16xf32>,
        %get3A_352 = vector.shape_cast %get3A_351 : vector<1x16xf32> to vector<16xf32>
        %add3A_353 = arith.addf %add3A_297, %get3A_352 : vector<16xf32>
        %add3A_354 = arith.constant 2 : i32
        %add3A_355 = arith.addi %mul3A_259, %add3A_354 : i32
        %get3A_356 = arith.index_cast %add3A_355 : i32 to index
        %get3A_357 = arith.constant 16 : index
        %get3A_358 = tpu.vector_load %arg12[%get3A_356, %get3A_357] {strides = array<i32>} : memref<128x128xf32, #tpu.memory_space<vmem>>, vector<1x16xf32>,
        %get3A_359 = vector.shape_cast %get3A_358 : vector<1x16xf32> to vector<16xf32>
        %add3A_360 = arith.addf %add3A_304, %get3A_359 : vector<16xf32>
        %add3A_361 = arith.constant 2 : i32
        %add3A_362 = arith.addi %mul3A_259, %add3A_361 : i32
        %get3A_363 = arith.index_cast %add3A_362 : i32 to index
        %get3A_364 = arith.constant 32 : index
        %get3A_365 = tpu.vector_load %arg12[%get3A_363, %get3A_364] {strides = array<i32>} : memref<128x128xf32, #tpu.memory_space<vmem>>, vector<1x16xf32>,
        %get3A_366 = vector.shape_cast %get3A_365 : vector<1x16xf32> to vector<16xf32>
        %add3A_367 = arith.addf %add3A_311, %get3A_366 : vector<16xf32>
        %add3A_368 = arith.constant 2 : i32
        %add3A_369 = arith.addi %mul3A_259, %add3A_368 : i32
        %get3A_370 = arith.index_cast %add3A_369 : i32 to index
        %get3A_371 = arith.constant 48 : index
        %get3A_372 = tpu.vector_load %arg12[%get3A_370, %get3A_371] {strides = array<i32>} : memref<128x128xf32, #tpu.memory_space<vmem>>, vector<1x16xf32>,
        %get3A_373 = vector.shape_cast %get3A_372 : vector<1x16xf32> to vector<16xf32>
        %add3A_374 = arith.addf %add3A_318, %get3A_373 : vector<16xf32>
        %add3A_375 = arith.constant 2 : i32
        %add3A_376 = arith.addi %mul3A_259, %add3A_375 : i32
        %get3A_377 = arith.index_cast %add3A_376 : i32 to index
        %get3A_378 = arith.constant 64 : index
        %get3A_379 = tpu.vector_load %arg12[%get3A_377, %get3A_378] {strides = array<i32>} : memref<128x128xf32, #tpu.memory_space<vmem>>, vector<1x16xf32>,
        %get3A_380 = vector.shape_cast %get3A_379 : vector<1x16xf32> to vector<16xf32>
        %add3A_381 = arith.addf %add3A_325, %get3A_380 : vector<16xf32>
        %add3A_382 = arith.constant 2 : i32
        %add3A_383 = arith.addi %mul3A_259, %add3A_382 : i32
        %get3A_384 = arith.index_cast %add3A_383 : i32 to index
        %get3A_385 = arith.constant 80 : index
        %get3A_386 = tpu.vector_load %arg12[%get3A_384, %get3A_385] {strides = array<i32>} : memref<128x128xf32, #tpu.memory_space<vmem>>, vector<1x16xf32>,
        %get3A_387 = vector.shape_cast %get3A_386 : vector<1x16xf32> to vector<16xf32>
        %add3A_388 = arith.addf %add3A_332, %get3A_387 : vector<16xf32>
        %add3A_389 = arith.constant 2 : i32
        %add3A_390 = arith.addi %mul3A_259, %add3A_389 : i32
        %get3A_391 = arith.index_cast %add3A_390 : i32 to index
        %get3A_392 = arith.constant 96 : index
        %get3A_393 = tpu.vector_load %arg12[%get3A_391, %get3A_392] {strides = array<i32>} : memref<128x128xf32, #tpu.memory_space<vmem>>, vector<1x16xf32>,
        %get3A_394 = vector.shape_cast %get3A_393 : vector<1x16xf32> to vector<16xf32>
        %add3A_395 = arith.addf %add3A_339, %get3A_394 : vector<16xf32>
        %add3A_396 = arith.constant 2 : i32
        %add3A_397 = arith.addi %mul3A_259, %add3A_396 : i32
        %get3A_398 = arith.index_cast %add3A_397 : i32 to index
        %get3A_399 = arith.constant 112 : index
        %get3A_400 = tpu.vector_load %arg12[%get3A_398, %get3A_399] {strides = array<i32>} : memref<128x128xf32, #tpu.memory_space<vmem>>, vector<1x16xf32>,
        %get3A_401 = vector.shape_cast %get3A_400 : vector<1x16xf32> to vector<16xf32>
        %add3A_402 = arith.addf %add3A_346, %get3A_401 : vector<16xf32>
        %add3A_403 = arith.constant 3 : i32
        %add3A_404 = arith.addi %mul3A_259, %add3A_403 : i32
        %get3A_405 = arith.index_cast %add3A_404 : i32 to index
        %get3A_406 = arith.constant 0 : index
        %get3A_407 = tpu.vector_load %arg12[%get3A_405, %get3A_406] {strides = array<i32>} : memref<128x128xf32, #tpu.memory_space<vmem>>, vector<1x16xf32>,
        %get3A_408 = vector.shape_cast %get3A_407 : vector<1x16xf32> to vector<16xf32>
        %add3A_409 = arith.addf %add3A_353, %get3A_408 : vector<16xf32>
        %add3A_410 = arith.constant 3 : i32
        %add3A_411 = arith.addi %mul3A_259, %add3A_410 : i32
        %get3A_412 = arith.index_cast %add3A_411 : i32 to index
        %get3A_413 = arith.constant 16 : index
        %get3A_414 = tpu.vector_load %arg12[%get3A_412, %get3A_413] {strides = array<i32>} : memref<128x128xf32, #tpu.memory_space<vmem>>, vector<1x16xf32>,
        %get3A_415 = vector.shape_cast %get3A_414 : vector<1x16xf32> to vector<16xf32>
        %add3A_416 = arith.addf %add3A_360, %get3A_415 : vector<16xf32>
        %add3A_417 = arith.constant 3 : i32
        %add3A_418 = arith.addi %mul3A_259, %add3A_417 : i32
        %get3A_419 = arith.index_cast %add3A_418 : i32 to index
        %get3A_420 = arith.constant 32 : index
        %get3A_421 = tpu.vector_load %arg12[%get3A_419, %get3A_420] {strides = array<i32>} : memref<128x128xf32, #tpu.memory_space<vmem>>, vector<1x16xf32>,
        %get3A_422 = vector.shape_cast %get3A_421 : vector<1x16xf32> to vector<16xf32>
        %add3A_423 = arith.addf %add3A_367, %get3A_422 : vector<16xf32>
        %add3A_424 = arith.constant 3 : i32
        %add3A_425 = arith.addi %mul3A_259, %add3A_424 : i32
        %get3A_426 = arith.index_cast %add3A_425 : i32 to index
        %get3A_427 = arith.constant 48 : index
        %get3A_428 = tpu.vector_load %arg12[%get3A_426, %get3A_427] {strides = array<i32>} : memref<128x128xf32, #tpu.memory_space<vmem>>, vector<1x16xf32>,
        %get3A_429 = vector.shape_cast %get3A_428 : vector<1x16xf32> to vector<16xf32>
        %add3A_430 = arith.addf %add3A_374, %get3A_429 : vector<16xf32>
        %add3A_431 = arith.constant 3 : i32
        %add3A_432 = arith.addi %mul3A_259, %add3A_431 : i32
        %get3A_433 = arith.index_cast %add3A_432 : i32 to index
        %get3A_434 = arith.constant 64 : index
        %get3A_435 = tpu.vector_load %arg12[%get3A_433, %get3A_434] {strides = array<i32>} : memref<128x128xf32, #tpu.memory_space<vmem>>, vector<1x16xf32>,
        %get3A_436 = vector.shape_cast %get3A_435 : vector<1x16xf32> to vector<16xf32>
        %add3A_437 = arith.addf %add3A_381, %get3A_436 : vector<16xf32>
        %add3A_438 = arith.constant 3 : i32
        %add3A_439 = arith.addi %mul3A_259, %add3A_438 : i32
        %get3A_440 = arith.index_cast %add3A_439 : i32 to index
        %get3A_441 = arith.constant 80 : index
        %get3A_442 = tpu.vector_load %arg12[%get3A_440, %get3A_441] {strides = array<i32>} : memref<128x128xf32, #tpu.memory_space<vmem>>, vector<1x16xf32>,
        %get3A_443 = vector.shape_cast %get3A_442 : vector<1x16xf32> to vector<16xf32>
        %add3A_444 = arith.addf %add3A_388, %get3A_443 : vector<16xf32>
        %add3A_445 = arith.constant 3 : i32
        %add3A_446 = arith.addi %mul3A_259, %add3A_445 : i32
        %get3A_447 = arith.index_cast %add3A_446 : i32 to index
        %get3A_448 = arith.constant 96 : index
        %get3A_449 = tpu.vector_load %arg12[%get3A_447, %get3A_448] {strides = array<i32>} : memref<128x128xf32, #tpu.memory_space<vmem>>, vector<1x16xf32>,
        %get3A_450 = vector.shape_cast %get3A_449 : vector<1x16xf32> to vector<16xf32>
        %add3A_451 = arith.addf %add3A_395, %get3A_450 : vector<16xf32>
        %add3A_452 = arith.constant 3 : i32
        %add3A_453 = arith.addi %mul3A_259, %add3A_452 : i32
        %get3A_454 = arith.index_cast %add3A_453 : i32 to index
        %get3A_455 = arith.constant 112 : index
        %get3A_456 = tpu.vector_load %arg12[%get3A_454, %get3A_455] {strides = array<i32>} : memref<128x128xf32, #tpu.memory_space<vmem>>, vector<1x16xf32>,
        %get3A_457 = vector.shape_cast %get3A_456 : vector<1x16xf32> to vector<16xf32>
        %add3A_458 = arith.addf %add3A_402, %get3A_457 : vector<16xf32>
        %add3A_459 = arith.constant 4 : i32
        %add3A_460 = arith.addi %mul3A_259, %add3A_459 : i32
        %get3A_461 = arith.index_cast %add3A_460 : i32 to index
        %get3A_462 = arith.constant 0 : index
        %get3A_463 = tpu.vector_load %arg12[%get3A_461, %get3A_462] {strides = array<i32>} : memref<128x128xf32, #tpu.memory_space<vmem>>, vector<1x16xf32>,
        %get3A_464 = vector.shape_cast %get3A_463 : vector<1x16xf32> to vector<16xf32>
        %add3A_465 = arith.addf %add3A_409, %get3A_464 : vector<16xf32>
        %add3A_466 = arith.constant 4 : i32
        %add3A_467 = arith.addi %mul3A_259, %add3A_466 : i32
        %get3A_468 = arith.index_cast %add3A_467 : i32 to index
        %get3A_469 = arith.constant 16 : index
        %get3A_470 = tpu.vector_load %arg12[%get3A_468, %get3A_469] {strides = array<i32>} : memref<128x128xf32, #tpu.memory_space<vmem>>, vector<1x16xf32>,
        %get3A_471 = vector.shape_cast %get3A_470 : vector<1x16xf32> to vector<16xf32>
        %add3A_472 = arith.addf %add3A_416, %get3A_471 : vector<16xf32>
        %add3A_473 = arith.constant 4 : i32
        %add3A_474 = arith.addi %mul3A_259, %add3A_473 : i32
        %get3A_475 = arith.index_cast %add3A_474 : i32 to index
        %get3A_476 = arith.constant 32 : index
        %get3A_477 = tpu.vector_load %arg12[%get3A_475, %get3A_476] {strides = array<i32>} : memref<128x128xf32, #tpu.memory_space<vmem>>, vector<1x16xf32>,
        %get3A_478 = vector.shape_cast %get3A_477 : vector<1x16xf32> to vector<16xf32>
        %add3A_479 = arith.addf %add3A_423, %get3A_478 : vector<16xf32>
        %add3A_480 = arith.constant 4 : i32
        %add3A_481 = arith.addi %mul3A_259, %add3A_480 : i32
        %get3A_482 = arith.index_cast %add3A_481 : i32 to index
        %get3A_483 = arith.constant 48 : index
        %get3A_484 = tpu.vector_load %arg12[%get3A_482, %get3A_483] {strides = array<i32>} : memref<128x128xf32, #tpu.memory_space<vmem>>, vector<1x16xf32>,
        %get3A_485 = vector.shape_cast %get3A_484 : vector<1x16xf32> to vector<16xf32>
        %add3A_486 = arith.addf %add3A_430, %get3A_485 : vector<16xf32>
        %add3A_487 = arith.constant 4 : i32
        %add3A_488 = arith.addi %mul3A_259, %add3A_487 : i32
        %get3A_489 = arith.index_cast %add3A_488 : i32 to index
        %get3A_490 = arith.constant 64 : index
        %get3A_491 = tpu.vector_load %arg12[%get3A_489, %get3A_490] {strides = array<i32>} : memref<128x128xf32, #tpu.memory_space<vmem>>, vector<1x16xf32>,
        %get3A_492 = vector.shape_cast %get3A_491 : vector<1x16xf32> to vector<16xf32>
        %add3A_493 = arith.addf %add3A_437, %get3A_492 : vector<16xf32>
        %add3A_494 = arith.constant 4 : i32
        %add3A_495 = arith.addi %mul3A_259, %add3A_494 : i32
        %get3A_496 = arith.index_cast %add3A_495 : i32 to index
        %get3A_497 = arith.constant 80 : index
        %get3A_498 = tpu.vector_load %arg12[%get3A_496, %get3A_497] {strides = array<i32>} : memref<128x128xf32, #tpu.memory_space<vmem>>, vector<1x16xf32>,
        %get3A_499 = vector.shape_cast %get3A_498 : vector<1x16xf32> to vector<16xf32>
        %add3A_500 = arith.addf %add3A_444, %get3A_499 : vector<16xf32>
        %add3A_501 = arith.constant 4 : i32
        %add3A_502 = arith.addi %mul3A_259, %add3A_501 : i32
        %get3A_503 = arith.index_cast %add3A_502 : i32 to index
        %get3A_504 = arith.constant 96 : index
        %get3A_505 = tpu.vector_load %arg12[%get3A_503, %get3A_504] {strides = array<i32>} : memref<128x128xf32, #tpu.memory_space<vmem>>, vector<1x16xf32>,
        %get3A_506 = vector.shape_cast %get3A_505 : vector<1x16xf32> to vector<16xf32>
        %add3A_507 = arith.addf %add3A_451, %get3A_506 : vector<16xf32>
        %add3A_508 = arith.constant 4 : i32
        %add3A_509 = arith.addi %mul3A_259, %add3A_508 : i32
        %get3A_510 = arith.index_cast %add3A_509 : i32 to index
        %get3A_511 = arith.constant 112 : index
        %get3A_512 = tpu.vector_load %arg12[%get3A_510, %get3A_511] {strides = array<i32>} : memref<128x128xf32, #tpu.memory_space<vmem>>, vector<1x16xf32>,
        %get3A_513 = vector.shape_cast %get3A_512 : vector<1x16xf32> to vector<16xf32>
        %add3A_514 = arith.addf %add3A_458, %get3A_513 : vector<16xf32>
        %add3A_515 = arith.constant 5 : i32
        %add3A_516 = arith.addi %mul3A_259, %add3A_515 : i32
        %get3A_517 = arith.index_cast %add3A_516 : i32 to index
        %get3A_518 = arith.constant 0 : index
        %get3A_519 = tpu.vector_load %arg12[%get3A_517, %get3A_518] {strides = array<i32>} : memref<128x128xf32, #tpu.memory_space<vmem>>, vector<1x16xf32>,
        %get3A_520 = vector.shape_cast %get3A_519 : vector<1x16xf32> to vector<16xf32>
        %add3A_521 = arith.addf %add3A_465, %get3A_520 : vector<16xf32>
        %add3A_522 = arith.constant 5 : i32
        %add3A_523 = arith.addi %mul3A_259, %add3A_522 : i32
        %get3A_524 = arith.index_cast %add3A_523 : i32 to index
        %get3A_525 = arith.constant 16 : index
        %get3A_526 = tpu.vector_load %arg12[%get3A_524, %get3A_525] {strides = array<i32>} : memref<128x128xf32, #tpu.memory_space<vmem>>, vector<1x16xf32>,
        %get3A_527 = vector.shape_cast %get3A_526 : vector<1x16xf32> to vector<16xf32>
        %add3A_528 = arith.addf %add3A_472, %get3A_527 : vector<16xf32>
        %add3A_529 = arith.constant 5 : i32
        %add3A_530 = arith.addi %mul3A_259, %add3A_529 : i32
        %get3A_531 = arith.index_cast %add3A_530 : i32 to index
        %get3A_532 = arith.constant 32 : index
        %get3A_533 = tpu.vector_load %arg12[%get3A_531, %get3A_532] {strides = array<i32>} : memref<128x128xf32, #tpu.memory_space<vmem>>, vector<1x16xf32>,
        %get3A_534 = vector.shape_cast %get3A_533 : vector<1x16xf32> to vector<16xf32>
        %add3A_535 = arith.addf %add3A_479, %get3A_534 : vector<16xf32>
        %add3A_536 = arith.constant 5 : i32
        %add3A_537 = arith.addi %mul3A_259, %add3A_536 : i32
        %get3A_538 = arith.index_cast %add3A_537 : i32 to index
        %get3A_539 = arith.constant 48 : index
        %get3A_540 = tpu.vector_load %arg12[%get3A_538, %get3A_539] {strides = array<i32>} : memref<128x128xf32, #tpu.memory_space<vmem>>, vector<1x16xf32>,
        %get3A_541 = vector.shape_cast %get3A_540 : vector<1x16xf32> to vector<16xf32>
        %add3A_542 = arith.addf %add3A_486, %get3A_541 : vector<16xf32>
        %add3A_543 = arith.constant 5 : i32
        %add3A_544 = arith.addi %mul3A_259, %add3A_543 : i32
        %get3A_545 = arith.index_cast %add3A_544 : i32 to index
        %get3A_546 = arith.constant 64 : index
        %get3A_547 = tpu.vector_load %arg12[%get3A_545, %get3A_546] {strides = array<i32>} : memref<128x128xf32, #tpu.memory_space<vmem>>, vector<1x16xf32>,
        %get3A_548 = vector.shape_cast %get3A_547 : vector<1x16xf32> to vector<16xf32>
        %add3A_549 = arith.addf %add3A_493, %get3A_548 : vector<16xf32>
        %add3A_550 = arith.constant 5 : i32
        %add3A_551 = arith.addi %mul3A_259, %add3A_550 : i32
        %get3A_552 = arith.index_cast %add3A_551 : i32 to index
        %get3A_553 = arith.constant 80 : index
        %get3A_554 = tpu.vector_load %arg12[%get3A_552, %get3A_553] {strides = array<i32>} : memref<128x128xf32, #tpu.memory_space<vmem>>, vector<1x16xf32>,
        %get3A_555 = vector.shape_cast %get3A_554 : vector<1x16xf32> to vector<16xf32>
        %add3A_556 = arith.addf %add3A_500, %get3A_555 : vector<16xf32>
        %add3A_557 = arith.constant 5 : i32
        %add3A_558 = arith.addi %mul3A_259, %add3A_557 : i32
        %get3A_559 = arith.index_cast %add3A_558 : i32 to index
        %get3A_560 = arith.constant 96 : index
        %get3A_561 = tpu.vector_load %arg12[%get3A_559, %get3A_560] {strides = array<i32>} : memref<128x128xf32, #tpu.memory_space<vmem>>, vector<1x16xf32>,
        %get3A_562 = vector.shape_cast %get3A_561 : vector<1x16xf32> to vector<16xf32>
        %add3A_563 = arith.addf %add3A_507, %get3A_562 : vector<16xf32>
        %add3A_564 = arith.constant 5 : i32
        %add3A_565 = arith.addi %mul3A_259, %add3A_564 : i32
        %get3A_566 = arith.index_cast %add3A_565 : i32 to index
        %get3A_567 = arith.constant 112 : index
        %get3A_568 = tpu.vector_load %arg12[%get3A_566, %get3A_567] {strides = array<i32>} : memref<128x128xf32, #tpu.memory_space<vmem>>, vector<1x16xf32>,
        %get3A_569 = vector.shape_cast %get3A_568 : vector<1x16xf32> to vector<16xf32>
        %add3A_570 = arith.addf %add3A_514, %get3A_569 : vector<16xf32>
        %add3A_571 = arith.constant 6 : i32
        %add3A_572 = arith.addi %mul3A_259, %add3A_571 : i32
        %get3A_573 = arith.index_cast %add3A_572 : i32 to index
        %get3A_574 = arith.constant 0 : index
        %get3A_575 = tpu.vector_load %arg12[%get3A_573, %get3A_574] {strides = array<i32>} : memref<128x128xf32, #tpu.memory_space<vmem>>, vector<1x16xf32>,
        %get3A_576 = vector.shape_cast %get3A_575 : vector<1x16xf32> to vector<16xf32>
        %add3A_577 = arith.addf %add3A_521, %get3A_576 : vector<16xf32>
        %add3A_578 = arith.constant 6 : i32
        %add3A_579 = arith.addi %mul3A_259, %add3A_578 : i32
        %get3A_580 = arith.index_cast %add3A_579 : i32 to index
        %get3A_581 = arith.constant 16 : index
        %get3A_582 = tpu.vector_load %arg12[%get3A_580, %get3A_581] {strides = array<i32>} : memref<128x128xf32, #tpu.memory_space<vmem>>, vector<1x16xf32>,
        %get3A_583 = vector.shape_cast %get3A_582 : vector<1x16xf32> to vector<16xf32>
        %add3A_584 = arith.addf %add3A_528, %get3A_583 : vector<16xf32>
        %add3A_585 = arith.constant 6 : i32
        %add3A_586 = arith.addi %mul3A_259, %add3A_585 : i32
        %get3A_587 = arith.index_cast %add3A_586 : i32 to index
        %get3A_588 = arith.constant 32 : index
        %get3A_589 = tpu.vector_load %arg12[%get3A_587, %get3A_588] {strides = array<i32>} : memref<128x128xf32, #tpu.memory_space<vmem>>, vector<1x16xf32>,
        %get3A_590 = vector.shape_cast %get3A_589 : vector<1x16xf32> to vector<16xf32>
        %add3A_591 = arith.addf %add3A_535, %get3A_590 : vector<16xf32>
        %add3A_592 = arith.constant 6 : i32
        %add3A_593 = arith.addi %mul3A_259, %add3A_592 : i32
        %get3A_594 = arith.index_cast %add3A_593 : i32 to index
        %get3A_595 = arith.constant 48 : index
        %get3A_596 = tpu.vector_load %arg12[%get3A_594, %get3A_595] {strides = array<i32>} : memref<128x128xf32, #tpu.memory_space<vmem>>, vector<1x16xf32>,
        %get3A_597 = vector.shape_cast %get3A_596 : vector<1x16xf32> to vector<16xf32>
        %add3A_598 = arith.addf %add3A_542, %get3A_597 : vector<16xf32>
        %add3A_599 = arith.constant 6 : i32
        %add3A_600 = arith.addi %mul3A_259, %add3A_599 : i32
        %get3A_601 = arith.index_cast %add3A_600 : i32 to index
        %get3A_602 = arith.constant 64 : index
        %get3A_603 = tpu.vector_load %arg12[%get3A_601, %get3A_602] {strides = array<i32>} : memref<128x128xf32, #tpu.memory_space<vmem>>, vector<1x16xf32>,
        %get3A_604 = vector.shape_cast %get3A_603 : vector<1x16xf32> to vector<16xf32>
        %add3A_605 = arith.addf %add3A_549, %get3A_604 : vector<16xf32>
        %add3A_606 = arith.constant 6 : i32
        %add3A_607 = arith.addi %mul3A_259, %add3A_606 : i32
        %get3A_608 = arith.index_cast %add3A_607 : i32 to index
        %get3A_609 = arith.constant 80 : index
        %get3A_610 = tpu.vector_load %arg12[%get3A_608, %get3A_609] {strides = array<i32>} : memref<128x128xf32, #tpu.memory_space<vmem>>, vector<1x16xf32>,
        %get3A_611 = vector.shape_cast %get3A_610 : vector<1x16xf32> to vector<16xf32>
        %add3A_612 = arith.addf %add3A_556, %get3A_611 : vector<16xf32>
        %add3A_613 = arith.constant 6 : i32
        %add3A_614 = arith.addi %mul3A_259, %add3A_613 : i32
        %get3A_615 = arith.index_cast %add3A_614 : i32 to index
        %get3A_616 = arith.constant 96 : index
        %get3A_617 = tpu.vector_load %arg12[%get3A_615, %get3A_616] {strides = array<i32>} : memref<128x128xf32, #tpu.memory_space<vmem>>, vector<1x16xf32>,
        %get3A_618 = vector.shape_cast %get3A_617 : vector<1x16xf32> to vector<16xf32>
        %add3A_619 = arith.addf %add3A_563, %get3A_618 : vector<16xf32>
        %add3A_620 = arith.constant 6 : i32
        %add3A_621 = arith.addi %mul3A_259, %add3A_620 : i32
        %get3A_622 = arith.index_cast %add3A_621 : i32 to index
        %get3A_623 = arith.constant 112 : index
        %get3A_624 = tpu.vector_load %arg12[%get3A_622, %get3A_623] {strides = array<i32>} : memref<128x128xf32, #tpu.memory_space<vmem>>, vector<1x16xf32>,
        %get3A_625 = vector.shape_cast %get3A_624 : vector<1x16xf32> to vector<16xf32>
        %add3A_626 = arith.addf %add3A_570, %get3A_625 : vector<16xf32>
        %add3A_627 = arith.constant 7 : i32
        %add3A_628 = arith.addi %mul3A_259, %add3A_627 : i32
        %get3A_629 = arith.index_cast %add3A_628 : i32 to index
        %get3A_630 = arith.constant 0 : index
        %get3A_631 = tpu.vector_load %arg12[%get3A_629, %get3A_630] {strides = array<i32>} : memref<128x128xf32, #tpu.memory_space<vmem>>, vector<1x16xf32>,
        %get3A_632 = vector.shape_cast %get3A_631 : vector<1x16xf32> to vector<16xf32>
        %add3A_633 = arith.addf %add3A_577, %get3A_632 : vector<16xf32>
        %add3A_634 = arith.constant 7 : i32
        %add3A_635 = arith.addi %mul3A_259, %add3A_634 : i32
        %get3A_636 = arith.index_cast %add3A_635 : i32 to index
        %get3A_637 = arith.constant 16 : index
        %get3A_638 = tpu.vector_load %arg12[%get3A_636, %get3A_637] {strides = array<i32>} : memref<128x128xf32, #tpu.memory_space<vmem>>, vector<1x16xf32>,
        %get3A_639 = vector.shape_cast %get3A_638 : vector<1x16xf32> to vector<16xf32>
        %add3A_640 = arith.addf %add3A_584, %get3A_639 : vector<16xf32>
        %add3A_641 = arith.constant 7 : i32
        %add3A_642 = arith.addi %mul3A_259, %add3A_641 : i32
        %get3A_643 = arith.index_cast %add3A_642 : i32 to index
        %get3A_644 = arith.constant 32 : index
        %get3A_645 = tpu.vector_load %arg12[%get3A_643, %get3A_644] {strides = array<i32>} : memref<128x128xf32, #tpu.memory_space<vmem>>, vector<1x16xf32>,
        %get3A_646 = vector.shape_cast %get3A_645 : vector<1x16xf32> to vector<16xf32>
        %add3A_647 = arith.addf %add3A_591, %get3A_646 : vector<16xf32>
        %add3A_648 = arith.constant 7 : i32
        %add3A_649 = arith.addi %mul3A_259, %add3A_648 : i32
        %get3A_650 = arith.index_cast %add3A_649 : i32 to index
        %get3A_651 = arith.constant 48 : index
        %get3A_652 = tpu.vector_load %arg12[%get3A_650, %get3A_651] {strides = array<i32>} : memref<128x128xf32, #tpu.memory_space<vmem>>, vector<1x16xf32>,
        %get3A_653 = vector.shape_cast %get3A_652 : vector<1x16xf32> to vector<16xf32>
        %add3A_654 = arith.addf %add3A_598, %get3A_653 : vector<16xf32>
        %add3A_655 = arith.constant 7 : i32
        %add3A_656 = arith.addi %mul3A_259, %add3A_655 : i32
        %get3A_657 = arith.index_cast %add3A_656 : i32 to index
        %get3A_658 = arith.constant 64 : index
        %get3A_659 = tpu.vector_load %arg12[%get3A_657, %get3A_658] {strides = array<i32>} : memref<128x128xf32, #tpu.memory_space<vmem>>, vector<1x16xf32>,
        %get3A_660 = vector.shape_cast %get3A_659 : vector<1x16xf32> to vector<16xf32>
        %add3A_661 = arith.addf %add3A_605, %get3A_660 : vector<16xf32>
        %add3A_662 = arith.constant 7 : i32
        %add3A_663 = arith.addi %mul3A_259, %add3A_662 : i32
        %get3A_664 = arith.index_cast %add3A_663 : i32 to index
        %get3A_665 = arith.constant 80 : index
        %get3A_666 = tpu.vector_load %arg12[%get3A_664, %get3A_665] {strides = array<i32>} : memref<128x128xf32, #tpu.memory_space<vmem>>, vector<1x16xf32>,
        %get3A_667 = vector.shape_cast %get3A_666 : vector<1x16xf32> to vector<16xf32>
        %add3A_668 = arith.addf %add3A_612, %get3A_667 : vector<16xf32>
        %add3A_669 = arith.constant 7 : i32
        %add3A_670 = arith.addi %mul3A_259, %add3A_669 : i32
        %get3A_671 = arith.index_cast %add3A_670 : i32 to index
        %get3A_672 = arith.constant 96 : index
        %get3A_673 = tpu.vector_load %arg12[%get3A_671, %get3A_672] {strides = array<i32>} : memref<128x128xf32, #tpu.memory_space<vmem>>, vector<1x16xf32>,
        %get3A_674 = vector.shape_cast %get3A_673 : vector<1x16xf32> to vector<16xf32>
        %add3A_675 = arith.addf %add3A_619, %get3A_674 : vector<16xf32>
        %add3A_676 = arith.constant 7 : i32
        %add3A_677 = arith.addi %mul3A_259, %add3A_676 : i32
        %get3A_678 = arith.index_cast %add3A_677 : i32 to index
        %get3A_679 = arith.constant 112 : index
        %get3A_680 = tpu.vector_load %arg12[%get3A_678, %get3A_679] {strides = array<i32>} : memref<128x128xf32, #tpu.memory_space<vmem>>, vector<1x16xf32>,
        %get3A_681 = vector.shape_cast %get3A_680 : vector<1x16xf32> to vector<16xf32>
        %add3A_682 = arith.addf %add3A_626, %get3A_681 : vector<16xf32>
        %scan3A_683 = arith.constant 1 : i32
        %scan3A_684 = arith.constant 3 : i32
        %scan3A_685 = arith.addi %scan3A_683, %scan3A_684 : i32
        %scan3A_686 = arith.constant 1 : i32
        %scan3A_687:8 = scf.for %scan3A_728 = %scan3A_683 to %scan3A_685 step %scan3A_686 iter_args(%scan3A_729 = %add3A_633, %scan3A_730 = %add3A_640, %scan3A_731 = %add3A_647, %scan3A_732 = %add3A_654, %scan3A_733 = %add3A_661, %scan3A_734 = %add3A_668, %scan3A_735 = %add3A_675, %scan3A_736 = %add3A_682) -> (vector<16xf32>, vector<16xf32>, vector<16xf32>, vector<16xf32>, vector<16xf32>, vector<16xf32>, vector<16xf32>, vector<16xf32>)  : i32 {
          %mul3A_737 = arith.constant 8 : i32
          %mul3A_738 = arith.muli %scan3A_728, %mul3A_737 : i32
          %add3A_739 = arith.addi %mul3A_259, %mul3A_738 : i32
          %add3A_740 = arith.constant 0 : i32
          %add3A_741 = arith.addi %add3A_739, %add3A_740 : i32
          %get3A_742 = arith.index_cast %add3A_741 : i32 to index
          %get3A_743 = arith.constant 0 : index
          %get3A_744 = tpu.vector_load %arg12[%get3A_742, %get3A_743] {strides = array<i32>} : memref<128x128xf32, #tpu.memory_space<vmem>>, vector<1x16xf32>,
          %get3A_745 = vector.shape_cast %get3A_744 : vector<1x16xf32> to vector<16xf32>
          %add3A_746 = arith.addf %scan3A_729, %get3A_745 : vector<16xf32>
          %mul3A_747 = arith.constant 8 : i32
          %mul3A_748 = arith.muli %scan3A_728, %mul3A_747 : i32
          %add3A_749 = arith.addi %mul3A_259, %mul3A_748 : i32
          %add3A_750 = arith.constant 0 : i32
          %add3A_751 = arith.addi %add3A_749, %add3A_750 : i32
          %get3A_752 = arith.index_cast %add3A_751 : i32 to index
          %get3A_753 = arith.constant 16 : index
          %get3A_754 = tpu.vector_load %arg12[%get3A_752, %get3A_753] {strides = array<i32>} : memref<128x128xf32, #tpu.memory_space<vmem>>, vector<1x16xf32>,
          %get3A_755 = vector.shape_cast %get3A_754 : vector<1x16xf32> to vector<16xf32>
          %add3A_756 = arith.addf %scan3A_730, %get3A_755 : vector<16xf32>
          %mul3A_757 = arith.constant 8 : i32
          %mul3A_758 = arith.muli %scan3A_728, %mul3A_757 : i32
          %add3A_759 = arith.addi %mul3A_259, %mul3A_758 : i32
          %add3A_760 = arith.constant 0 : i32
          %add3A_761 = arith.addi %add3A_759, %add3A_760 : i32
          %get3A_762 = arith.index_cast %add3A_761 : i32 to index
          %get3A_763 = arith.constant 32 : index
          %get3A_764 = tpu.vector_load %arg12[%get3A_762, %get3A_763] {strides = array<i32>} : memref<128x128xf32, #tpu.memory_space<vmem>>, vector<1x16xf32>,
          %get3A_765 = vector.shape_cast %get3A_764 : vector<1x16xf32> to vector<16xf32>
          %add3A_766 = arith.addf %scan3A_731, %get3A_765 : vector<16xf32>
          %mul3A_767 = arith.constant 8 : i32
          %mul3A_768 = arith.muli %scan3A_728, %mul3A_767 : i32
          %add3A_769 = arith.addi %mul3A_259, %mul3A_768 : i32
          %add3A_770 = arith.constant 0 : i32
          %add3A_771 = arith.addi %add3A_769, %add3A_770 : i32
          %get3A_772 = arith.index_cast %add3A_771 : i32 to index
          %get3A_773 = arith.constant 48 : index
          %get3A_774 = tpu.vector_load %arg12[%get3A_772, %get3A_773] {strides = array<i32>} : memref<128x128xf32, #tpu.memory_space<vmem>>, vector<1x16xf32>,
          %get3A_775 = vector.shape_cast %get3A_774 : vector<1x16xf32> to vector<16xf32>
          %add3A_776 = arith.addf %scan3A_732, %get3A_775 : vector<16xf32>
          %mul3A_777 = arith.constant 8 : i32
          %mul3A_778 = arith.muli %scan3A_728, %mul3A_777 : i32
          %add3A_779 = arith.addi %mul3A_259, %mul3A_778 : i32
          %add3A_780 = arith.constant 0 : i32
          %add3A_781 = arith.addi %add3A_779, %add3A_780 : i32
          %get3A_782 = arith.index_cast %add3A_781 : i32 to index
          %get3A_783 = arith.constant 64 : index
          %get3A_784 = tpu.vector_load %arg12[%get3A_782, %get3A_783] {strides = array<i32>} : memref<128x128xf32, #tpu.memory_space<vmem>>, vector<1x16xf32>,
          %get3A_785 = vector.shape_cast %get3A_784 : vector<1x16xf32> to vector<16xf32>
          %add3A_786 = arith.addf %scan3A_733, %get3A_785 : vector<16xf32>
          %mul3A_787 = arith.constant 8 : i32
          %mul3A_788 = arith.muli %scan3A_728, %mul3A_787 : i32
          %add3A_789 = arith.addi %mul3A_259, %mul3A_788 : i32
          %add3A_790 = arith.constant 0 : i32
          %add3A_791 = arith.addi %add3A_789, %add3A_790 : i32
          %get3A_792 = arith.index_cast %add3A_791 : i32 to index
          %get3A_793 = arith.constant 80 : index
          %get3A_794 = tpu.vector_load %arg12[%get3A_792, %get3A_793] {strides = array<i32>} : memref<128x128xf32, #tpu.memory_space<vmem>>, vector<1x16xf32>,
          %get3A_795 = vector.shape_cast %get3A_794 : vector<1x16xf32> to vector<16xf32>
          %add3A_796 = arith.addf %scan3A_734, %get3A_795 : vector<16xf32>
          %mul3A_797 = arith.constant 8 : i32
          %mul3A_798 = arith.muli %scan3A_728, %mul3A_797 : i32
          %add3A_799 = arith.addi %mul3A_259, %mul3A_798 : i32
          %add3A_800 = arith.constant 0 : i32
          %add3A_801 = arith.addi %add3A_799, %add3A_800 : i32
          %get3A_802 = arith.index_cast %add3A_801 : i32 to index
          %get3A_803 = arith.constant 96 : index
          %get3A_804 = tpu.vector_load %arg12[%get3A_802, %get3A_803] {strides = array<i32>} : memref<128x128xf32, #tpu.memory_space<vmem>>, vector<1x16xf32>,
          %get3A_805 = vector.shape_cast %get3A_804 : vector<1x16xf32> to vector<16xf32>
          %add3A_806 = arith.addf %scan3A_735, %get3A_805 : vector<16xf32>
          %mul3A_807 = arith.constant 8 : i32
          %mul3A_808 = arith.muli %scan3A_728, %mul3A_807 : i32
          %add3A_809 = arith.addi %mul3A_259, %mul3A_808 : i32
          %add3A_810 = arith.constant 0 : i32
          %add3A_811 = arith.addi %add3A_809, %add3A_810 : i32
          %get3A_812 = arith.index_cast %add3A_811 : i32 to index
          %get3A_813 = arith.constant 112 : index
          %get3A_814 = tpu.vector_load %arg12[%get3A_812, %get3A_813] {strides = array<i32>} : memref<128x128xf32, #tpu.memory_space<vmem>>, vector<1x16xf32>,
          %get3A_815 = vector.shape_cast %get3A_814 : vector<1x16xf32> to vector<16xf32>
          %add3A_816 = arith.addf %scan3A_736, %get3A_815 : vector<16xf32>
          %mul3A_817 = arith.constant 8 : i32
          %mul3A_818 = arith.muli %scan3A_728, %mul3A_817 : i32
          %add3A_819 = arith.addi %mul3A_259, %mul3A_818 : i32
          %add3A_820 = arith.constant 1 : i32
          %add3A_821 = arith.addi %add3A_819, %add3A_820 : i32
          %get3A_822 = arith.index_cast %add3A_821 : i32 to index
          %get3A_823 = arith.constant 0 : index
          %get3A_824 = tpu.vector_load %arg12[%get3A_822, %get3A_823] {strides = array<i32>} : memref<128x128xf32, #tpu.memory_space<vmem>>, vector<1x16xf32>,
          %get3A_825 = vector.shape_cast %get3A_824 : vector<1x16xf32> to vector<16xf32>
          %add3A_826 = arith.addf %add3A_746, %get3A_825 : vector<16xf32>
          %mul3A_827 = arith.constant 8 : i32
          %mul3A_828 = arith.muli %scan3A_728, %mul3A_827 : i32
          %add3A_829 = arith.addi %mul3A_259, %mul3A_828 : i32
          %add3A_830 = arith.constant 1 : i32
          %add3A_831 = arith.addi %add3A_829, %add3A_830 : i32
          %get3A_832 = arith.index_cast %add3A_831 : i32 to index
          %get3A_833 = arith.constant 16 : index
          %get3A_834 = tpu.vector_load %arg12[%get3A_832, %get3A_833] {strides = array<i32>} : memref<128x128xf32, #tpu.memory_space<vmem>>, vector<1x16xf32>,
          %get3A_835 = vector.shape_cast %get3A_834 : vector<1x16xf32> to vector<16xf32>
          %add3A_836 = arith.addf %add3A_756, %get3A_835 : vector<16xf32>
          %mul3A_837 = arith.constant 8 : i32
          %mul3A_838 = arith.muli %scan3A_728, %mul3A_837 : i32
          %add3A_839 = arith.addi %mul3A_259, %mul3A_838 : i32
          %add3A_840 = arith.constant 1 : i32
          %add3A_841 = arith.addi %add3A_839, %add3A_840 : i32
          %get3A_842 = arith.index_cast %add3A_841 : i32 to index
          %get3A_843 = arith.constant 32 : index
          %get3A_844 = tpu.vector_load %arg12[%get3A_842, %get3A_843] {strides = array<i32>} : memref<128x128xf32, #tpu.memory_space<vmem>>, vector<1x16xf32>,
          %get3A_845 = vector.shape_cast %get3A_844 : vector<1x16xf32> to vector<16xf32>
          %add3A_846 = arith.addf %add3A_766, %get3A_845 : vector<16xf32>
          %mul3A_847 = arith.constant 8 : i32
          %mul3A_848 = arith.muli %scan3A_728, %mul3A_847 : i32
          %add3A_849 = arith.addi %mul3A_259, %mul3A_848 : i32
          %add3A_850 = arith.constant 1 : i32
          %add3A_851 = arith.addi %add3A_849, %add3A_850 : i32
          %get3A_852 = arith.index_cast %add3A_851 : i32 to index
          %get3A_853 = arith.constant 48 : index
          %get3A_854 = tpu.vector_load %arg12[%get3A_852, %get3A_853] {strides = array<i32>} : memref<128x128xf32, #tpu.memory_space<vmem>>, vector<1x16xf32>,
          %get3A_855 = vector.shape_cast %get3A_854 : vector<1x16xf32> to vector<16xf32>
          %add3A_856 = arith.addf %add3A_776, %get3A_855 : vector<16xf32>
          %mul3A_857 = arith.constant 8 : i32
          %mul3A_858 = arith.muli %scan3A_728, %mul3A_857 : i32
          %add3A_859 = arith.addi %mul3A_259, %mul3A_858 : i32
          %add3A_860 = arith.constant 1 : i32
          %add3A_861 = arith.addi %add3A_859, %add3A_860 : i32
          %get3A_862 = arith.index_cast %add3A_861 : i32 to index
          %get3A_863 = arith.constant 64 : index
          %get3A_864 = tpu.vector_load %arg12[%get3A_862, %get3A_863] {strides = array<i32>} : memref<128x128xf32, #tpu.memory_space<vmem>>, vector<1x16xf32>,
          %get3A_865 = vector.shape_cast %get3A_864 : vector<1x16xf32> to vector<16xf32>
          %add3A_866 = arith.addf %add3A_786, %get3A_865 : vector<16xf32>
          %mul3A_867 = arith.constant 8 : i32
          %mul3A_868 = arith.muli %scan3A_728, %mul3A_867 : i32
          %add3A_869 = arith.addi %mul3A_259, %mul3A_868 : i32
          %add3A_870 = arith.constant 1 : i32
          %add3A_871 = arith.addi %add3A_869, %add3A_870 : i32
          %get3A_872 = arith.index_cast %add3A_871 : i32 to index
          %get3A_873 = arith.constant 80 : index
          %get3A_874 = tpu.vector_load %arg12[%get3A_872, %get3A_873] {strides = array<i32>} : memref<128x128xf32, #tpu.memory_space<vmem>>, vector<1x16xf32>,
          %get3A_875 = vector.shape_cast %get3A_874 : vector<1x16xf32> to vector<16xf32>
          %add3A_876 = arith.addf %add3A_796, %get3A_875 : vector<16xf32>
          %mul3A_877 = arith.constant 8 : i32
          %mul3A_878 = arith.muli %scan3A_728, %mul3A_877 : i32
          %add3A_879 = arith.addi %mul3A_259, %mul3A_878 : i32
          %add3A_880 = arith.constant 1 : i32
          %add3A_881 = arith.addi %add3A_879, %add3A_880 : i32
          %get3A_882 = arith.index_cast %add3A_881 : i32 to index
          %get3A_883 = arith.constant 96 : index
          %get3A_884 = tpu.vector_load %arg12[%get3A_882, %get3A_883] {strides = array<i32>} : memref<128x128xf32, #tpu.memory_space<vmem>>, vector<1x16xf32>,
          %get3A_885 = vector.shape_cast %get3A_884 : vector<1x16xf32> to vector<16xf32>
          %add3A_886 = arith.addf %add3A_806, %get3A_885 : vector<16xf32>
          %mul3A_887 = arith.constant 8 : i32
          %mul3A_888 = arith.muli %scan3A_728, %mul3A_887 : i32
          %add3A_889 = arith.addi %mul3A_259, %mul3A_888 : i32
          %add3A_890 = arith.constant 1 : i32
          %add3A_891 = arith.addi %add3A_889, %add3A_890 : i32
          %get3A_892 = arith.index_cast %add3A_891 : i32 to index
          %get3A_893 = arith.constant 112 : index
          %get3A_894 = tpu.vector_load %arg12[%get3A_892, %get3A_893] {strides = array<i32>} : memref<128x128xf32, #tpu.memory_space<vmem>>, vector<1x16xf32>,
          %get3A_895 = vector.shape_cast %get3A_894 : vector<1x16xf32> to vector<16xf32>
          %add3A_896 = arith.addf %add3A_816, %get3A_895 : vector<16xf32>
          %mul3A_897 = arith.constant 8 : i32
          %mul3A_898 = arith.muli %scan3A_728, %mul3A_897 : i32
          %add3A_899 = arith.addi %mul3A_259, %mul3A_898 : i32
          %add3A_900 = arith.constant 2 : i32
          %add3A_901 = arith.addi %add3A_899, %add3A_900 : i32
          %get3A_902 = arith.index_cast %add3A_901 : i32 to index
          %get3A_903 = arith.constant 0 : index
          %get3A_904 = tpu.vector_load %arg12[%get3A_902, %get3A_903] {strides = array<i32>} : memref<128x128xf32, #tpu.memory_space<vmem>>, vector<1x16xf32>,
          %get3A_905 = vector.shape_cast %get3A_904 : vector<1x16xf32> to vector<16xf32>
          %add3A_906 = arith.addf %add3A_826, %get3A_905 : vector<16xf32>
          %mul3A_907 = arith.constant 8 : i32
          %mul3A_908 = arith.muli %scan3A_728, %mul3A_907 : i32
          %add3A_909 = arith.addi %mul3A_259, %mul3A_908 : i32
          %add3A_910 = arith.constant 2 : i32
          %add3A_911 = arith.addi %add3A_909, %add3A_910 : i32
          %get3A_912 = arith.index_cast %add3A_911 : i32 to index
          %get3A_913 = arith.constant 16 : index
          %get3A_914 = tpu.vector_load %arg12[%get3A_912, %get3A_913] {strides = array<i32>} : memref<128x128xf32, #tpu.memory_space<vmem>>, vector<1x16xf32>,
          %get3A_915 = vector.shape_cast %get3A_914 : vector<1x16xf32> to vector<16xf32>
          %add3A_916 = arith.addf %add3A_836, %get3A_915 : vector<16xf32>
          %mul3A_917 = arith.constant 8 : i32
          %mul3A_918 = arith.muli %scan3A_728, %mul3A_917 : i32
          %add3A_919 = arith.addi %mul3A_259, %mul3A_918 : i32
          %add3A_920 = arith.constant 2 : i32
          %add3A_921 = arith.addi %add3A_919, %add3A_920 : i32
          %get3A_922 = arith.index_cast %add3A_921 : i32 to index
          %get3A_923 = arith.constant 32 : index
          %get3A_924 = tpu.vector_load %arg12[%get3A_922, %get3A_923] {strides = array<i32>} : memref<128x128xf32, #tpu.memory_space<vmem>>, vector<1x16xf32>,
          %get3A_925 = vector.shape_cast %get3A_924 : vector<1x16xf32> to vector<16xf32>
          %add3A_926 = arith.addf %add3A_846, %get3A_925 : vector<16xf32>
          %mul3A_927 = arith.constant 8 : i32
          %mul3A_928 = arith.muli %scan3A_728, %mul3A_927 : i32
          %add3A_929 = arith.addi %mul3A_259, %mul3A_928 : i32
          %add3A_930 = arith.constant 2 : i32
          %add3A_931 = arith.addi %add3A_929, %add3A_930 : i32
          %get3A_932 = arith.index_cast %add3A_931 : i32 to index
          %get3A_933 = arith.constant 48 : index
          %get3A_934 = tpu.vector_load %arg12[%get3A_932, %get3A_933] {strides = array<i32>} : memref<128x128xf32, #tpu.memory_space<vmem>>, vector<1x16xf32>,
          %get3A_935 = vector.shape_cast %get3A_934 : vector<1x16xf32> to vector<16xf32>
          %add3A_936 = arith.addf %add3A_856, %get3A_935 : vector<16xf32>
          %mul3A_937 = arith.constant 8 : i32
          %mul3A_938 = arith.muli %scan3A_728, %mul3A_937 : i32
          %add3A_939 = arith.addi %mul3A_259, %mul3A_938 : i32
          %add3A_940 = arith.constant 2 : i32
          %add3A_941 = arith.addi %add3A_939, %add3A_940 : i32
          %get3A_942 = arith.index_cast %add3A_941 : i32 to index
          %get3A_943 = arith.constant 64 : index
          %get3A_944 = tpu.vector_load %arg12[%get3A_942, %get3A_943] {strides = array<i32>} : memref<128x128xf32, #tpu.memory_space<vmem>>, vector<1x16xf32>,
          %get3A_945 = vector.shape_cast %get3A_944 : vector<1x16xf32> to vector<16xf32>
          %add3A_946 = arith.addf %add3A_866, %get3A_945 : vector<16xf32>
          %mul3A_947 = arith.constant 8 : i32
          %mul3A_948 = arith.muli %scan3A_728, %mul3A_947 : i32
          %add3A_949 = arith.addi %mul3A_259, %mul3A_948 : i32
          %add3A_950 = arith.constant 2 : i32
          %add3A_951 = arith.addi %add3A_949, %add3A_950 : i32
          %get3A_952 = arith.index_cast %add3A_951 : i32 to index
          %get3A_953 = arith.constant 80 : index
          %get3A_954 = tpu.vector_load %arg12[%get3A_952, %get3A_953] {strides = array<i32>} : memref<128x128xf32, #tpu.memory_space<vmem>>, vector<1x16xf32>,
          %get3A_955 = vector.shape_cast %get3A_954 : vector<1x16xf32> to vector<16xf32>
          %add3A_956 = arith.addf %add3A_876, %get3A_955 : vector<16xf32>
          %mul3A_957 = arith.constant 8 : i32
          %mul3A_958 = arith.muli %scan3A_728, %mul3A_957 : i32
          %add3A_959 = arith.addi %mul3A_259, %mul3A_958 : i32
          %add3A_960 = arith.constant 2 : i32
          %add3A_961 = arith.addi %add3A_959, %add3A_960 : i32
          %get3A_962 = arith.index_cast %add3A_961 : i32 to index
          %get3A_963 = arith.constant 96 : index
          %get3A_964 = tpu.vector_load %arg12[%get3A_962, %get3A_963] {strides = array<i32>} : memref<128x128xf32, #tpu.memory_space<vmem>>, vector<1x16xf32>,
          %get3A_965 = vector.shape_cast %get3A_964 : vector<1x16xf32> to vector<16xf32>
          %add3A_966 = arith.addf %add3A_886, %get3A_965 : vector<16xf32>
          %mul3A_967 = arith.constant 8 : i32
          %mul3A_968 = arith.muli %scan3A_728, %mul3A_967 : i32
          %add3A_969 = arith.addi %mul3A_259, %mul3A_968 : i32
          %add3A_970 = arith.constant 2 : i32
          %add3A_971 = arith.addi %add3A_969, %add3A_970 : i32
          %get3A_972 = arith.index_cast %add3A_971 : i32 to index
          %get3A_973 = arith.constant 112 : index
          %get3A_974 = tpu.vector_load %arg12[%get3A_972, %get3A_973] {strides = array<i32>} : memref<128x128xf32, #tpu.memory_space<vmem>>, vector<1x16xf32>,
          %get3A_975 = vector.shape_cast %get3A_974 : vector<1x16xf32> to vector<16xf32>
          %add3A_976 = arith.addf %add3A_896, %get3A_975 : vector<16xf32>
          %mul3A_977 = arith.constant 8 : i32
          %mul3A_978 = arith.muli %scan3A_728, %mul3A_977 : i32
          %add3A_979 = arith.addi %mul3A_259, %mul3A_978 : i32
          %add3A_980 = arith.constant 3 : i32
          %add3A_981 = arith.addi %add3A_979, %add3A_980 : i32
          %get3A_982 = arith.index_cast %add3A_981 : i32 to index
          %get3A_983 = arith.constant 0 : index
          %get3A_984 = tpu.vector_load %arg12[%get3A_982, %get3A_983] {strides = array<i32>} : memref<128x128xf32, #tpu.memory_space<vmem>>, vector<1x16xf32>,
          %get3A_985 = vector.shape_cast %get3A_984 : vector<1x16xf32> to vector<16xf32>
          %add3A_986 = arith.addf %add3A_906, %get3A_985 : vector<16xf32>
          %mul3A_987 = arith.constant 8 : i32
          %mul3A_988 = arith.muli %scan3A_728, %mul3A_987 : i32
          %add3A_989 = arith.addi %mul3A_259, %mul3A_988 : i32
          %add3A_990 = arith.constant 3 : i32
          %add3A_991 = arith.addi %add3A_989, %add3A_990 : i32
          %get3A_992 = arith.index_cast %add3A_991 : i32 to index
          %get3A_993 = arith.constant 16 : index
          %get3A_994 = tpu.vector_load %arg12[%get3A_992, %get3A_993] {strides = array<i32>} : memref<128x128xf32, #tpu.memory_space<vmem>>, vector<1x16xf32>,
          %get3A_995 = vector.shape_cast %get3A_994 : vector<1x16xf32> to vector<16xf32>
          %add3A_996 = arith.addf %add3A_916, %get3A_995 : vector<16xf32>
          %mul3A_997 = arith.constant 8 : i32
          %mul3A_998 = arith.muli %scan3A_728, %mul3A_997 : i32
          %add3A_999 = arith.addi %mul3A_259, %mul3A_998 : i32
          %add3A_1000 = arith.constant 3 : i32
          %add3A_1001 = arith.addi %add3A_999, %add3A_1000 : i32
          %get3A_1002 = arith.index_cast %add3A_1001 : i32 to index
          %get3A_1003 = arith.constant 32 : index
          %get3A_1004 = tpu.vector_load %arg12[%get3A_1002, %get3A_1003] {strides = array<i32>} : memref<128x128xf32, #tpu.memory_space<vmem>>, vector<1x16xf32>,
          %get3A_1005 = vector.shape_cast %get3A_1004 : vector<1x16xf32> to vector<16xf32>
          %add3A_1006 = arith.addf %add3A_926, %get3A_1005 : vector<16xf32>
          %mul3A_1007 = arith.constant 8 : i32
          %mul3A_1008 = arith.muli %scan3A_728, %mul3A_1007 : i32
          %add3A_1009 = arith.addi %mul3A_259, %mul3A_1008 : i32
          %add3A_1010 = arith.constant 3 : i32
          %add3A_1011 = arith.addi %add3A_1009, %add3A_1010 : i32
          %get3A_1012 = arith.index_cast %add3A_1011 : i32 to index
          %get3A_1013 = arith.constant 48 : index
          %get3A_1014 = tpu.vector_load %arg12[%get3A_1012, %get3A_1013] {strides = array<i32>} : memref<128x128xf32, #tpu.memory_space<vmem>>, vector<1x16xf32>,
          %get3A_1015 = vector.shape_cast %get3A_1014 : vector<1x16xf32> to vector<16xf32>
          %add3A_1016 = arith.addf %add3A_936, %get3A_1015 : vector<16xf32>
          %mul3A_1017 = arith.constant 8 : i32
          %mul3A_1018 = arith.muli %scan3A_728, %mul3A_1017 : i32
          %add3A_1019 = arith.addi %mul3A_259, %mul3A_1018 : i32
          %add3A_1020 = arith.constant 3 : i32
          %add3A_1021 = arith.addi %add3A_1019, %add3A_1020 : i32
          %get3A_1022 = arith.index_cast %add3A_1021 : i32 to index
          %get3A_1023 = arith.constant 64 : index
          %get3A_1024 = tpu.vector_load %arg12[%get3A_1022, %get3A_1023] {strides = array<i32>} : memref<128x128xf32, #tpu.memory_space<vmem>>, vector<1x16xf32>,
          %get3A_1025 = vector.shape_cast %get3A_1024 : vector<1x16xf32> to vector<16xf32>
          %add3A_1026 = arith.addf %add3A_946, %get3A_1025 : vector<16xf32>
          %mul3A_1027 = arith.constant 8 : i32
          %mul3A_1028 = arith.muli %scan3A_728, %mul3A_1027 : i32
          %add3A_1029 = arith.addi %mul3A_259, %mul3A_1028 : i32
          %add3A_1030 = arith.constant 3 : i32
          %add3A_1031 = arith.addi %add3A_1029, %add3A_1030 : i32
          %get3A_1032 = arith.index_cast %add3A_1031 : i32 to index
          %get3A_1033 = arith.constant 80 : index
          %get3A_1034 = tpu.vector_load %arg12[%get3A_1032, %get3A_1033] {strides = array<i32>} : memref<128x128xf32, #tpu.memory_space<vmem>>, vector<1x16xf32>,
          %get3A_1035 = vector.shape_cast %get3A_1034 : vector<1x16xf32> to vector<16xf32>
          %add3A_1036 = arith.addf %add3A_956, %get3A_1035 : vector<16xf32>
          %mul3A_1037 = arith.constant 8 : i32
          %mul3A_1038 = arith.muli %scan3A_728, %mul3A_1037 : i32
          %add3A_1039 = arith.addi %mul3A_259, %mul3A_1038 : i32
          %add3A_1040 = arith.constant 3 : i32
          %add3A_1041 = arith.addi %add3A_1039, %add3A_1040 : i32
          %get3A_1042 = arith.index_cast %add3A_1041 : i32 to index
          %get3A_1043 = arith.constant 96 : index
          %get3A_1044 = tpu.vector_load %arg12[%get3A_1042, %get3A_1043] {strides = array<i32>} : memref<128x128xf32, #tpu.memory_space<vmem>>, vector<1x16xf32>,
          %get3A_1045 = vector.shape_cast %get3A_1044 : vector<1x16xf32> to vector<16xf32>
          %add3A_1046 = arith.addf %add3A_966, %get3A_1045 : vector<16xf32>
          %mul3A_1047 = arith.constant 8 : i32
          %mul3A_1048 = arith.muli %scan3A_728, %mul3A_1047 : i32
          %add3A_1049 = arith.addi %mul3A_259, %mul3A_1048 : i32
          %add3A_1050 = arith.constant 3 : i32
          %add3A_1051 = arith.addi %add3A_1049, %add3A_1050 : i32
          %get3A_1052 = arith.index_cast %add3A_1051 : i32 to index
          %get3A_1053 = arith.constant 112 : index
          %get3A_1054 = tpu.vector_load %arg12[%get3A_1052, %get3A_1053] {strides = array<i32>} : memref<128x128xf32, #tpu.memory_space<vmem>>, vector<1x16xf32>,
          %get3A_1055 = vector.shape_cast %get3A_1054 : vector<1x16xf32> to vector<16xf32>
          %add3A_1056 = arith.addf %add3A_976, %get3A_1055 : vector<16xf32>
          %mul3A_1057 = arith.constant 8 : i32
          %mul3A_1058 = arith.muli %scan3A_728, %mul3A_1057 : i32
          %add3A_1059 = arith.addi %mul3A_259, %mul3A_1058 : i32
          %add3A_1060 = arith.constant 4 : i32
          %add3A_1061 = arith.addi %add3A_1059, %add3A_1060 : i32
          %get3A_1062 = arith.index_cast %add3A_1061 : i32 to index
          %get3A_1063 = arith.constant 0 : index
          %get3A_1064 = tpu.vector_load %arg12[%get3A_1062, %get3A_1063] {strides = array<i32>} : memref<128x128xf32, #tpu.memory_space<vmem>>, vector<1x16xf32>,
          %get3A_1065 = vector.shape_cast %get3A_1064 : vector<1x16xf32> to vector<16xf32>
          %add3A_1066 = arith.addf %add3A_986, %get3A_1065 : vector<16xf32>
          %mul3A_1067 = arith.constant 8 : i32
          %mul3A_1068 = arith.muli %scan3A_728, %mul3A_1067 : i32
          %add3A_1069 = arith.addi %mul3A_259, %mul3A_1068 : i32
          %add3A_1070 = arith.constant 4 : i32
          %add3A_1071 = arith.addi %add3A_1069, %add3A_1070 : i32
          %get3A_1072 = arith.index_cast %add3A_1071 : i32 to index
          %get3A_1073 = arith.constant 16 : index
          %get3A_1074 = tpu.vector_load %arg12[%get3A_1072, %get3A_1073] {strides = array<i32>} : memref<128x128xf32, #tpu.memory_space<vmem>>, vector<1x16xf32>,
          %get3A_1075 = vector.shape_cast %get3A_1074 : vector<1x16xf32> to vector<16xf32>
          %add3A_1076 = arith.addf %add3A_996, %get3A_1075 : vector<16xf32>
          %mul3A_1077 = arith.constant 8 : i32
          %mul3A_1078 = arith.muli %scan3A_728, %mul3A_1077 : i32
          %add3A_1079 = arith.addi %mul3A_259, %mul3A_1078 : i32
          %add3A_1080 = arith.constant 4 : i32
          %add3A_1081 = arith.addi %add3A_1079, %add3A_1080 : i32
          %get3A_1082 = arith.index_cast %add3A_1081 : i32 to index
          %get3A_1083 = arith.constant 32 : index
          %get3A_1084 = tpu.vector_load %arg12[%get3A_1082, %get3A_1083] {strides = array<i32>} : memref<128x128xf32, #tpu.memory_space<vmem>>, vector<1x16xf32>,
          %get3A_1085 = vector.shape_cast %get3A_1084 : vector<1x16xf32> to vector<16xf32>
          %add3A_1086 = arith.addf %add3A_1006, %get3A_1085 : vector<16xf32>
          %mul3A_1087 = arith.constant 8 : i32
          %mul3A_1088 = arith.muli %scan3A_728, %mul3A_1087 : i32
          %add3A_1089 = arith.addi %mul3A_259, %mul3A_1088 : i32
          %add3A_1090 = arith.constant 4 : i32
          %add3A_1091 = arith.addi %add3A_1089, %add3A_1090 : i32
          %get3A_1092 = arith.index_cast %add3A_1091 : i32 to index
          %get3A_1093 = arith.constant 48 : index
          %get3A_1094 = tpu.vector_load %arg12[%get3A_1092, %get3A_1093] {strides = array<i32>} : memref<128x128xf32, #tpu.memory_space<vmem>>, vector<1x16xf32>,
          %get3A_1095 = vector.shape_cast %get3A_1094 : vector<1x16xf32> to vector<16xf32>
          %add3A_1096 = arith.addf %add3A_1016, %get3A_1095 : vector<16xf32>
          %mul3A_1097 = arith.constant 8 : i32
          %mul3A_1098 = arith.muli %scan3A_728, %mul3A_1097 : i32
          %add3A_1099 = arith.addi %mul3A_259, %mul3A_1098 : i32
          %add3A_1100 = arith.constant 4 : i32
          %add3A_1101 = arith.addi %add3A_1099, %add3A_1100 : i32
          %get3A_1102 = arith.index_cast %add3A_1101 : i32 to index
          %get3A_1103 = arith.constant 64 : index
          %get3A_1104 = tpu.vector_load %arg12[%get3A_1102, %get3A_1103] {strides = array<i32>} : memref<128x128xf32, #tpu.memory_space<vmem>>, vector<1x16xf32>,
          %get3A_1105 = vector.shape_cast %get3A_1104 : vector<1x16xf32> to vector<16xf32>
          %add3A_1106 = arith.addf %add3A_1026, %get3A_1105 : vector<16xf32>
          %mul3A_1107 = arith.constant 8 : i32
          %mul3A_1108 = arith.muli %scan3A_728, %mul3A_1107 : i32
          %add3A_1109 = arith.addi %mul3A_259, %mul3A_1108 : i32
          %add3A_1110 = arith.constant 4 : i32
          %add3A_1111 = arith.addi %add3A_1109, %add3A_1110 : i32
          %get3A_1112 = arith.index_cast %add3A_1111 : i32 to index
          %get3A_1113 = arith.constant 80 : index
          %get3A_1114 = tpu.vector_load %arg12[%get3A_1112, %get3A_1113] {strides = array<i32>} : memref<128x128xf32, #tpu.memory_space<vmem>>, vector<1x16xf32>,
          %get3A_1115 = vector.shape_cast %get3A_1114 : vector<1x16xf32> to vector<16xf32>
          %add3A_1116 = arith.addf %add3A_1036, %get3A_1115 : vector<16xf32>
          %mul3A_1117 = arith.constant 8 : i32
          %mul3A_1118 = arith.muli %scan3A_728, %mul3A_1117 : i32
          %add3A_1119 = arith.addi %mul3A_259, %mul3A_1118 : i32
          %add3A_1120 = arith.constant 4 : i32
          %add3A_1121 = arith.addi %add3A_1119, %add3A_1120 : i32
          %get3A_1122 = arith.index_cast %add3A_1121 : i32 to index
          %get3A_1123 = arith.constant 96 : index
          %get3A_1124 = tpu.vector_load %arg12[%get3A_1122, %get3A_1123] {strides = array<i32>} : memref<128x128xf32, #tpu.memory_space<vmem>>, vector<1x16xf32>,
          %get3A_1125 = vector.shape_cast %get3A_1124 : vector<1x16xf32> to vector<16xf32>
          %add3A_1126 = arith.addf %add3A_1046, %get3A_1125 : vector<16xf32>
          %mul3A_1127 = arith.constant 8 : i32
          %mul3A_1128 = arith.muli %scan3A_728, %mul3A_1127 : i32
          %add3A_1129 = arith.addi %mul3A_259, %mul3A_1128 : i32
          %add3A_1130 = arith.constant 4 : i32
          %add3A_1131 = arith.addi %add3A_1129, %add3A_1130 : i32
          %get3A_1132 = arith.index_cast %add3A_1131 : i32 to index
          %get3A_1133 = arith.constant 112 : index
          %get3A_1134 = tpu.vector_load %arg12[%get3A_1132, %get3A_1133] {strides = array<i32>} : memref<128x128xf32, #tpu.memory_space<vmem>>, vector<1x16xf32>,
          %get3A_1135 = vector.shape_cast %get3A_1134 : vector<1x16xf32> to vector<16xf32>
          %add3A_1136 = arith.addf %add3A_1056, %get3A_1135 : vector<16xf32>
          %mul3A_1137 = arith.constant 8 : i32
          %mul3A_1138 = arith.muli %scan3A_728, %mul3A_1137 : i32
          %add3A_1139 = arith.addi %mul3A_259, %mul3A_1138 : i32
          %add3A_1140 = arith.constant 5 : i32
          %add3A_1141 = arith.addi %add3A_1139, %add3A_1140 : i32
          %get3A_1142 = arith.index_cast %add3A_1141 : i32 to index
          %get3A_1143 = arith.constant 0 : index
          %get3A_1144 = tpu.vector_load %arg12[%get3A_1142, %get3A_1143] {strides = array<i32>} : memref<128x128xf32, #tpu.memory_space<vmem>>, vector<1x16xf32>,
          %get3A_1145 = vector.shape_cast %get3A_1144 : vector<1x16xf32> to vector<16xf32>
          %add3A_1146 = arith.addf %add3A_1066, %get3A_1145 : vector<16xf32>
          %mul3A_1147 = arith.constant 8 : i32
          %mul3A_1148 = arith.muli %scan3A_728, %mul3A_1147 : i32
          %add3A_1149 = arith.addi %mul3A_259, %mul3A_1148 : i32
          %add3A_1150 = arith.constant 5 : i32
          %add3A_1151 = arith.addi %add3A_1149, %add3A_1150 : i32
          %get3A_1152 = arith.index_cast %add3A_1151 : i32 to index
          %get3A_1153 = arith.constant 16 : index
          %get3A_1154 = tpu.vector_load %arg12[%get3A_1152, %get3A_1153] {strides = array<i32>} : memref<128x128xf32, #tpu.memory_space<vmem>>, vector<1x16xf32>,
          %get3A_1155 = vector.shape_cast %get3A_1154 : vector<1x16xf32> to vector<16xf32>
          %add3A_1156 = arith.addf %add3A_1076, %get3A_1155 : vector<16xf32>
          %mul3A_1157 = arith.constant 8 : i32
          %mul3A_1158 = arith.muli %scan3A_728, %mul3A_1157 : i32
          %add3A_1159 = arith.addi %mul3A_259, %mul3A_1158 : i32
          %add3A_1160 = arith.constant 5 : i32
          %add3A_1161 = arith.addi %add3A_1159, %add3A_1160 : i32
          %get3A_1162 = arith.index_cast %add3A_1161 : i32 to index
          %get3A_1163 = arith.constant 32 : index
          %get3A_1164 = tpu.vector_load %arg12[%get3A_1162, %get3A_1163] {strides = array<i32>} : memref<128x128xf32, #tpu.memory_space<vmem>>, vector<1x16xf32>,
          %get3A_1165 = vector.shape_cast %get3A_1164 : vector<1x16xf32> to vector<16xf32>
          %add3A_1166 = arith.addf %add3A_1086, %get3A_1165 : vector<16xf32>
          %mul3A_1167 = arith.constant 8 : i32
          %mul3A_1168 = arith.muli %scan3A_728, %mul3A_1167 : i32
          %add3A_1169 = arith.addi %mul3A_259, %mul3A_1168 : i32
          %add3A_1170 = arith.constant 5 : i32
          %add3A_1171 = arith.addi %add3A_1169, %add3A_1170 : i32
          %get3A_1172 = arith.index_cast %add3A_1171 : i32 to index
          %get3A_1173 = arith.constant 48 : index
          %get3A_1174 = tpu.vector_load %arg12[%get3A_1172, %get3A_1173] {strides = array<i32>} : memref<128x128xf32, #tpu.memory_space<vmem>>, vector<1x16xf32>,
          %get3A_1175 = vector.shape_cast %get3A_1174 : vector<1x16xf32> to vector<16xf32>
          %add3A_1176 = arith.addf %add3A_1096, %get3A_1175 : vector<16xf32>
          %mul3A_1177 = arith.constant 8 : i32
          %mul3A_1178 = arith.muli %scan3A_728, %mul3A_1177 : i32
          %add3A_1179 = arith.addi %mul3A_259, %mul3A_1178 : i32
          %add3A_1180 = arith.constant 5 : i32
          %add3A_1181 = arith.addi %add3A_1179, %add3A_1180 : i32
          %get3A_1182 = arith.index_cast %add3A_1181 : i32 to index
          %get3A_1183 = arith.constant 64 : index
          %get3A_1184 = tpu.vector_load %arg12[%get3A_1182, %get3A_1183] {strides = array<i32>} : memref<128x128xf32, #tpu.memory_space<vmem>>, vector<1x16xf32>,
          %get3A_1185 = vector.shape_cast %get3A_1184 : vector<1x16xf32> to vector<16xf32>
          %add3A_1186 = arith.addf %add3A_1106, %get3A_1185 : vector<16xf32>
          %mul3A_1187 = arith.constant 8 : i32
          %mul3A_1188 = arith.muli %scan3A_728, %mul3A_1187 : i32
          %add3A_1189 = arith.addi %mul3A_259, %mul3A_1188 : i32
          %add3A_1190 = arith.constant 5 : i32
          %add3A_1191 = arith.addi %add3A_1189, %add3A_1190 : i32
          %get3A_1192 = arith.index_cast %add3A_1191 : i32 to index
          %get3A_1193 = arith.constant 80 : index
          %get3A_1194 = tpu.vector_load %arg12[%get3A_1192, %get3A_1193] {strides = array<i32>} : memref<128x128xf32, #tpu.memory_space<vmem>>, vector<1x16xf32>,
          %get3A_1195 = vector.shape_cast %get3A_1194 : vector<1x16xf32> to vector<16xf32>
          %add3A_1196 = arith.addf %add3A_1116, %get3A_1195 : vector<16xf32>
          %mul3A_1197 = arith.constant 8 : i32
          %mul3A_1198 = arith.muli %scan3A_728, %mul3A_1197 : i32
          %add3A_1199 = arith.addi %mul3A_259, %mul3A_1198 : i32
          %add3A_1200 = arith.constant 5 : i32
          %add3A_1201 = arith.addi %add3A_1199, %add3A_1200 : i32
          %get3A_1202 = arith.index_cast %add3A_1201 : i32 to index
          %get3A_1203 = arith.constant 96 : index
          %get3A_1204 = tpu.vector_load %arg12[%get3A_1202, %get3A_1203] {strides = array<i32>} : memref<128x128xf32, #tpu.memory_space<vmem>>, vector<1x16xf32>,
          %get3A_1205 = vector.shape_cast %get3A_1204 : vector<1x16xf32> to vector<16xf32>
          %add3A_1206 = arith.addf %add3A_1126, %get3A_1205 : vector<16xf32>
          %mul3A_1207 = arith.constant 8 : i32
          %mul3A_1208 = arith.muli %scan3A_728, %mul3A_1207 : i32
          %add3A_1209 = arith.addi %mul3A_259, %mul3A_1208 : i32
          %add3A_1210 = arith.constant 5 : i32
          %add3A_1211 = arith.addi %add3A_1209, %add3A_1210 : i32
          %get3A_1212 = arith.index_cast %add3A_1211 : i32 to index
          %get3A_1213 = arith.constant 112 : index
          %get3A_1214 = tpu.vector_load %arg12[%get3A_1212, %get3A_1213] {strides = array<i32>} : memref<128x128xf32, #tpu.memory_space<vmem>>, vector<1x16xf32>,
          %get3A_1215 = vector.shape_cast %get3A_1214 : vector<1x16xf32> to vector<16xf32>
          %add3A_1216 = arith.addf %add3A_1136, %get3A_1215 : vector<16xf32>
          %mul3A_1217 = arith.constant 8 : i32
          %mul3A_1218 = arith.muli %scan3A_728, %mul3A_1217 : i32
          %add3A_1219 = arith.addi %mul3A_259, %mul3A_1218 : i32
          %add3A_1220 = arith.constant 6 : i32
          %add3A_1221 = arith.addi %add3A_1219, %add3A_1220 : i32
          %get3A_1222 = arith.index_cast %add3A_1221 : i32 to index
          %get3A_1223 = arith.constant 0 : index
          %get3A_1224 = tpu.vector_load %arg12[%get3A_1222, %get3A_1223] {strides = array<i32>} : memref<128x128xf32, #tpu.memory_space<vmem>>, vector<1x16xf32>,
          %get3A_1225 = vector.shape_cast %get3A_1224 : vector<1x16xf32> to vector<16xf32>
          %add3A_1226 = arith.addf %add3A_1146, %get3A_1225 : vector<16xf32>
          %mul3A_1227 = arith.constant 8 : i32
          %mul3A_1228 = arith.muli %scan3A_728, %mul3A_1227 : i32
          %add3A_1229 = arith.addi %mul3A_259, %mul3A_1228 : i32
          %add3A_1230 = arith.constant 6 : i32
          %add3A_1231 = arith.addi %add3A_1229, %add3A_1230 : i32
          %get3A_1232 = arith.index_cast %add3A_1231 : i32 to index
          %get3A_1233 = arith.constant 16 : index
          %get3A_1234 = tpu.vector_load %arg12[%get3A_1232, %get3A_1233] {strides = array<i32>} : memref<128x128xf32, #tpu.memory_space<vmem>>, vector<1x16xf32>,
          %get3A_1235 = vector.shape_cast %get3A_1234 : vector<1x16xf32> to vector<16xf32>
          %add3A_1236 = arith.addf %add3A_1156, %get3A_1235 : vector<16xf32>
          %mul3A_1237 = arith.constant 8 : i32
          %mul3A_1238 = arith.muli %scan3A_728, %mul3A_1237 : i32
          %add3A_1239 = arith.addi %mul3A_259, %mul3A_1238 : i32
          %add3A_1240 = arith.constant 6 : i32
          %add3A_1241 = arith.addi %add3A_1239, %add3A_1240 : i32
          %get3A_1242 = arith.index_cast %add3A_1241 : i32 to index
          %get3A_1243 = arith.constant 32 : index
          %get3A_1244 = tpu.vector_load %arg12[%get3A_1242, %get3A_1243] {strides = array<i32>} : memref<128x128xf32, #tpu.memory_space<vmem>>, vector<1x16xf32>,
          %get3A_1245 = vector.shape_cast %get3A_1244 : vector<1x16xf32> to vector<16xf32>
          %add3A_1246 = arith.addf %add3A_1166, %get3A_1245 : vector<16xf32>
          %mul3A_1247 = arith.constant 8 : i32
          %mul3A_1248 = arith.muli %scan3A_728, %mul3A_1247 : i32
          %add3A_1249 = arith.addi %mul3A_259, %mul3A_1248 : i32
          %add3A_1250 = arith.constant 6 : i32
          %add3A_1251 = arith.addi %add3A_1249, %add3A_1250 : i32
          %get3A_1252 = arith.index_cast %add3A_1251 : i32 to index
          %get3A_1253 = arith.constant 48 : index
          %get3A_1254 = tpu.vector_load %arg12[%get3A_1252, %get3A_1253] {strides = array<i32>} : memref<128x128xf32, #tpu.memory_space<vmem>>, vector<1x16xf32>,
          %get3A_1255 = vector.shape_cast %get3A_1254 : vector<1x16xf32> to vector<16xf32>
          %add3A_1256 = arith.addf %add3A_1176, %get3A_1255 : vector<16xf32>
          %mul3A_1257 = arith.constant 8 : i32
          %mul3A_1258 = arith.muli %scan3A_728, %mul3A_1257 : i32
          %add3A_1259 = arith.addi %mul3A_259, %mul3A_1258 : i32
          %add3A_1260 = arith.constant 6 : i32
          %add3A_1261 = arith.addi %add3A_1259, %add3A_1260 : i32
          %get3A_1262 = arith.index_cast %add3A_1261 : i32 to index
          %get3A_1263 = arith.constant 64 : index
          %get3A_1264 = tpu.vector_load %arg12[%get3A_1262, %get3A_1263] {strides = array<i32>} : memref<128x128xf32, #tpu.memory_space<vmem>>, vector<1x16xf32>,
          %get3A_1265 = vector.shape_cast %get3A_1264 : vector<1x16xf32> to vector<16xf32>
          %add3A_1266 = arith.addf %add3A_1186, %get3A_1265 : vector<16xf32>
          %mul3A_1267 = arith.constant 8 : i32
          %mul3A_1268 = arith.muli %scan3A_728, %mul3A_1267 : i32
          %add3A_1269 = arith.addi %mul3A_259, %mul3A_1268 : i32
          %add3A_1270 = arith.constant 6 : i32
          %add3A_1271 = arith.addi %add3A_1269, %add3A_1270 : i32
          %get3A_1272 = arith.index_cast %add3A_1271 : i32 to index
          %get3A_1273 = arith.constant 80 : index
          %get3A_1274 = tpu.vector_load %arg12[%get3A_1272, %get3A_1273] {strides = array<i32>} : memref<128x128xf32, #tpu.memory_space<vmem>>, vector<1x16xf32>,
          %get3A_1275 = vector.shape_cast %get3A_1274 : vector<1x16xf32> to vector<16xf32>
          %add3A_1276 = arith.addf %add3A_1196, %get3A_1275 : vector<16xf32>
          %mul3A_1277 = arith.constant 8 : i32
          %mul3A_1278 = arith.muli %scan3A_728, %mul3A_1277 : i32
          %add3A_1279 = arith.addi %mul3A_259, %mul3A_1278 : i32
          %add3A_1280 = arith.constant 6 : i32
          %add3A_1281 = arith.addi %add3A_1279, %add3A_1280 : i32
          %get3A_1282 = arith.index_cast %add3A_1281 : i32 to index
          %get3A_1283 = arith.constant 96 : index
          %get3A_1284 = tpu.vector_load %arg12[%get3A_1282, %get3A_1283] {strides = array<i32>} : memref<128x128xf32, #tpu.memory_space<vmem>>, vector<1x16xf32>,
          %get3A_1285 = vector.shape_cast %get3A_1284 : vector<1x16xf32> to vector<16xf32>
          %add3A_1286 = arith.addf %add3A_1206, %get3A_1285 : vector<16xf32>
          %mul3A_1287 = arith.constant 8 : i32
          %mul3A_1288 = arith.muli %scan3A_728, %mul3A_1287 : i32
          %add3A_1289 = arith.addi %mul3A_259, %mul3A_1288 : i32
          %add3A_1290 = arith.constant 6 : i32
          %add3A_1291 = arith.addi %add3A_1289, %add3A_1290 : i32
          %get3A_1292 = arith.index_cast %add3A_1291 : i32 to index
          %get3A_1293 = arith.constant 112 : index
          %get3A_1294 = tpu.vector_load %arg12[%get3A_1292, %get3A_1293] {strides = array<i32>} : memref<128x128xf32, #tpu.memory_space<vmem>>, vector<1x16xf32>,
          %get3A_1295 = vector.shape_cast %get3A_1294 : vector<1x16xf32> to vector<16xf32>
          %add3A_1296 = arith.addf %add3A_1216, %get3A_1295 : vector<16xf32>
          %mul3A_1297 = arith.constant 8 : i32
          %mul3A_1298 = arith.muli %scan3A_728, %mul3A_1297 : i32
          %add3A_1299 = arith.addi %mul3A_259, %mul3A_1298 : i32
          %add3A_1300 = arith.constant 7 : i32
          %add3A_1301 = arith.addi %add3A_1299, %add3A_1300 : i32
          %get3A_1302 = arith.index_cast %add3A_1301 : i32 to index
          %get3A_1303 = arith.constant 0 : index
          %get3A_1304 = tpu.vector_load %arg12[%get3A_1302, %get3A_1303] {strides = array<i32>} : memref<128x128xf32, #tpu.memory_space<vmem>>, vector<1x16xf32>,
          %get3A_1305 = vector.shape_cast %get3A_1304 : vector<1x16xf32> to vector<16xf32>
          %add3A_1306 = arith.addf %add3A_1226, %get3A_1305 : vector<16xf32>
          %mul3A_1307 = arith.constant 8 : i32
          %mul3A_1308 = arith.muli %scan3A_728, %mul3A_1307 : i32
          %add3A_1309 = arith.addi %mul3A_259, %mul3A_1308 : i32
          %add3A_1310 = arith.constant 7 : i32
          %add3A_1311 = arith.addi %add3A_1309, %add3A_1310 : i32
          %get3A_1312 = arith.index_cast %add3A_1311 : i32 to index
          %get3A_1313 = arith.constant 16 : index
          %get3A_1314 = tpu.vector_load %arg12[%get3A_1312, %get3A_1313] {strides = array<i32>} : memref<128x128xf32, #tpu.memory_space<vmem>>, vector<1x16xf32>,
          %get3A_1315 = vector.shape_cast %get3A_1314 : vector<1x16xf32> to vector<16xf32>
          %add3A_1316 = arith.addf %add3A_1236, %get3A_1315 : vector<16xf32>
          %mul3A_1317 = arith.constant 8 : i32
          %mul3A_1318 = arith.muli %scan3A_728, %mul3A_1317 : i32
          %add3A_1319 = arith.addi %mul3A_259, %mul3A_1318 : i32
          %add3A_1320 = arith.constant 7 : i32
          %add3A_1321 = arith.addi %add3A_1319, %add3A_1320 : i32
          %get3A_1322 = arith.index_cast %add3A_1321 : i32 to index
          %get3A_1323 = arith.constant 32 : index
          %get3A_1324 = tpu.vector_load %arg12[%get3A_1322, %get3A_1323] {strides = array<i32>} : memref<128x128xf32, #tpu.memory_space<vmem>>, vector<1x16xf32>,
          %get3A_1325 = vector.shape_cast %get3A_1324 : vector<1x16xf32> to vector<16xf32>
          %add3A_1326 = arith.addf %add3A_1246, %get3A_1325 : vector<16xf32>
          %mul3A_1327 = arith.constant 8 : i32
          %mul3A_1328 = arith.muli %scan3A_728, %mul3A_1327 : i32
          %add3A_1329 = arith.addi %mul3A_259, %mul3A_1328 : i32
          %add3A_1330 = arith.constant 7 : i32
          %add3A_1331 = arith.addi %add3A_1329, %add3A_1330 : i32
          %get3A_1332 = arith.index_cast %add3A_1331 : i32 to index
          %get3A_1333 = arith.constant 48 : index
          %get3A_1334 = tpu.vector_load %arg12[%get3A_1332, %get3A_1333] {strides = array<i32>} : memref<128x128xf32, #tpu.memory_space<vmem>>, vector<1x16xf32>,
          %get3A_1335 = vector.shape_cast %get3A_1334 : vector<1x16xf32> to vector<16xf32>
          %add3A_1336 = arith.addf %add3A_1256, %get3A_1335 : vector<16xf32>
          %mul3A_1337 = arith.constant 8 : i32
          %mul3A_1338 = arith.muli %scan3A_728, %mul3A_1337 : i32
          %add3A_1339 = arith.addi %mul3A_259, %mul3A_1338 : i32
          %add3A_1340 = arith.constant 7 : i32
          %add3A_1341 = arith.addi %add3A_1339, %add3A_1340 : i32
          %get3A_1342 = arith.index_cast %add3A_1341 : i32 to index
          %get3A_1343 = arith.constant 64 : index
          %get3A_1344 = tpu.vector_load %arg12[%get3A_1342, %get3A_1343] {strides = array<i32>} : memref<128x128xf32, #tpu.memory_space<vmem>>, vector<1x16xf32>,
          %get3A_1345 = vector.shape_cast %get3A_1344 : vector<1x16xf32> to vector<16xf32>
          %add3A_1346 = arith.addf %add3A_1266, %get3A_1345 : vector<16xf32>
          %mul3A_1347 = arith.constant 8 : i32
          %mul3A_1348 = arith.muli %scan3A_728, %mul3A_1347 : i32
          %add3A_1349 = arith.addi %mul3A_259, %mul3A_1348 : i32
          %add3A_1350 = arith.constant 7 : i32
          %add3A_1351 = arith.addi %add3A_1349, %add3A_1350 : i32
          %get3A_1352 = arith.index_cast %add3A_1351 : i32 to index
          %get3A_1353 = arith.constant 80 : index
          %get3A_1354 = tpu.vector_load %arg12[%get3A_1352, %get3A_1353] {strides = array<i32>} : memref<128x128xf32, #tpu.memory_space<vmem>>, vector<1x16xf32>,
          %get3A_1355 = vector.shape_cast %get3A_1354 : vector<1x16xf32> to vector<16xf32>
          %add3A_1356 = arith.addf %add3A_1276, %get3A_1355 : vector<16xf32>
          %mul3A_1357 = arith.constant 8 : i32
          %mul3A_1358 = arith.muli %scan3A_728, %mul3A_1357 : i32
          %add3A_1359 = arith.addi %mul3A_259, %mul3A_1358 : i32
          %add3A_1360 = arith.constant 7 : i32
          %add3A_1361 = arith.addi %add3A_1359, %add3A_1360 : i32
          %get3A_1362 = arith.index_cast %add3A_1361 : i32 to index
          %get3A_1363 = arith.constant 96 : index
          %get3A_1364 = tpu.vector_load %arg12[%get3A_1362, %get3A_1363] {strides = array<i32>} : memref<128x128xf32, #tpu.memory_space<vmem>>, vector<1x16xf32>,
          %get3A_1365 = vector.shape_cast %get3A_1364 : vector<1x16xf32> to vector<16xf32>
          %add3A_1366 = arith.addf %add3A_1286, %get3A_1365 : vector<16xf32>
          %mul3A_1367 = arith.constant 8 : i32
          %mul3A_1368 = arith.muli %scan3A_728, %mul3A_1367 : i32
          %add3A_1369 = arith.addi %mul3A_259, %mul3A_1368 : i32
          %add3A_1370 = arith.constant 7 : i32
          %add3A_1371 = arith.addi %add3A_1369, %add3A_1370 : i32
          %get3A_1372 = arith.index_cast %add3A_1371 : i32 to index
          %get3A_1373 = arith.constant 112 : index
          %get3A_1374 = tpu.vector_load %arg12[%get3A_1372, %get3A_1373] {strides = array<i32>} : memref<128x128xf32, #tpu.memory_space<vmem>>, vector<1x16xf32>,
          %get3A_1375 = vector.shape_cast %get3A_1374 : vector<1x16xf32> to vector<16xf32>
          %add3A_1376 = arith.addf %add3A_1296, %get3A_1375 : vector<16xf32>
          scf.yield %add3A_1306, %add3A_1316, %add3A_1326, %add3A_1336, %add3A_1346, %add3A_1356, %add3A_1366, %add3A_1376 : vector<16xf32>, vector<16xf32>, vector<16xf32>, vector<16xf32>, vector<16xf32>, vector<16xf32>, vector<16xf32>, vector<16xf32>
        }
        %scan3A_688 = arith.constant 3 : i32
        %swap3A = arith.index_cast %scan3A_257 : i32 to index
        %swap3A_689 = arith.constant 0 : index
        %swap3A_690 = tpu.vector_load %arg16[%swap3A, %swap3A_689] {strides = array<i32>} : memref<4x128xf32, #tpu.memory_space<vmem>>, vector<1x16xf32>,
        %swap3A_691 = vector.shape_cast %swap3A_690 : vector<1x16xf32> to vector<16xf32>
        %swap3A_692 = vector.shape_cast %scan3A_687#0 : vector<16xf32> to vector<1x16xf32>
        tpu.vector_store %arg16[%swap3A, %swap3A_689], %swap3A_692 {strides = array<i32>} : memref<4x128xf32, #tpu.memory_space<vmem>>, vector<1x16xf32>,
        %swap3A_693 = arith.index_cast %scan3A_257 : i32 to index
        %swap3A_694 = arith.constant 16 : index
        %swap3A_695 = tpu.vector_load %arg16[%swap3A_693, %swap3A_694] {strides = array<i32>} : memref<4x128xf32, #tpu.memory_space<vmem>>, vector<1x16xf32>,
        %swap3A_696 = vector.shape_cast %swap3A_695 : vector<1x16xf32> to vector<16xf32>
        %swap3A_697 = vector.shape_cast %scan3A_687#1 : vector<16xf32> to vector<1x16xf32>
        tpu.vector_store %arg16[%swap3A_693, %swap3A_694], %swap3A_697 {strides = array<i32>} : memref<4x128xf32, #tpu.memory_space<vmem>>, vector<1x16xf32>,
        %swap3A_698 = arith.index_cast %scan3A_257 : i32 to index
        %swap3A_699 = arith.constant 32 : index
        %swap3A_700 = tpu.vector_load %arg16[%swap3A_698, %swap3A_699] {strides = array<i32>} : memref<4x128xf32, #tpu.memory_space<vmem>>, vector<1x16xf32>,
        %swap3A_701 = vector.shape_cast %swap3A_700 : vector<1x16xf32> to vector<16xf32>
        %swap3A_702 = vector.shape_cast %scan3A_687#2 : vector<16xf32> to vector<1x16xf32>
        tpu.vector_store %arg16[%swap3A_698, %swap3A_699], %swap3A_702 {strides = array<i32>} : memref<4x128xf32, #tpu.memory_space<vmem>>, vector<1x16xf32>,
        %swap3A_703 = arith.index_cast %scan3A_257 : i32 to index
        %swap3A_704 = arith.constant 48 : index
        %swap3A_705 = tpu.vector_load %arg16[%swap3A_703, %swap3A_704] {strides = array<i32>} : memref<4x128xf32, #tpu.memory_space<vmem>>, vector<1x16xf32>,
        %swap3A_706 = vector.shape_cast %swap3A_705 : vector<1x16xf32> to vector<16xf32>
        %swap3A_707 = vector.shape_cast %scan3A_687#3 : vector<16xf32> to vector<1x16xf32>
        tpu.vector_store %arg16[%swap3A_703, %swap3A_704], %swap3A_707 {strides = array<i32>} : memref<4x128xf32, #tpu.memory_space<vmem>>, vector<1x16xf32>,
        %swap3A_708 = arith.index_cast %scan3A_257 : i32 to index
        %swap3A_709 = arith.constant 64 : index
        %swap3A_710 = tpu.vector_load %arg16[%swap3A_708, %swap3A_709] {strides = array<i32>} : memref<4x128xf32, #tpu.memory_space<vmem>>, vector<1x16xf32>,
        %swap3A_711 = vector.shape_cast %swap3A_710 : vector<1x16xf32> to vector<16xf32>
        %swap3A_712 = vector.shape_cast %scan3A_687#4 : vector<16xf32> to vector<1x16xf32>
        tpu.vector_store %arg16[%swap3A_708, %swap3A_709], %swap3A_712 {strides = array<i32>} : memref<4x128xf32, #tpu.memory_space<vmem>>, vector<1x16xf32>,
        %swap3A_713 = arith.index_cast %scan3A_257 : i32 to index
        %swap3A_714 = arith.constant 80 : index
        %swap3A_715 = tpu.vector_load %arg16[%swap3A_713, %swap3A_714] {strides = array<i32>} : memref<4x128xf32, #tpu.memory_space<vmem>>, vector<1x16xf32>,
        %swap3A_716 = vector.shape_cast %swap3A_715 : vector<1x16xf32> to vector<16xf32>
        %swap3A_717 = vector.shape_cast %scan3A_687#5 : vector<16xf32> to vector<1x16xf32>
        tpu.vector_store %arg16[%swap3A_713, %swap3A_714], %swap3A_717 {strides = array<i32>} : memref<4x128xf32, #tpu.memory_space<vmem>>, vector<1x16xf32>,
        %swap3A_718 = arith.index_cast %scan3A_257 : i32 to index
        %swap3A_719 = arith.constant 96 : index
        %swap3A_720 = tpu.vector_load %arg16[%swap3A_718, %swap3A_719] {strides = array<i32>} : memref<4x128xf32, #tpu.memory_space<vmem>>, vector<1x16xf32>,
        %swap3A_721 = vector.shape_cast %swap3A_720 : vector<1x16xf32> to vector<16xf32>
        %swap3A_722 = vector.shape_cast %scan3A_687#6 : vector<16xf32> to vector<1x16xf32>
        tpu.vector_store %arg16[%swap3A_718, %swap3A_719], %swap3A_722 {strides = array<i32>} : memref<4x128xf32, #tpu.memory_space<vmem>>, vector<1x16xf32>,
        %swap3A_723 = arith.index_cast %scan3A_257 : i32 to index
        %swap3A_724 = arith.constant 112 : index
        %swap3A_725 = tpu.vector_load %arg16[%swap3A_723, %swap3A_724] {strides = array<i32>} : memref<4x128xf32, #tpu.memory_space<vmem>>, vector<1x16xf32>,
        %swap3A_726 = vector.shape_cast %swap3A_725 : vector<1x16xf32> to vector<16xf32>
        %swap3A_727 = vector.shape_cast %scan3A_687#7 : vector<16xf32> to vector<1x16xf32>
        tpu.vector_store %arg16[%swap3A_723, %swap3A_724], %swap3A_727 {strides = array<i32>} : memref<4x128xf32, #tpu.memory_space<vmem>>, vector<1x16xf32>,
      }
      %scan3A_245 = arith.constant 4 : i32
      %add3A_246 = arith.constant 4 : i32
      %add3A_247 = arith.addi %add3A_226, %add3A_246 : i32
      %lt3A_248 = arith.constant 128 : i32
      %lt3A_249 = arith.cmpi slt, %add3A_247, %lt3A_248 : i32
      %convert_element_type3A_250 = arith.extui %lt3A_249 : i1 to i32
      %cond3A_251 = arith.constant 0 : i32
      %cond3A_252 = arith.cmpi ne, %convert_element_type3A_250, %cond3A_251 : i32
      scf.if %cond3A_252 {
        %add3A_257 = arith.constant 4 : i32
        %add3A_258 = arith.addi %add3A_226, %add3A_257 : i32
        %mul3A_259 = arith.constant 4 : i32
        %mul3A_260 = arith.muli %add3A_258, %mul3A_259 : i32
        %mul3A_261 = arith.constant 32 : i32
        %mul3A_262 = arith.muli %mul3A_260, %mul3A_261 : i32
        %dma_start3A_263 = tpu.memref_slice %arg7[%mul3A_262] : memref<16384xi32, #tpu.memory_space<vmem>> -> memref<128xi32, #tpu.memory_space<vmem>>
        %dma_start3A_264 = arith.constant 0 : i32
        %dma_start3A_265 = arith.constant 0 : i32
        %dma_start3A_266 = tpu.memref_slice %arg2[%dma_start3A_264, %dma_start3A_265] : memref<50000x128xf32, #tpu.memory_space<hbm>> -> memref<50000x128xf32, #tpu.memory_space<hbm>>
        tpu.enqueue_indirect_dma source(%dma_start3A_266 : memref<50000x128xf32, #tpu.memory_space<hbm>>) target(%arg12 : memref<128x128xf32, #tpu.memory_space<vmem>>) offsets(%dma_start3A_263 : memref<128xi32, #tpu.memory_space<vmem>>) semaphore(%arg20 : memref<!tpu.dma_semaphore, #tpu.memory_space<semaphore_mem>>)
      } else {
      }
      %dma_start3A_253 = arith.constant 0 : i32
      %dma_start3A_254 = tpu.memref_slice %arg5[%add3A_229, %dma_start3A_253] : memref<16384x128xf32, #tpu.memory_space<hbm>> -> memref<4x128xf32, #tpu.memory_space<hbm>>
      %dma_start3A_255 = arith.constant 0 : i32
      %dma_start3A_256 = tpu.memref_slice %arg5[%add3A_229, %dma_start3A_255] : memref<16384x128xf32, #tpu.memory_space<hbm>> -> memref<4x128xf32, #tpu.memory_space<hbm>>
      tpu.enqueue_dma source(%arg16 : memref<4x128xf32, #tpu.memory_space<vmem>>) target(%dma_start3A_256 : memref<4x128xf32, #tpu.memory_space<hbm>>) target_semaphore(%arg24 : memref<!tpu.dma_semaphore, #tpu.memory_space<semaphore_mem>>)
    }
    %scan3A_28 = arith.constant 32 : i32
    %dma_wait3A = arith.constant 0 : i32
    %dma_wait3A_29 = tpu.memref_slice %arg5[%mul3A_2, %dma_wait3A] : memref<16384x128xf32, #tpu.memory_space<hbm>> -> memref<4x128xf32, #tpu.memory_space<hbm>>
    %dma_wait3A_30 = arith.constant 0 : i32
    %dma_wait3A_31 = tpu.memref_slice %arg5[%mul3A_2, %dma_wait3A_30] : memref<16384x128xf32, #tpu.memory_space<hbm>> -> memref<4x128xf32, #tpu.memory_space<hbm>>
    tpu.wait_dma2 semaphore(%arg21 : memref<!tpu.dma_semaphore, #tpu.memory_space<semaphore_mem>>) src(%arg13 : memref<4x128xf32, #tpu.memory_space<vmem>>) dst(%dma_wait3A_31 : memref<4x128xf32, #tpu.memory_space<hbm>>)
    %dma_wait3A_32 = arith.constant 0 : i32
    %dma_wait3A_33 = tpu.memref_slice %arg5[%mul3A_2, %dma_wait3A_32] : memref<16384x128xf32, #tpu.memory_space<hbm>> -> memref<4x128xf32, #tpu.memory_space<hbm>>
    %dma_wait3A_34 = arith.constant 0 : i32
    %dma_wait3A_35 = tpu.memref_slice %arg5[%mul3A_2, %dma_wait3A_34] : memref<16384x128xf32, #tpu.memory_space<hbm>> -> memref<4x128xf32, #tpu.memory_space<hbm>>
    tpu.wait_dma2 semaphore(%arg22 : memref<!tpu.dma_semaphore, #tpu.memory_space<semaphore_mem>>) src(%arg14 : memref<4x128xf32, #tpu.memory_space<vmem>>) dst(%dma_wait3A_35 : memref<4x128xf32, #tpu.memory_space<hbm>>)
    %dma_wait3A_36 = arith.constant 0 : i32
    %dma_wait3A_37 = tpu.memref_slice %arg5[%mul3A_2, %dma_wait3A_36] : memref<16384x128xf32, #tpu.memory_space<hbm>> -> memref<4x128xf32, #tpu.memory_space<hbm>>
    %dma_wait3A_38 = arith.constant 0 : i32
    %dma_wait3A_39 = tpu.memref_slice %arg5[%mul3A_2, %dma_wait3A_38] : memref<16384x128xf32, #tpu.memory_space<hbm>> -> memref<4x128xf32, #tpu.memory_space<hbm>>
    tpu.wait_dma2 semaphore(%arg23 : memref<!tpu.dma_semaphore, #tpu.memory_space<semaphore_mem>>) src(%arg15 : memref<4x128xf32, #tpu.memory_space<vmem>>) dst(%dma_wait3A_39 : memref<4x128xf32, #tpu.memory_space<hbm>>)
    %dma_wait3A_40 = arith.constant 0 : i32
    %dma_wait3A_41 = tpu.memref_slice %arg5[%mul3A_2, %dma_wait3A_40] : memref<16384x128xf32, #tpu.memory_space<hbm>> -> memref<4x128xf32, #tpu.memory_space<hbm>>
    %dma_wait3A_42 = arith.constant 0 : i32
    %dma_wait3A_43 = tpu.memref_slice %arg5[%mul3A_2, %dma_wait3A_42] : memref<16384x128xf32, #tpu.memory_space<hbm>> -> memref<4x128xf32, #tpu.memory_space<hbm>>
    tpu.wait_dma2 semaphore(%arg24 : memref<!tpu.dma_semaphore, #tpu.memory_space<semaphore_mem>>) src(%arg16 : memref<4x128xf32, #tpu.memory_space<vmem>>) dst(%dma_wait3A_43 : memref<4x128xf32, #tpu.memory_space<hbm>>)
    %dma_start3A_44 = arith.constant 0 : i32
    %dma_start3A_45 = tpu.memref_slice %arg8[%dma_start3A_44] : memref<512xi32, #tpu.memory_space<vmem>> -> memref<128xi32, #tpu.memory_space<vmem>>
    %dma_start3A_46 = arith.constant 0 : i32
    %dma_start3A_47 = arith.constant 0 : i32
    %dma_start3A_48 = tpu.memref_slice %arg2[%dma_start3A_46, %dma_start3A_47] : memref<50000x128xf32, #tpu.memory_space<hbm>> -> memref<50000x128xf32, #tpu.memory_space<hbm>>
    tpu.enqueue_indirect_dma source(%dma_start3A_48 : memref<50000x128xf32, #tpu.memory_space<hbm>>) target(%arg9 : memref<128x128xf32, #tpu.memory_space<vmem>>) offsets(%dma_start3A_45 : memref<128xi32, #tpu.memory_space<vmem>>) semaphore(%arg17 : memref<!tpu.dma_semaphore, #tpu.memory_space<semaphore_mem>>)
    %dma_start3A_49 = arith.constant 128 : i32
    %dma_start3A_50 = tpu.memref_slice %arg8[%dma_start3A_49] : memref<512xi32, #tpu.memory_space<vmem>> -> memref<128xi32, #tpu.memory_space<vmem>>
    %dma_start3A_51 = arith.constant 0 : i32
    %dma_start3A_52 = arith.constant 0 : i32
    %dma_start3A_53 = tpu.memref_slice %arg2[%dma_start3A_51, %dma_start3A_52] : memref<50000x128xf32, #tpu.memory_space<hbm>> -> memref<50000x128xf32, #tpu.memory_space<hbm>>
    tpu.enqueue_indirect_dma source(%dma_start3A_53 : memref<50000x128xf32, #tpu.memory_space<hbm>>) target(%arg10 : memref<128x128xf32, #tpu.memory_space<vmem>>) offsets(%dma_start3A_50 : memref<128xi32, #tpu.memory_space<vmem>>) semaphore(%arg18 : memref<!tpu.dma_semaphore, #tpu.memory_space<semaphore_mem>>)
    %dma_start3A_54 = arith.constant 256 : i32
    %dma_start3A_55 = tpu.memref_slice %arg8[%dma_start3A_54] : memref<512xi32, #tpu.memory_space<vmem>> -> memref<128xi32, #tpu.memory_space<vmem>>
    %dma_start3A_56 = arith.constant 0 : i32
    %dma_start3A_57 = arith.constant 0 : i32
    %dma_start3A_58 = tpu.memref_slice %arg2[%dma_start3A_56, %dma_start3A_57] : memref<50000x128xf32, #tpu.memory_space<hbm>> -> memref<50000x128xf32, #tpu.memory_space<hbm>>
    tpu.enqueue_indirect_dma source(%dma_start3A_58 : memref<50000x128xf32, #tpu.memory_space<hbm>>) target(%arg11 : memref<128x128xf32, #tpu.memory_space<vmem>>) offsets(%dma_start3A_55 : memref<128xi32, #tpu.memory_space<vmem>>) semaphore(%arg19 : memref<!tpu.dma_semaphore, #tpu.memory_space<semaphore_mem>>)
    %dma_start3A_59 = arith.constant 384 : i32
    %dma_start3A_60 = tpu.memref_slice %arg8[%dma_start3A_59] : memref<512xi32, #tpu.memory_space<vmem>> -> memref<128xi32, #tpu.memory_space<vmem>>
    %dma_start3A_61 = arith.constant 0 : i32
    %dma_start3A_62 = arith.constant 0 : i32
    %dma_start3A_63 = tpu.memref_slice %arg2[%dma_start3A_61, %dma_start3A_62] : memref<50000x128xf32, #tpu.memory_space<hbm>> -> memref<50000x128xf32, #tpu.memory_space<hbm>>
    tpu.enqueue_indirect_dma source(%dma_start3A_63 : memref<50000x128xf32, #tpu.memory_space<hbm>>) target(%arg12 : memref<128x128xf32, #tpu.memory_space<vmem>>) offsets(%dma_start3A_60 : memref<128xi32, #tpu.memory_space<vmem>>) semaphore(%arg20 : memref<!tpu.dma_semaphore, #tpu.memory_space<semaphore_mem>>)
    %dma_wait3A_64 = arith.constant 0 : i32
    %dma_wait3A_65 = tpu.memref_slice %arg8[%dma_wait3A_64] : memref<512xi32, #tpu.memory_space<vmem>> -> memref<128xi32, #tpu.memory_space<vmem>>
    %dma_wait3A_66 = arith.constant 0 : i32
    %dma_wait3A_67 = arith.constant 0 : i32
    %dma_wait3A_68 = tpu.memref_slice %arg2[%dma_wait3A_66, %dma_wait3A_67] : memref<50000x128xf32, #tpu.memory_space<hbm>> -> memref<50000x128xf32, #tpu.memory_space<hbm>>
    tpu.wait_indirect_dma semaphore(%arg17 : memref<!tpu.dma_semaphore, #tpu.memory_space<semaphore_mem>>) src(%dma_wait3A_68 : memref<50000x128xf32, #tpu.memory_space<hbm>>) dst(%arg9 : memref<128x128xf32, #tpu.memory_space<vmem>>)
    %add3A_69 = arith.constant 0 : i32
    %add3A_70 = arith.addi %mul3A_2, %add3A_69 : i32
    %dma_start3A_71 = arith.constant 0 : i32
    %dma_start3A_72 = tpu.memref_slice %arg6[%add3A_70, %dma_start3A_71] : memref<16384x128xf32, #tpu.memory_space<hbm>> -> memref<128x128xf32, #tpu.memory_space<hbm>>
    %dma_start3A_73 = arith.constant 0 : i32
    %dma_start3A_74 = tpu.memref_slice %arg6[%add3A_70, %dma_start3A_73] : memref<16384x128xf32, #tpu.memory_space<hbm>> -> memref<128x128xf32, #tpu.memory_space<hbm>>
    tpu.enqueue_dma source(%arg9 : memref<128x128xf32, #tpu.memory_space<vmem>>) target(%dma_start3A_74 : memref<128x128xf32, #tpu.memory_space<hbm>>) target_semaphore(%arg21 : memref<!tpu.dma_semaphore, #tpu.memory_space<semaphore_mem>>)
    %dma_wait3A_75 = arith.constant 0 : i32
    %dma_wait3A_76 = tpu.memref_slice %arg8[%dma_wait3A_75] : memref<512xi32, #tpu.memory_space<vmem>> -> memref<128xi32, #tpu.memory_space<vmem>>
    %dma_wait3A_77 = arith.constant 0 : i32
    %dma_wait3A_78 = arith.constant 0 : i32
    %dma_wait3A_79 = tpu.memref_slice %arg2[%dma_wait3A_77, %dma_wait3A_78] : memref<50000x128xf32, #tpu.memory_space<hbm>> -> memref<50000x128xf32, #tpu.memory_space<hbm>>
    tpu.wait_indirect_dma semaphore(%arg18 : memref<!tpu.dma_semaphore, #tpu.memory_space<semaphore_mem>>) src(%dma_wait3A_79 : memref<50000x128xf32, #tpu.memory_space<hbm>>) dst(%arg10 : memref<128x128xf32, #tpu.memory_space<vmem>>)
    %add3A_80 = arith.constant 128 : i32
    %add3A_81 = arith.addi %mul3A_2, %add3A_80 : i32
    %dma_start3A_82 = arith.constant 0 : i32
    %dma_start3A_83 = tpu.memref_slice %arg6[%add3A_81, %dma_start3A_82] : memref<16384x128xf32, #tpu.memory_space<hbm>> -> memref<128x128xf32, #tpu.memory_space<hbm>>
    %dma_start3A_84 = arith.constant 0 : i32
    %dma_start3A_85 = tpu.memref_slice %arg6[%add3A_81, %dma_start3A_84] : memref<16384x128xf32, #tpu.memory_space<hbm>> -> memref<128x128xf32, #tpu.memory_space<hbm>>
    tpu.enqueue_dma source(%arg10 : memref<128x128xf32, #tpu.memory_space<vmem>>) target(%dma_start3A_85 : memref<128x128xf32, #tpu.memory_space<hbm>>) target_semaphore(%arg22 : memref<!tpu.dma_semaphore, #tpu.memory_space<semaphore_mem>>)
    %dma_wait3A_86 = arith.constant 0 : i32
    %dma_wait3A_87 = tpu.memref_slice %arg8[%dma_wait3A_86] : memref<512xi32, #tpu.memory_space<vmem>> -> memref<128xi32, #tpu.memory_space<vmem>>
    %dma_wait3A_88 = arith.constant 0 : i32
    %dma_wait3A_89 = arith.constant 0 : i32
    %dma_wait3A_90 = tpu.memref_slice %arg2[%dma_wait3A_88, %dma_wait3A_89] : memref<50000x128xf32, #tpu.memory_space<hbm>> -> memref<50000x128xf32, #tpu.memory_space<hbm>>
    tpu.wait_indirect_dma semaphore(%arg19 : memref<!tpu.dma_semaphore, #tpu.memory_space<semaphore_mem>>) src(%dma_wait3A_90 : memref<50000x128xf32, #tpu.memory_space<hbm>>) dst(%arg11 : memref<128x128xf32, #tpu.memory_space<vmem>>)
    %add3A_91 = arith.constant 256 : i32
    %add3A_92 = arith.addi %mul3A_2, %add3A_91 : i32
    %dma_start3A_93 = arith.constant 0 : i32
    %dma_start3A_94 = tpu.memref_slice %arg6[%add3A_92, %dma_start3A_93] : memref<16384x128xf32, #tpu.memory_space<hbm>> -> memref<128x128xf32, #tpu.memory_space<hbm>>
    %dma_start3A_95 = arith.constant 0 : i32
    %dma_start3A_96 = tpu.memref_slice %arg6[%add3A_92, %dma_start3A_95] : memref<16384x128xf32, #tpu.memory_space<hbm>> -> memref<128x128xf32, #tpu.memory_space<hbm>>
    tpu.enqueue_dma source(%arg11 : memref<128x128xf32, #tpu.memory_space<vmem>>) target(%dma_start3A_96 : memref<128x128xf32, #tpu.memory_space<hbm>>) target_semaphore(%arg23 : memref<!tpu.dma_semaphore, #tpu.memory_space<semaphore_mem>>)
    %dma_wait3A_97 = arith.constant 0 : i32
    %dma_wait3A_98 = tpu.memref_slice %arg8[%dma_wait3A_97] : memref<512xi32, #tpu.memory_space<vmem>> -> memref<128xi32, #tpu.memory_space<vmem>>
    %dma_wait3A_99 = arith.constant 0 : i32
    %dma_wait3A_100 = arith.constant 0 : i32
    %dma_wait3A_101 = tpu.memref_slice %arg2[%dma_wait3A_99, %dma_wait3A_100] : memref<50000x128xf32, #tpu.memory_space<hbm>> -> memref<50000x128xf32, #tpu.memory_space<hbm>>
    tpu.wait_indirect_dma semaphore(%arg20 : memref<!tpu.dma_semaphore, #tpu.memory_space<semaphore_mem>>) src(%dma_wait3A_101 : memref<50000x128xf32, #tpu.memory_space<hbm>>) dst(%arg12 : memref<128x128xf32, #tpu.memory_space<vmem>>)
    %add3A_102 = arith.constant 384 : i32
    %add3A_103 = arith.addi %mul3A_2, %add3A_102 : i32
    %dma_start3A_104 = arith.constant 0 : i32
    %dma_start3A_105 = tpu.memref_slice %arg6[%add3A_103, %dma_start3A_104] : memref<16384x128xf32, #tpu.memory_space<hbm>> -> memref<128x128xf32, #tpu.memory_space<hbm>>
    %dma_start3A_106 = arith.constant 0 : i32
    %dma_start3A_107 = tpu.memref_slice %arg6[%add3A_103, %dma_start3A_106] : memref<16384x128xf32, #tpu.memory_space<hbm>> -> memref<128x128xf32, #tpu.memory_space<hbm>>
    tpu.enqueue_dma source(%arg12 : memref<128x128xf32, #tpu.memory_space<vmem>>) target(%dma_start3A_107 : memref<128x128xf32, #tpu.memory_space<hbm>>) target_semaphore(%arg24 : memref<!tpu.dma_semaphore, #tpu.memory_space<semaphore_mem>>)
    %dma_wait3A_108 = arith.constant 0 : i32
    %dma_wait3A_109 = tpu.memref_slice %arg6[%mul3A_2, %dma_wait3A_108] : memref<16384x128xf32, #tpu.memory_space<hbm>> -> memref<128x128xf32, #tpu.memory_space<hbm>>
    %dma_wait3A_110 = arith.constant 0 : i32
    %dma_wait3A_111 = tpu.memref_slice %arg6[%mul3A_2, %dma_wait3A_110] : memref<16384x128xf32, #tpu.memory_space<hbm>> -> memref<128x128xf32, #tpu.memory_space<hbm>>
    tpu.wait_dma2 semaphore(%arg21 : memref<!tpu.dma_semaphore, #tpu.memory_space<semaphore_mem>>) src(%arg9 : memref<128x128xf32, #tpu.memory_space<vmem>>) dst(%dma_wait3A_111 : memref<128x128xf32, #tpu.memory_space<hbm>>)
    %dma_wait3A_112 = arith.constant 0 : i32
    %dma_wait3A_113 = tpu.memref_slice %arg6[%mul3A_2, %dma_wait3A_112] : memref<16384x128xf32, #tpu.memory_space<hbm>> -> memref<128x128xf32, #tpu.memory_space<hbm>>
    %dma_wait3A_114 = arith.constant 0 : i32
    %dma_wait3A_115 = tpu.memref_slice %arg6[%mul3A_2, %dma_wait3A_114] : memref<16384x128xf32, #tpu.memory_space<hbm>> -> memref<128x128xf32, #tpu.memory_space<hbm>>
    tpu.wait_dma2 semaphore(%arg22 : memref<!tpu.dma_semaphore, #tpu.memory_space<semaphore_mem>>) src(%arg10 : memref<128x128xf32, #tpu.memory_space<vmem>>) dst(%dma_wait3A_115 : memref<128x128xf32, #tpu.memory_space<hbm>>)
    %dma_wait3A_116 = arith.constant 0 : i32
    %dma_wait3A_117 = tpu.memref_slice %arg6[%mul3A_2, %dma_wait3A_116] : memref<16384x128xf32, #tpu.memory_space<hbm>> -> memref<128x128xf32, #tpu.memory_space<hbm>>
    %dma_wait3A_118 = arith.constant 0 : i32
    %dma_wait3A_119 = tpu.memref_slice %arg6[%mul3A_2, %dma_wait3A_118] : memref<16384x128xf32, #tpu.memory_space<hbm>> -> memref<128x128xf32, #tpu.memory_space<hbm>>
    tpu.wait_dma2 semaphore(%arg23 : memref<!tpu.dma_semaphore, #tpu.memory_space<semaphore_mem>>) src(%arg11 : memref<128x128xf32, #tpu.memory_space<vmem>>) dst(%dma_wait3A_119 : memref<128x128xf32, #tpu.memory_space<hbm>>)
    %dma_wait3A_120 = arith.constant 0 : i32
    %dma_wait3A_121 = tpu.memref_slice %arg6[%mul3A_2, %dma_wait3A_120] : memref<16384x128xf32, #tpu.memory_space<hbm>> -> memref<128x128xf32, #tpu.memory_space<hbm>>
    %dma_wait3A_122 = arith.constant 0 : i32
    %dma_wait3A_123 = tpu.memref_slice %arg6[%mul3A_2, %dma_wait3A_122] : memref<16384x128xf32, #tpu.memory_space<hbm>> -> memref<128x128xf32, #tpu.memory_space<hbm>>
    tpu.wait_dma2 semaphore(%arg24 : memref<!tpu.dma_semaphore, #tpu.memory_space<semaphore_mem>>) src(%arg12 : memref<128x128xf32, #tpu.memory_space<vmem>>) dst(%dma_wait3A_123 : memref<128x128xf32, #tpu.memory_space<hbm>>)
    return
  }
}

module attributes {stable_mosaic.version = 14 : i64} {
  func.func @_tc_matmul_body(%arg0: i32, %arg1: memref<2048x128xf32, #tpu.memory_space<vmem>>, %arg2: memref<2048x128xf32, #tpu.memory_space<vmem>>, %arg3: memref<128x128xf32, #tpu.memory_space<vmem>>, %arg4: memref<128x128xf32, #tpu.memory_space<vmem>>, %arg5: memref<1x128xf32, #tpu.memory_space<vmem>>, %arg6: memref<2048x128xf32, #tpu.memory_space<vmem>>) attributes {dimension_semantics = [#tpu.dimension_semantics<arbitrary>], iteration_bounds = array<i64: 8>, scalar_prefetch = 0 : i64, scratch_operands = 0 : i64, tpu.core_type = #tpu.core_type<tc>, window_params = [{transform_indices = @transform_0, window_bounds = array<i64: 2048, 128>}, {transform_indices = @transform_1, window_bounds = array<i64: 2048, 128>}, {pipeline_mode = #tpu.pipeline_mode<synchronous>, transform_indices = @transform_2, window_bounds = array<i64: 128, 128>}, {pipeline_mode = #tpu.pipeline_mode<synchronous>, transform_indices = @transform_3, window_bounds = array<i64: 128, 128>}, {pipeline_mode = #tpu.pipeline_mode<synchronous>, transform_indices = @transform_4, window_bounds = array<i64: 1, 128>}, {transform_indices = @transform_5, window_bounds = array<i64: 2048, 128>}]} {
    %get3A = arith.constant 0 : index
    %get3A_0 = arith.constant 0 : index
    %get3A_1 = vector.load %arg1[%get3A, %get3A_0] : memref<2048x128xf32, #tpu.memory_space<vmem>>, vector<2048x128xf32>
    %get3A_2 = arith.constant 0 : index
    %get3A_3 = arith.constant 0 : index
    %get3A_4 = vector.load %arg3[%get3A_2, %get3A_3] : memref<128x128xf32, #tpu.memory_space<vmem>>, vector<128x128xf32>
    %dot_general3A = arith.constant dense<0.000000e+00> : vector<2048x128xf32>
    %dot_general3A_5 = tpu.matmul %get3A_1, %get3A_4, %dot_general3A {dimension_numbers = #tpu.dot_dimension_numbers<[1], [1], [0], [0], [0, 0, 1, 0], [], []>, transpose_lhs_hint = false} : vector<2048x128xf32>, vector<128x128xf32>, vector<2048x128xf32> -> vector<2048x128xf32>
    %get3A_6 = arith.constant 0 : index
    %get3A_7 = arith.constant 0 : index
    %get3A_8 = vector.load %arg2[%get3A_6, %get3A_7] : memref<2048x128xf32, #tpu.memory_space<vmem>>, vector<2048x128xf32>
    %get3A_9 = arith.constant 0 : index
    %get3A_10 = arith.constant 0 : index
    %get3A_11 = vector.load %arg4[%get3A_9, %get3A_10] : memref<128x128xf32, #tpu.memory_space<vmem>>, vector<128x128xf32>
    %dot_general3A_12 = arith.constant dense<0.000000e+00> : vector<2048x128xf32>
    %dot_general3A_13 = tpu.matmul %get3A_8, %get3A_11, %dot_general3A_12 {dimension_numbers = #tpu.dot_dimension_numbers<[1], [1], [0], [0], [0, 0, 1, 0], [], []>, transpose_lhs_hint = false} : vector<2048x128xf32>, vector<128x128xf32>, vector<2048x128xf32> -> vector<2048x128xf32>
    %add3A = arith.addf %dot_general3A_5, %dot_general3A_13 : vector<2048x128xf32>
    %get3A_14 = arith.constant 0 : index
    %get3A_15 = arith.constant 0 : index
    %get3A_16 = vector.load %arg5[%get3A_14, %get3A_15] : memref<1x128xf32, #tpu.memory_space<vmem>>, vector<1x128xf32>
    %add3A_17 = vector.broadcast %get3A_16 : vector<1x128xf32> to vector<2048x128xf32>
    %add3A_18 = arith.addf %add3A, %add3A_17 : vector<2048x128xf32>
    %swap3A = arith.constant 0 : index
    %swap3A_19 = arith.constant 0 : index
    %swap3A_20 = vector.load %arg6[%swap3A, %swap3A_19] : memref<2048x128xf32, #tpu.memory_space<vmem>>, vector<2048x128xf32>
    tpu.vector_store %arg6[%swap3A, %swap3A_19], %add3A_18 {strides = array<i32>} : memref<2048x128xf32, #tpu.memory_space<vmem>>, vector<2048x128xf32>,
    return
  }
  func.func @transform_0(%arg0: i32) -> (i32, i32) {
    %c0_i32 = arith.constant 0 : i32
    %c0_i32_0 = arith.constant 0 : i32
    return %arg0, %c0_i32 : i32, i32
  }
  func.func @transform_1(%arg0: i32) -> (i32, i32) {
    %c0_i32 = arith.constant 0 : i32
    %c0_i32_0 = arith.constant 0 : i32
    return %arg0, %c0_i32 : i32, i32
  }
  func.func @transform_2(%arg0: i32) -> (i32, i32) {
    %c0_i32 = arith.constant 0 : i32
    %c0_i32_0 = arith.constant 0 : i32
    %c0_i32_1 = arith.constant 0 : i32
    return %c0_i32, %c0_i32_0 : i32, i32
  }
  func.func @transform_3(%arg0: i32) -> (i32, i32) {
    %c0_i32 = arith.constant 0 : i32
    %c0_i32_0 = arith.constant 0 : i32
    %c0_i32_1 = arith.constant 0 : i32
    return %c0_i32, %c0_i32_0 : i32, i32
  }
  func.func @transform_4(%arg0: i32) -> (i32, i32) {
    %c0_i32 = arith.constant 0 : i32
    %c0_i32_0 = arith.constant 0 : i32
    %c0_i32_1 = arith.constant 0 : i32
    return %c0_i32, %c0_i32_0 : i32, i32
  }
  func.func @transform_5(%arg0: i32) -> (i32, i32) {
    %c0_i32 = arith.constant 0 : i32
    %c0_i32_0 = arith.constant 0 : i32
    return %arg0, %c0_i32 : i32, i32
  }
}

</mosaic_0001>

<sc_bundles>
// kernel: kernel.4.cloned.1.call-start
scs
__scs_entry_jumppad:
0x0: {  	(pc) =	sbr.rel $0x88, $3  }
0x1: {  	(tag) =	ssettag $0x0;
	lr =	simm.s32 $0x1  }
0x2: {  	[smem:$0x3F9C] =	sst lr;
	_ =	strace $0xD0000000  }
0x3: {  	_ = 	snop  }
0x4: {  	_ = 	snop  }
0x5: {  	_ = 	snop  }
0x6: {  	_ = 	snop  }
0x7: {  	_ = 	snop  }
__scs_overlays_trampoline_lowered:
0x8: {  	[smem:$0x3FAB] =	sst s0  }
0x9: {  	[smem:$0x3FAC] =	sst s1  }
0xa: {  	[smem:$0x3FAD] =	sst s2  }
0xb: {  	[smem:$0x3FAE] =	sst s3  }
0xc: {  	[smem:$0x3FAF] =	sst s4  }
0xd: {  	[smem:$0x3FB0] =	sst s5  }
0xe: {  	[smem:$0x3FB1] =	sst s6  }
0xf: {  	[smem:$0x3FB2] =	sst s7  }
0x10: {  	[smem:$0x3FB3] =	sst s8  }
0x11: {  	[smem:$0x3FB4] =	sst s9;
	s0 =	simm.s32 @!p0 $0x0  }
0x12: {  	s1 =	sld [smem:$0x3F9A];
	s0 =	simm.s32 @p0 $0x1  }
0x13: {  	[smem:$0x3FB5] =	sst s0;
	s0 =	simm.s32 @!p1 $0x0  }
0x14: {  	s2 =	sld [smem:$0x3F99];
	s0 =	simm.s32 @p1 $0x1  }
0x15: {  	[smem:$0x3FB6] =	sst s0;
	s0 =	simm.s32 @!p2 $0x0  }
0x16: {  	s3 =	sld [smem:$0x3FDB];
	s0 =	simm.s32 @p2 $0x1  }
0x17: {  	s4 =	simm.s32 $0x1BF5;
	[smem:$0x3FB8] =	sst s0  }
0x18: {  	s0 =	sld [smem:$0x3F9B];
	_ =	swait.ge [sflag:s4], $0x0  }
0x19: {  	s7 =	sld [smem:$0x3F9C]  }
0x1a: {  	s8 =	sadd.s32 $0xFFFFE003, lr  }
0x1b: {  	s9 =	sadd.s32 $0xFFFFFEF7, lr;
	s5 =	simm.s32 $0xFFFFFFFF;
	p2 =	slt.u32 s8, $0xFFFFF086  }
0x1c: {  	p1 =	slt.u32 s9, $0xF7A;
	s5 =	simm.s32 @!p2 $0x0  }
0x1d: {  	s5 =	simm.s32 @p1 $0x1;
	p0 =	seq.s32 s7, s2  }
0x1e: {  	s7 =	smul.u32 @!p0 $0xF7A, s2;
	p2 =	seq.s32 @!p0 s5, $0x0  }
0x1f: {  	s9 =	smul.u32 $0xF7A, s1;
	s8 =	simm.s32 @!p0 $0x1BF5;
	p2 =	por !p2, p0  }
0x20: {  	[sflag:s8] =	ssyncset.s32 @!p0 $0xFFFFF086;
	s6 =	sadd.s32 @!p0 s3, s7;
	s7 =	simm.s32 @!p0 $0x108  }
0x21: {  	s3 =	sadd.s32 s3, s9;
	s6 =	sadd.s32 @!p0 $0x88, s6;
	s7 =	simm.s32 @p2 $0x1082  }
0x22: {  	[simem:s7], [sflag:s8] =	dma.local @!p0 [hbm:s6], $0xF7A  }
0x23: {  	s9 =	sor.u32 $0xD0000000, s2;
	s6 =	simm.s32 $0x108;
	_ =	swait.ge @!p0 [sflag:s8], $0x0  }
0x24: {  	s3 =	sadd.s32 $0x88, s3;
	s6 =	simm.s32 @!p1 $0x1082;
	[sflag:s4] =	ssyncset.s32 $0xFFFFF086  }
0x25: {  	[simem:s6], [sflag:s4] =	dma.local [hbm:s3], $0xF7A  }
0x26: {  	[smem:$0x3F9C] =	sst s1;
	(tag) =	ssettag s2;
	_ =	strace s9  }
0x27: {  	s1 =	sld [smem:$0x3FAC]  }
0x28: {  	s2 =	sld [smem:$0x3FAD]  }
0x29: {  	s4 =	sld [smem:$0x3FAF]  }
0x2a: {  	p0 =	seq.s32 s5, $0x0;
	s5 =	sld [smem:$0x3FB0]  }
0x2b: {  	s6 =	sld [smem:$0x3FB1]  }
0x2c: {  	s7 =	sld [smem:$0x3FB2]  }
0x2d: {  	s3 =	simm.s32 $0x108;
	s8 =	sld [smem:$0x3FB3]  }
0x2e: {  	s3 =	simm.s32 @!p0 $0x1082;
	s9 =	sld [smem:$0x3FB4]  }
0x2f: {  	lr =	sadd.s32 s0, s3;
	s0 =	sld [smem:$0x3FAB]  }
0x30: {  	s3 =	sld [smem:$0x3FAE]  }
0x31: {  	[smem:$0x3FB7] =	sst s10  }
0x32: {  	s10 =	sld [smem:$0x3FB5];
	_ =	sdelay $0x3  }
0x33: {  	p0 =	seq.s32 s10, $0x1;
	s10 =	sld [smem:$0x3FB7];
	_ =	sdelay $0x3  }
0x34: {  	[smem:$0x3FB7] =	sst s10  }
0x35: {  	s10 =	sld [smem:$0x3FB6];
	_ =	sdelay $0x3  }
0x36: {  	p1 =	seq.s32 s10, $0x1;
	s10 =	sld [smem:$0x3FB7];
	_ =	sdelay $0x3  }
0x37: {  	[smem:$0x3FB7] =	sst s10  }
0x38: {  	s10 =	sld [smem:$0x3FB8]  }
0x39: {  	_ = 	snop;
	(pc) =	sbr.ind lr, $3  }
0x3a: {  	_ = 	snop  }
0x3b: {  	_ = 	snop  }
0x3c: {  	p2 =	seq.s32 s10, $0x1;
	s10 =	sld [smem:$0x3FB7]  }
0x3d: {  	_ =	shalt  }
0x3e: {  	_ =	shalt  }
0x3f: {  	_ =	shalt  }
0x40: {  	_ =	shalt  }
0x41: {  	_ =	shalt  }
0x42: {  	_ =	shalt  }
0x43: {  	_ =	shalt  }
0x44: {  	_ =	shalt  }
0x45: {  	_ =	shalt  }
0x46: {  	_ =	shalt  }
0x47: {  	_ =	shalt  }
0x48: {  	_ =	shalt  }
0x49: {  	_ =	shalt  }
0x4a: {  	_ =	shalt  }
0x4b: {  	_ =	shalt  }
0x4c: {  	_ =	shalt  }
0x4d: {  	_ =	shalt  }
0x4e: {  	_ =	shalt  }
0x4f: {  	_ =	shalt  }
0x50: {  	_ =	shalt  }
0x51: {  	_ =	shalt  }
0x52: {  	_ =	shalt  }
0x53: {  	_ =	shalt  }
0x54: {  	_ =	shalt  }
0x55: {  	_ =	shalt  }
0x56: {  	_ =	shalt  }
0x57: {  	_ =	shalt  }
0x58: {  	_ =	shalt  }
0x59: {  	_ =	shalt  }
0x5a: {  	_ =	shalt  }
0x5b: {  	_ =	shalt  }
0x5c: {  	_ =	shalt  }
0x5d: {  	_ =	shalt  }
0x5e: {  	_ =	shalt  }
0x5f: {  	_ =	shalt  }
0x60: {  	_ =	shalt  }
0x61: {  	_ =	shalt  }
0x62: {  	_ =	shalt  }
0x63: {  	_ =	shalt  }
0x64: {  	_ =	shalt  }
0x65: {  	_ =	shalt  }
0x66: {  	_ =	shalt  }
0x67: {  	_ =	shalt  }
0x68: {  	_ =	shalt  }
0x69: {  	_ =	shalt  }
0x6a: {  	_ =	shalt  }
0x6b: {  	_ =	shalt  }
0x6c: {  	_ =	shalt  }
0x6d: {  	_ =	shalt  }
0x6e: {  	_ =	shalt  }
0x6f: {  	_ =	shalt  }
0x70: {  	_ =	shalt  }
0x71: {  	_ =	shalt  }
0x72: {  	_ =	shalt  }
0x73: {  	_ =	shalt  }
0x74: {  	_ =	shalt  }
0x75: {  	_ =	shalt  }
0x76: {  	_ =	shalt  }
0x77: {  	_ =	shalt  }
0x78: {  	_ =	shalt  }
0x79: {  	_ =	shalt  }
0x7a: {  	_ =	shalt  }
0x7b: {  	_ =	shalt  }
0x7c: {  	_ =	shalt  }
0x7d: {  	_ =	shalt  }
0x7e: {  	_ =	shalt  }
0x7f: {  	_ =	shalt  }
0x80: {  	_ =	shalt  }
0x81: {  	_ =	shalt  }
0x82: {  	_ =	shalt  }
0x83: {  	_ =	shalt  }
0x84: {  	_ =	shalt  }
0x85: {  	_ =	shalt  }
0x86: {  	_ =	shalt  }
0x87: {  	_ =	shalt  }
.Lfunc_end0:
.L_simem_size_0:
called_computation_lowered:
.L_overlay_start_0:
0x88: {  	s2 =	sld [smem:$0x3FD9]  }
0x89: {  	s3 =	sld [smem:$0x3FFE];
	_ =	sdelay $0x1  }
0x8a: {  	s1 =	srdreg.scid  }
0x8b: {  	s0 =	sand.u32 $0x1, s1  }
0x8c: {  	s17 =	sshll.u32 s0, $0xA;
	s2 =	sadd.s32 s3, s2  }
0x8d: {  	s2 =	sadd.s32 s2, s17  }
0x8e: {  	[smem:$0x3FC3] =	sst s2  }
0x8f: {  	_ = 	snop  }
0x90: {  	s2 =	sld [smem:$0x3FC9]  }
0x91: {  	s18 =	sld [smem:$0x3FC8]  }
0x92: {  	s4 =	sld [smem:$0x3FD0];
	(tm) =	ssettm $0x1  }
0x93: {  	s5 =	sld [smem:$0x3FFB];
	_ =	sdelay $0x3  }
0x94: {  	_ =	strace s5  }
0x95: {  	s5 =	sld [smem:$0x3FFC];
	_ =	sdelay $0x3  }
0x96: {  	_ =	strace s5  }
0x97: {  	s5 =	sld [smem:$0x3FFD];
	_ =	sdelay $0x3  }
0x98: {  	_ =	strace s5  }
0x99: {  	_ =	strace $0x8FFFFFFF  }
0x9a: {  	s19 =	sld [smem:$0x3FDB];
	_ =	sdelay $0x1  }
0x9b: {  	s6 =	simm.s32 $_scs_section_size  }
0x9c: {  	s7 =	simm.s32 $_size__tile_overlayer_lowered;
	s8 =	simm.s32 $_tile_overlayer_lowered  }
0x9d: {  	s22 =	simm.s32 $0x1BFF;
	s21 =	sshll.u32 s8, $0x1;
	s5 =	sadd.s32 s6, s19  }
0x9e: {  	s9 =	simm.s32 $0x0;
	s20 =	sshll.u32 s7, $0x1;
	s7 =	sadd.s32 s21, s5  }
0x9f: {  	[timem:s9], [sflag:s22] =	dma.local [hbm:s7], s20  }
0xa0: {  	_ =	swait.ge [sflag:s22], s20  }
0xa1: {  	s6 =	ssub.s32 $0x0, s20;
	[sflag:s22] =	ssyncset.done $0x0  }
0xa2: {  	[sflag:s22] =	ssyncadd.s32 s6;
	_ =	sdelay $0x1  }
0xa3: {  	s23 =	simm.s32 $0x1B8B  }
0xa4: {  	_ =	swait.ge [sflag:s23], $0x1  }
0xa5: {  	[sflag:s23] =	ssyncset.done $0x0  }
0xa6: {  	s25 =	simm.s32 $0x1B8E;
	s24 =	sld [smem:$0x3FFE];
	[sflag:s23] =	ssyncadd.s32 $0xFFFFFFFF  }
0xa7: {  	s26 =	simm.s32 $execute0_lowered;
	[smem:$0x3FD2] =	sst s25  }
0xa8: {  	s7 =	sshll.u32 s26, $0x1;
	_ =	strace $0x80000046;
	[dreg:$0x1] =	wrdreg $0xFFFFFFFF  }
0xa9: {  	s28 =	simm.s32 $_size_execute0_lowered;
	s5 =	sadd.s32 s5, s7;
	[dreg:$0x0] =	wrdreg $0x0  }
0xaa: {  	s7 =	sshll.u32 s28, $0x1;
	[dreg:$0x2] =	wrdreg s5  }
0xab: {  	[dreg:$0x3] =	wrdreg s7  }
0xac: {  	[dreg:$0x4] =	wrdreg $0xC0  }
0xad: {  	_ =	task [dreg:s9], $0x5FFFF  }
0xae: {  	[dreg:$0x1] =	wrdreg $0xFFFFFFFF  }
0xaf: {  	[dreg:$0x0] =	wrdreg $0x60  }
0xb0: {  	[dreg:$0x2] =	wrdreg s18  }
0xb1: {  	[dreg:$0x3] =	wrdreg s24  }
0xb2: {  	[dreg:$0x4] =	wrdreg s2  }
0xb3: {  	[dreg:$0x5] =	wrdreg s4  }
0xb4: {  	[dreg:$0x6] =	wrdreg $0x9  }
0xb5: {  	_ =	task.clear_ibuf [dreg:s9], $0x7FFFF;
	_ =	strace $0x90000046  }
0xb6: {  	s29 =	simm.s32 $0x9;
	_ =	strace $0x80000048  }
0xb7: {  	_ =	swait.ge [sflag:s29], $0x1  }
0xb8: {  	[sflag:s29] =	ssyncadd.s32 $0xFFFFFFFF  }
0xb9: {  	_ =	strace $0x90000048  }
0xba: {  	_ =	sfence  }
0xbb: {  	s30 =	sld [smem:$0x0];
	_ =	sdelay $0x2  }
0xbc: {  	s31 =	sshll.u32 s1, $0xD;
	s1 =	sshrl.u32 s1, $0x2  }
0xbd: {  	s3 =	sand.u32 $0x4000, s31;
	s1 =	sadd.s32 s1, s30  }
0xbe: {  	s0 =	sor.u32 s3, s0;
	s1 =	sshll.u32 s1, $0x11  }
0xbf: {  	s0 =	sor.u32 s1, s0  }
0xc0: {  	s0 =	sadd.s32 $0x8F2B, s0  }
0xc1: {  	[sflag:s0] =	ssyncadd.remote.s32 $0x1  }
0xc2: {  	_ =	sfence.sel $0xFFFF  }
0xc3: {  	[dreg:$0x0] =	wrdreg $0xFFFFFFFF;
	(pc) =	sbr.abs _section_cstart, $3  }
0xc4: {  	[dreg:$0x1] =	wrdreg $0xFFFFFFFF  }
0xc5: {  	_ =	task.clear_ibuf [dreg:s9], $0x2FFFF;
	_ =	strace $0x9FFFFFFF  }
0xc6: {  	(tm) =	ssettm $0x7FFFFFFF  }
0xc7: {  	_ =	shalt  }
tec
execute0_lowered:
.L_overlay_start_1:
0x0: {  	(tag) =	ssettag $0x1  }
0x1: {  	s1 =	rddreg [dreg:$0x0]  }
0x2: {  	s0 =	rddreg [dreg:$0x1]  }
0x3: {  	s2 =	rddreg [dreg:$0x2]  }
0x4: {  	s3 =	rddreg [dreg:$0x3];
	s4 =	simm.s32 $0x0  }
0x5: {  	s5 =	srdreg.scid;
	s7 =	stileid.u32;
	s15 =	simm.s32 $0x9  }
0x6: {  	s17 =	simm.s32 $0x80;
	s11 =	simm.s32 $0x4200;
	s12 =	simm.s32 $0x8200  }
0x7: {  	s13 =	simm.s32 $0xC200;
	s28 =	simm.s32 $0x14400;
	s29 =	simm.s32 $0x3  }
0x8: {  	s30 =	simm.s32 $0x14600;
	s6 =	sand.u32 $0x1, s5;
	s22 =	sshll.u32 s7, $0x1  }
0x9: {  	[smem:$0x7FF] =	sst s4;
	s7 =	sor.u32 s6, s22;
	s6 =	ssub.s32 $0x2, s6  }
0xa: {  	_ =	strace $0x80000047;
	s8 =	sshll.u32 s7, $0xB;
	s9 =	sshrl.u32 s6, $0x1  }
0xb: {  	s5 =	sshll.u32 s7, $0xD;
	s8 =	sadd.s32 s8, s0;
	s10 =	ssub.s32 s6, s9  }
0xc: {  	s6 =	sshll.u32 s7, $0x9;
	s7 =	sshll.u32 s7, $0x6;
	s8 =	sadd.s32 $0x1200, s8  }
0xd: {  	s0 =	sadd.s32 s5, s0;
	s2 =	sadd.s32 s2, s7;
	[dreg:$0x5] =	wrdreg s8  }
0xe: {  	s31 =	simm.s32 $0x4;
	s23 =	sadd.s32 $0x11200, s0;
	[dreg:$0x6] =	wrdreg s2  }
0xf: {  	s20 =	simm.s32 $0x6;
	s24 =	sadd.s32 $0x11A00, s0;
	[dreg:$0x7] =	wrdreg s23  }
0x10: {  	s16 =	simm.s32 $0x8;
	s25 =	sadd.s32 $0x12200, s0;
	[dreg:$0x8] =	wrdreg s24  }
0x11: {  	s22 =	simm.s32 $0x7;
	s0 =	sadd.s32 $0x12A00, s0;
	[dreg:$0x9] =	wrdreg s25  }
0x12: {  	s9 =	sadd.s32 $0x80, s3;
	s26 =	smax.u32 s10, $0x1;
	[dreg:$0xa] =	wrdreg s0  }
0x13: {  	s10 =	simm.s32 $0x4000;
	s7 =	simm.s32 $0x0;
	[dreg:$0xb] =	wrdreg s26  }
0x14: {  	s23 =	simm.s32 $0x10200;
	s24 =	simm.s32 $0x1;
	s25 =	simm.s32 $0x14200  }
0x15: {  	s26 =	simm.s32 $0x2;
	s0 =	simm.s32 $0x14800;
	s2 =	simm.s32 $0x5  }
.LBB2_1:
0x16: {  	s8 =	rddreg [dreg:$0x5]  }
0x17: {  	[tilespmem:s4], [sflag:$0x9] =	stream.linear.gather [hbm4b:s8+s4], $0x4000, $0x38;
	[tilespmem:$0x14A00] =	vst v63  }
0x18: {  	_ =	swait.ge [sflag:s15], $0x4000  }
0x19: {  	[sflag:s15] =	ssyncset.done $0x0  }
0x1a: {  	s18 =	rddreg [dreg:$0x6];
	[sflag:s15] =	ssyncadd.s32 $0xFFFFC000  }
0x1b: {  	[tilespmem:s10], [sflag:$0x9] =	stream.linear.gather [hbm4b:s18+s4], $0x200, $0x38;
	[tilespmem:$0x14A00] =	vst v63  }
0x1c: {  	_ =	swait.ge [sflag:s15], $0x200  }
0x1d: {  	[sflag:s15] =	ssyncset.done $0x0  }
0x1e: {  	[sflag:s15] =	ssyncadd.s32 $0xFFFFFE00  }
0x1f: {  	[tilespmem:s11], [sflag:$0x1] =	stream.indirect.gather [hbm4b:s1+s17], $0x80, s4, s17, $0xb8;
	[tilespmem:$0x14A00] =	vst v63  }
0x20: {  	_ = 	snop  }
0x21: {  	[tilespmem:s12], [sflag:$0x2] =	stream.indirect.gather [hbm4b:s1+s17], $0x80, s17, s17, $0xb8;
	[tilespmem:$0x14A00] =	vst v63  }
0x22: {  	s19 =	simm.s32 $0x100  }
0x23: {  	[tilespmem:s13], [sflag:$0x3] =	stream.indirect.gather [hbm4b:s1+s17], $0x80, s19, s17, $0xb8;
	[tilespmem:$0x14A00] =	vst v63  }
0x24: {  	s21 =	simm.s32 $0x180;
	s8 =	simm.s32 $0x0  }
0x25: {  	[tilespmem:s23], [sflag:$0x4] =	stream.indirect.gather [hbm4b:s1+s17], $0x80, s21, s17, $0xb8;
	[tilespmem:$0x14A00] =	vst v63  }
.LBB2_2:
0x26: {  	_ =	swait.ge [sflag:s24], $0x4000  }
0x27: {  	p0 =	seq.s32 s8, $0x0;
	[sflag:s24] =	ssyncset.done $0x0  }
0x28: {  	s11 =	simm.s32 @!p0 $0x5;
	[sflag:s24] =	ssyncadd.s32 $0xFFFFC000  }
0x29: {  	_ =	swait.ge @!p0 [sflag:s11], $0x200  }
0x2a: {  	s10 =	sshll.u32 s8, $0xB;
	[sflag:s11] =	ssyncset.done @!p0 $0x0  }
0x2b: {  	s12 =	simm.s32 $0x4600;
	[sflag:s11] =	ssyncadd.s32 @!p0 $0xFFFFFE00;
	s11 =	simm.s32 $0x0  }
.LBB2_3:
0x2c: {  	s13 =	sshll.u32 s11, $0xC  }
0x2d: {  	s14 =	sand.u32 $0x3FFFF000, s13  }
0x2e: {  	v3 =	vld [tilespmem:s14+$0x4200]  }
0x2f: {  	v4 =	vld [tilespmem:s14+$0x4210]  }
0x30: {  	v5 =	vld [tilespmem:s14+$0x4220]  }
0x31: {  	v6 =	vld [tilespmem:s14+$0x4230]  }
0x32: {  	v11 =	vld [tilespmem:s14+$0x4240]  }
0x33: {  	v12 =	vld [tilespmem:s14+$0x4250]  }
0x34: {  	v17 =	vld [tilespmem:s14+$0x4260]  }
0x35: {  	v18 =	vld [tilespmem:s14+$0x4270]  }
0x36: {  	v19 =	vld [tilespmem:s14+$0x4280]  }
0x37: {  	v20 =	vld [tilespmem:s14+$0x4290]  }
0x38: {  	v21 =	vld [tilespmem:s14+$0x42A0]  }
0x39: {  	v22 =	vld [tilespmem:s14+$0x42B0]  }
0x3a: {  	v23 =	vld [tilespmem:s14+$0x42C0]  }
0x3b: {  	v24 =	vld [tilespmem:s14+$0x42D0]  }
0x3c: {  	v25 =	vld [tilespmem:s14+$0x42E0]  }
0x3d: {  	v26 =	vld [tilespmem:s14+$0x42F0]  }
0x3e: {  	v27 =	vld [tilespmem:s14+$0x4300]  }
0x3f: {  	v28 =	vld [tilespmem:s14+$0x4310]  }
0x40: {  	v29 =	vld [tilespmem:s14+$0x4320]  }
0x41: {  	v30 =	vld [tilespmem:s14+$0x4330]  }
0x42: {  	v31 =	vld [tilespmem:s14+$0x4340]  }
0x43: {  	v32 =	vld [tilespmem:s14+$0x4350]  }
0x44: {  	v33 =	vld [tilespmem:s14+$0x4360]  }
0x45: {  	v34 =	vld [tilespmem:s14+$0x4370]  }
0x46: {  	v35 =	vld [tilespmem:s14+$0x4380]  }
0x47: {  	v36 =	vld [tilespmem:s14+$0x4390]  }
0x48: {  	v37 =	vld [tilespmem:s14+$0x43A0]  }
0x49: {  	v38 =	vld [tilespmem:s14+$0x43B0]  }
0x4a: {  	v39 =	vld [tilespmem:s14+$0x43C0]  }
0x4b: {  	v40 =	vld [tilespmem:s14+$0x43D0]  }
0x4c: {  	v41 =	vld [tilespmem:s14+$0x43E0]  }
0x4d: {  	v42 =	vld [tilespmem:s14+$0x43F0]  }
0x4e: {  	v43 =	vld [tilespmem:s14+$0x4400]  }
0x4f: {  	v44 =	vld [tilespmem:s14+$0x4410]  }
0x50: {  	v45 =	vld [tilespmem:s14+$0x4420]  }
0x51: {  	v46 =	vld [tilespmem:s14+$0x4430]  }
0x52: {  	v47 =	vld [tilespmem:s14+$0x4440]  }
0x53: {  	v48 =	vld [tilespmem:s14+$0x4450]  }
0x54: {  	v49 =	vld [tilespmem:s14+$0x4460]  }
0x55: {  	v50 =	vld [tilespmem:s14+$0x4470]  }
0x56: {  	v51 =	vld [tilespmem:s14+$0x4480]  }
0x57: {  	v52 =	vld [tilespmem:s14+$0x4490]  }
0x58: {  	v53 =	vld [tilespmem:s14+$0x44A0]  }
0x59: {  	v54 =	vld [tilespmem:s14+$0x44B0]  }
0x5a: {  	v55 =	vld [tilespmem:s14+$0x44C0]  }
0x5b: {  	v56 =	vld [tilespmem:s14+$0x44D0]  }
0x5c: {  	v57 =	vld [tilespmem:s14+$0x44E0]  }
0x5d: {  	v58 =	vld [tilespmem:s14+$0x44F0]  }
0x5e: {  	v59 =	vld [tilespmem:s14+$0x4500]  }
0x5f: {  	v1 =	vmov s12;
	v60 =	vld [tilespmem:s14+$0x4510]  }
0x60: {  	v61 =	vld [tilespmem:s14+$0x4520]  }
0x61: {  	v62 =	vld [tilespmem:s14+$0x4530]  }
0x62: {  	v63 =	vld [tilespmem:s14+$0x4540]  }
0x63: {  	s13 =	simm.s32 $0x0;
	v0 =	vld [tilespmem:s14+$0x4550]  }
0x64: {  	v7 =	vld.idx.msk [tilespmem:v1+s13+$0x380 ss:$0x1], $0xffff  }
0x65: {  	v8 =	vld.idx.msk [tilespmem:v1+s13+$0x390 ss:$0x1], $0xffff  }
0x66: {  	v9 =	vld.idx.msk [tilespmem:v1+s13+$0x3A0 ss:$0x1], $0xffff  }
0x67: {  	v10 =	vld.idx.msk [tilespmem:v1+s13+$0x3B0 ss:$0x1], $0xffff  }
0x68: {  	v2 =	vld.idx.msk [tilespmem:v1+s13+$0x3C0 ss:$0x1], $0xffff  }
0x69: {  	v14 =	vld.idx.msk [tilespmem:v1+s13+$0x300 ss:$0x1], $0xffff  }
0x6a: {  	v16 =	vld.idx.msk [tilespmem:v1+s13+$0x310 ss:$0x1], $0xffff  }
0x6b: {  	v13 =	vld.idx.msk [tilespmem:v1+s13+$0x320 ss:$0x1], $0xffff  }
0x6c: {  	v15 =	vld.idx.msk [tilespmem:v1+s13+$0x330 ss:$0x1], $0xffff  }
0x6d: {  	[tilespmem:$0x1FF30] =	vst v0;
	v0 =	vld [tilespmem:s14+$0x4560]  }
0x6e: {  	v19 =	vadd.f32 v19, v3;
	v3 =	vld.idx.msk [tilespmem:v1+s13+$0x340 ss:$0x1], $0xffff  }
0x6f: {  	v20 =	vadd.f32 v20, v4;
	v4 =	vld.idx.msk [tilespmem:v1+s13+$0x350 ss:$0x1], $0xffff  }
0x70: {  	v5 =	vadd.f32 v21, v5;
	v21 =	vld.idx.msk [tilespmem:v1+s13+$0x280 ss:$0x1], $0xffff  }
0x71: {  	v6 =	vadd.f32 v22, v6;
	v22 =	vadd.f32 v26, v18;
	v18 =	vld.idx.msk [tilespmem:v1+s13+$0x2B0 ss:$0x1], $0xffff  }
0x72: {  	v26 =	vld.idx.msk [tilespmem:v1+s13+$0x210 ss:$0x1], $0xffff  }
0x73: {  	v11 =	vadd.f32 v23, v11;
	v23 =	vadd.f32 v29, v5;
	v5 =	vld.idx.msk [tilespmem:v1+s13+$0x2C0 ss:$0x1], $0xffff  }
0x74: {  	v12 =	vadd.f32 v24, v12;
	v19 =	vadd.f32 v27, v19;
	[tilespmem:$0x1FF40] =	vst v0;
	v0 =	vld [tilespmem:s14+$0x4570]  }
0x75: {  	v24 =	vadd.f32 v30, v6;
	v6 =	vld.idx.msk [tilespmem:v1+s13+$0x2D0 ss:$0x1], $0xffff  }
0x76: {  	v12 =	vadd.f32 v32, v12;
	v32 =	vld.idx.msk [tilespmem:v1+s13+$0x180 ss:$0x1], $0xffff;
	v19 =	vadd.f32 v35, v19  }
0x77: {  	v22 =	vadd.f32 v34, v22;
	v29 =	vld.idx.msk [tilespmem:v1+s13+$0x100 ss:$0x1], $0xffff  }
0x78: {  	v30 =	vld.idx.msk [tilespmem:v1+s13+$0x110 ss:$0x1], $0xffff;
	v19 =	vadd.f32 v43, v19  }
0x79: {  	v22 =	vadd.f32 v42, v22;
	[tilespmem:$0x1FF50] =	vst v0;
	v0 =	vld [tilespmem:s14+$0x4580]  }
0x7a: {  	v19 =	vadd.f32 v51, v19;
	v51 =	vld [tilespmem:$0x1FF50]  }
0x7b: {  	v11 =	vadd.f32 v31, v11;
	v31 =	vld.idx.msk [tilespmem:v1+s13+$0x80 ss:$0x1], $0xffff;
	v22 =	vadd.f32 v50, v22  }
0x7c: {  	v34 =	vld.idx.msk [tilespmem:v1+s13+$0x90 ss:$0x1], $0xffff  }
0x7d: {  	v35 =	vld.idx.msk [tilespmem:v1+s13+$0x220 ss:$0x1], $0xffff;
	v22 =	vadd.f32 v58, v22  }
0x7e: {  	v20 =	vadd.f32 v28, v20;
	[tilespmem:$0x1FF60] =	vst v0;
	v0 =	vld [tilespmem:s14+$0x4590]  }
0x7f: {  	v28 =	vadd.f32 v40, v12;
	v40 =	vadd.f32 v51, v22;
	v22 =	vld [tilespmem:$0x1FF60]  }
0x80: {  	v20 =	vadd.f32 v36, v20;
	v23 =	vadd.f32 v37, v23;
	v36 =	vld.idx.msk [tilespmem:v1+s13+$0x230 ss:$0x1], $0xffff  }
0x81: {  	v27 =	vadd.f32 v39, v11;
	v11 =	vld.idx.msk [tilespmem:v1+s13+$0x240 ss:$0x1], $0xffff  }
0x82: {  	v12 =	vld.idx.msk [tilespmem:v1+s13+$0x250 ss:$0x1], $0xffff;
	v23 =	vadd.f32 v45, v23;
	v19 =	vadd.f32 v59, v19  }
0x83: {  	v24 =	vadd.f32 v38, v24;
	v20 =	vadd.f32 v44, v20;
	[tilespmem:$0x1FF70] =	vst v0;
	v0 =	vld [tilespmem:s14+$0x45A0]  }
0x84: {  	v23 =	vadd.f32 v53, v23;
	v53 =	vadd.f32 v22, v19;
	v19 =	vld [tilespmem:$0x1FF70]  }
0x85: {  	[tilespmem:$0x1FFE0] =	vst v21;
	v21 =	vadd.f32 v25, v17;
	v17 =	vld.idx.msk [tilespmem:v1+s13+$0x290 ss:$0x1], $0xffff;
	v20 =	vadd.f32 v52, v20  }
0x86: {  	v25 =	vld.idx.msk [tilespmem:v1+s13+$0x200 ss:$0x1], $0xffff;
	v24 =	vadd.f32 v46, v24  }
0x87: {  	v28 =	vadd.f32 v48, v28;
	v48 =	vld [tilespmem:$0x1FF30];
	v20 =	vadd.f32 v60, v20  }
0x88: {  	[tilespmem:$0x1FF80] =	vst v0;
	v0 =	vld [tilespmem:s14+$0x45B0]  }
0x89: {  	v24 =	vadd.f32 v54, v24;
	v54 =	vadd.f32 v19, v20;
	v19 =	vld [tilespmem:$0x1FF80]  }
0x8a: {  	v50 =	vld [tilespmem:$0x1FF40]  }
0x8b: {  	v21 =	vadd.f32 v33, v21;
	v33 =	vld.idx.msk [tilespmem:v1+s13+$0x190 ss:$0x1], $0xffff  }
0x8c: {  	v52 =	vld.idx.msk [tilespmem:v1+s13+$0x30 ss:$0x1], $0xffff;
	v23 =	vadd.f32 v61, v23  }
0x8d: {  	v27 =	vadd.f32 v47, v27;
	[tilespmem:$0x1FF90] =	vst v0;
	v0 =	vld [tilespmem:s14+$0x45C0]  }
0x8e: {  	v23 =	vadd.f32 v19, v23;
	v19 =	vld [tilespmem:$0x1FF90]  }
0x8f: {  	v27 =	vadd.f32 v55, v27;
	v55 =	vld.idx.msk [tilespmem:v1+s13+$0xA0 ss:$0x1], $0xffff  }
0x90: {  	v28 =	vadd.f32 v56, v28;
	v56 =	vld.idx.msk [tilespmem:v1+s13+$0xB0 ss:$0x1], $0xffff  }
0x91: {  	v60 =	vld.idx.msk [tilespmem:v1+s13+$0x0 ss:$0x1], $0xffff;
	v24 =	vadd.f32 v62, v24  }
0x92: {  	[tilespmem:$0x1FFA0] =	vst v0;
	v0 =	vld [tilespmem:s14+$0x45D0]  }
0x93: {  	v24 =	vadd.f32 v19, v24;
	v19 =	vld [tilespmem:$0x1FFA0]  }
0x94: {  	v58 =	vld.idx.msk [tilespmem:v1+s13+$0x1B0 ss:$0x1], $0xffff  }
0x95: {  	v21 =	vadd.f32 v41, v21;
	[tilespmem:$0x1FFF0] =	vst v17;
	v17 =	vld.idx.msk [tilespmem:v1+s13+$0x2A0 ss:$0x1], $0xffff  }
0x96: {  	v62 =	vld.idx.msk [tilespmem:v1+s13+$0x10 ss:$0x1], $0xffff;
	v27 =	vadd.f32 v63, v27  }
0x97: {  	v21 =	vadd.f32 v49, v21;
	v49 =	vld.idx.msk [tilespmem:v1+s13+$0x20 ss:$0x1], $0xffff;
	[tilespmem:$0x1FFB0] =	vst v0  }
0x98: {  	v37 =	vadd.f32 v60, v53;
	v22 =	vadd.f32 v19, v27;
	v19 =	vld [tilespmem:$0x1FFB0]  }
0x99: {  	v21 =	vadd.f32 v57, v21;
	v57 =	vld.idx.msk [tilespmem:v1+s13+$0x1A0 ss:$0x1], $0xffff  }
0x9a: {  	v31 =	vadd.f32 v31, v37;
	v0 =	vld [tilespmem:s14+$0x45E0]  }
0x9b: {  	v28 =	vadd.f32 v48, v28;
	v27 =	vld.idx.msk [tilespmem:v1+s13+$0x120 ss:$0x1], $0xffff  }
0x9c: {  	v61 =	vadd.f32 v29, v31;
	v29 =	vld.idx.msk [tilespmem:v1+s13+$0x140 ss:$0x1], $0xffff;
	v39 =	vadd.f32 v49, v23  }
0x9d: {  	v38 =	vadd.f32 v62, v54;
	v20 =	vadd.f32 v19, v28;
	v28 =	vld.idx.msk [tilespmem:v1+s13+$0x130 ss:$0x1], $0xffff  }
0x9e: {  	v31 =	vld.idx.msk [tilespmem:v1+s13+$0xC0 ss:$0x1], $0xffff;
	v59 =	vadd.f32 v55, v39;
	v24 =	vadd.f32 v52, v24  }
0x9f: {  	v21 =	vadd.f32 v50, v21;
	v34 =	vadd.f32 v34, v38;
	[tilespmem:$0x1FFC0] =	vst v0;
	v0 =	vld [tilespmem:s14+$0x45F0]  }
0xa0: {  	v60 =	vadd.f32 v56, v24;
	v19 =	vld [tilespmem:$0x1FFC0];
	v27 =	vadd.f32 v27, v59  }
0xa1: {  	v62 =	vadd.f32 v32, v61;
	v32 =	vld.idx.msk [tilespmem:v1+s13+$0xD0 ss:$0x1], $0xffff;
	v34 =	vadd.f32 v30, v34  }
0xa2: {  	v30 =	vld.idx.msk [tilespmem:v1+s13+$0x150 ss:$0x1], $0xffff;
	v27 =	vadd.f32 v57, v27;
	v28 =	vadd.f32 v28, v60  }
0xa3: {  	v37 =	vadd.f32 v25, v62;
	v23 =	vld.idx.msk [tilespmem:v1+s13+$0x1C0 ss:$0x1], $0xffff;
	v34 =	vadd.f32 v33, v34  }
0xa4: {  	[tilespmem:$0x1FFD0] =	vst v0;
	v25 =	vadd.f32 v35, v27;
	v27 =	vld [tilespmem:$0x1FFE0];
	v28 =	vadd.f32 v58, v28  }
0xa5: {  	v21 =	vadd.f32 v19, v21;
	v19 =	vld [tilespmem:$0x1FFD0]  }
0xa6: {  	v63 =	vadd.f32 v26, v34;
	v26 =	vadd.f32 v36, v28;
	v28 =	vld [tilespmem:$0x1FFF0]  }
0xa7: {  	v33 =	vld.idx.msk [tilespmem:v1+s13+$0x40 ss:$0x1], $0xffff  }
0xa8: {  	v34 =	vld.idx.msk [tilespmem:v1+s13+$0x50 ss:$0x1], $0xffff  }
0xa9: {  	v24 =	vld.idx.msk [tilespmem:v1+s13+$0x1D0 ss:$0x1], $0xffff  }
0xaa: {  	v0 =	vld.idx.msk [tilespmem:v1+s13+$0x3D0 ss:$0x1], $0xffff;
	v27 =	vadd.f32 v27, v37  }
0xab: {  	s14 =	simm.s32 $0x1000;
	v35 =	vld.idx.msk [tilespmem:v1+s13+$0x60 ss:$0x1], $0xffff;
	v19 =	vadd.f32 v19, v40;
	v28 =	vadd.f32 v28, v63  }
.LBB2_4:
0xac: {  	p1 =	sne.s32 s14, $0x2000;
	v36 =	vld.idx.msk [tilespmem:v1+s13+$0x70 ss:$0x1], $0xffff;
	v17 =	vadd.f32 v17, v25;
	v18 =	vadd.f32 v18, v26  }
0xad: {  	v37 =	vld.idx.msk [tilespmem:v1+s13+$0xE0 ss:$0x1], $0xffff;
	v14 =	vadd.f32 v14, v27;
	v16 =	vadd.f32 v16, v28  }
0xae: {  	v38 =	vld.idx.msk [tilespmem:v1+s13+$0xF0 ss:$0x1], $0xffff;
	v13 =	vadd.f32 v13, v17;
	v15 =	vadd.f32 v15, v18  }
0xaf: {  	v17 =	vld.idx.msk [tilespmem:v1+s13+$0x160 ss:$0x1], $0xffff;
	v25 =	vadd.f32 v7, v14;
	v26 =	vadd.f32 v8, v16  }
0xb0: {  	v7 =	vld.idx.msk [tilespmem:v1+s13+$0x170 ss:$0x1], $0xffff;
	v27 =	vadd.f32 v9, v13;
	v28 =	vadd.f32 v10, v15  }
0xb1: {  	v8 =	vadd.f32 v33, v22;
	v9 =	vadd.f32 v34, v20;
	v10 =	vld.idx.msk [tilespmem:v1+s13+$0x1E0 ss:$0x1], $0xffff  }
0xb2: {  	v13 =	vadd.f32 v35, v21;
	v14 =	vadd.f32 v36, v19;
	v15 =	vld.idx.msk [tilespmem:v1+s13+$0x1F0 ss:$0x1], $0xffff  }
0xb3: {  	v8 =	vadd.f32 v31, v8;
	v9 =	vadd.f32 v32, v9;
	v16 =	vld.idx.msk [tilespmem:v1+s13+$0x260 ss:$0x1], $0xffff  }
0xb4: {  	v13 =	vadd.f32 v37, v13;
	v14 =	vadd.f32 v38, v14;
	v18 =	vld.idx.msk [tilespmem:v1+s13+$0x270 ss:$0x1], $0xffff  }
0xb5: {  	v8 =	vadd.f32 v29, v8;
	v9 =	vadd.f32 v30, v9;
	v19 =	vld.idx.msk [tilespmem:v1+s13+$0x2E0 ss:$0x1], $0xffff  }
0xb6: {  	v13 =	vadd.f32 v17, v13;
	v7 =	vadd.f32 v7, v14;
	v14 =	vld.idx.msk [tilespmem:v1+s13+$0x2F0 ss:$0x1], $0xffff  }
0xb7: {  	v8 =	vadd.f32 v23, v8;
	v9 =	vadd.f32 v24, v9;
	v17 =	vld.idx.msk [tilespmem:v1+s13+$0x360 ss:$0x1], $0xffff  }
0xb8: {  	v10 =	vadd.f32 v10, v13;
	v7 =	vadd.f32 v15, v7;
	v13 =	vld.idx.msk [tilespmem:v1+s13+$0x370 ss:$0x1], $0xffff  }
0xb9: {  	v8 =	vadd.f32 v11, v8;
	v9 =	vadd.f32 v12, v9;
	v11 =	vld.idx.msk [tilespmem:v1+s13+$0x3E0 ss:$0x1], $0xffff  }
0xba: {  	v10 =	vadd.f32 v16, v10;
	v12 =	vadd.f32 v18, v7;
	v15 =	vld.idx.msk [tilespmem:v1+s13+$0x3F0 ss:$0x1], $0xffff;
	s13 =	sshra.s32 s14, $0x2  }
0xbb: {  	v5 =	vadd.f32 v5, v8;
	v6 =	vadd.f32 v6, v9;
	v7 =	vld.idx.msk [tilespmem:v1+s13+$0x380 ss:$0x1], $0xffff  }
0xbc: {  	v16 =	vadd.f32 v19, v10;
	v12 =	vadd.f32 v14, v12;
	v8 =	vld.idx.msk [tilespmem:v1+s13+$0x390 ss:$0x1], $0xffff  }
0xbd: {  	v3 =	vadd.f32 v3, v5;
	v4 =	vadd.f32 v4, v6;
	v9 =	vld.idx.msk [tilespmem:v1+s13+$0x3A0 ss:$0x1], $0xffff  }
0xbe: {  	v5 =	vadd.f32 v17, v16;
	v6 =	vadd.f32 v13, v12;
	v10 =	vld.idx.msk [tilespmem:v1+s13+$0x3B0 ss:$0x1], $0xffff  }
0xbf: {  	v22 =	vadd.f32 v2, v3;
	v20 =	vadd.f32 v0, v4;
	v2 =	vld.idx.msk [tilespmem:v1+s13+$0x3C0 ss:$0x1], $0xffff  }
0xc0: {  	v21 =	vadd.f32 v11, v5;
	v19 =	vadd.f32 v15, v6;
	v0 =	vld.idx.msk [tilespmem:v1+s13+$0x3D0 ss:$0x1], $0xffff  }
0xc1: {  	v14 =	vld.idx.msk [tilespmem:v1+s13+$0x300 ss:$0x1], $0xffff  }
0xc2: {  	v16 =	vld.idx.msk [tilespmem:v1+s13+$0x310 ss:$0x1], $0xffff  }
0xc3: {  	v13 =	vld.idx.msk [tilespmem:v1+s13+$0x320 ss:$0x1], $0xffff  }
0xc4: {  	v15 =	vld.idx.msk [tilespmem:v1+s13+$0x330 ss:$0x1], $0xffff  }
0xc5: {  	v3 =	vld.idx.msk [tilespmem:v1+s13+$0x340 ss:$0x1], $0xffff  }
0xc6: {  	v4 =	vld.idx.msk [tilespmem:v1+s13+$0x350 ss:$0x1], $0xffff  }
0xc7: {  	v36 =	vld.idx.msk [tilespmem:v1+s13+$0x280 ss:$0x1], $0xffff  }
0xc8: {  	v37 =	vld.idx.msk [tilespmem:v1+s13+$0x290 ss:$0x1], $0xffff  }
0xc9: {  	v17 =	vld.idx.msk [tilespmem:v1+s13+$0x2A0 ss:$0x1], $0xffff  }
0xca: {  	v18 =	vld.idx.msk [tilespmem:v1+s13+$0x2B0 ss:$0x1], $0xffff  }
0xcb: {  	v5 =	vld.idx.msk [tilespmem:v1+s13+$0x2C0 ss:$0x1], $0xffff  }
0xcc: {  	v6 =	vld.idx.msk [tilespmem:v1+s13+$0x2D0 ss:$0x1], $0xffff  }
0xcd: {  	v34 =	vld.idx.msk [tilespmem:v1+s13+$0x200 ss:$0x1], $0xffff  }
0xce: {  	v35 =	vld.idx.msk [tilespmem:v1+s13+$0x210 ss:$0x1], $0xffff  }
0xcf: {  	v38 =	vld.idx.msk [tilespmem:v1+s13+$0x220 ss:$0x1], $0xffff  }
0xd0: {  	v39 =	vld.idx.msk [tilespmem:v1+s13+$0x230 ss:$0x1], $0xffff  }
0xd1: {  	v11 =	vld.idx.msk [tilespmem:v1+s13+$0x240 ss:$0x1], $0xffff  }
0xd2: {  	v12 =	vld.idx.msk [tilespmem:v1+s13+$0x250 ss:$0x1], $0xffff  }
0xd3: {  	v32 =	vld.idx.msk [tilespmem:v1+s13+$0x180 ss:$0x1], $0xffff  }
0xd4: {  	v33 =	vld.idx.msk [tilespmem:v1+s13+$0x190 ss:$0x1], $0xffff  }
0xd5: {  	v29 =	vld.idx.msk [tilespmem:v1+s13+$0x100 ss:$0x1], $0xffff  }
0xd6: {  	v30 =	vld.idx.msk [tilespmem:v1+s13+$0x110 ss:$0x1], $0xffff  }
0xd7: {  	v23 =	vld.idx.msk [tilespmem:v1+s13+$0x80 ss:$0x1], $0xffff  }
0xd8: {  	v24 =	vld.idx.msk [tilespmem:v1+s13+$0x90 ss:$0x1], $0xffff  }
0xd9: {  	v31 =	vld.idx.msk [tilespmem:v1+s13+$0x0 ss:$0x1], $0xffff  }
0xda: {  	v40 =	vld.idx.msk [tilespmem:v1+s13+$0x10 ss:$0x1], $0xffff  }
0xdb: {  	v41 =	vld.idx.msk [tilespmem:v1+s13+$0x20 ss:$0x1], $0xffff  }
0xdc: {  	v42 =	vld.idx.msk [tilespmem:v1+s13+$0x30 ss:$0x1], $0xffff  }
0xdd: {  	v43 =	vld.idx.msk [tilespmem:v1+s13+$0xA0 ss:$0x1], $0xffff  }
0xde: {  	v44 =	vld.idx.msk [tilespmem:v1+s13+$0xB0 ss:$0x1], $0xffff  }
0xdf: {  	v45 =	vld.idx.msk [tilespmem:v1+s13+$0x120 ss:$0x1], $0xffff  }
0xe0: {  	v46 =	vld.idx.msk [tilespmem:v1+s13+$0x130 ss:$0x1], $0xffff  }
0xe1: {  	v25 =	vadd.f32 v31, v25;
	v26 =	vadd.f32 v40, v26;
	v40 =	vld.idx.msk [tilespmem:v1+s13+$0x1A0 ss:$0x1], $0xffff  }
0xe2: {  	v27 =	vadd.f32 v41, v27;
	v28 =	vadd.f32 v42, v28;
	v41 =	vld.idx.msk [tilespmem:v1+s13+$0x1B0 ss:$0x1], $0xffff  }
0xe3: {  	v25 =	vadd.f32 v23, v25;
	v26 =	vadd.f32 v24, v26;
	v23 =	vld.idx.msk [tilespmem:v1+s13+$0x1C0 ss:$0x1], $0xffff  }
0xe4: {  	v27 =	vadd.f32 v43, v27;
	v28 =	vadd.f32 v44, v28;
	v24 =	vld.idx.msk [tilespmem:v1+s13+$0x1D0 ss:$0x1], $0xffff  }
0xe5: {  	v25 =	vadd.f32 v29, v25;
	v26 =	vadd.f32 v30, v26;
	v29 =	vld.idx.msk [tilespmem:v1+s13+$0x140 ss:$0x1], $0xffff  }
0xe6: {  	v27 =	vadd.f32 v45, v27;
	v28 =	vadd.f32 v46, v28;
	v30 =	vld.idx.msk [tilespmem:v1+s13+$0x150 ss:$0x1], $0xffff  }
.Ltmp0:
0xe7: {  	v25 =	vadd.f32 v32, v25;
	v26 =	vadd.f32 v33, v26;
	v31 =	vld.idx.msk [tilespmem:v1+s13+$0xC0 ss:$0x1], $0xffff;
	(pc) =	sbr.rel @p1 .LBB2_4-.Ltmp0, $4  }
0xe8: {  	v27 =	vadd.f32 v40, v27;
	v28 =	vadd.f32 v41, v28;
	v32 =	vld.idx.msk [tilespmem:v1+s13+$0xD0 ss:$0x1], $0xffff  }
0xe9: {  	v40 =	vadd.f32 v34, v25;
	v41 =	vadd.f32 v35, v26;
	v33 =	vld.idx.msk [tilespmem:v1+s13+$0x40 ss:$0x1], $0xffff  }
0xea: {  	v25 =	vadd.f32 v38, v27;
	v26 =	vadd.f32 v39, v28;
	v34 =	vld.idx.msk [tilespmem:v1+s13+$0x50 ss:$0x1], $0xffff  }
0xeb: {  	s14 =	sadd.s32 $0x1000, s14;
	v27 =	vadd.f32 v36, v40;
	v28 =	vadd.f32 v37, v41;
	v35 =	vld.idx.msk [tilespmem:v1+s13+$0x60 ss:$0x1], $0xffff  }
0xec: {  	_ =	sdelay $0x1  }
0xed: {  	v17 =	vadd.f32 v17, v25;
	v18 =	vadd.f32 v18, v26  }
0xee: {  	v14 =	vadd.f32 v14, v27;
	v16 =	vadd.f32 v16, v28  }
0xef: {  	v39 =	vld.idx.msk [tilespmem:v1+s13+$0x70 ss:$0x1], $0xffff;
	v13 =	vadd.f32 v13, v17;
	v15 =	vadd.f32 v15, v18  }
0xf0: {  	v40 =	vld.idx.msk [tilespmem:v1+s13+$0xE0 ss:$0x1], $0xffff;
	v43 =	vadd.f32 v33, v22;
	v7 =	vadd.f32 v7, v14  }
0xf1: {  	v41 =	vld.idx.msk [tilespmem:v1+s13+$0xF0 ss:$0x1], $0xffff;
	v8 =	vadd.f32 v8, v16;
	v45 =	vadd.f32 v34, v20  }
0xf2: {  	v42 =	vld.idx.msk [tilespmem:v1+s13+$0x160 ss:$0x1], $0xffff;
	v9 =	vadd.f32 v9, v13;
	v10 =	vadd.f32 v10, v15  }
0xf3: {  	v44 =	vld.idx.msk [tilespmem:v1+s13+$0x170 ss:$0x1], $0xffff;
	v47 =	vadd.f32 v35, v21;
	v13 =	vadd.f32 v31, v43  }
0xf4: {  	v46 =	vld.idx.msk [tilespmem:v1+s13+$0x1E0 ss:$0x1], $0xffff;
	v19 =	vadd.f32 v39, v19;
	v15 =	vadd.f32 v32, v45  }
0xf5: {  	v48 =	vld.idx.msk [tilespmem:v1+s13+$0x1F0 ss:$0x1], $0xffff;
	v20 =	vadd.f32 v40, v47;
	v13 =	vadd.f32 v29, v13  }
0xf6: {  	v49 =	vld.idx.msk [tilespmem:v1+s13+$0x260 ss:$0x1], $0xffff;
	v17 =	vadd.f32 v41, v19;
	v15 =	vadd.f32 v30, v15  }
0xf7: {  	v50 =	vld.idx.msk [tilespmem:v1+s13+$0x270 ss:$0x1], $0xffff;
	v14 =	vadd.f32 v42, v20;
	v13 =	vadd.f32 v23, v13  }
0xf8: {  	v51 =	vld.idx.msk [tilespmem:v1+s13+$0x2E0 ss:$0x1], $0xffff;
	v16 =	vadd.f32 v44, v17;
	v15 =	vadd.f32 v24, v15  }
0xf9: {  	v52 =	vld.idx.msk [tilespmem:v1+s13+$0x2F0 ss:$0x1], $0xffff;
	v14 =	vadd.f32 v46, v14;
	v11 =	vadd.f32 v11, v13  }
0xfa: {  	v53 =	vld.idx.msk [tilespmem:v1+s13+$0x360 ss:$0x1], $0xffff;
	v54 =	vadd.f32 v48, v16;
	v12 =	vadd.f32 v12, v15  }
0xfb: {  	v55 =	vld.idx.msk [tilespmem:v1+s13+$0x370 ss:$0x1], $0xffff;
	s14 =	sshll.u32 s11, $0x7;
	v14 =	vadd.f32 v49, v14;
	v5 =	vadd.f32 v5, v11  }
0xfc: {  	v56 =	vld.idx.msk [tilespmem:v1+s13+$0x3E0 ss:$0x1], $0xffff;
	s21 =	sand.u32 $0x3FFFFF80, s14;
	v58 =	vadd.f32 v50, v54;
	v6 =	vadd.f32 v6, v12  }
0xfd: {  	v57 =	vld.idx.msk [tilespmem:v1+s13+$0x3F0 ss:$0x1], $0xffff;
	[tilespmem:s21+$0x14200] =	vst v7;
	v59 =	vadd.f32 v51, v14;
	v3 =	vadd.f32 v3, v5  }
0xfe: {  	s11 =	sadd.s32 $0x1, s11;
	[tilespmem:s21+$0x14210] =	vst v8;
	v60 =	vadd.f32 v52, v58;
	v4 =	vadd.f32 v4, v6  }
0xff: {  	p1 =	sne.s32 s11, $0x4;
	[tilespmem:s21+$0x14220] =	vst v9;
	v61 =	vadd.f32 v53, v59;
	v2 =	vadd.f32 v2, v3  }
.Ltmp1:
0x100: {  	[tilespmem:s21+$0x14230] =	vst v10;
	v62 =	vadd.f32 v55, v60;
	v0 =	vadd.f32 v0, v4;
	(pc) =	sbr.rel @p1 .LBB2_3-.Ltmp1, $4  }
0x101: {  	v63 =	vadd.f32 v56, v61;
	[tilespmem:s21+$0x14240] =	vst v2  }
0x102: {  	v1 =	vadd.f32 v57, v62;
	[tilespmem:s21+$0x14250] =	vst v0  }
0x103: {  	[tilespmem:s21+$0x14260] =	vst v63  }
0x104: {  	s12 =	sadd.s32 $0x1000, s12;
	[tilespmem:s21+$0x14270] =	vst v1  }
0x105: {  	p1 =	seq.s32 s8, $0x1F  }
0x106: {  	s18 =	sshll.u32 s8, $0x8;
	s10 =	sshrl.u32 @!p1 s10, $0x2  }
0x107: {  	s12 =	simm.s32 @!p1 $0x80;
	s13 =	simm.s32 @!p1 $0x4200;
	s11 =	sadd.s32 @!p1 $0x200, s10  }
0x108: {  	[tilespmem:s13], [sflag:$0x1] =	stream.indirect.gather @!p1 [hbm4b:s1+s12], $0x80, s11, s12, $0xb8;
	[tilespmem:$0x14A00] =	vst v63  }
0x109: {  	s11 =	sadd.s32 s5, s18  }
0x10a: {  	s19 =	sadd.s32 s3, s11  }
0x10b: {  	[hbm4b:s19+s4] =	stream.linear.scatter [tilespmem:s25], [sflag:$0x5], $0x200, $0x38;
	[tilespmem:$0x14A00] =	vst v63  }
0x10c: {  	_ =	swait.ge [sflag:s26], $0x4000  }
0x10d: {  	[sflag:s26] =	ssyncset.done $0x0  }
0x10e: {  	s14 =	simm.s32 @!p0 $0x6;
	[sflag:s26] =	ssyncadd.s32 $0xFFFFC000  }
0x10f: {  	s21 =	sshll.u32 s8, $0x4;
	_ =	swait.ge @!p0 [sflag:s14], $0x200  }
0x110: {  	s12 =	sadd.s32 s21, s6;
	s18 =	simm.s32 $0x8600;
	[sflag:s14] =	ssyncset.done @!p0 $0x0  }
0x111: {  	s13 =	sadd.s32 $0x4, s12;
	[sflag:s14] =	ssyncadd.s32 @!p0 $0xFFFFFE00;
	s14 =	simm.s32 $0x0  }
.LBB2_7:
0x112: {  	s19 =	sshll.u32 s14, $0xC  }
0x113: {  	s21 =	sand.u32 $0x3FFFF000, s19  }
0x114: {  	v3 =	vld [tilespmem:s21+$0x8200]  }
0x115: {  	v4 =	vld [tilespmem:s21+$0x8210]  }
0x116: {  	v5 =	vld [tilespmem:s21+$0x8220]  }
0x117: {  	v6 =	vld [tilespmem:s21+$0x8230]  }
0x118: {  	v11 =	vld [tilespmem:s21+$0x8240]  }
0x119: {  	v12 =	vld [tilespmem:s21+$0x8250]  }
0x11a: {  	v17 =	vld [tilespmem:s21+$0x8260]  }
0x11b: {  	v18 =	vld [tilespmem:s21+$0x8270]  }
0x11c: {  	v19 =	vld [tilespmem:s21+$0x8280]  }
0x11d: {  	v20 =	vld [tilespmem:s21+$0x8290]  }
0x11e: {  	v21 =	vld [tilespmem:s21+$0x82A0]  }
0x11f: {  	v22 =	vld [tilespmem:s21+$0x82B0]  }
0x120: {  	v23 =	vld [tilespmem:s21+$0x82C0]  }
0x121: {  	v24 =	vld [tilespmem:s21+$0x82D0]  }
0x122: {  	v25 =	vld [tilespmem:s21+$0x82E0]  }
0x123: {  	v26 =	vld [tilespmem:s21+$0x82F0]  }
0x124: {  	v27 =	vld [tilespmem:s21+$0x8300]  }
0x125: {  	v28 =	vld [tilespmem:s21+$0x8310]  }
0x126: {  	v29 =	vld [tilespmem:s21+$0x8320]  }
0x127: {  	v30 =	vld [tilespmem:s21+$0x8330]  }
0x128: {  	v31 =	vld [tilespmem:s21+$0x8340]  }
0x129: {  	v32 =	vld [tilespmem:s21+$0x8350]  }
0x12a: {  	v33 =	vld [tilespmem:s21+$0x8360]  }
0x12b: {  	v34 =	vld [tilespmem:s21+$0x8370]  }
0x12c: {  	v35 =	vld [tilespmem:s21+$0x8380]  }
0x12d: {  	v36 =	vld [tilespmem:s21+$0x8390]  }
0x12e: {  	v37 =	vld [tilespmem:s21+$0x83A0]  }
0x12f: {  	v38 =	vld [tilespmem:s21+$0x83B0]  }
0x130: {  	v39 =	vld [tilespmem:s21+$0x83C0]  }
0x131: {  	v40 =	vld [tilespmem:s21+$0x83D0]  }
0x132: {  	v41 =	vld [tilespmem:s21+$0x83E0]  }
0x133: {  	v42 =	vld [tilespmem:s21+$0x83F0]  }
0x134: {  	v43 =	vld [tilespmem:s21+$0x8400]  }
0x135: {  	v44 =	vld [tilespmem:s21+$0x8410]  }
0x136: {  	v45 =	vld [tilespmem:s21+$0x8420]  }
0x137: {  	v46 =	vld [tilespmem:s21+$0x8430]  }
0x138: {  	v47 =	vld [tilespmem:s21+$0x8440]  }
0x139: {  	v48 =	vld [tilespmem:s21+$0x8450]  }
0x13a: {  	v49 =	vld [tilespmem:s21+$0x8460]  }
0x13b: {  	v50 =	vld [tilespmem:s21+$0x8470]  }
0x13c: {  	v51 =	vld [tilespmem:s21+$0x8480]  }
0x13d: {  	v52 =	vld [tilespmem:s21+$0x8490]  }
0x13e: {  	v53 =	vld [tilespmem:s21+$0x84A0]  }
0x13f: {  	v54 =	vld [tilespmem:s21+$0x84B0]  }
0x140: {  	v55 =	vld [tilespmem:s21+$0x84C0]  }
0x141: {  	v56 =	vld [tilespmem:s21+$0x84D0]  }
0x142: {  	v57 =	vld [tilespmem:s21+$0x84E0]  }
0x143: {  	v58 =	vld [tilespmem:s21+$0x84F0]  }
0x144: {  	v59 =	vld [tilespmem:s21+$0x8500]  }
0x145: {  	v1 =	vmov s18;
	v60 =	vld [tilespmem:s21+$0x8510]  }
0x146: {  	v61 =	vld [tilespmem:s21+$0x8520]  }
0x147: {  	v62 =	vld [tilespmem:s21+$0x8530]  }
0x148: {  	v63 =	vld [tilespmem:s21+$0x8540]  }
0x149: {  	s19 =	simm.s32 $0x0;
	v0 =	vld [tilespmem:s21+$0x8550]  }
0x14a: {  	v7 =	vld.idx.msk [tilespmem:v1+s19+$0x380 ss:$0x1], $0xffff  }
0x14b: {  	v8 =	vld.idx.msk [tilespmem:v1+s19+$0x390 ss:$0x1], $0xffff  }
0x14c: {  	v9 =	vld.idx.msk [tilespmem:v1+s19+$0x3A0 ss:$0x1], $0xffff  }
0x14d: {  	v10 =	vld.idx.msk [tilespmem:v1+s19+$0x3B0 ss:$0x1], $0xffff  }
0x14e: {  	v2 =	vld.idx.msk [tilespmem:v1+s19+$0x3C0 ss:$0x1], $0xffff  }
0x14f: {  	v14 =	vld.idx.msk [tilespmem:v1+s19+$0x300 ss:$0x1], $0xffff  }
0x150: {  	v16 =	vld.idx.msk [tilespmem:v1+s19+$0x310 ss:$0x1], $0xffff  }
0x151: {  	v13 =	vld.idx.msk [tilespmem:v1+s19+$0x320 ss:$0x1], $0xffff  }
0x152: {  	v15 =	vld.idx.msk [tilespmem:v1+s19+$0x330 ss:$0x1], $0xffff  }
0x153: {  	[tilespmem:$0x1FE60] =	vst v0;
	v0 =	vld [tilespmem:s21+$0x8560]  }
0x154: {  	v19 =	vadd.f32 v19, v3;
	v3 =	vld.idx.msk [tilespmem:v1+s19+$0x340 ss:$0x1], $0xffff  }
0x155: {  	v20 =	vadd.f32 v20, v4;
	v4 =	vld.idx.msk [tilespmem:v1+s19+$0x350 ss:$0x1], $0xffff  }
0x156: {  	v5 =	vadd.f32 v21, v5;
	v21 =	vld.idx.msk [tilespmem:v1+s19+$0x280 ss:$0x1], $0xffff  }
0x157: {  	v6 =	vadd.f32 v22, v6;
	v22 =	vadd.f32 v26, v18;
	v18 =	vld.idx.msk [tilespmem:v1+s19+$0x2B0 ss:$0x1], $0xffff  }
0x158: {  	v26 =	vld.idx.msk [tilespmem:v1+s19+$0x210 ss:$0x1], $0xffff  }
0x159: {  	v11 =	vadd.f32 v23, v11;
	v23 =	vadd.f32 v29, v5;
	v5 =	vld.idx.msk [tilespmem:v1+s19+$0x2C0 ss:$0x1], $0xffff  }
0x15a: {  	v12 =	vadd.f32 v24, v12;
	v19 =	vadd.f32 v27, v19;
	[tilespmem:$0x1FE70] =	vst v0;
	v0 =	vld [tilespmem:s21+$0x8570]  }
0x15b: {  	v24 =	vadd.f32 v30, v6;
	v6 =	vld.idx.msk [tilespmem:v1+s19+$0x2D0 ss:$0x1], $0xffff  }
0x15c: {  	v12 =	vadd.f32 v32, v12;
	v32 =	vld.idx.msk [tilespmem:v1+s19+$0x180 ss:$0x1], $0xffff;
	v19 =	vadd.f32 v35, v19  }
0x15d: {  	v22 =	vadd.f32 v34, v22;
	v29 =	vld.idx.msk [tilespmem:v1+s19+$0x100 ss:$0x1], $0xffff  }
0x15e: {  	v30 =	vld.idx.msk [tilespmem:v1+s19+$0x110 ss:$0x1], $0xffff;
	v19 =	vadd.f32 v43, v19  }
0x15f: {  	v22 =	vadd.f32 v42, v22;
	[tilespmem:$0x1FE80] =	vst v0;
	v0 =	vld [tilespmem:s21+$0x8580]  }
0x160: {  	v19 =	vadd.f32 v51, v19;
	v51 =	vld [tilespmem:$0x1FE80]  }
0x161: {  	v11 =	vadd.f32 v31, v11;
	v31 =	vld.idx.msk [tilespmem:v1+s19+$0x80 ss:$0x1], $0xffff;
	v22 =	vadd.f32 v50, v22  }
0x162: {  	v34 =	vld.idx.msk [tilespmem:v1+s19+$0x90 ss:$0x1], $0xffff  }
0x163: {  	v35 =	vld.idx.msk [tilespmem:v1+s19+$0x220 ss:$0x1], $0xffff;
	v22 =	vadd.f32 v58, v22  }
0x164: {  	v20 =	vadd.f32 v28, v20;
	[tilespmem:$0x1FE90] =	vst v0;
	v0 =	vld [tilespmem:s21+$0x8590]  }
0x165: {  	v28 =	vadd.f32 v40, v12;
	v40 =	vadd.f32 v51, v22;
	v22 =	vld [tilespmem:$0x1FE90]  }
0x166: {  	v20 =	vadd.f32 v36, v20;
	v23 =	vadd.f32 v37, v23;
	v36 =	vld.idx.msk [tilespmem:v1+s19+$0x230 ss:$0x1], $0xffff  }
0x167: {  	v27 =	vadd.f32 v39, v11;
	v11 =	vld.idx.msk [tilespmem:v1+s19+$0x240 ss:$0x1], $0xffff  }
0x168: {  	v12 =	vld.idx.msk [tilespmem:v1+s19+$0x250 ss:$0x1], $0xffff;
	v23 =	vadd.f32 v45, v23;
	v19 =	vadd.f32 v59, v19  }
0x169: {  	v24 =	vadd.f32 v38, v24;
	v20 =	vadd.f32 v44, v20;
	[tilespmem:$0x1FEA0] =	vst v0;
	v0 =	vld [tilespmem:s21+$0x85A0]  }
0x16a: {  	v23 =	vadd.f32 v53, v23;
	v53 =	vadd.f32 v22, v19;
	v19 =	vld [tilespmem:$0x1FEA0]  }
0x16b: {  	[tilespmem:$0x1FF10] =	vst v21;
	v21 =	vadd.f32 v25, v17;
	v17 =	vld.idx.msk [tilespmem:v1+s19+$0x290 ss:$0x1], $0xffff;
	v20 =	vadd.f32 v52, v20  }
0x16c: {  	v25 =	vld.idx.msk [tilespmem:v1+s19+$0x200 ss:$0x1], $0xffff;
	v24 =	vadd.f32 v46, v24  }
0x16d: {  	v28 =	vadd.f32 v48, v28;
	v48 =	vld [tilespmem:$0x1FE60];
	v20 =	vadd.f32 v60, v20  }
0x16e: {  	[tilespmem:$0x1FEB0] =	vst v0;
	v0 =	vld [tilespmem:s21+$0x85B0]  }
0x16f: {  	v24 =	vadd.f32 v54, v24;
	v54 =	vadd.f32 v19, v20;
	v19 =	vld [tilespmem:$0x1FEB0]  }
0x170: {  	v50 =	vld [tilespmem:$0x1FE70]  }
0x171: {  	v21 =	vadd.f32 v33, v21;
	v33 =	vld.idx.msk [tilespmem:v1+s19+$0x190 ss:$0x1], $0xffff  }
0x172: {  	v52 =	vld.idx.msk [tilespmem:v1+s19+$0x30 ss:$0x1], $0xffff;
	v23 =	vadd.f32 v61, v23  }
0x173: {  	v27 =	vadd.f32 v47, v27;
	[tilespmem:$0x1FEC0] =	vst v0;
	v0 =	vld [tilespmem:s21+$0x85C0]  }
0x174: {  	v23 =	vadd.f32 v19, v23;
	v19 =	vld [tilespmem:$0x1FEC0]  }
0x175: {  	v27 =	vadd.f32 v55, v27;
	v55 =	vld.idx.msk [tilespmem:v1+s19+$0xA0 ss:$0x1], $0xffff  }
0x176: {  	v28 =	vadd.f32 v56, v28;
	v56 =	vld.idx.msk [tilespmem:v1+s19+$0xB0 ss:$0x1], $0xffff  }
0x177: {  	v60 =	vld.idx.msk [tilespmem:v1+s19+$0x0 ss:$0x1], $0xffff;
	v24 =	vadd.f32 v62, v24  }
0x178: {  	[tilespmem:$0x1FED0] =	vst v0;
	v0 =	vld [tilespmem:s21+$0x85D0]  }
0x179: {  	v24 =	vadd.f32 v19, v24;
	v19 =	vld [tilespmem:$0x1FED0]  }
0x17a: {  	v58 =	vld.idx.msk [tilespmem:v1+s19+$0x1B0 ss:$0x1], $0xffff  }
0x17b: {  	v21 =	vadd.f32 v41, v21;
	[tilespmem:$0x1FF20] =	vst v17;
	v17 =	vld.idx.msk [tilespmem:v1+s19+$0x2A0 ss:$0x1], $0xffff  }
0x17c: {  	v62 =	vld.idx.msk [tilespmem:v1+s19+$0x10 ss:$0x1], $0xffff;
	v27 =	vadd.f32 v63, v27  }
0x17d: {  	v21 =	vadd.f32 v49, v21;
	v49 =	vld.idx.msk [tilespmem:v1+s19+$0x20 ss:$0x1], $0xffff;
	[tilespmem:$0x1FEE0] =	vst v0  }
0x17e: {  	v37 =	vadd.f32 v60, v53;
	v22 =	vadd.f32 v19, v27;
	v19 =	vld [tilespmem:$0x1FEE0]  }
0x17f: {  	v21 =	vadd.f32 v57, v21;
	v57 =	vld.idx.msk [tilespmem:v1+s19+$0x1A0 ss:$0x1], $0xffff  }
0x180: {  	v31 =	vadd.f32 v31, v37;
	v0 =	vld [tilespmem:s21+$0x85E0]  }
0x181: {  	v28 =	vadd.f32 v48, v28;
	v27 =	vld.idx.msk [tilespmem:v1+s19+$0x120 ss:$0x1], $0xffff  }
0x182: {  	v61 =	vadd.f32 v29, v31;
	v29 =	vld.idx.msk [tilespmem:v1+s19+$0x140 ss:$0x1], $0xffff;
	v39 =	vadd.f32 v49, v23  }
0x183: {  	v38 =	vadd.f32 v62, v54;
	v20 =	vadd.f32 v19, v28;
	v28 =	vld.idx.msk [tilespmem:v1+s19+$0x130 ss:$0x1], $0xffff  }
0x184: {  	v31 =	vld.idx.msk [tilespmem:v1+s19+$0xC0 ss:$0x1], $0xffff;
	v59 =	vadd.f32 v55, v39;
	v24 =	vadd.f32 v52, v24  }
0x185: {  	v21 =	vadd.f32 v50, v21;
	v34 =	vadd.f32 v34, v38;
	[tilespmem:$0x1FEF0] =	vst v0;
	v0 =	vld [tilespmem:s21+$0x85F0]  }
0x186: {  	v60 =	vadd.f32 v56, v24;
	v19 =	vld [tilespmem:$0x1FEF0];
	v27 =	vadd.f32 v27, v59  }
0x187: {  	v62 =	vadd.f32 v32, v61;
	v32 =	vld.idx.msk [tilespmem:v1+s19+$0xD0 ss:$0x1], $0xffff;
	v34 =	vadd.f32 v30, v34  }
0x188: {  	v30 =	vld.idx.msk [tilespmem:v1+s19+$0x150 ss:$0x1], $0xffff;
	v27 =	vadd.f32 v57, v27;
	v28 =	vadd.f32 v28, v60  }
0x189: {  	v37 =	vadd.f32 v25, v62;
	v23 =	vld.idx.msk [tilespmem:v1+s19+$0x1C0 ss:$0x1], $0xffff;
	v34 =	vadd.f32 v33, v34  }
0x18a: {  	[tilespmem:$0x1FF00] =	vst v0;
	v25 =	vadd.f32 v35, v27;
	v27 =	vld [tilespmem:$0x1FF10];
	v28 =	vadd.f32 v58, v28  }
0x18b: {  	v21 =	vadd.f32 v19, v21;
	v19 =	vld [tilespmem:$0x1FF00]  }
0x18c: {  	v63 =	vadd.f32 v26, v34;
	v26 =	vadd.f32 v36, v28;
	v28 =	vld [tilespmem:$0x1FF20]  }
0x18d: {  	v33 =	vld.idx.msk [tilespmem:v1+s19+$0x40 ss:$0x1], $0xffff  }
0x18e: {  	v34 =	vld.idx.msk [tilespmem:v1+s19+$0x50 ss:$0x1], $0xffff  }
0x18f: {  	v24 =	vld.idx.msk [tilespmem:v1+s19+$0x1D0 ss:$0x1], $0xffff  }
0x190: {  	v0 =	vld.idx.msk [tilespmem:v1+s19+$0x3D0 ss:$0x1], $0xffff;
	v27 =	vadd.f32 v27, v37  }
0x191: {  	s21 =	simm.s32 $0x1000;
	v35 =	vld.idx.msk [tilespmem:v1+s19+$0x60 ss:$0x1], $0xffff;
	v19 =	vadd.f32 v19, v40;
	v28 =	vadd.f32 v28, v63  }
.LBB2_8:
0x192: {  	p2 =	sne.s32 s21, $0x2000;
	v36 =	vld.idx.msk [tilespmem:v1+s19+$0x70 ss:$0x1], $0xffff;
	v17 =	vadd.f32 v17, v25;
	v18 =	vadd.f32 v18, v26  }
0x193: {  	v37 =	vld.idx.msk [tilespmem:v1+s19+$0xE0 ss:$0x1], $0xffff;
	v14 =	vadd.f32 v14, v27;
	v16 =	vadd.f32 v16, v28  }
0x194: {  	v38 =	vld.idx.msk [tilespmem:v1+s19+$0xF0 ss:$0x1], $0xffff;
	v13 =	vadd.f32 v13, v17;
	v15 =	vadd.f32 v15, v18  }
0x195: {  	v17 =	vld.idx.msk [tilespmem:v1+s19+$0x160 ss:$0x1], $0xffff;
	v25 =	vadd.f32 v7, v14;
	v26 =	vadd.f32 v8, v16  }
0x196: {  	v7 =	vld.idx.msk [tilespmem:v1+s19+$0x170 ss:$0x1], $0xffff;
	v27 =	vadd.f32 v9, v13;
	v28 =	vadd.f32 v10, v15  }
0x197: {  	v8 =	vadd.f32 v33, v22;
	v9 =	vadd.f32 v34, v20;
	v10 =	vld.idx.msk [tilespmem:v1+s19+$0x1E0 ss:$0x1], $0xffff  }
0x198: {  	v13 =	vadd.f32 v35, v21;
	v14 =	vadd.f32 v36, v19;
	v15 =	vld.idx.msk [tilespmem:v1+s19+$0x1F0 ss:$0x1], $0xffff  }
0x199: {  	v8 =	vadd.f32 v31, v8;
	v9 =	vadd.f32 v32, v9;
	v16 =	vld.idx.msk [tilespmem:v1+s19+$0x260 ss:$0x1], $0xffff  }
0x19a: {  	v13 =	vadd.f32 v37, v13;
	v14 =	vadd.f32 v38, v14;
	v18 =	vld.idx.msk [tilespmem:v1+s19+$0x270 ss:$0x1], $0xffff  }
0x19b: {  	v8 =	vadd.f32 v29, v8;
	v9 =	vadd.f32 v30, v9;
	v19 =	vld.idx.msk [tilespmem:v1+s19+$0x2E0 ss:$0x1], $0xffff  }
0x19c: {  	v13 =	vadd.f32 v17, v13;
	v7 =	vadd.f32 v7, v14;
	v14 =	vld.idx.msk [tilespmem:v1+s19+$0x2F0 ss:$0x1], $0xffff  }
0x19d: {  	v8 =	vadd.f32 v23, v8;
	v9 =	vadd.f32 v24, v9;
	v17 =	vld.idx.msk [tilespmem:v1+s19+$0x360 ss:$0x1], $0xffff  }
0x19e: {  	v10 =	vadd.f32 v10, v13;
	v7 =	vadd.f32 v15, v7;
	v13 =	vld.idx.msk [tilespmem:v1+s19+$0x370 ss:$0x1], $0xffff  }
0x19f: {  	v8 =	vadd.f32 v11, v8;
	v9 =	vadd.f32 v12, v9;
	v11 =	vld.idx.msk [tilespmem:v1+s19+$0x3E0 ss:$0x1], $0xffff  }
0x1a0: {  	v10 =	vadd.f32 v16, v10;
	v12 =	vadd.f32 v18, v7;
	v15 =	vld.idx.msk [tilespmem:v1+s19+$0x3F0 ss:$0x1], $0xffff;
	s19 =	sshra.s32 s21, $0x2  }
0x1a1: {  	v5 =	vadd.f32 v5, v8;
	v6 =	vadd.f32 v6, v9;
	v7 =	vld.idx.msk [tilespmem:v1+s19+$0x380 ss:$0x1], $0xffff  }
0x1a2: {  	v16 =	vadd.f32 v19, v10;
	v12 =	vadd.f32 v14, v12;
	v8 =	vld.idx.msk [tilespmem:v1+s19+$0x390 ss:$0x1], $0xffff  }
0x1a3: {  	v3 =	vadd.f32 v3, v5;
	v4 =	vadd.f32 v4, v6;
	v9 =	vld.idx.msk [tilespmem:v1+s19+$0x3A0 ss:$0x1], $0xffff  }
0x1a4: {  	v5 =	vadd.f32 v17, v16;
	v6 =	vadd.f32 v13, v12;
	v10 =	vld.idx.msk [tilespmem:v1+s19+$0x3B0 ss:$0x1], $0xffff  }
0x1a5: {  	v22 =	vadd.f32 v2, v3;
	v20 =	vadd.f32 v0, v4;
	v2 =	vld.idx.msk [tilespmem:v1+s19+$0x3C0 ss:$0x1], $0xffff  }
0x1a6: {  	v21 =	vadd.f32 v11, v5;
	v19 =	vadd.f32 v15, v6;
	v0 =	vld.idx.msk [tilespmem:v1+s19+$0x3D0 ss:$0x1], $0xffff  }
0x1a7: {  	v14 =	vld.idx.msk [tilespmem:v1+s19+$0x300 ss:$0x1], $0xffff  }
0x1a8: {  	v16 =	vld.idx.msk [tilespmem:v1+s19+$0x310 ss:$0x1], $0xffff  }
0x1a9: {  	v13 =	vld.idx.msk [tilespmem:v1+s19+$0x320 ss:$0x1], $0xffff  }
0x1aa: {  	v15 =	vld.idx.msk [tilespmem:v1+s19+$0x330 ss:$0x1], $0xffff  }
0x1ab: {  	v3 =	vld.idx.msk [tilespmem:v1+s19+$0x340 ss:$0x1], $0xffff  }
0x1ac: {  	v4 =	vld.idx.msk [tilespmem:v1+s19+$0x350 ss:$0x1], $0xffff  }
0x1ad: {  	v36 =	vld.idx.msk [tilespmem:v1+s19+$0x280 ss:$0x1], $0xffff  }
0x1ae: {  	v37 =	vld.idx.msk [tilespmem:v1+s19+$0x290 ss:$0x1], $0xffff  }
0x1af: {  	v17 =	vld.idx.msk [tilespmem:v1+s19+$0x2A0 ss:$0x1], $0xffff  }
0x1b0: {  	v18 =	vld.idx.msk [tilespmem:v1+s19+$0x2B0 ss:$0x1], $0xffff  }
0x1b1: {  	v5 =	vld.idx.msk [tilespmem:v1+s19+$0x2C0 ss:$0x1], $0xffff  }
0x1b2: {  	v6 =	vld.idx.msk [tilespmem:v1+s19+$0x2D0 ss:$0x1], $0xffff  }
0x1b3: {  	v34 =	vld.idx.msk [tilespmem:v1+s19+$0x200 ss:$0x1], $0xffff  }
0x1b4: {  	v35 =	vld.idx.msk [tilespmem:v1+s19+$0x210 ss:$0x1], $0xffff  }
0x1b5: {  	v38 =	vld.idx.msk [tilespmem:v1+s19+$0x220 ss:$0x1], $0xffff  }
0x1b6: {  	v39 =	vld.idx.msk [tilespmem:v1+s19+$0x230 ss:$0x1], $0xffff  }
0x1b7: {  	v11 =	vld.idx.msk [tilespmem:v1+s19+$0x240 ss:$0x1], $0xffff  }
0x1b8: {  	v12 =	vld.idx.msk [tilespmem:v1+s19+$0x250 ss:$0x1], $0xffff  }
0x1b9: {  	v32 =	vld.idx.msk [tilespmem:v1+s19+$0x180 ss:$0x1], $0xffff  }
0x1ba: {  	v33 =	vld.idx.msk [tilespmem:v1+s19+$0x190 ss:$0x1], $0xffff  }
0x1bb: {  	v29 =	vld.idx.msk [tilespmem:v1+s19+$0x100 ss:$0x1], $0xffff  }
0x1bc: {  	v30 =	vld.idx.msk [tilespmem:v1+s19+$0x110 ss:$0x1], $0xffff  }
0x1bd: {  	v23 =	vld.idx.msk [tilespmem:v1+s19+$0x80 ss:$0x1], $0xffff  }
0x1be: {  	v24 =	vld.idx.msk [tilespmem:v1+s19+$0x90 ss:$0x1], $0xffff  }
0x1bf: {  	v31 =	vld.idx.msk [tilespmem:v1+s19+$0x0 ss:$0x1], $0xffff  }
0x1c0: {  	v40 =	vld.idx.msk [tilespmem:v1+s19+$0x10 ss:$0x1], $0xffff  }
0x1c1: {  	v41 =	vld.idx.msk [tilespmem:v1+s19+$0x20 ss:$0x1], $0xffff  }
0x1c2: {  	v42 =	vld.idx.msk [tilespmem:v1+s19+$0x30 ss:$0x1], $0xffff  }
0x1c3: {  	v43 =	vld.idx.msk [tilespmem:v1+s19+$0xA0 ss:$0x1], $0xffff  }
0x1c4: {  	v44 =	vld.idx.msk [tilespmem:v1+s19+$0xB0 ss:$0x1], $0xffff  }
0x1c5: {  	v45 =	vld.idx.msk [tilespmem:v1+s19+$0x120 ss:$0x1], $0xffff  }
0x1c6: {  	v46 =	vld.idx.msk [tilespmem:v1+s19+$0x130 ss:$0x1], $0xffff  }
0x1c7: {  	v25 =	vadd.f32 v31, v25;
	v26 =	vadd.f32 v40, v26;
	v40 =	vld.idx.msk [tilespmem:v1+s19+$0x1A0 ss:$0x1], $0xffff  }
0x1c8: {  	v27 =	vadd.f32 v41, v27;
	v28 =	vadd.f32 v42, v28;
	v41 =	vld.idx.msk [tilespmem:v1+s19+$0x1B0 ss:$0x1], $0xffff  }
0x1c9: {  	v25 =	vadd.f32 v23, v25;
	v26 =	vadd.f32 v24, v26;
	v23 =	vld.idx.msk [tilespmem:v1+s19+$0x1C0 ss:$0x1], $0xffff  }
0x1ca: {  	v27 =	vadd.f32 v43, v27;
	v28 =	vadd.f32 v44, v28;
	v24 =	vld.idx.msk [tilespmem:v1+s19+$0x1D0 ss:$0x1], $0xffff  }
0x1cb: {  	v25 =	vadd.f32 v29, v25;
	v26 =	vadd.f32 v30, v26;
	v29 =	vld.idx.msk [tilespmem:v1+s19+$0x140 ss:$0x1], $0xffff  }
0x1cc: {  	v27 =	vadd.f32 v45, v27;
	v28 =	vadd.f32 v46, v28;
	v30 =	vld.idx.msk [tilespmem:v1+s19+$0x150 ss:$0x1], $0xffff  }
.Ltmp2:
0x1cd: {  	v25 =	vadd.f32 v32, v25;
	v26 =	vadd.f32 v33, v26;
	v31 =	vld.idx.msk [tilespmem:v1+s19+$0xC0 ss:$0x1], $0xffff;
	(pc) =	sbr.rel @p2 .LBB2_8-.Ltmp2, $4  }
0x1ce: {  	v27 =	vadd.f32 v40, v27;
	v28 =	vadd.f32 v41, v28;
	v32 =	vld.idx.msk [tilespmem:v1+s19+$0xD0 ss:$0x1], $0xffff  }
0x1cf: {  	v40 =	vadd.f32 v34, v25;
	v41 =	vadd.f32 v35, v26;
	v33 =	vld.idx.msk [tilespmem:v1+s19+$0x40 ss:$0x1], $0xffff  }
0x1d0: {  	v25 =	vadd.f32 v38, v27;
	v26 =	vadd.f32 v39, v28;
	v34 =	vld.idx.msk [tilespmem:v1+s19+$0x50 ss:$0x1], $0xffff  }
0x1d1: {  	s21 =	sadd.s32 $0x1000, s21;
	v27 =	vadd.f32 v36, v40;
	v28 =	vadd.f32 v37, v41;
	v35 =	vld.idx.msk [tilespmem:v1+s19+$0x60 ss:$0x1], $0xffff  }
0x1d2: {  	_ =	sdelay $0x1  }
0x1d3: {  	v17 =	vadd.f32 v17, v25;
	v18 =	vadd.f32 v18, v26  }
0x1d4: {  	v14 =	vadd.f32 v14, v27;
	v16 =	vadd.f32 v16, v28  }
0x1d5: {  	v39 =	vld.idx.msk [tilespmem:v1+s19+$0x70 ss:$0x1], $0xffff;
	v13 =	vadd.f32 v13, v17;
	v15 =	vadd.f32 v15, v18  }
0x1d6: {  	v40 =	vld.idx.msk [tilespmem:v1+s19+$0xE0 ss:$0x1], $0xffff;
	v43 =	vadd.f32 v33, v22;
	v7 =	vadd.f32 v7, v14  }
0x1d7: {  	v41 =	vld.idx.msk [tilespmem:v1+s19+$0xF0 ss:$0x1], $0xffff;
	v8 =	vadd.f32 v8, v16;
	v45 =	vadd.f32 v34, v20  }
0x1d8: {  	v42 =	vld.idx.msk [tilespmem:v1+s19+$0x160 ss:$0x1], $0xffff;
	v9 =	vadd.f32 v9, v13;
	v10 =	vadd.f32 v10, v15  }
0x1d9: {  	v44 =	vld.idx.msk [tilespmem:v1+s19+$0x170 ss:$0x1], $0xffff;
	v47 =	vadd.f32 v35, v21;
	v13 =	vadd.f32 v31, v43  }
0x1da: {  	v46 =	vld.idx.msk [tilespmem:v1+s19+$0x1E0 ss:$0x1], $0xffff;
	v19 =	vadd.f32 v39, v19;
	v15 =	vadd.f32 v32, v45  }
0x1db: {  	v48 =	vld.idx.msk [tilespmem:v1+s19+$0x1F0 ss:$0x1], $0xffff;
	v20 =	vadd.f32 v40, v47;
	v13 =	vadd.f32 v29, v13  }
0x1dc: {  	v49 =	vld.idx.msk [tilespmem:v1+s19+$0x260 ss:$0x1], $0xffff;
	v17 =	vadd.f32 v41, v19;
	v15 =	vadd.f32 v30, v15  }
0x1dd: {  	v50 =	vld.idx.msk [tilespmem:v1+s19+$0x270 ss:$0x1], $0xffff;
	v14 =	vadd.f32 v42, v20;
	v13 =	vadd.f32 v23, v13  }
0x1de: {  	v51 =	vld.idx.msk [tilespmem:v1+s19+$0x2E0 ss:$0x1], $0xffff;
	v16 =	vadd.f32 v44, v17;
	v15 =	vadd.f32 v24, v15  }
0x1df: {  	v52 =	vld.idx.msk [tilespmem:v1+s19+$0x2F0 ss:$0x1], $0xffff;
	v14 =	vadd.f32 v46, v14;
	v11 =	vadd.f32 v11, v13  }
0x1e0: {  	v53 =	vld.idx.msk [tilespmem:v1+s19+$0x360 ss:$0x1], $0xffff;
	v54 =	vadd.f32 v48, v16;
	v12 =	vadd.f32 v12, v15  }
0x1e1: {  	v55 =	vld.idx.msk [tilespmem:v1+s19+$0x370 ss:$0x1], $0xffff;
	s21 =	sshll.u32 s14, $0x7;
	v14 =	vadd.f32 v49, v14;
	v5 =	vadd.f32 v5, v11  }
0x1e2: {  	v56 =	vld.idx.msk [tilespmem:v1+s19+$0x3E0 ss:$0x1], $0xffff;
	s21 =	sand.u32 $0x3FFFFF80, s21;
	v58 =	vadd.f32 v50, v54;
	v6 =	vadd.f32 v6, v12  }
0x1e3: {  	v57 =	vld.idx.msk [tilespmem:v1+s19+$0x3F0 ss:$0x1], $0xffff;
	[tilespmem:s21+$0x14400] =	vst v7;
	v59 =	vadd.f32 v51, v14;
	v3 =	vadd.f32 v3, v5  }
0x1e4: {  	s14 =	sadd.s32 $0x1, s14;
	[tilespmem:s21+$0x14410] =	vst v8;
	v60 =	vadd.f32 v52, v58;
	v4 =	vadd.f32 v4, v6  }
0x1e5: {  	p2 =	sne.s32 s14, $0x4;
	[tilespmem:s21+$0x14420] =	vst v9;
	v61 =	vadd.f32 v53, v59;
	v2 =	vadd.f32 v2, v3  }
.Ltmp3:
0x1e6: {  	[tilespmem:s21+$0x14430] =	vst v10;
	v62 =	vadd.f32 v55, v60;
	v0 =	vadd.f32 v0, v4;
	(pc) =	sbr.rel @p2 .LBB2_7-.Ltmp3, $4  }
0x1e7: {  	v63 =	vadd.f32 v56, v61;
	[tilespmem:s21+$0x14440] =	vst v2  }
0x1e8: {  	v1 =	vadd.f32 v57, v62;
	[tilespmem:s21+$0x14450] =	vst v0  }
0x1e9: {  	[tilespmem:s21+$0x14460] =	vst v63  }
0x1ea: {  	s18 =	sadd.s32 $0x1000, s18;
	[tilespmem:s21+$0x14470] =	vst v1  }
0x1eb: {  	s14 =	sadd.s32 @!p1 $0x280, s10  }
0x1ec: {  	s18 =	simm.s32 @!p1 $0x80;
	s19 =	simm.s32 @!p1 $0x8200;
	s13 =	sshll.u32 s13, $0x4  }
0x1ed: {  	[tilespmem:s19], [sflag:$0x2] =	stream.indirect.gather @!p1 [hbm4b:s1+s18], $0x80, s14, s18, $0xb8;
	[tilespmem:$0x14A00] =	vst v63  }
0x1ee: {  	s13 =	sand.u32 $0x1FFFFF40, s13  }
0x1ef: {  	s13 =	sadd.s32 s3, s13  }
0x1f0: {  	[hbm4b:s13+s4] =	stream.linear.scatter [tilespmem:s28], [sflag:$0x6], $0x200, $0x38;
	[tilespmem:$0x14A00] =	vst v63  }
0x1f1: {  	_ =	swait.ge [sflag:s29], $0x4000  }
0x1f2: {  	[sflag:s29] =	ssyncset.done $0x0  }
0x1f3: {  	s13 =	simm.s32 @!p0 $0x7;
	[sflag:s29] =	ssyncadd.s32 $0xFFFFC000  }
0x1f4: {  	_ =	swait.ge @!p0 [sflag:s13], $0x200  }
0x1f5: {  	[sflag:s13] =	ssyncset.done @!p0 $0x0  }
0x1f6: {  	s14 =	simm.s32 $0xC600;
	[sflag:s13] =	ssyncadd.s32 @!p0 $0xFFFFFE00;
	s13 =	simm.s32 $0x0  }
.LBB2_11:
0x1f7: {  	s18 =	sshll.u32 s13, $0xC  }
0x1f8: {  	s19 =	sand.u32 $0x3FFFF000, s18  }
0x1f9: {  	v3 =	vld [tilespmem:s19+$0xC200]  }
0x1fa: {  	v4 =	vld [tilespmem:s19+$0xC210]  }
0x1fb: {  	v5 =	vld [tilespmem:s19+$0xC220]  }
0x1fc: {  	v6 =	vld [tilespmem:s19+$0xC230]  }
0x1fd: {  	v11 =	vld [tilespmem:s19+$0xC240]  }
0x1fe: {  	v12 =	vld [tilespmem:s19+$0xC250]  }
0x1ff: {  	v17 =	vld [tilespmem:s19+$0xC260]  }
0x200: {  	v18 =	vld [tilespmem:s19+$0xC270]  }
0x201: {  	v19 =	vld [tilespmem:s19+$0xC280]  }
0x202: {  	v20 =	vld [tilespmem:s19+$0xC290]  }
0x203: {  	v21 =	vld [tilespmem:s19+$0xC2A0]  }
0x204: {  	v22 =	vld [tilespmem:s19+$0xC2B0]  }
0x205: {  	v23 =	vld [tilespmem:s19+$0xC2C0]  }
0x206: {  	v24 =	vld [tilespmem:s19+$0xC2D0]  }
0x207: {  	v25 =	vld [tilespmem:s19+$0xC2E0]  }
0x208: {  	v26 =	vld [tilespmem:s19+$0xC2F0]  }
0x209: {  	v27 =	vld [tilespmem:s19+$0xC300]  }
0x20a: {  	v28 =	vld [tilespmem:s19+$0xC310]  }
0x20b: {  	v29 =	vld [tilespmem:s19+$0xC320]  }
0x20c: {  	v30 =	vld [tilespmem:s19+$0xC330]  }
0x20d: {  	v31 =	vld [tilespmem:s19+$0xC340]  }
0x20e: {  	v32 =	vld [tilespmem:s19+$0xC350]  }
0x20f: {  	v33 =	vld [tilespmem:s19+$0xC360]  }
0x210: {  	v34 =	vld [tilespmem:s19+$0xC370]  }
0x211: {  	v35 =	vld [tilespmem:s19+$0xC380]  }
0x212: {  	v36 =	vld [tilespmem:s19+$0xC390]  }
0x213: {  	v37 =	vld [tilespmem:s19+$0xC3A0]  }
0x214: {  	v38 =	vld [tilespmem:s19+$0xC3B0]  }
0x215: {  	v39 =	vld [tilespmem:s19+$0xC3C0]  }
0x216: {  	v40 =	vld [tilespmem:s19+$0xC3D0]  }
0x217: {  	v41 =	vld [tilespmem:s19+$0xC3E0]  }
0x218: {  	v42 =	vld [tilespmem:s19+$0xC3F0]  }
0x219: {  	v43 =	vld [tilespmem:s19+$0xC400]  }
0x21a: {  	v44 =	vld [tilespmem:s19+$0xC410]  }
0x21b: {  	v45 =	vld [tilespmem:s19+$0xC420]  }
0x21c: {  	v46 =	vld [tilespmem:s19+$0xC430]  }
0x21d: {  	v47 =	vld [tilespmem:s19+$0xC440]  }
0x21e: {  	v48 =	vld [tilespmem:s19+$0xC450]  }
0x21f: {  	v49 =	vld [tilespmem:s19+$0xC460]  }
0x220: {  	v50 =	vld [tilespmem:s19+$0xC470]  }
0x221: {  	v51 =	vld [tilespmem:s19+$0xC480]  }
0x222: {  	v52 =	vld [tilespmem:s19+$0xC490]  }
0x223: {  	v53 =	vld [tilespmem:s19+$0xC4A0]  }
0x224: {  	v54 =	vld [tilespmem:s19+$0xC4B0]  }
0x225: {  	v55 =	vld [tilespmem:s19+$0xC4C0]  }
0x226: {  	v56 =	vld [tilespmem:s19+$0xC4D0]  }
0x227: {  	v57 =	vld [tilespmem:s19+$0xC4E0]  }
0x228: {  	v58 =	vld [tilespmem:s19+$0xC4F0]  }
0x229: {  	v59 =	vld [tilespmem:s19+$0xC500]  }
0x22a: {  	v1 =	vmov s14;
	v60 =	vld [tilespmem:s19+$0xC510]  }
0x22b: {  	v61 =	vld [tilespmem:s19+$0xC520]  }
0x22c: {  	v62 =	vld [tilespmem:s19+$0xC530]  }
0x22d: {  	v63 =	vld [tilespmem:s19+$0xC540]  }
0x22e: {  	s18 =	simm.s32 $0x0;
	v0 =	vld [tilespmem:s19+$0xC550]  }
0x22f: {  	v7 =	vld.idx.msk [tilespmem:v1+s18+$0x380 ss:$0x1], $0xffff  }
0x230: {  	v8 =	vld.idx.msk [tilespmem:v1+s18+$0x390 ss:$0x1], $0xffff  }
0x231: {  	v9 =	vld.idx.msk [tilespmem:v1+s18+$0x3A0 ss:$0x1], $0xffff  }
0x232: {  	v10 =	vld.idx.msk [tilespmem:v1+s18+$0x3B0 ss:$0x1], $0xffff  }
0x233: {  	v2 =	vld.idx.msk [tilespmem:v1+s18+$0x3C0 ss:$0x1], $0xffff  }
0x234: {  	v14 =	vld.idx.msk [tilespmem:v1+s18+$0x300 ss:$0x1], $0xffff  }
0x235: {  	v16 =	vld.idx.msk [tilespmem:v1+s18+$0x310 ss:$0x1], $0xffff  }
0x236: {  	v13 =	vld.idx.msk [tilespmem:v1+s18+$0x320 ss:$0x1], $0xffff  }
0x237: {  	v15 =	vld.idx.msk [tilespmem:v1+s18+$0x330 ss:$0x1], $0xffff  }
0x238: {  	[tilespmem:$0x1FD90] =	vst v0;
	v0 =	vld [tilespmem:s19+$0xC560]  }
0x239: {  	v19 =	vadd.f32 v19, v3;
	v3 =	vld.idx.msk [tilespmem:v1+s18+$0x340 ss:$0x1], $0xffff  }
0x23a: {  	v20 =	vadd.f32 v20, v4;
	v4 =	vld.idx.msk [tilespmem:v1+s18+$0x350 ss:$0x1], $0xffff  }
0x23b: {  	v5 =	vadd.f32 v21, v5;
	v21 =	vld.idx.msk [tilespmem:v1+s18+$0x280 ss:$0x1], $0xffff  }
0x23c: {  	v6 =	vadd.f32 v22, v6;
	v22 =	vadd.f32 v26, v18;
	v18 =	vld.idx.msk [tilespmem:v1+s18+$0x2B0 ss:$0x1], $0xffff  }
0x23d: {  	v26 =	vld.idx.msk [tilespmem:v1+s18+$0x210 ss:$0x1], $0xffff  }
0x23e: {  	v11 =	vadd.f32 v23, v11;
	v23 =	vadd.f32 v29, v5;
	v5 =	vld.idx.msk [tilespmem:v1+s18+$0x2C0 ss:$0x1], $0xffff  }
0x23f: {  	v12 =	vadd.f32 v24, v12;
	v19 =	vadd.f32 v27, v19;
	[tilespmem:$0x1FDA0] =	vst v0;
	v0 =	vld [tilespmem:s19+$0xC570]  }
0x240: {  	v24 =	vadd.f32 v30, v6;
	v6 =	vld.idx.msk [tilespmem:v1+s18+$0x2D0 ss:$0x1], $0xffff  }
0x241: {  	v12 =	vadd.f32 v32, v12;
	v32 =	vld.idx.msk [tilespmem:v1+s18+$0x180 ss:$0x1], $0xffff;
	v19 =	vadd.f32 v35, v19  }
0x242: {  	v22 =	vadd.f32 v34, v22;
	v29 =	vld.idx.msk [tilespmem:v1+s18+$0x100 ss:$0x1], $0xffff  }
0x243: {  	v30 =	vld.idx.msk [tilespmem:v1+s18+$0x110 ss:$0x1], $0xffff;
	v19 =	vadd.f32 v43, v19  }
0x244: {  	v22 =	vadd.f32 v42, v22;
	[tilespmem:$0x1FDB0] =	vst v0;
	v0 =	vld [tilespmem:s19+$0xC580]  }
0x245: {  	v19 =	vadd.f32 v51, v19;
	v51 =	vld [tilespmem:$0x1FDB0]  }
0x246: {  	v11 =	vadd.f32 v31, v11;
	v31 =	vld.idx.msk [tilespmem:v1+s18+$0x80 ss:$0x1], $0xffff;
	v22 =	vadd.f32 v50, v22  }
0x247: {  	v34 =	vld.idx.msk [tilespmem:v1+s18+$0x90 ss:$0x1], $0xffff  }
0x248: {  	v35 =	vld.idx.msk [tilespmem:v1+s18+$0x220 ss:$0x1], $0xffff;
	v22 =	vadd.f32 v58, v22  }
0x249: {  	v20 =	vadd.f32 v28, v20;
	[tilespmem:$0x1FDC0] =	vst v0;
	v0 =	vld [tilespmem:s19+$0xC590]  }
0x24a: {  	v28 =	vadd.f32 v40, v12;
	v40 =	vadd.f32 v51, v22;
	v22 =	vld [tilespmem:$0x1FDC0]  }
0x24b: {  	v20 =	vadd.f32 v36, v20;
	v23 =	vadd.f32 v37, v23;
	v36 =	vld.idx.msk [tilespmem:v1+s18+$0x230 ss:$0x1], $0xffff  }
0x24c: {  	v27 =	vadd.f32 v39, v11;
	v11 =	vld.idx.msk [tilespmem:v1+s18+$0x240 ss:$0x1], $0xffff  }
0x24d: {  	v12 =	vld.idx.msk [tilespmem:v1+s18+$0x250 ss:$0x1], $0xffff;
	v23 =	vadd.f32 v45, v23;
	v19 =	vadd.f32 v59, v19  }
0x24e: {  	v24 =	vadd.f32 v38, v24;
	v20 =	vadd.f32 v44, v20;
	[tilespmem:$0x1FDD0] =	vst v0;
	v0 =	vld [tilespmem:s19+$0xC5A0]  }
0x24f: {  	v23 =	vadd.f32 v53, v23;
	v53 =	vadd.f32 v22, v19;
	v19 =	vld [tilespmem:$0x1FDD0]  }
0x250: {  	[tilespmem:$0x1FE40] =	vst v21;
	v21 =	vadd.f32 v25, v17;
	v17 =	vld.idx.msk [tilespmem:v1+s18+$0x290 ss:$0x1], $0xffff;
	v20 =	vadd.f32 v52, v20  }
0x251: {  	v25 =	vld.idx.msk [tilespmem:v1+s18+$0x200 ss:$0x1], $0xffff;
	v24 =	vadd.f32 v46, v24  }
0x252: {  	v28 =	vadd.f32 v48, v28;
	v48 =	vld [tilespmem:$0x1FD90];
	v20 =	vadd.f32 v60, v20  }
0x253: {  	[tilespmem:$0x1FDE0] =	vst v0;
	v0 =	vld [tilespmem:s19+$0xC5B0]  }
0x254: {  	v24 =	vadd.f32 v54, v24;
	v54 =	vadd.f32 v19, v20;
	v19 =	vld [tilespmem:$0x1FDE0]  }
0x255: {  	v50 =	vld [tilespmem:$0x1FDA0]  }
0x256: {  	v21 =	vadd.f32 v33, v21;
	v33 =	vld.idx.msk [tilespmem:v1+s18+$0x190 ss:$0x1], $0xffff  }
0x257: {  	v52 =	vld.idx.msk [tilespmem:v1+s18+$0x30 ss:$0x1], $0xffff;
	v23 =	vadd.f32 v61, v23  }
0x258: {  	v27 =	vadd.f32 v47, v27;
	[tilespmem:$0x1FDF0] =	vst v0;
	v0 =	vld [tilespmem:s19+$0xC5C0]  }
0x259: {  	v23 =	vadd.f32 v19, v23;
	v19 =	vld [tilespmem:$0x1FDF0]  }
0x25a: {  	v27 =	vadd.f32 v55, v27;
	v55 =	vld.idx.msk [tilespmem:v1+s18+$0xA0 ss:$0x1], $0xffff  }
0x25b: {  	v28 =	vadd.f32 v56, v28;
	v56 =	vld.idx.msk [tilespmem:v1+s18+$0xB0 ss:$0x1], $0xffff  }
0x25c: {  	v60 =	vld.idx.msk [tilespmem:v1+s18+$0x0 ss:$0x1], $0xffff;
	v24 =	vadd.f32 v62, v24  }
0x25d: {  	[tilespmem:$0x1FE00] =	vst v0;
	v0 =	vld [tilespmem:s19+$0xC5D0]  }
0x25e: {  	v24 =	vadd.f32 v19, v24;
	v19 =	vld [tilespmem:$0x1FE00]  }
0x25f: {  	v58 =	vld.idx.msk [tilespmem:v1+s18+$0x1B0 ss:$0x1], $0xffff  }
0x260: {  	v21 =	vadd.f32 v41, v21;
	[tilespmem:$0x1FE50] =	vst v17;
	v17 =	vld.idx.msk [tilespmem:v1+s18+$0x2A0 ss:$0x1], $0xffff  }
0x261: {  	v62 =	vld.idx.msk [tilespmem:v1+s18+$0x10 ss:$0x1], $0xffff;
	v27 =	vadd.f32 v63, v27  }
0x262: {  	v21 =	vadd.f32 v49, v21;
	v49 =	vld.idx.msk [tilespmem:v1+s18+$0x20 ss:$0x1], $0xffff;
	[tilespmem:$0x1FE10] =	vst v0  }
0x263: {  	v37 =	vadd.f32 v60, v53;
	v22 =	vadd.f32 v19, v27;
	v19 =	vld [tilespmem:$0x1FE10]  }
0x264: {  	v21 =	vadd.f32 v57, v21;
	v57 =	vld.idx.msk [tilespmem:v1+s18+$0x1A0 ss:$0x1], $0xffff  }
0x265: {  	v31 =	vadd.f32 v31, v37;
	v0 =	vld [tilespmem:s19+$0xC5E0]  }
0x266: {  	v28 =	vadd.f32 v48, v28;
	v27 =	vld.idx.msk [tilespmem:v1+s18+$0x120 ss:$0x1], $0xffff  }
0x267: {  	v61 =	vadd.f32 v29, v31;
	v29 =	vld.idx.msk [tilespmem:v1+s18+$0x140 ss:$0x1], $0xffff;
	v39 =	vadd.f32 v49, v23  }
0x268: {  	v38 =	vadd.f32 v62, v54;
	v20 =	vadd.f32 v19, v28;
	v28 =	vld.idx.msk [tilespmem:v1+s18+$0x130 ss:$0x1], $0xffff  }
0x269: {  	v31 =	vld.idx.msk [tilespmem:v1+s18+$0xC0 ss:$0x1], $0xffff;
	v59 =	vadd.f32 v55, v39;
	v24 =	vadd.f32 v52, v24  }
0x26a: {  	v21 =	vadd.f32 v50, v21;
	v34 =	vadd.f32 v34, v38;
	[tilespmem:$0x1FE20] =	vst v0;
	v0 =	vld [tilespmem:s19+$0xC5F0]  }
0x26b: {  	v60 =	vadd.f32 v56, v24;
	v19 =	vld [tilespmem:$0x1FE20];
	v27 =	vadd.f32 v27, v59  }
0x26c: {  	v62 =	vadd.f32 v32, v61;
	v32 =	vld.idx.msk [tilespmem:v1+s18+$0xD0 ss:$0x1], $0xffff;
	v34 =	vadd.f32 v30, v34  }
0x26d: {  	v30 =	vld.idx.msk [tilespmem:v1+s18+$0x150 ss:$0x1], $0xffff;
	v27 =	vadd.f32 v57, v27;
	v28 =	vadd.f32 v28, v60  }
0x26e: {  	v37 =	vadd.f32 v25, v62;
	v23 =	vld.idx.msk [tilespmem:v1+s18+$0x1C0 ss:$0x1], $0xffff;
	v34 =	vadd.f32 v33, v34  }
0x26f: {  	[tilespmem:$0x1FE30] =	vst v0;
	v25 =	vadd.f32 v35, v27;
	v27 =	vld [tilespmem:$0x1FE40];
	v28 =	vadd.f32 v58, v28  }
0x270: {  	v21 =	vadd.f32 v19, v21;
	v19 =	vld [tilespmem:$0x1FE30]  }
0x271: {  	v63 =	vadd.f32 v26, v34;
	v26 =	vadd.f32 v36, v28;
	v28 =	vld [tilespmem:$0x1FE50]  }
0x272: {  	v33 =	vld.idx.msk [tilespmem:v1+s18+$0x40 ss:$0x1], $0xffff  }
0x273: {  	v34 =	vld.idx.msk [tilespmem:v1+s18+$0x50 ss:$0x1], $0xffff  }
0x274: {  	v24 =	vld.idx.msk [tilespmem:v1+s18+$0x1D0 ss:$0x1], $0xffff  }
0x275: {  	v0 =	vld.idx.msk [tilespmem:v1+s18+$0x3D0 ss:$0x1], $0xffff;
	v27 =	vadd.f32 v27, v37  }
0x276: {  	s19 =	simm.s32 $0x1000;
	v35 =	vld.idx.msk [tilespmem:v1+s18+$0x60 ss:$0x1], $0xffff;
	v19 =	vadd.f32 v19, v40;
	v28 =	vadd.f32 v28, v63  }
.LBB2_12:
0x277: {  	p2 =	sne.s32 s19, $0x2000;
	v36 =	vld.idx.msk [tilespmem:v1+s18+$0x70 ss:$0x1], $0xffff;
	v17 =	vadd.f32 v17, v25;
	v18 =	vadd.f32 v18, v26  }
0x278: {  	v37 =	vld.idx.msk [tilespmem:v1+s18+$0xE0 ss:$0x1], $0xffff;
	v14 =	vadd.f32 v14, v27;
	v16 =	vadd.f32 v16, v28  }
0x279: {  	v38 =	vld.idx.msk [tilespmem:v1+s18+$0xF0 ss:$0x1], $0xffff;
	v13 =	vadd.f32 v13, v17;
	v15 =	vadd.f32 v15, v18  }
0x27a: {  	v17 =	vld.idx.msk [tilespmem:v1+s18+$0x160 ss:$0x1], $0xffff;
	v25 =	vadd.f32 v7, v14;
	v26 =	vadd.f32 v8, v16  }
0x27b: {  	v7 =	vld.idx.msk [tilespmem:v1+s18+$0x170 ss:$0x1], $0xffff;
	v27 =	vadd.f32 v9, v13;
	v28 =	vadd.f32 v10, v15  }
0x27c: {  	v8 =	vadd.f32 v33, v22;
	v9 =	vadd.f32 v34, v20;
	v10 =	vld.idx.msk [tilespmem:v1+s18+$0x1E0 ss:$0x1], $0xffff  }
0x27d: {  	v13 =	vadd.f32 v35, v21;
	v14 =	vadd.f32 v36, v19;
	v15 =	vld.idx.msk [tilespmem:v1+s18+$0x1F0 ss:$0x1], $0xffff  }
0x27e: {  	v8 =	vadd.f32 v31, v8;
	v9 =	vadd.f32 v32, v9;
	v16 =	vld.idx.msk [tilespmem:v1+s18+$0x260 ss:$0x1], $0xffff  }
0x27f: {  	v13 =	vadd.f32 v37, v13;
	v14 =	vadd.f32 v38, v14;
	v18 =	vld.idx.msk [tilespmem:v1+s18+$0x270 ss:$0x1], $0xffff  }
0x280: {  	v8 =	vadd.f32 v29, v8;
	v9 =	vadd.f32 v30, v9;
	v19 =	vld.idx.msk [tilespmem:v1+s18+$0x2E0 ss:$0x1], $0xffff  }
0x281: {  	v13 =	vadd.f32 v17, v13;
	v7 =	vadd.f32 v7, v14;
	v14 =	vld.idx.msk [tilespmem:v1+s18+$0x2F0 ss:$0x1], $0xffff  }
0x282: {  	v8 =	vadd.f32 v23, v8;
	v9 =	vadd.f32 v24, v9;
	v17 =	vld.idx.msk [tilespmem:v1+s18+$0x360 ss:$0x1], $0xffff  }
0x283: {  	v10 =	vadd.f32 v10, v13;
	v7 =	vadd.f32 v15, v7;
	v13 =	vld.idx.msk [tilespmem:v1+s18+$0x370 ss:$0x1], $0xffff  }
0x284: {  	v8 =	vadd.f32 v11, v8;
	v9 =	vadd.f32 v12, v9;
	v11 =	vld.idx.msk [tilespmem:v1+s18+$0x3E0 ss:$0x1], $0xffff  }
0x285: {  	v10 =	vadd.f32 v16, v10;
	v12 =	vadd.f32 v18, v7;
	v15 =	vld.idx.msk [tilespmem:v1+s18+$0x3F0 ss:$0x1], $0xffff;
	s18 =	sshra.s32 s19, $0x2  }
0x286: {  	v5 =	vadd.f32 v5, v8;
	v6 =	vadd.f32 v6, v9;
	v7 =	vld.idx.msk [tilespmem:v1+s18+$0x380 ss:$0x1], $0xffff  }
0x287: {  	v16 =	vadd.f32 v19, v10;
	v12 =	vadd.f32 v14, v12;
	v8 =	vld.idx.msk [tilespmem:v1+s18+$0x390 ss:$0x1], $0xffff  }
0x288: {  	v3 =	vadd.f32 v3, v5;
	v4 =	vadd.f32 v4, v6;
	v9 =	vld.idx.msk [tilespmem:v1+s18+$0x3A0 ss:$0x1], $0xffff  }
0x289: {  	v5 =	vadd.f32 v17, v16;
	v6 =	vadd.f32 v13, v12;
	v10 =	vld.idx.msk [tilespmem:v1+s18+$0x3B0 ss:$0x1], $0xffff  }
0x28a: {  	v22 =	vadd.f32 v2, v3;
	v20 =	vadd.f32 v0, v4;
	v2 =	vld.idx.msk [tilespmem:v1+s18+$0x3C0 ss:$0x1], $0xffff  }
0x28b: {  	v21 =	vadd.f32 v11, v5;
	v19 =	vadd.f32 v15, v6;
	v0 =	vld.idx.msk [tilespmem:v1+s18+$0x3D0 ss:$0x1], $0xffff  }
0x28c: {  	v14 =	vld.idx.msk [tilespmem:v1+s18+$0x300 ss:$0x1], $0xffff  }
0x28d: {  	v16 =	vld.idx.msk [tilespmem:v1+s18+$0x310 ss:$0x1], $0xffff  }
0x28e: {  	v13 =	vld.idx.msk [tilespmem:v1+s18+$0x320 ss:$0x1], $0xffff  }
0x28f: {  	v15 =	vld.idx.msk [tilespmem:v1+s18+$0x330 ss:$0x1], $0xffff  }
0x290: {  	v3 =	vld.idx.msk [tilespmem:v1+s18+$0x340 ss:$0x1], $0xffff  }
0x291: {  	v4 =	vld.idx.msk [tilespmem:v1+s18+$0x350 ss:$0x1], $0xffff  }
0x292: {  	v36 =	vld.idx.msk [tilespmem:v1+s18+$0x280 ss:$0x1], $0xffff  }
0x293: {  	v37 =	vld.idx.msk [tilespmem:v1+s18+$0x290 ss:$0x1], $0xffff  }
0x294: {  	v17 =	vld.idx.msk [tilespmem:v1+s18+$0x2A0 ss:$0x1], $0xffff  }
0x295: {  	v18 =	vld.idx.msk [tilespmem:v1+s18+$0x2B0 ss:$0x1], $0xffff  }
0x296: {  	v5 =	vld.idx.msk [tilespmem:v1+s18+$0x2C0 ss:$0x1], $0xffff  }
0x297: {  	v6 =	vld.idx.msk [tilespmem:v1+s18+$0x2D0 ss:$0x1], $0xffff  }
0x298: {  	v34 =	vld.idx.msk [tilespmem:v1+s18+$0x200 ss:$0x1], $0xffff  }
0x299: {  	v35 =	vld.idx.msk [tilespmem:v1+s18+$0x210 ss:$0x1], $0xffff  }
0x29a: {  	v38 =	vld.idx.msk [tilespmem:v1+s18+$0x220 ss:$0x1], $0xffff  }
0x29b: {  	v39 =	vld.idx.msk [tilespmem:v1+s18+$0x230 ss:$0x1], $0xffff  }
0x29c: {  	v11 =	vld.idx.msk [tilespmem:v1+s18+$0x240 ss:$0x1], $0xffff  }
0x29d: {  	v12 =	vld.idx.msk [tilespmem:v1+s18+$0x250 ss:$0x1], $0xffff  }
0x29e: {  	v32 =	vld.idx.msk [tilespmem:v1+s18+$0x180 ss:$0x1], $0xffff  }
0x29f: {  	v33 =	vld.idx.msk [tilespmem:v1+s18+$0x190 ss:$0x1], $0xffff  }
0x2a0: {  	v29 =	vld.idx.msk [tilespmem:v1+s18+$0x100 ss:$0x1], $0xffff  }
0x2a1: {  	v30 =	vld.idx.msk [tilespmem:v1+s18+$0x110 ss:$0x1], $0xffff  }
0x2a2: {  	v23 =	vld.idx.msk [tilespmem:v1+s18+$0x80 ss:$0x1], $0xffff  }
0x2a3: {  	v24 =	vld.idx.msk [tilespmem:v1+s18+$0x90 ss:$0x1], $0xffff  }
0x2a4: {  	v31 =	vld.idx.msk [tilespmem:v1+s18+$0x0 ss:$0x1], $0xffff  }
0x2a5: {  	v40 =	vld.idx.msk [tilespmem:v1+s18+$0x10 ss:$0x1], $0xffff  }
0x2a6: {  	v41 =	vld.idx.msk [tilespmem:v1+s18+$0x20 ss:$0x1], $0xffff  }
0x2a7: {  	v42 =	vld.idx.msk [tilespmem:v1+s18+$0x30 ss:$0x1], $0xffff  }
0x2a8: {  	v43 =	vld.idx.msk [tilespmem:v1+s18+$0xA0 ss:$0x1], $0xffff  }
0x2a9: {  	v44 =	vld.idx.msk [tilespmem:v1+s18+$0xB0 ss:$0x1], $0xffff  }
0x2aa: {  	v45 =	vld.idx.msk [tilespmem:v1+s18+$0x120 ss:$0x1], $0xffff  }
0x2ab: {  	v46 =	vld.idx.msk [tilespmem:v1+s18+$0x130 ss:$0x1], $0xffff  }
0x2ac: {  	v25 =	vadd.f32 v31, v25;
	v26 =	vadd.f32 v40, v26;
	v40 =	vld.idx.msk [tilespmem:v1+s18+$0x1A0 ss:$0x1], $0xffff  }
0x2ad: {  	v27 =	vadd.f32 v41, v27;
	v28 =	vadd.f32 v42, v28;
	v41 =	vld.idx.msk [tilespmem:v1+s18+$0x1B0 ss:$0x1], $0xffff  }
0x2ae: {  	v25 =	vadd.f32 v23, v25;
	v26 =	vadd.f32 v24, v26;
	v23 =	vld.idx.msk [tilespmem:v1+s18+$0x1C0 ss:$0x1], $0xffff  }
0x2af: {  	v27 =	vadd.f32 v43, v27;
	v28 =	vadd.f32 v44, v28;
	v24 =	vld.idx.msk [tilespmem:v1+s18+$0x1D0 ss:$0x1], $0xffff  }
0x2b0: {  	v25 =	vadd.f32 v29, v25;
	v26 =	vadd.f32 v30, v26;
	v29 =	vld.idx.msk [tilespmem:v1+s18+$0x140 ss:$0x1], $0xffff  }
0x2b1: {  	v27 =	vadd.f32 v45, v27;
	v28 =	vadd.f32 v46, v28;
	v30 =	vld.idx.msk [tilespmem:v1+s18+$0x150 ss:$0x1], $0xffff  }
.Ltmp4:
0x2b2: {  	v25 =	vadd.f32 v32, v25;
	v26 =	vadd.f32 v33, v26;
	v31 =	vld.idx.msk [tilespmem:v1+s18+$0xC0 ss:$0x1], $0xffff;
	(pc) =	sbr.rel @p2 .LBB2_12-.Ltmp4, $4  }
0x2b3: {  	v27 =	vadd.f32 v40, v27;
	v28 =	vadd.f32 v41, v28;
	v32 =	vld.idx.msk [tilespmem:v1+s18+$0xD0 ss:$0x1], $0xffff  }
0x2b4: {  	v40 =	vadd.f32 v34, v25;
	v41 =	vadd.f32 v35, v26;
	v33 =	vld.idx.msk [tilespmem:v1+s18+$0x40 ss:$0x1], $0xffff  }
0x2b5: {  	v25 =	vadd.f32 v38, v27;
	v26 =	vadd.f32 v39, v28;
	v34 =	vld.idx.msk [tilespmem:v1+s18+$0x50 ss:$0x1], $0xffff  }
0x2b6: {  	s19 =	sadd.s32 $0x1000, s19;
	v27 =	vadd.f32 v36, v40;
	v28 =	vadd.f32 v37, v41;
	v35 =	vld.idx.msk [tilespmem:v1+s18+$0x60 ss:$0x1], $0xffff  }
0x2b7: {  	_ =	sdelay $0x1  }
0x2b8: {  	v17 =	vadd.f32 v17, v25;
	v18 =	vadd.f32 v18, v26  }
0x2b9: {  	v14 =	vadd.f32 v14, v27;
	v16 =	vadd.f32 v16, v28  }
0x2ba: {  	v39 =	vld.idx.msk [tilespmem:v1+s18+$0x70 ss:$0x1], $0xffff;
	v13 =	vadd.f32 v13, v17;
	v15 =	vadd.f32 v15, v18  }
0x2bb: {  	v40 =	vld.idx.msk [tilespmem:v1+s18+$0xE0 ss:$0x1], $0xffff;
	v43 =	vadd.f32 v33, v22;
	v7 =	vadd.f32 v7, v14  }
0x2bc: {  	v41 =	vld.idx.msk [tilespmem:v1+s18+$0xF0 ss:$0x1], $0xffff;
	v8 =	vadd.f32 v8, v16;
	v45 =	vadd.f32 v34, v20  }
0x2bd: {  	v42 =	vld.idx.msk [tilespmem:v1+s18+$0x160 ss:$0x1], $0xffff;
	v9 =	vadd.f32 v9, v13;
	v10 =	vadd.f32 v10, v15  }
0x2be: {  	v44 =	vld.idx.msk [tilespmem:v1+s18+$0x170 ss:$0x1], $0xffff;
	v47 =	vadd.f32 v35, v21;
	v13 =	vadd.f32 v31, v43  }
0x2bf: {  	v46 =	vld.idx.msk [tilespmem:v1+s18+$0x1E0 ss:$0x1], $0xffff;
	v19 =	vadd.f32 v39, v19;
	v15 =	vadd.f32 v32, v45  }
0x2c0: {  	v48 =	vld.idx.msk [tilespmem:v1+s18+$0x1F0 ss:$0x1], $0xffff;
	v20 =	vadd.f32 v40, v47;
	v13 =	vadd.f32 v29, v13  }
0x2c1: {  	v49 =	vld.idx.msk [tilespmem:v1+s18+$0x260 ss:$0x1], $0xffff;
	v17 =	vadd.f32 v41, v19;
	v15 =	vadd.f32 v30, v15  }
0x2c2: {  	v50 =	vld.idx.msk [tilespmem:v1+s18+$0x270 ss:$0x1], $0xffff;
	v14 =	vadd.f32 v42, v20;
	v13 =	vadd.f32 v23, v13  }
0x2c3: {  	v51 =	vld.idx.msk [tilespmem:v1+s18+$0x2E0 ss:$0x1], $0xffff;
	v16 =	vadd.f32 v44, v17;
	v15 =	vadd.f32 v24, v15  }
0x2c4: {  	v52 =	vld.idx.msk [tilespmem:v1+s18+$0x2F0 ss:$0x1], $0xffff;
	v14 =	vadd.f32 v46, v14;
	v11 =	vadd.f32 v11, v13  }
0x2c5: {  	v53 =	vld.idx.msk [tilespmem:v1+s18+$0x360 ss:$0x1], $0xffff;
	v54 =	vadd.f32 v48, v16;
	v12 =	vadd.f32 v12, v15  }
0x2c6: {  	v55 =	vld.idx.msk [tilespmem:v1+s18+$0x370 ss:$0x1], $0xffff;
	s19 =	sshll.u32 s13, $0x7;
	v14 =	vadd.f32 v49, v14;
	v5 =	vadd.f32 v5, v11  }
0x2c7: {  	v56 =	vld.idx.msk [tilespmem:v1+s18+$0x3E0 ss:$0x1], $0xffff;
	s21 =	sand.u32 $0x3FFFFF80, s19;
	v58 =	vadd.f32 v50, v54;
	v6 =	vadd.f32 v6, v12  }
0x2c8: {  	v57 =	vld.idx.msk [tilespmem:v1+s18+$0x3F0 ss:$0x1], $0xffff;
	[tilespmem:s21+$0x14600] =	vst v7;
	v59 =	vadd.f32 v51, v14;
	v3 =	vadd.f32 v3, v5  }
0x2c9: {  	s13 =	sadd.s32 $0x1, s13;
	[tilespmem:s21+$0x14610] =	vst v8;
	v60 =	vadd.f32 v52, v58;
	v4 =	vadd.f32 v4, v6  }
0x2ca: {  	p2 =	sne.s32 s13, $0x4;
	[tilespmem:s21+$0x14620] =	vst v9;
	v61 =	vadd.f32 v53, v59;
	v2 =	vadd.f32 v2, v3  }
.Ltmp5:
0x2cb: {  	[tilespmem:s21+$0x14630] =	vst v10;
	v62 =	vadd.f32 v55, v60;
	v0 =	vadd.f32 v0, v4;
	(pc) =	sbr.rel @p2 .LBB2_11-.Ltmp5, $4  }
0x2cc: {  	v63 =	vadd.f32 v56, v61;
	[tilespmem:s21+$0x14640] =	vst v2  }
0x2cd: {  	v1 =	vadd.f32 v57, v62;
	[tilespmem:s21+$0x14650] =	vst v0  }
0x2ce: {  	[tilespmem:s21+$0x14660] =	vst v63  }
0x2cf: {  	s14 =	sadd.s32 $0x1000, s14;
	[tilespmem:s21+$0x14670] =	vst v1  }
0x2d0: {  	s13 =	sadd.s32 @!p1 $0x300, s10;
	s14 =	simm.s32 @!p1 $0x80;
	s18 =	simm.s32 @!p1 $0xC200  }
0x2d1: {  	[tilespmem:s18], [sflag:$0x3] =	stream.indirect.gather @!p1 [hbm4b:s1+s14], $0x80, s13, s14, $0xb8;
	[tilespmem:$0x14A00] =	vst v63  }
0x2d2: {  	s11 =	sadd.s32 s11, s9  }
0x2d3: {  	[hbm4b:s11+s4] =	stream.linear.scatter [tilespmem:s30], [sflag:$0x7], $0x200, $0x38;
	[tilespmem:$0x14A00] =	vst v63  }
0x2d4: {  	_ =	swait.ge [sflag:s31], $0x4000  }
0x2d5: {  	[sflag:s31] =	ssyncset.done $0x0  }
0x2d6: {  	s13 =	simm.s32 @!p0 $0x8;
	[sflag:s31] =	ssyncadd.s32 $0xFFFFC000  }
0x2d7: {  	_ =	swait.ge @!p0 [sflag:s13], $0x200  }
0x2d8: {  	s11 =	sadd.s32 $0xC, s12;
	[sflag:s13] =	ssyncset.done @!p0 $0x0  }
0x2d9: {  	s12 =	simm.s32 $0x0;
	[sflag:s13] =	ssyncadd.s32 @!p0 $0xFFFFFE00;
	s13 =	simm.s32 $0x10600  }
.LBB2_15:
0x2da: {  	s14 =	sshll.u32 s12, $0xC  }
0x2db: {  	s18 =	sand.u32 $0x3FFFF000, s14  }
0x2dc: {  	v3 =	vld [tilespmem:s18+$0x10200]  }
0x2dd: {  	v4 =	vld [tilespmem:s18+$0x10210]  }
0x2de: {  	v5 =	vld [tilespmem:s18+$0x10220]  }
0x2df: {  	v6 =	vld [tilespmem:s18+$0x10230]  }
0x2e0: {  	v11 =	vld [tilespmem:s18+$0x10240]  }
0x2e1: {  	v12 =	vld [tilespmem:s18+$0x10250]  }
0x2e2: {  	v17 =	vld [tilespmem:s18+$0x10260]  }
0x2e3: {  	v18 =	vld [tilespmem:s18+$0x10270]  }
0x2e4: {  	v19 =	vld [tilespmem:s18+$0x10280]  }
0x2e5: {  	v20 =	vld [tilespmem:s18+$0x10290]  }
0x2e6: {  	v21 =	vld [tilespmem:s18+$0x102A0]  }
0x2e7: {  	v22 =	vld [tilespmem:s18+$0x102B0]  }
0x2e8: {  	v23 =	vld [tilespmem:s18+$0x102C0]  }
0x2e9: {  	v24 =	vld [tilespmem:s18+$0x102D0]  }
0x2ea: {  	v25 =	vld [tilespmem:s18+$0x102E0]  }
0x2eb: {  	v26 =	vld [tilespmem:s18+$0x102F0]  }
0x2ec: {  	v27 =	vld [tilespmem:s18+$0x10300]  }
0x2ed: {  	v28 =	vld [tilespmem:s18+$0x10310]  }
0x2ee: {  	v29 =	vld [tilespmem:s18+$0x10320]  }
0x2ef: {  	v30 =	vld [tilespmem:s18+$0x10330]  }
0x2f0: {  	v31 =	vld [tilespmem:s18+$0x10340]  }
0x2f1: {  	v32 =	vld [tilespmem:s18+$0x10350]  }
0x2f2: {  	v33 =	vld [tilespmem:s18+$0x10360]  }
0x2f3: {  	v34 =	vld [tilespmem:s18+$0x10370]  }
0x2f4: {  	v35 =	vld [tilespmem:s18+$0x10380]  }
0x2f5: {  	v36 =	vld [tilespmem:s18+$0x10390]  }
0x2f6: {  	v37 =	vld [tilespmem:s18+$0x103A0]  }
0x2f7: {  	v38 =	vld [tilespmem:s18+$0x103B0]  }
0x2f8: {  	v39 =	vld [tilespmem:s18+$0x103C0]  }
0x2f9: {  	v40 =	vld [tilespmem:s18+$0x103D0]  }
0x2fa: {  	v41 =	vld [tilespmem:s18+$0x103E0]  }
0x2fb: {  	v42 =	vld [tilespmem:s18+$0x103F0]  }
0x2fc: {  	v43 =	vld [tilespmem:s18+$0x10400]  }
0x2fd: {  	v44 =	vld [tilespmem:s18+$0x10410]  }
0x2fe: {  	v45 =	vld [tilespmem:s18+$0x10420]  }
0x2ff: {  	v46 =	vld [tilespmem:s18+$0x10430]  }
0x300: {  	v47 =	vld [tilespmem:s18+$0x10440]  }
0x301: {  	v48 =	vld [tilespmem:s18+$0x10450]  }
0x302: {  	v49 =	vld [tilespmem:s18+$0x10460]  }
0x303: {  	v50 =	vld [tilespmem:s18+$0x10470]  }
0x304: {  	v51 =	vld [tilespmem:s18+$0x10480]  }
0x305: {  	v52 =	vld [tilespmem:s18+$0x10490]  }
0x306: {  	v53 =	vld [tilespmem:s18+$0x104A0]  }
0x307: {  	v54 =	vld [tilespmem:s18+$0x104B0]  }
0x308: {  	v55 =	vld [tilespmem:s18+$0x104C0]  }
0x309: {  	v56 =	vld [tilespmem:s18+$0x104D0]  }
0x30a: {  	v57 =	vld [tilespmem:s18+$0x104E0]  }
0x30b: {  	v58 =	vld [tilespmem:s18+$0x104F0]  }
0x30c: {  	v59 =	vld [tilespmem:s18+$0x10500]  }
0x30d: {  	v1 =	vmov s13;
	v60 =	vld [tilespmem:s18+$0x10510]  }
0x30e: {  	v61 =	vld [tilespmem:s18+$0x10520]  }
0x30f: {  	v62 =	vld [tilespmem:s18+$0x10530]  }
0x310: {  	v63 =	vld [tilespmem:s18+$0x10540]  }
0x311: {  	s14 =	simm.s32 $0x0;
	v0 =	vld [tilespmem:s18+$0x10550]  }
0x312: {  	v7 =	vld.idx.msk [tilespmem:v1+s14+$0x380 ss:$0x1], $0xffff  }
0x313: {  	v8 =	vld.idx.msk [tilespmem:v1+s14+$0x390 ss:$0x1], $0xffff  }
0x314: {  	v9 =	vld.idx.msk [tilespmem:v1+s14+$0x3A0 ss:$0x1], $0xffff  }
0x315: {  	v10 =	vld.idx.msk [tilespmem:v1+s14+$0x3B0 ss:$0x1], $0xffff  }
0x316: {  	v2 =	vld.idx.msk [tilespmem:v1+s14+$0x3C0 ss:$0x1], $0xffff  }
0x317: {  	v14 =	vld.idx.msk [tilespmem:v1+s14+$0x300 ss:$0x1], $0xffff  }
0x318: {  	v16 =	vld.idx.msk [tilespmem:v1+s14+$0x310 ss:$0x1], $0xffff  }
0x319: {  	v13 =	vld.idx.msk [tilespmem:v1+s14+$0x320 ss:$0x1], $0xffff  }
0x31a: {  	v15 =	vld.idx.msk [tilespmem:v1+s14+$0x330 ss:$0x1], $0xffff  }
0x31b: {  	[tilespmem:$0x1FCC0] =	vst v0;
	v0 =	vld [tilespmem:s18+$0x10560]  }
0x31c: {  	v19 =	vadd.f32 v19, v3;
	v3 =	vld.idx.msk [tilespmem:v1+s14+$0x340 ss:$0x1], $0xffff  }
0x31d: {  	v20 =	vadd.f32 v20, v4;
	v4 =	vld.idx.msk [tilespmem:v1+s14+$0x350 ss:$0x1], $0xffff  }
0x31e: {  	v5 =	vadd.f32 v21, v5;
	v21 =	vld.idx.msk [tilespmem:v1+s14+$0x280 ss:$0x1], $0xffff  }
0x31f: {  	v6 =	vadd.f32 v22, v6;
	v22 =	vadd.f32 v26, v18;
	v18 =	vld.idx.msk [tilespmem:v1+s14+$0x2B0 ss:$0x1], $0xffff  }
0x320: {  	v26 =	vld.idx.msk [tilespmem:v1+s14+$0x210 ss:$0x1], $0xffff  }
0x321: {  	v11 =	vadd.f32 v23, v11;
	v23 =	vadd.f32 v29, v5;
	v5 =	vld.idx.msk [tilespmem:v1+s14+$0x2C0 ss:$0x1], $0xffff  }
0x322: {  	v12 =	vadd.f32 v24, v12;
	v19 =	vadd.f32 v27, v19;
	[tilespmem:$0x1FCD0] =	vst v0;
	v0 =	vld [tilespmem:s18+$0x10570]  }
0x323: {  	v24 =	vadd.f32 v30, v6;
	v6 =	vld.idx.msk [tilespmem:v1+s14+$0x2D0 ss:$0x1], $0xffff  }
0x324: {  	v12 =	vadd.f32 v32, v12;
	v32 =	vld.idx.msk [tilespmem:v1+s14+$0x180 ss:$0x1], $0xffff;
	v19 =	vadd.f32 v35, v19  }
0x325: {  	v22 =	vadd.f32 v34, v22;
	v29 =	vld.idx.msk [tilespmem:v1+s14+$0x100 ss:$0x1], $0xffff  }
0x326: {  	v30 =	vld.idx.msk [tilespmem:v1+s14+$0x110 ss:$0x1], $0xffff;
	v19 =	vadd.f32 v43, v19  }
0x327: {  	v22 =	vadd.f32 v42, v22;
	[tilespmem:$0x1FCE0] =	vst v0;
	v0 =	vld [tilespmem:s18+$0x10580]  }
0x328: {  	v19 =	vadd.f32 v51, v19;
	v51 =	vld [tilespmem:$0x1FCE0]  }
0x329: {  	v11 =	vadd.f32 v31, v11;
	v31 =	vld.idx.msk [tilespmem:v1+s14+$0x80 ss:$0x1], $0xffff;
	v22 =	vadd.f32 v50, v22  }
0x32a: {  	v34 =	vld.idx.msk [tilespmem:v1+s14+$0x90 ss:$0x1], $0xffff  }
0x32b: {  	v35 =	vld.idx.msk [tilespmem:v1+s14+$0x220 ss:$0x1], $0xffff;
	v22 =	vadd.f32 v58, v22  }
0x32c: {  	v20 =	vadd.f32 v28, v20;
	[tilespmem:$0x1FCF0] =	vst v0;
	v0 =	vld [tilespmem:s18+$0x10590]  }
0x32d: {  	v28 =	vadd.f32 v40, v12;
	v40 =	vadd.f32 v51, v22;
	v22 =	vld [tilespmem:$0x1FCF0]  }
0x32e: {  	v20 =	vadd.f32 v36, v20;
	v23 =	vadd.f32 v37, v23;
	v36 =	vld.idx.msk [tilespmem:v1+s14+$0x230 ss:$0x1], $0xffff  }
0x32f: {  	v27 =	vadd.f32 v39, v11;
	v11 =	vld.idx.msk [tilespmem:v1+s14+$0x240 ss:$0x1], $0xffff  }
0x330: {  	v12 =	vld.idx.msk [tilespmem:v1+s14+$0x250 ss:$0x1], $0xffff;
	v23 =	vadd.f32 v45, v23;
	v19 =	vadd.f32 v59, v19  }
0x331: {  	v24 =	vadd.f32 v38, v24;
	v20 =	vadd.f32 v44, v20;
	[tilespmem:$0x1FD00] =	vst v0;
	v0 =	vld [tilespmem:s18+$0x105A0]  }
0x332: {  	v23 =	vadd.f32 v53, v23;
	v53 =	vadd.f32 v22, v19;
	v19 =	vld [tilespmem:$0x1FD00]  }
0x333: {  	[tilespmem:$0x1FD70] =	vst v21;
	v21 =	vadd.f32 v25, v17;
	v17 =	vld.idx.msk [tilespmem:v1+s14+$0x290 ss:$0x1], $0xffff;
	v20 =	vadd.f32 v52, v20  }
0x334: {  	v25 =	vld.idx.msk [tilespmem:v1+s14+$0x200 ss:$0x1], $0xffff;
	v24 =	vadd.f32 v46, v24  }
0x335: {  	v28 =	vadd.f32 v48, v28;
	v48 =	vld [tilespmem:$0x1FCC0];
	v20 =	vadd.f32 v60, v20  }
0x336: {  	[tilespmem:$0x1FD10] =	vst v0;
	v0 =	vld [tilespmem:s18+$0x105B0]  }
0x337: {  	v24 =	vadd.f32 v54, v24;
	v54 =	vadd.f32 v19, v20;
	v19 =	vld [tilespmem:$0x1FD10]  }
0x338: {  	v50 =	vld [tilespmem:$0x1FCD0]  }
0x339: {  	v21 =	vadd.f32 v33, v21;
	v33 =	vld.idx.msk [tilespmem:v1+s14+$0x190 ss:$0x1], $0xffff  }
0x33a: {  	v52 =	vld.idx.msk [tilespmem:v1+s14+$0x30 ss:$0x1], $0xffff;
	v23 =	vadd.f32 v61, v23  }
0x33b: {  	v27 =	vadd.f32 v47, v27;
	[tilespmem:$0x1FD20] =	vst v0;
	v0 =	vld [tilespmem:s18+$0x105C0]  }
0x33c: {  	v23 =	vadd.f32 v19, v23;
	v19 =	vld [tilespmem:$0x1FD20]  }
0x33d: {  	v27 =	vadd.f32 v55, v27;
	v55 =	vld.idx.msk [tilespmem:v1+s14+$0xA0 ss:$0x1], $0xffff  }
0x33e: {  	v28 =	vadd.f32 v56, v28;
	v56 =	vld.idx.msk [tilespmem:v1+s14+$0xB0 ss:$0x1], $0xffff  }
0x33f: {  	v60 =	vld.idx.msk [tilespmem:v1+s14+$0x0 ss:$0x1], $0xffff;
	v24 =	vadd.f32 v62, v24  }
0x340: {  	[tilespmem:$0x1FD30] =	vst v0;
	v0 =	vld [tilespmem:s18+$0x105D0]  }
0x341: {  	v24 =	vadd.f32 v19, v24;
	v19 =	vld [tilespmem:$0x1FD30]  }
0x342: {  	v58 =	vld.idx.msk [tilespmem:v1+s14+$0x1B0 ss:$0x1], $0xffff  }
0x343: {  	v21 =	vadd.f32 v41, v21;
	[tilespmem:$0x1FD80] =	vst v17;
	v17 =	vld.idx.msk [tilespmem:v1+s14+$0x2A0 ss:$0x1], $0xffff  }
0x344: {  	v62 =	vld.idx.msk [tilespmem:v1+s14+$0x10 ss:$0x1], $0xffff;
	v27 =	vadd.f32 v63, v27  }
0x345: {  	v21 =	vadd.f32 v49, v21;
	v49 =	vld.idx.msk [tilespmem:v1+s14+$0x20 ss:$0x1], $0xffff;
	[tilespmem:$0x1FD40] =	vst v0  }
0x346: {  	v37 =	vadd.f32 v60, v53;
	v22 =	vadd.f32 v19, v27;
	v19 =	vld [tilespmem:$0x1FD40]  }
0x347: {  	v21 =	vadd.f32 v57, v21;
	v57 =	vld.idx.msk [tilespmem:v1+s14+$0x1A0 ss:$0x1], $0xffff  }
0x348: {  	v31 =	vadd.f32 v31, v37;
	v0 =	vld [tilespmem:s18+$0x105E0]  }
0x349: {  	v28 =	vadd.f32 v48, v28;
	v27 =	vld.idx.msk [tilespmem:v1+s14+$0x120 ss:$0x1], $0xffff  }
0x34a: {  	v61 =	vadd.f32 v29, v31;
	v29 =	vld.idx.msk [tilespmem:v1+s14+$0x140 ss:$0x1], $0xffff;
	v39 =	vadd.f32 v49, v23  }
0x34b: {  	v38 =	vadd.f32 v62, v54;
	v20 =	vadd.f32 v19, v28;
	v28 =	vld.idx.msk [tilespmem:v1+s14+$0x130 ss:$0x1], $0xffff  }
0x34c: {  	v31 =	vld.idx.msk [tilespmem:v1+s14+$0xC0 ss:$0x1], $0xffff;
	v59 =	vadd.f32 v55, v39;
	v24 =	vadd.f32 v52, v24  }
0x34d: {  	v21 =	vadd.f32 v50, v21;
	v34 =	vadd.f32 v34, v38;
	[tilespmem:$0x1FD50] =	vst v0;
	v0 =	vld [tilespmem:s18+$0x105F0]  }
0x34e: {  	v60 =	vadd.f32 v56, v24;
	v19 =	vld [tilespmem:$0x1FD50];
	v27 =	vadd.f32 v27, v59  }
0x34f: {  	v62 =	vadd.f32 v32, v61;
	v32 =	vld.idx.msk [tilespmem:v1+s14+$0xD0 ss:$0x1], $0xffff;
	v34 =	vadd.f32 v30, v34  }
0x350: {  	v30 =	vld.idx.msk [tilespmem:v1+s14+$0x150 ss:$0x1], $0xffff;
	v27 =	vadd.f32 v57, v27;
	v28 =	vadd.f32 v28, v60  }
0x351: {  	v37 =	vadd.f32 v25, v62;
	v23 =	vld.idx.msk [tilespmem:v1+s14+$0x1C0 ss:$0x1], $0xffff;
	v34 =	vadd.f32 v33, v34  }
0x352: {  	[tilespmem:$0x1FD60] =	vst v0;
	v25 =	vadd.f32 v35, v27;
	v27 =	vld [tilespmem:$0x1FD70];
	v28 =	vadd.f32 v58, v28  }
0x353: {  	v21 =	vadd.f32 v19, v21;
	v19 =	vld [tilespmem:$0x1FD60]  }
0x354: {  	v63 =	vadd.f32 v26, v34;
	v26 =	vadd.f32 v36, v28;
	v28 =	vld [tilespmem:$0x1FD80]  }
0x355: {  	v33 =	vld.idx.msk [tilespmem:v1+s14+$0x40 ss:$0x1], $0xffff  }
0x356: {  	v34 =	vld.idx.msk [tilespmem:v1+s14+$0x50 ss:$0x1], $0xffff  }
0x357: {  	v24 =	vld.idx.msk [tilespmem:v1+s14+$0x1D0 ss:$0x1], $0xffff  }
0x358: {  	v0 =	vld.idx.msk [tilespmem:v1+s14+$0x3D0 ss:$0x1], $0xffff;
	v27 =	vadd.f32 v27, v37  }
0x359: {  	s18 =	simm.s32 $0x1000;
	v35 =	vld.idx.msk [tilespmem:v1+s14+$0x60 ss:$0x1], $0xffff;
	v19 =	vadd.f32 v19, v40;
	v28 =	vadd.f32 v28, v63  }
.LBB2_16:
0x35a: {  	p0 =	sne.s32 s18, $0x2000;
	v36 =	vld.idx.msk [tilespmem:v1+s14+$0x70 ss:$0x1], $0xffff;
	v17 =	vadd.f32 v17, v25;
	v18 =	vadd.f32 v18, v26  }
0x35b: {  	v37 =	vld.idx.msk [tilespmem:v1+s14+$0xE0 ss:$0x1], $0xffff;
	v14 =	vadd.f32 v14, v27;
	v16 =	vadd.f32 v16, v28  }
0x35c: {  	v38 =	vld.idx.msk [tilespmem:v1+s14+$0xF0 ss:$0x1], $0xffff;
	v13 =	vadd.f32 v13, v17;
	v15 =	vadd.f32 v15, v18  }
0x35d: {  	v17 =	vld.idx.msk [tilespmem:v1+s14+$0x160 ss:$0x1], $0xffff;
	v25 =	vadd.f32 v7, v14;
	v26 =	vadd.f32 v8, v16  }
0x35e: {  	v7 =	vld.idx.msk [tilespmem:v1+s14+$0x170 ss:$0x1], $0xffff;
	v27 =	vadd.f32 v9, v13;
	v28 =	vadd.f32 v10, v15  }
0x35f: {  	v8 =	vadd.f32 v33, v22;
	v9 =	vadd.f32 v34, v20;
	v10 =	vld.idx.msk [tilespmem:v1+s14+$0x1E0 ss:$0x1], $0xffff  }
0x360: {  	v13 =	vadd.f32 v35, v21;
	v14 =	vadd.f32 v36, v19;
	v15 =	vld.idx.msk [tilespmem:v1+s14+$0x1F0 ss:$0x1], $0xffff  }
0x361: {  	v8 =	vadd.f32 v31, v8;
	v9 =	vadd.f32 v32, v9;
	v16 =	vld.idx.msk [tilespmem:v1+s14+$0x260 ss:$0x1], $0xffff  }
0x362: {  	v13 =	vadd.f32 v37, v13;
	v14 =	vadd.f32 v38, v14;
	v18 =	vld.idx.msk [tilespmem:v1+s14+$0x270 ss:$0x1], $0xffff  }
0x363: {  	v8 =	vadd.f32 v29, v8;
	v9 =	vadd.f32 v30, v9;
	v19 =	vld.idx.msk [tilespmem:v1+s14+$0x2E0 ss:$0x1], $0xffff  }
0x364: {  	v13 =	vadd.f32 v17, v13;
	v7 =	vadd.f32 v7, v14;
	v14 =	vld.idx.msk [tilespmem:v1+s14+$0x2F0 ss:$0x1], $0xffff  }
0x365: {  	v8 =	vadd.f32 v23, v8;
	v9 =	vadd.f32 v24, v9;
	v17 =	vld.idx.msk [tilespmem:v1+s14+$0x360 ss:$0x1], $0xffff  }
0x366: {  	v10 =	vadd.f32 v10, v13;
	v7 =	vadd.f32 v15, v7;
	v13 =	vld.idx.msk [tilespmem:v1+s14+$0x370 ss:$0x1], $0xffff  }
0x367: {  	v8 =	vadd.f32 v11, v8;
	v9 =	vadd.f32 v12, v9;
	v11 =	vld.idx.msk [tilespmem:v1+s14+$0x3E0 ss:$0x1], $0xffff  }
0x368: {  	v10 =	vadd.f32 v16, v10;
	v12 =	vadd.f32 v18, v7;
	v15 =	vld.idx.msk [tilespmem:v1+s14+$0x3F0 ss:$0x1], $0xffff;
	s14 =	sshra.s32 s18, $0x2  }
0x369: {  	v5 =	vadd.f32 v5, v8;
	v6 =	vadd.f32 v6, v9;
	v7 =	vld.idx.msk [tilespmem:v1+s14+$0x380 ss:$0x1], $0xffff  }
0x36a: {  	v16 =	vadd.f32 v19, v10;
	v12 =	vadd.f32 v14, v12;
	v8 =	vld.idx.msk [tilespmem:v1+s14+$0x390 ss:$0x1], $0xffff  }
0x36b: {  	v3 =	vadd.f32 v3, v5;
	v4 =	vadd.f32 v4, v6;
	v9 =	vld.idx.msk [tilespmem:v1+s14+$0x3A0 ss:$0x1], $0xffff  }
0x36c: {  	v5 =	vadd.f32 v17, v16;
	v6 =	vadd.f32 v13, v12;
	v10 =	vld.idx.msk [tilespmem:v1+s14+$0x3B0 ss:$0x1], $0xffff  }
0x36d: {  	v22 =	vadd.f32 v2, v3;
	v20 =	vadd.f32 v0, v4;
	v2 =	vld.idx.msk [tilespmem:v1+s14+$0x3C0 ss:$0x1], $0xffff  }
0x36e: {  	v21 =	vadd.f32 v11, v5;
	v19 =	vadd.f32 v15, v6;
	v0 =	vld.idx.msk [tilespmem:v1+s14+$0x3D0 ss:$0x1], $0xffff  }
0x36f: {  	v14 =	vld.idx.msk [tilespmem:v1+s14+$0x300 ss:$0x1], $0xffff  }
0x370: {  	v16 =	vld.idx.msk [tilespmem:v1+s14+$0x310 ss:$0x1], $0xffff  }
0x371: {  	v13 =	vld.idx.msk [tilespmem:v1+s14+$0x320 ss:$0x1], $0xffff  }
0x372: {  	v15 =	vld.idx.msk [tilespmem:v1+s14+$0x330 ss:$0x1], $0xffff  }
0x373: {  	v3 =	vld.idx.msk [tilespmem:v1+s14+$0x340 ss:$0x1], $0xffff  }
0x374: {  	v4 =	vld.idx.msk [tilespmem:v1+s14+$0x350 ss:$0x1], $0xffff  }
0x375: {  	v36 =	vld.idx.msk [tilespmem:v1+s14+$0x280 ss:$0x1], $0xffff  }
0x376: {  	v37 =	vld.idx.msk [tilespmem:v1+s14+$0x290 ss:$0x1], $0xffff  }
0x377: {  	v17 =	vld.idx.msk [tilespmem:v1+s14+$0x2A0 ss:$0x1], $0xffff  }
0x378: {  	v18 =	vld.idx.msk [tilespmem:v1+s14+$0x2B0 ss:$0x1], $0xffff  }
0x379: {  	v5 =	vld.idx.msk [tilespmem:v1+s14+$0x2C0 ss:$0x1], $0xffff  }
0x37a: {  	v6 =	vld.idx.msk [tilespmem:v1+s14+$0x2D0 ss:$0x1], $0xffff  }
0x37b: {  	v34 =	vld.idx.msk [tilespmem:v1+s14+$0x200 ss:$0x1], $0xffff  }
0x37c: {  	v35 =	vld.idx.msk [tilespmem:v1+s14+$0x210 ss:$0x1], $0xffff  }
0x37d: {  	v38 =	vld.idx.msk [tilespmem:v1+s14+$0x220 ss:$0x1], $0xffff  }
0x37e: {  	v39 =	vld.idx.msk [tilespmem:v1+s14+$0x230 ss:$0x1], $0xffff  }
0x37f: {  	v11 =	vld.idx.msk [tilespmem:v1+s14+$0x240 ss:$0x1], $0xffff  }
0x380: {  	v12 =	vld.idx.msk [tilespmem:v1+s14+$0x250 ss:$0x1], $0xffff  }
0x381: {  	v32 =	vld.idx.msk [tilespmem:v1+s14+$0x180 ss:$0x1], $0xffff  }
0x382: {  	v33 =	vld.idx.msk [tilespmem:v1+s14+$0x190 ss:$0x1], $0xffff  }
0x383: {  	v29 =	vld.idx.msk [tilespmem:v1+s14+$0x100 ss:$0x1], $0xffff  }
0x384: {  	v30 =	vld.idx.msk [tilespmem:v1+s14+$0x110 ss:$0x1], $0xffff  }
0x385: {  	v23 =	vld.idx.msk [tilespmem:v1+s14+$0x80 ss:$0x1], $0xffff  }
0x386: {  	v24 =	vld.idx.msk [tilespmem:v1+s14+$0x90 ss:$0x1], $0xffff  }
0x387: {  	v31 =	vld.idx.msk [tilespmem:v1+s14+$0x0 ss:$0x1], $0xffff  }
0x388: {  	v40 =	vld.idx.msk [tilespmem:v1+s14+$0x10 ss:$0x1], $0xffff  }
0x389: {  	v41 =	vld.idx.msk [tilespmem:v1+s14+$0x20 ss:$0x1], $0xffff  }
0x38a: {  	v42 =	vld.idx.msk [tilespmem:v1+s14+$0x30 ss:$0x1], $0xffff  }
0x38b: {  	v43 =	vld.idx.msk [tilespmem:v1+s14+$0xA0 ss:$0x1], $0xffff  }
0x38c: {  	v44 =	vld.idx.msk [tilespmem:v1+s14+$0xB0 ss:$0x1], $0xffff  }
0x38d: {  	v45 =	vld.idx.msk [tilespmem:v1+s14+$0x120 ss:$0x1], $0xffff  }
0x38e: {  	v46 =	vld.idx.msk [tilespmem:v1+s14+$0x130 ss:$0x1], $0xffff  }
0x38f: {  	v25 =	vadd.f32 v31, v25;
	v26 =	vadd.f32 v40, v26;
	v40 =	vld.idx.msk [tilespmem:v1+s14+$0x1A0 ss:$0x1], $0xffff  }
0x390: {  	v27 =	vadd.f32 v41, v27;
	v28 =	vadd.f32 v42, v28;
	v41 =	vld.idx.msk [tilespmem:v1+s14+$0x1B0 ss:$0x1], $0xffff  }
0x391: {  	v25 =	vadd.f32 v23, v25;
	v26 =	vadd.f32 v24, v26;
	v23 =	vld.idx.msk [tilespmem:v1+s14+$0x1C0 ss:$0x1], $0xffff  }
0x392: {  	v27 =	vadd.f32 v43, v27;
	v28 =	vadd.f32 v44, v28;
	v24 =	vld.idx.msk [tilespmem:v1+s14+$0x1D0 ss:$0x1], $0xffff  }
0x393: {  	v25 =	vadd.f32 v29, v25;
	v26 =	vadd.f32 v30, v26;
	v29 =	vld.idx.msk [tilespmem:v1+s14+$0x140 ss:$0x1], $0xffff  }
0x394: {  	v27 =	vadd.f32 v45, v27;
	v28 =	vadd.f32 v46, v28;
	v30 =	vld.idx.msk [tilespmem:v1+s14+$0x150 ss:$0x1], $0xffff  }
.Ltmp6:
0x395: {  	v25 =	vadd.f32 v32, v25;
	v26 =	vadd.f32 v33, v26;
	v31 =	vld.idx.msk [tilespmem:v1+s14+$0xC0 ss:$0x1], $0xffff;
	(pc) =	sbr.rel @p0 .LBB2_16-.Ltmp6, $4  }
0x396: {  	v27 =	vadd.f32 v40, v27;
	v28 =	vadd.f32 v41, v28;
	v32 =	vld.idx.msk [tilespmem:v1+s14+$0xD0 ss:$0x1], $0xffff  }
0x397: {  	v40 =	vadd.f32 v34, v25;
	v41 =	vadd.f32 v35, v26;
	v33 =	vld.idx.msk [tilespmem:v1+s14+$0x40 ss:$0x1], $0xffff  }
0x398: {  	v25 =	vadd.f32 v38, v27;
	v26 =	vadd.f32 v39, v28;
	v34 =	vld.idx.msk [tilespmem:v1+s14+$0x50 ss:$0x1], $0xffff  }
0x399: {  	s18 =	sadd.s32 $0x1000, s18;
	v27 =	vadd.f32 v36, v40;
	v28 =	vadd.f32 v37, v41;
	v35 =	vld.idx.msk [tilespmem:v1+s14+$0x60 ss:$0x1], $0xffff  }
0x39a: {  	_ =	sdelay $0x1  }
0x39b: {  	v17 =	vadd.f32 v17, v25;
	v18 =	vadd.f32 v18, v26  }
0x39c: {  	v14 =	vadd.f32 v14, v27;
	v16 =	vadd.f32 v16, v28  }
0x39d: {  	v39 =	vld.idx.msk [tilespmem:v1+s14+$0x70 ss:$0x1], $0xffff;
	v13 =	vadd.f32 v13, v17;
	v15 =	vadd.f32 v15, v18  }
0x39e: {  	v40 =	vld.idx.msk [tilespmem:v1+s14+$0xE0 ss:$0x1], $0xffff;
	v43 =	vadd.f32 v33, v22;
	v7 =	vadd.f32 v7, v14  }
0x39f: {  	v41 =	vld.idx.msk [tilespmem:v1+s14+$0xF0 ss:$0x1], $0xffff;
	v8 =	vadd.f32 v8, v16;
	v45 =	vadd.f32 v34, v20  }
0x3a0: {  	v42 =	vld.idx.msk [tilespmem:v1+s14+$0x160 ss:$0x1], $0xffff;
	v9 =	vadd.f32 v9, v13;
	v10 =	vadd.f32 v10, v15  }
0x3a1: {  	v44 =	vld.idx.msk [tilespmem:v1+s14+$0x170 ss:$0x1], $0xffff;
	v47 =	vadd.f32 v35, v21;
	v13 =	vadd.f32 v31, v43  }
0x3a2: {  	v46 =	vld.idx.msk [tilespmem:v1+s14+$0x1E0 ss:$0x1], $0xffff;
	v19 =	vadd.f32 v39, v19;
	v15 =	vadd.f32 v32, v45  }
0x3a3: {  	v48 =	vld.idx.msk [tilespmem:v1+s14+$0x1F0 ss:$0x1], $0xffff;
	v20 =	vadd.f32 v40, v47;
	v13 =	vadd.f32 v29, v13  }
0x3a4: {  	v49 =	vld.idx.msk [tilespmem:v1+s14+$0x260 ss:$0x1], $0xffff;
	v17 =	vadd.f32 v41, v19;
	v15 =	vadd.f32 v30, v15  }
0x3a5: {  	v50 =	vld.idx.msk [tilespmem:v1+s14+$0x270 ss:$0x1], $0xffff;
	v14 =	vadd.f32 v42, v20;
	v13 =	vadd.f32 v23, v13  }
0x3a6: {  	v51 =	vld.idx.msk [tilespmem:v1+s14+$0x2E0 ss:$0x1], $0xffff;
	v16 =	vadd.f32 v44, v17;
	v15 =	vadd.f32 v24, v15  }
0x3a7: {  	v52 =	vld.idx.msk [tilespmem:v1+s14+$0x2F0 ss:$0x1], $0xffff;
	v14 =	vadd.f32 v46, v14;
	v11 =	vadd.f32 v11, v13  }
0x3a8: {  	v53 =	vld.idx.msk [tilespmem:v1+s14+$0x360 ss:$0x1], $0xffff;
	v54 =	vadd.f32 v48, v16;
	v12 =	vadd.f32 v12, v15  }
0x3a9: {  	v55 =	vld.idx.msk [tilespmem:v1+s14+$0x370 ss:$0x1], $0xffff;
	s18 =	sshll.u32 s12, $0x7;
	v14 =	vadd.f32 v49, v14;
	v5 =	vadd.f32 v5, v11  }
0x3aa: {  	v56 =	vld.idx.msk [tilespmem:v1+s14+$0x3E0 ss:$0x1], $0xffff;
	s21 =	sand.u32 $0x3FFFFF80, s18;
	v58 =	vadd.f32 v50, v54;
	v6 =	vadd.f32 v6, v12  }
0x3ab: {  	v57 =	vld.idx.msk [tilespmem:v1+s14+$0x3F0 ss:$0x1], $0xffff;
	[tilespmem:s21+$0x14800] =	vst v7;
	v59 =	vadd.f32 v51, v14;
	v3 =	vadd.f32 v3, v5  }
0x3ac: {  	s12 =	sadd.s32 $0x1, s12;
	[tilespmem:s21+$0x14810] =	vst v8;
	v60 =	vadd.f32 v52, v58;
	v4 =	vadd.f32 v4, v6  }
0x3ad: {  	p0 =	sne.s32 s12, $0x4;
	[tilespmem:s21+$0x14820] =	vst v9;
	v61 =	vadd.f32 v53, v59;
	v2 =	vadd.f32 v2, v3  }
.Ltmp7:
0x3ae: {  	[tilespmem:s21+$0x14830] =	vst v10;
	v62 =	vadd.f32 v55, v60;
	v0 =	vadd.f32 v0, v4;
	(pc) =	sbr.rel @p0 .LBB2_15-.Ltmp7, $4  }
0x3af: {  	v63 =	vadd.f32 v56, v61;
	[tilespmem:s21+$0x14840] =	vst v2  }
0x3b0: {  	v1 =	vadd.f32 v57, v62;
	[tilespmem:s21+$0x14850] =	vst v0  }
0x3b1: {  	[tilespmem:s21+$0x14860] =	vst v63  }
0x3b2: {  	s13 =	sadd.s32 $0x1000, s13;
	[tilespmem:s21+$0x14870] =	vst v1  }
0x3b3: {  	s8 =	sadd.s32 $0x1, s8  }
0x3b4: {  	s10 =	sadd.s32 @!p1 $0x380, s10;
	s12 =	simm.s32 @!p1 $0x80;
	p0 =	sne.s32 s8, $0x20  }
.Ltmp8:
0x3b5: {  	s13 =	simm.s32 @!p1 $0x10200;
	s21 =	sshll.u32 s11, $0x4;
	(pc) =	sbr.rel @p0 .LBB2_2-.Ltmp8, $4  }
0x3b6: {  	[tilespmem:s13], [sflag:$0x4] =	stream.indirect.gather @!p1 [hbm4b:s1+s12], $0x80, s10, s12, $0xb8;
	[tilespmem:$0x14A00] =	vst v63  }
0x3b7: {  	s10 =	sand.u32 $0x1FFFFFC0, s21  }
0x3b8: {  	s10 =	sadd.s32 s3, s10  }
0x3b9: {  	[hbm4b:s10+s4] =	stream.linear.scatter [tilespmem:s0], [sflag:$0x8], $0x200, $0x38;
	[tilespmem:$0x14A00] =	vst v63  }
0x3ba: {  	_ =	swait.ge [sflag:s2], $0x200  }
0x3bb: {  	[sflag:s2] =	ssyncset.done $0x0  }
0x3bc: {  	[sflag:s2] =	ssyncadd.s32 $0xFFFFFE00  }
0x3bd: {  	_ =	swait.ge [sflag:s20], $0x200  }
0x3be: {  	[sflag:s20] =	ssyncset.done $0x0  }
0x3bf: {  	[sflag:s20] =	ssyncadd.s32 $0xFFFFFE00  }
0x3c0: {  	_ =	swait.ge [sflag:s22], $0x200  }
0x3c1: {  	[sflag:s22] =	ssyncset.done $0x0  }
0x3c2: {  	[sflag:s22] =	ssyncadd.s32 $0xFFFFFE00  }
0x3c3: {  	_ =	swait.ge [sflag:s16], $0x200  }
0x3c4: {  	[sflag:s16] =	ssyncset.done $0x0  }
0x3c5: {  	s10 =	simm.s32 $0x4000;
	s11 =	simm.s32 $0x4200;
	[sflag:s16] =	ssyncadd.s32 $0xFFFFFE00  }
0x3c6: {  	[tilespmem:s11], [sflag:$0x1] =	stream.indirect.gather [hbm4b:s1+s17], $0x80, s10, s17, $0xb8;
	[tilespmem:$0x14A00] =	vst v63  }
0x3c7: {  	s12 =	simm.s32 $0x8200;
	s8 =	simm.s32 $0x4080  }
0x3c8: {  	[tilespmem:s12], [sflag:$0x2] =	stream.indirect.gather [hbm4b:s1+s17], $0x80, s8, s17, $0xb8;
	[tilespmem:$0x14A00] =	vst v63  }
0x3c9: {  	s13 =	simm.s32 $0xC200;
	s18 =	simm.s32 $0x4100  }
0x3ca: {  	[tilespmem:s13], [sflag:$0x3] =	stream.indirect.gather [hbm4b:s1+s17], $0x80, s18, s17, $0xb8;
	[tilespmem:$0x14A00] =	vst v63  }
0x3cb: {  	s19 =	simm.s32 $0x4180  }
0x3cc: {  	[tilespmem:s23], [sflag:$0x4] =	stream.indirect.gather [hbm4b:s1+s17], $0x80, s19, s17, $0xb8;
	[tilespmem:$0x14A00] =	vst v63  }
0x3cd: {  	_ =	swait.ge [sflag:s24], $0x4000  }
0x3ce: {  	[sflag:s24] =	ssyncset.done $0x0  }
0x3cf: {  	s21 =	rddreg [dreg:$0x7];
	[sflag:s24] =	ssyncadd.s32 $0xFFFFC000  }
0x3d0: {  	[hbm4b:s21+s4] =	stream.linear.scatter [tilespmem:s11], [sflag:$0x5], $0x4000, $0x38;
	[tilespmem:$0x14A00] =	vst v63  }
0x3d1: {  	_ =	swait.ge [sflag:s26], $0x4000  }
0x3d2: {  	[sflag:s26] =	ssyncset.done $0x0  }
0x3d3: {  	s14 =	rddreg [dreg:$0x8];
	[sflag:s26] =	ssyncadd.s32 $0xFFFFC000  }
0x3d4: {  	[hbm4b:s14+s4] =	stream.linear.scatter [tilespmem:s12], [sflag:$0x6], $0x4000, $0x38;
	[tilespmem:$0x14A00] =	vst v63  }
0x3d5: {  	_ =	swait.ge [sflag:s29], $0x4000  }
0x3d6: {  	[sflag:s29] =	ssyncset.done $0x0  }
0x3d7: {  	s18 =	rddreg [dreg:$0x9];
	[sflag:s29] =	ssyncadd.s32 $0xFFFFC000  }
0x3d8: {  	[hbm4b:s18+s4] =	stream.linear.scatter [tilespmem:s13], [sflag:$0x7], $0x4000, $0x38;
	[tilespmem:$0x14A00] =	vst v63  }
0x3d9: {  	_ =	swait.ge [sflag:s31], $0x4000  }
0x3da: {  	[sflag:s31] =	ssyncset.done $0x0  }
0x3db: {  	s19 =	rddreg [dreg:$0xa];
	[sflag:s31] =	ssyncadd.s32 $0xFFFFC000  }
0x3dc: {  	[hbm4b:s19+s4] =	stream.linear.scatter [tilespmem:s23], [sflag:$0x8], $0x4000, $0x38;
	[tilespmem:$0x14A00] =	vst v63  }
0x3dd: {  	_ =	swait.ge [sflag:s2], $0x4000  }
0x3de: {  	[sflag:s2] =	ssyncset.done $0x0  }
0x3df: {  	[sflag:s2] =	ssyncadd.s32 $0xFFFFC000  }
0x3e0: {  	_ =	swait.ge [sflag:s20], $0x4000  }
0x3e1: {  	[sflag:s20] =	ssyncset.done $0x0  }
0x3e2: {  	[sflag:s20] =	ssyncadd.s32 $0xFFFFC000  }
0x3e3: {  	_ =	swait.ge [sflag:s22], $0x4000  }
0x3e4: {  	[sflag:s22] =	ssyncset.done $0x0  }
0x3e5: {  	[sflag:s22] =	ssyncadd.s32 $0xFFFFC000  }
0x3e6: {  	_ =	swait.ge [sflag:s16], $0x4000  }
0x3e7: {  	s7 =	sadd.s32 $0x1, s7;
	s21 =	rddreg [dreg:$0xb]  }
0x3e8: {  	p0 =	sne.s32 s7, s21  }
.Ltmp9:
0x3e9: {  	_ = 	snop;
	(pc) =	sbr.rel @p0 .LBB2_1-.Ltmp9, $3  }
0x3ea: {  	_ =	sdelay $0x1  }
0x3eb: {  	[sflag:s16] =	ssyncset.done $0x0  }
0x3ec: {  	[sflag:s16] =	ssyncadd.s32 $0xFFFFC000  }
0x3ed: {  	_ =	sfence.sel $0x180000  }
0x3ee: {  	[bflag:$0x0] =	sbarrier.arrive $0xFFFF  }
0x3ef: {  	_ =	strace $0x90000047  }
0x3f0: {  	s0 =	stileid.u32;
	[bflag:$0x2] =	sbarrier.arrive $0xFFFF  }
0x3f1: {  	p0 =	sne.s32 s0, $0x0;
	s0 =	rddreg [dreg:$0x4]  }
0x3f2: {  	s0 =	sadd.s32 @!p0 $0x100000, s0  }
0x3f3: {  	[sflag:s0] =	ssyncadd.tile.s32 @!p0 $0x1;
	_ =	shalt  }
.Lfunc_end2:
_tile_overlayer_lowered:
.L_overlay_start_2:
0x3f4: {  	(tag) =	ssettag $0x2  }
0x3f5: {  	s0 =	rddreg [dreg:$0x0];
	s2 =	stileid.u32  }
0x3f6: {  	s1 =	rddreg [dreg:$0x1];
	p0 =	sne.s32 s2, $0x0  }
0x3f7: {  	s3 =	rddreg [dreg:$0x2];
	[bflag:$0x3] =	sbarrier.arrive $0xFFFF;
	s2 =	simm.s32 @!p0 $0x1C09  }
0x3f8: {  	[timem:s3], [sflag:s2] =	dma.local @!p0 [hbm:s0], s1  }
0x3f9: {  	s0 =	simm.s32 @!p0 $0x9  }
0x3fa: {  	_ =	swait.ge @!p0 [sflag:s0], s1  }
0x3fb: {  	s1 =	ssub.s32 @!p0 $0x0, s1;
	[sflag:s0] =	ssyncset.done @!p0 $0x0  }
0x3fc: {  	[sflag:s0] =	ssyncadd.s32 @!p0 s1  }
0x3fd: {  	[bflag:$0x3] =	sbarrier.arrive $0xFFFF  }
0x3fe: {  	_ =	shalt  }

</sc_bundles>
